<compile_context>
chip_gen: v7x
topology: tpu7x:2x2x1
jax: 0.10.2.dev20260603
libtpu: 0.0.44.dev20260713+nightly
codegen_flags: <defaults>
</compile_context>

<pallas_src>
import functools

import jax
import jax.numpy as jnp
from jax import lax
from jax.experimental import pallas as pl
from jax.experimental.pallas import tpu as pltpu
from jax.experimental.pallas import tpu_sc as plsc

N = 10000
E = 320000
D = 128

NC, NS = 2, 16
NW = NC * NS
LANES = 16


_BN = 2000


def _proj_body(x_ref, w1_ref, b1_ref, p_ref, q_ref):
    w1a = w1_ref[:D, :]
    w1b = w1_ref[D:, :]
    x = x_ref[...]
    p_ref[...] = (
        jnp.dot(x, w1a - w1b, preferred_element_type=jnp.float32) + b1_ref[...]
    )
    q_ref[...] = jnp.dot(x, w1b, preferred_element_type=jnp.float32)


def _project(x, w1, b1):
    grid = (N // _BN,)
    return pl.pallas_call(
        _proj_body,
        grid=grid,
        in_specs=[
            pl.BlockSpec((_BN, D), lambda i: (i, 0)),
            pl.BlockSpec((2 * D, D), lambda i: (0, 0)),
            pl.BlockSpec((1, D), lambda i: (0, 0)),
        ],
        out_specs=[
            pl.BlockSpec((_BN, D), lambda i: (i, 0)),
            pl.BlockSpec((_BN, D), lambda i: (i, 0)),
        ],
        out_shape=[
            jax.ShapeDtypeStruct((N, D), jnp.float32),
            jax.ShapeDtypeStruct((N, D), jnp.float32),
        ],
    )(x, w1, b1.reshape(1, D))



_GCH = 200
_EPW = E // NW
_NGCH = _EPW // _GCH


def _gather_body(p_hbm, q_hbm, dst_hbm, src_hbm, pd_hbm, qs_hbm,
                 didx0, sidx0, pbuf0, qbuf0, didx1, sidx1, pbuf1, qbuf1,
                 semi0, semi1, semg0, semg1, semw0, semw1):
    wid = lax.axis_index("s") * NC + lax.axis_index("c")
    ebase = wid * _EPW
    sets = ((didx0, sidx0, pbuf0, qbuf0, semi0, semg0, semw0),
            (didx1, sidx1, pbuf1, qbuf1, semi1, semg1, semw1))

    pltpu.async_copy(dst_hbm.at[pl.ds(ebase, _GCH)], didx0, semi0)
    pltpu.async_copy(src_hbm.at[pl.ds(ebase, _GCH)], sidx0, semi0)

    def make_run(half):
        didx, sidx, pbuf, qbuf, semi, semg, semw = sets[half]

        def run(ci):
            base = ebase + ci * _GCH
            pltpu.make_async_copy(
                dst_hbm.at[pl.ds(base, _GCH)], didx, semi).wait()
            pltpu.make_async_copy(
                src_hbm.at[pl.ds(base, _GCH)], sidx, semi).wait()

            @pl.when(ci >= 2)
            def _():
                pltpu.make_async_copy(
                    pbuf, pd_hbm.at[pl.ds(base, _GCH)], semw).wait()
                pltpu.make_async_copy(
                    qbuf, qs_hbm.at[pl.ds(base, _GCH)], semw).wait()

            cp = pltpu.async_copy(p_hbm.at[didx], pbuf, semg)
            cq = pltpu.async_copy(q_hbm.at[sidx], qbuf, semg)

            nxt = ci + 1

            @pl.when(nxt < _NGCH)
            def _():
                off = ebase + nxt * _GCH
                o = sets[1 - half]
                pltpu.async_copy(dst_hbm.at[pl.ds(off, _GCH)], o[0], o[4])
                pltpu.async_copy(src_hbm.at[pl.ds(off, _GCH)], o[1], o[4])

            cp.wait()
            cq.wait()
            pltpu.async_copy(pbuf, pd_hbm.at[pl.ds(base, _GCH)], semw)
            pltpu.async_copy(qbuf, qs_hbm.at[pl.ds(base, _GCH)], semw)
        return run

    def pair(ip, _):
        make_run(0)(ip * 2)
        make_run(1)(ip * 2 + 1)
        return _
    lax.fori_loop(0, _NGCH // 2, pair, 0)

    for half in range(2):
        didx, sidx, pbuf, qbuf, semi, semg, semw = sets[half]
        pltpu.make_async_copy(pbuf, pd_hbm.at[pl.ds(ebase, _GCH)], semw).wait()
        pltpu.make_async_copy(qbuf, qs_hbm.at[pl.ds(ebase, _GCH)], semw).wait()


_gather = functools.partial(
    pl.kernel,
    mesh=plsc.VectorSubcoreMesh(
        core_axis_name="c", subcore_axis_name="s", num_cores=NC, num_subcores=NS
    ),
    out_type=[
        jax.ShapeDtypeStruct((E, D), jnp.float32),
        jax.ShapeDtypeStruct((E, D), jnp.float32),
    ],
    scratch_types=[
        pltpu.VMEM((_GCH,), jnp.int32),
        pltpu.VMEM((_GCH,), jnp.int32),
        pltpu.VMEM((_GCH, D), jnp.float32),
        pltpu.VMEM((_GCH, D), jnp.float32),
        pltpu.VMEM((_GCH,), jnp.int32),
        pltpu.VMEM((_GCH,), jnp.int32),
        pltpu.VMEM((_GCH, D), jnp.float32),
        pltpu.VMEM((_GCH, D), jnp.float32),
        pltpu.SemaphoreType.DMA,
        pltpu.SemaphoreType.DMA,
        pltpu.SemaphoreType.DMA,
        pltpu.SemaphoreType.DMA,
        pltpu.SemaphoreType.DMA,
        pltpu.SemaphoreType.DMA,
    ],
    compiler_params=pltpu.CompilerParams(needs_layout_passes=False),
)(_gather_body)



_BE = 3200
_CG = D // LANES


def _mlp_body(pd_ref, qs_ref, w2_ref, b2_ref, z_ref):
    h = jnp.maximum(pd_ref[...] + qs_ref[...], 0.0)
    z = jnp.dot(h, w2_ref[...], preferred_element_type=jnp.float32) + b2_ref[...]
    zr = z.reshape(_BE // 8, 8, D)
    lane = lax.broadcasted_iota(jnp.int32, (_BE // 8, D), 1)
    for g in range(_CG):
        accv = jnp.zeros((_BE // 8, D), jnp.float32)
        for j in range(8):
            row = zr[:, j, :]
            shifted = pltpu.roll(row, ((j - g) % 8) * LANES, axis=1)
            m = (lane >= j * LANES) & (lane < (j + 1) * LANES)
            accv = jnp.where(m, shifted, accv)
        z_ref[g, :, :] = accv


def _edge_mlp(pd, qs, w2, b2):
    grid = (E // _BE,)
    return pl.pallas_call(
        _mlp_body,
        grid=grid,
        in_specs=[
            pl.BlockSpec((_BE, D), lambda i: (i, 0)),
            pl.BlockSpec((_BE, D), lambda i: (i, 0)),
            pl.BlockSpec((D, D), lambda i: (0, 0)),
            pl.BlockSpec((1, D), lambda i: (0, 0)),
        ],
        out_specs=pl.BlockSpec((_CG, _BE // 8, D), lambda i: (0, i, 0)),
        out_shape=jax.ShapeDtypeStruct((_CG, E // 8, D), jnp.float32),
    )(pd, qs, w2, b2.reshape(1, D))



_TS = 4
_ESL = E // _TS
_SCH = 800
_SCHR = _SCH // 8
_NSCH = _ESL // _SCH
_NH = N // 2
_NPAD = 10240
_DUMMY = _NH

_NEG = float("-inf")


def _scatter_body(z_hbm, dst_hbm, part_hbm,
                  dbufA, dbufB, zbufA, zbufB, acc, semd, semz):
    c = lax.axis_index("c")
    sc = lax.axis_index("s")
    g = sc & 7
    t = (sc >> 3) + 2 * c
    ebase = t * _ESL
    zw0 = (g * E + ebase) * LANES
    pw0 = (t * _CG + g) * (_NPAD * LANES)
    dbufs = (dbufA, dbufB)
    zbufs = (zbufA, zbufB)

    for h in range(2):
        nbase = h * _NH

        def init_slot(r, _):
            acc[pl.ds(r * LANES, LANES)] = jnp.full((LANES,), _NEG, jnp.float32)
            return _
        lax.fori_loop(0, _NH + 1, init_slot, 0)

        pltpu.async_copy(dst_hbm.at[pl.ds(ebase, _SCH)], dbufA, semd)
        pltpu.async_copy(z_hbm.at[pl.ds(zw0, _SCH * LANES)], zbufA, semz)

        def make_half(half):
            dbuf = dbufs[half]
            zbuf = zbufs[half]

            def run(ci):
                pltpu.make_async_copy(
                    dst_hbm.at[pl.ds(ebase, _SCH)], dbuf, semd).wait()
                pltpu.make_async_copy(
                    z_hbm.at[pl.ds(zw0, _SCH * LANES)], zbuf, semz).wait()
                nxt = ci + 1

                @pl.when(nxt < _NSCH)
                def _():
                    pltpu.async_copy(
                        dst_hbm.at[pl.ds(ebase + nxt * _SCH, _SCH)],
                        dbufs[1 - half], semd)
                    pltpu.async_copy(
                        z_hbm.at[pl.ds(zw0 + nxt * _SCH * LANES, _SCH * LANES)],
                        zbufs[1 - half], semz)

                def group(jg, _):
                    d = dbuf[pl.ds(jg * LANES, LANES)]
                    r = d - nbase
                    valid = (r >= 0) & (r < _NH)
                    rsel = jnp.where(valid, r, _DUMMY) * LANES
                    for l in range(LANES):
                        rk = rsel[l]
                        zv = zbuf[pl.ds(jg * (LANES * LANES) + l * LANES, LANES)]
                        av = acc[pl.ds(rk, LANES)]
                        acc[pl.ds(rk, LANES)] = jnp.maximum(av, zv)
                    return _
                lax.fori_loop(0, _SCH // LANES, group, 0, unroll=2)
            return run

        def chunk_pair(ip, _):
            make_half(0)(ip * 2)
            make_half(1)(ip * 2 + 1)
            return _
        lax.fori_loop(0, _NSCH // 2, chunk_pair, 0)

        pltpu.sync_copy(acc.at[pl.ds(0, _NH * LANES)],
                        part_hbm.at[pl.ds(pw0 + nbase * LANES, _NH * LANES)])


_scatter = functools.partial(
    pl.kernel,
    mesh=plsc.VectorSubcoreMesh(
        core_axis_name="c", subcore_axis_name="s", num_cores=NC, num_subcores=NS
    ),
    out_type=jax.ShapeDtypeStruct((_TS * _CG * _NPAD * LANES,), jnp.float32),
    scratch_types=[
        pltpu.VMEM((_SCH,), jnp.int32),
        pltpu.VMEM((_SCH,), jnp.int32),
        pltpu.VMEM((_SCH * LANES,), jnp.float32),
        pltpu.VMEM((_SCH * LANES,), jnp.float32),
        pltpu.VMEM(((_NH + 1) * LANES,), jnp.float32),
        pltpu.SemaphoreType.DMA,
        pltpu.SemaphoreType.DMA,
    ],
    compiler_params=pltpu.CompilerParams(needs_layout_passes=False),
)(_scatter_body)



_BNM = 2048
_BPR = _BNM // 8


def _merge_body(*refs):
    out_ref = refs[-1]
    for g in range(_CG):
        m = refs[g * _TS][...]
        for t in range(1, _TS):
            m = jnp.maximum(m, refs[g * _TS + t][...])
        out_ref[g, :, :] = jnp.where(m == _NEG, jnp.float32(0.0), m)


def _merge(part2d):
    grid = (_NPAD // _BNM,)
    specs = []
    for g in range(_CG):
        for t in range(_TS):
            base_blocks = (t * _CG + g) * (_NPAD // _BNM)
            specs.append(
                pl.BlockSpec(
                    (_BPR, 128),
                    functools.partial(
                        lambda bb, i: (bb + i, 0), base_blocks),
                )
            )
    return pl.pallas_call(
        _merge_body,
        grid=grid,
        in_specs=specs,
        out_specs=pl.BlockSpec((_CG, _BPR, 128), lambda i: (0, i, 0)),
        out_shape=jax.ShapeDtypeStruct((_CG, _NPAD // 8, 128), jnp.float32),
    )(*([part2d] * (_CG * _TS)))



@jax.jit
def kernel(x, edge_index, W1, b1, W2, b2):
    ei = edge_index.astype(jnp.int32)
    src = ei[0]
    dst = ei[1]
    p, q = _project(x, W1, b1)
    pd, qs = _gather(p, q, dst, src)
    z = _edge_mlp(pd, qs, W2, b2)
    part = _scatter(z.reshape(-1), dst)
    op = _merge(part.reshape(_TS * _CG * _NPAD // 8, 128))
    out = jnp.transpose(
        op.reshape(_CG, _NPAD // 8, 8, LANES), (1, 2, 0, 3)
    ).reshape(_NPAD, D)
    return out[:N]

# --- scband reference (transcript-rebuilt; emitter-appended) ---
"""Pipeline reference for scband-edge-conv-layer-49675591746183 (READ-ONLY COPY).

The authoritative reference and input builder live on the scoring server;
editing this copy changes nothing except your own understanding.
"""

import jax, jax.numpy as jnp
import numpy as np

N, E, D = 10000, 320000, 128

def setup_inputs(seed: int = 0) -> dict:
    key = jax.random.key(seed)
    k1, k2, k3, k4, k5, k6 = jax.random.split(key, 6)
    x = jax.random.normal(k1, (N, D), dtype=jnp.float32)
    edge_index = jax.random.randint(k2, (2, E), 0, N, dtype=jnp.int64)
    s1 = 1.0 / np.sqrt(2 * D)
    W1 = jax.random.uniform(k3, (2 * D, D), minval=-s1, maxval=s1, dtype=jnp.float32)
    b1 = jax.random.uniform(k4, (D,), minval=-s1, maxval=s1, dtype=jnp.float32)
    s2 = 1.0 / np.sqrt(D)
    W2 = jax.random.uniform(k5, (D, D), minval=-s2, maxval=s2, dtype=jnp.float32)
    b2 = jax.random.uniform(k6, (D,), minval=-s2, maxval=s2, dtype=jnp.float32)
    return {"x": x, "edge_index": edge_index, "W1": W1, "b1": b1, "W2": W2, "b2": b2}

def reference(x, edge_index, W1, b1, W2, b2):
    # PyG EdgeConv: message for edge (j -> i) is nn(concat[x_i, x_j - x_i]),
    # where nn = Linear(2d, d) -> ReLU -> Linear(d, d); aggregation = max over incoming edges.
    src = edge_index[0]  # j (source)
    dst = edge_index[1]  # i (target)
    x_i = jnp.take(x, dst, axis=0)
    x_j = jnp.take(x, src, axis=0)
    h = jnp.concatenate([x_i, x_j - x_i], axis=-1)
    h = jax.nn.relu(h @ W1 + b1)
    h = h @ W2 + b2
    out = jax.ops.segment_max(h, dst, num_segments=x.shape[0])
    # nodes with no incoming edges: segment_max yields -inf; match scatter-max fill of 0
    out = jnp.where(jnp.isneginf(out), 0.0, out)
    return out

if __name__ == "__main__":
    import jax
    _d = setup_inputs()
    print(jax.jit(kernel)(*tuple(_d.values())))

</pallas_src>

<mosaic_0001>
#map = affine_map<(d0, d1) -> (0, 0)>
#map1 = affine_map<(d0, d1) -> (0)>
module attributes {stable_mosaic.version = 14 : i64} {
  func.func @_gather_body(%arg0: i32, %arg1: i32, %arg2: memref<10000x128xf32, #tpu.memory_space<hbm>>, %arg3: memref<10000x128xf32, #tpu.memory_space<hbm>>, %arg4: memref<320000xi32, #tpu.memory_space<hbm>>, %arg5: memref<320000xi32, #tpu.memory_space<hbm>>, %arg6: memref<320000x128xf32, #tpu.memory_space<hbm>>, %arg7: memref<320000x128xf32, #tpu.memory_space<hbm>>, %arg8: memref<200xi32, #tpu.memory_space<vmem>>, %arg9: memref<200xi32, #tpu.memory_space<vmem>>, %arg10: memref<200x128xf32, #tpu.memory_space<vmem>>, %arg11: memref<200x128xf32, #tpu.memory_space<vmem>>, %arg12: memref<200xi32, #tpu.memory_space<vmem>>, %arg13: memref<200xi32, #tpu.memory_space<vmem>>, %arg14: memref<200x128xf32, #tpu.memory_space<vmem>>, %arg15: memref<200x128xf32, #tpu.memory_space<vmem>>, %arg16: memref<!tpu.dma_semaphore, #tpu.memory_space<semaphore_mem>>, %arg17: memref<!tpu.dma_semaphore, #tpu.memory_space<semaphore_mem>>, %arg18: memref<!tpu.dma_semaphore, #tpu.memory_space<semaphore_mem>>, %arg19: memref<!tpu.dma_semaphore, #tpu.memory_space<semaphore_mem>>, %arg20: memref<!tpu.dma_semaphore, #tpu.memory_space<semaphore_mem>>, %arg21: memref<!tpu.dma_semaphore, #tpu.memory_space<semaphore_mem>>) attributes {dimension_semantics = [#tpu.dimension_semantics<core_parallel>, #tpu.dimension_semantics<subcore_parallel>], iteration_bounds = array<i64: 2, 16>, scalar_prefetch = 0 : i64, scratch_operands = 14 : i64, tpu.core_type = #tpu.core_type<sc_vector_subcore>, window_params = [{transform_indices = #map}, {transform_indices = #map}, {transform_indices = #map1}, {transform_indices = #map1}, {transform_indices = #map}, {transform_indices = #map}]} {
    %mul3A = arith.constant 2 : i32
    %mul3A_0 = arith.muli %arg1, %mul3A : i32
    %add3A = arith.addi %mul3A_0, %arg0 : i32
    %mul3A_1 = arith.constant 10000 : i32
    %mul3A_2 = arith.muli %add3A, %mul3A_1 : i32
    %dma_start3A = tpu.memref_slice %arg4[%mul3A_2] : memref<320000xi32, #tpu.memory_space<hbm>> -> memref<200xi32, #tpu.memory_space<hbm>>
    %dma_start3A_3 = tpu.memref_slice %arg4[%mul3A_2] : memref<320000xi32, #tpu.memory_space<hbm>> -> memref<200xi32, #tpu.memory_space<hbm>>
    tpu.enqueue_dma source(%dma_start3A_3 : memref<200xi32, #tpu.memory_space<hbm>>) target(%arg8 : memref<200xi32, #tpu.memory_space<vmem>>) target_semaphore(%arg16 : memref<!tpu.dma_semaphore, #tpu.memory_space<semaphore_mem>>)
    %dma_start3A_4 = tpu.memref_slice %arg5[%mul3A_2] : memref<320000xi32, #tpu.memory_space<hbm>> -> memref<200xi32, #tpu.memory_space<hbm>>
    %dma_start3A_5 = tpu.memref_slice %arg5[%mul3A_2] : memref<320000xi32, #tpu.memory_space<hbm>> -> memref<200xi32, #tpu.memory_space<hbm>>
    tpu.enqueue_dma source(%dma_start3A_5 : memref<200xi32, #tpu.memory_space<hbm>>) target(%arg9 : memref<200xi32, #tpu.memory_space<vmem>>) target_semaphore(%arg16 : memref<!tpu.dma_semaphore, #tpu.memory_space<semaphore_mem>>)
    %scan3A = arith.constant 0 : i32
    %scan3A_6 = arith.constant 0 : i32
    %scan3A_7 = arith.constant 25 : i32
    %scan3A_8 = arith.addi %scan3A_6, %scan3A_7 : i32
    %scan3A_9 = arith.constant 1 : i32
    scf.for %scan3A_26 = %scan3A_6 to %scan3A_8 step %scan3A_9  : i32 {
      %mul3A_27 = arith.constant 2 : i32
      %mul3A_28 = arith.muli %scan3A_26, %mul3A_27 : i32
      %mul3A_29 = arith.constant 200 : i32
      %mul3A_30 = arith.muli %mul3A_28, %mul3A_29 : i32
      %add3A_31 = arith.addi %mul3A_2, %mul3A_30 : i32
      %dma_wait3A_32 = tpu.memref_slice %arg4[%add3A_31] : memref<320000xi32, #tpu.memory_space<hbm>> -> memref<200xi32, #tpu.memory_space<hbm>>
      %dma_wait3A_33 = tpu.memref_slice %arg4[%add3A_31] : memref<320000xi32, #tpu.memory_space<hbm>> -> memref<200xi32, #tpu.memory_space<hbm>>
      tpu.wait_dma2 semaphore(%arg16 : memref<!tpu.dma_semaphore, #tpu.memory_space<semaphore_mem>>) src(%dma_wait3A_33 : memref<200xi32, #tpu.memory_space<hbm>>) dst(%arg8 : memref<200xi32, #tpu.memory_space<vmem>>)
      %dma_wait3A_34 = tpu.memref_slice %arg5[%add3A_31] : memref<320000xi32, #tpu.memory_space<hbm>> -> memref<200xi32, #tpu.memory_space<hbm>>
      %dma_wait3A_35 = tpu.memref_slice %arg5[%add3A_31] : memref<320000xi32, #tpu.memory_space<hbm>> -> memref<200xi32, #tpu.memory_space<hbm>>
      tpu.wait_dma2 semaphore(%arg16 : memref<!tpu.dma_semaphore, #tpu.memory_space<semaphore_mem>>) src(%dma_wait3A_35 : memref<200xi32, #tpu.memory_space<hbm>>) dst(%arg9 : memref<200xi32, #tpu.memory_space<vmem>>)
      %ge3A = arith.constant 2 : i32
      %ge3A_36 = arith.cmpi sge, %mul3A_28, %ge3A : i32
      %convert_element_type3A = arith.extui %ge3A_36 : i1 to i32
      %cond3A = arith.constant 0 : i32
      %cond3A_37 = arith.cmpi ne, %convert_element_type3A, %cond3A : i32
      scf.if %cond3A_37 {
        %dma_wait3A_107 = arith.constant 0 : i32
        %dma_wait3A_108 = tpu.memref_slice %arg6[%add3A_31, %dma_wait3A_107] : memref<320000x128xf32, #tpu.memory_space<hbm>> -> memref<200x128xf32, #tpu.memory_space<hbm>>
        %dma_wait3A_109 = arith.constant 0 : i32
        %dma_wait3A_110 = tpu.memref_slice %arg6[%add3A_31, %dma_wait3A_109] : memref<320000x128xf32, #tpu.memory_space<hbm>> -> memref<200x128xf32, #tpu.memory_space<hbm>>
        tpu.wait_dma2 semaphore(%arg20 : memref<!tpu.dma_semaphore, #tpu.memory_space<semaphore_mem>>) src(%arg10 : memref<200x128xf32, #tpu.memory_space<vmem>>) dst(%dma_wait3A_110 : memref<200x128xf32, #tpu.memory_space<hbm>>)
        %dma_wait3A_111 = arith.constant 0 : i32
        %dma_wait3A_112 = tpu.memref_slice %arg7[%add3A_31, %dma_wait3A_111] : memref<320000x128xf32, #tpu.memory_space<hbm>> -> memref<200x128xf32, #tpu.memory_space<hbm>>
        %dma_wait3A_113 = arith.constant 0 : i32
        %dma_wait3A_114 = tpu.memref_slice %arg7[%add3A_31, %dma_wait3A_113] : memref<320000x128xf32, #tpu.memory_space<hbm>> -> memref<200x128xf32, #tpu.memory_space<hbm>>
        tpu.wait_dma2 semaphore(%arg20 : memref<!tpu.dma_semaphore, #tpu.memory_space<semaphore_mem>>) src(%arg11 : memref<200x128xf32, #tpu.memory_space<vmem>>) dst(%dma_wait3A_114 : memref<200x128xf32, #tpu.memory_space<hbm>>)
      } else {
      }
      %dma_start3A_38 = arith.constant 0 : i32
      %dma_start3A_39 = arith.constant 0 : i32
      %dma_start3A_40 = tpu.memref_slice %arg2[%dma_start3A_38, %dma_start3A_39] : memref<10000x128xf32, #tpu.memory_space<hbm>> -> memref<10000x128xf32, #tpu.memory_space<hbm>>
      tpu.enqueue_indirect_dma source(%dma_start3A_40 : memref<10000x128xf32, #tpu.memory_space<hbm>>) target(%arg10 : memref<200x128xf32, #tpu.memory_space<vmem>>) offsets(%arg8 : memref<200xi32, #tpu.memory_space<vmem>>) semaphore(%arg18 : memref<!tpu.dma_semaphore, #tpu.memory_space<semaphore_mem>>)
      %dma_start3A_41 = arith.constant 0 : i32
      %dma_start3A_42 = arith.constant 0 : i32
      %dma_start3A_43 = tpu.memref_slice %arg3[%dma_start3A_41, %dma_start3A_42] : memref<10000x128xf32, #tpu.memory_space<hbm>> -> memref<10000x128xf32, #tpu.memory_space<hbm>>
      tpu.enqueue_indirect_dma source(%dma_start3A_43 : memref<10000x128xf32, #tpu.memory_space<hbm>>) target(%arg11 : memref<200x128xf32, #tpu.memory_space<vmem>>) offsets(%arg9 : memref<200xi32, #tpu.memory_space<vmem>>) semaphore(%arg18 : memref<!tpu.dma_semaphore, #tpu.memory_space<semaphore_mem>>)
      %add3A_44 = arith.constant 1 : i32
      %add3A_45 = arith.addi %mul3A_28, %add3A_44 : i32
      %lt3A = arith.constant 50 : i32
      %lt3A_46 = arith.cmpi slt, %add3A_45, %lt3A : i32
      %convert_element_type3A_47 = arith.extui %lt3A_46 : i1 to i32
      %cond3A_48 = arith.constant 0 : i32
      %cond3A_49 = arith.cmpi ne, %convert_element_type3A_47, %cond3A_48 : i32
      scf.if %cond3A_49 {
        %mul3A_107 = arith.constant 200 : i32
        %mul3A_108 = arith.muli %add3A_45, %mul3A_107 : i32
        %add3A_109 = arith.addi %mul3A_2, %mul3A_108 : i32
        %dma_start3A_110 = tpu.memref_slice %arg4[%add3A_109] : memref<320000xi32, #tpu.memory_space<hbm>> -> memref<200xi32, #tpu.memory_space<hbm>>
        %dma_start3A_111 = tpu.memref_slice %arg4[%add3A_109] : memref<320000xi32, #tpu.memory_space<hbm>> -> memref<200xi32, #tpu.memory_space<hbm>>
        tpu.enqueue_dma source(%dma_start3A_111 : memref<200xi32, #tpu.memory_space<hbm>>) target(%arg12 : memref<200xi32, #tpu.memory_space<vmem>>) target_semaphore(%arg17 : memref<!tpu.dma_semaphore, #tpu.memory_space<semaphore_mem>>)
        %dma_start3A_112 = tpu.memref_slice %arg5[%add3A_109] : memref<320000xi32, #tpu.memory_space<hbm>> -> memref<200xi32, #tpu.memory_space<hbm>>
        %dma_start3A_113 = tpu.memref_slice %arg5[%add3A_109] : memref<320000xi32, #tpu.memory_space<hbm>> -> memref<200xi32, #tpu.memory_space<hbm>>
        tpu.enqueue_dma source(%dma_start3A_113 : memref<200xi32, #tpu.memory_space<hbm>>) target(%arg13 : memref<200xi32, #tpu.memory_space<vmem>>) target_semaphore(%arg17 : memref<!tpu.dma_semaphore, #tpu.memory_space<semaphore_mem>>)
      } else {
      }
      %dma_wait3A_50 = arith.constant 0 : i32
      %dma_wait3A_51 = arith.constant 0 : i32
      %dma_wait3A_52 = tpu.memref_slice %arg2[%dma_wait3A_50, %dma_wait3A_51] : memref<10000x128xf32, #tpu.memory_space<hbm>> -> memref<10000x128xf32, #tpu.memory_space<hbm>>
      tpu.wait_indirect_dma semaphore(%arg18 : memref<!tpu.dma_semaphore, #tpu.memory_space<semaphore_mem>>) src(%dma_wait3A_52 : memref<10000x128xf32, #tpu.memory_space<hbm>>) dst(%arg10 : memref<200x128xf32, #tpu.memory_space<vmem>>)
      %dma_wait3A_53 = arith.constant 0 : i32
      %dma_wait3A_54 = arith.constant 0 : i32
      %dma_wait3A_55 = tpu.memref_slice %arg3[%dma_wait3A_53, %dma_wait3A_54] : memref<10000x128xf32, #tpu.memory_space<hbm>> -> memref<10000x128xf32, #tpu.memory_space<hbm>>
      tpu.wait_indirect_dma semaphore(%arg18 : memref<!tpu.dma_semaphore, #tpu.memory_space<semaphore_mem>>) src(%dma_wait3A_55 : memref<10000x128xf32, #tpu.memory_space<hbm>>) dst(%arg11 : memref<200x128xf32, #tpu.memory_space<vmem>>)
      %dma_start3A_56 = arith.constant 0 : i32
      %dma_start3A_57 = tpu.memref_slice %arg6[%add3A_31, %dma_start3A_56] : memref<320000x128xf32, #tpu.memory_space<hbm>> -> memref<200x128xf32, #tpu.memory_space<hbm>>
      %dma_start3A_58 = arith.constant 0 : i32
      %dma_start3A_59 = tpu.memref_slice %arg6[%add3A_31, %dma_start3A_58] : memref<320000x128xf32, #tpu.memory_space<hbm>> -> memref<200x128xf32, #tpu.memory_space<hbm>>
      tpu.enqueue_dma source(%arg10 : memref<200x128xf32, #tpu.memory_space<vmem>>) target(%dma_start3A_59 : memref<200x128xf32, #tpu.memory_space<hbm>>) target_semaphore(%arg20 : memref<!tpu.dma_semaphore, #tpu.memory_space<semaphore_mem>>)
      %dma_start3A_60 = arith.constant 0 : i32
      %dma_start3A_61 = tpu.memref_slice %arg7[%add3A_31, %dma_start3A_60] : memref<320000x128xf32, #tpu.memory_space<hbm>> -> memref<200x128xf32, #tpu.memory_space<hbm>>
      %dma_start3A_62 = arith.constant 0 : i32
      %dma_start3A_63 = tpu.memref_slice %arg7[%add3A_31, %dma_start3A_62] : memref<320000x128xf32, #tpu.memory_space<hbm>> -> memref<200x128xf32, #tpu.memory_space<hbm>>
      tpu.enqueue_dma source(%arg11 : memref<200x128xf32, #tpu.memory_space<vmem>>) target(%dma_start3A_63 : memref<200x128xf32, #tpu.memory_space<hbm>>) target_semaphore(%arg20 : memref<!tpu.dma_semaphore, #tpu.memory_space<semaphore_mem>>)
      %mul3A_64 = arith.constant 2 : i32
      %mul3A_65 = arith.muli %scan3A_26, %mul3A_64 : i32
      %add3A_66 = arith.constant 1 : i32
      %add3A_67 = arith.addi %mul3A_65, %add3A_66 : i32
      %mul3A_68 = arith.constant 200 : i32
      %mul3A_69 = arith.muli %add3A_67, %mul3A_68 : i32
      %add3A_70 = arith.addi %mul3A_2, %mul3A_69 : i32
      %dma_wait3A_71 = tpu.memref_slice %arg4[%add3A_70] : memref<320000xi32, #tpu.memory_space<hbm>> -> memref<200xi32, #tpu.memory_space<hbm>>
      %dma_wait3A_72 = tpu.memref_slice %arg4[%add3A_70] : memref<320000xi32, #tpu.memory_space<hbm>> -> memref<200xi32, #tpu.memory_space<hbm>>
      tpu.wait_dma2 semaphore(%arg17 : memref<!tpu.dma_semaphore, #tpu.memory_space<semaphore_mem>>) src(%dma_wait3A_72 : memref<200xi32, #tpu.memory_space<hbm>>) dst(%arg12 : memref<200xi32, #tpu.memory_space<vmem>>)
      %dma_wait3A_73 = tpu.memref_slice %arg5[%add3A_70] : memref<320000xi32, #tpu.memory_space<hbm>> -> memref<200xi32, #tpu.memory_space<hbm>>
      %dma_wait3A_74 = tpu.memref_slice %arg5[%add3A_70] : memref<320000xi32, #tpu.memory_space<hbm>> -> memref<200xi32, #tpu.memory_space<hbm>>
      tpu.wait_dma2 semaphore(%arg17 : memref<!tpu.dma_semaphore, #tpu.memory_space<semaphore_mem>>) src(%dma_wait3A_74 : memref<200xi32, #tpu.memory_space<hbm>>) dst(%arg13 : memref<200xi32, #tpu.memory_space<vmem>>)
      %ge3A_75 = arith.constant 2 : i32
      %ge3A_76 = arith.cmpi sge, %add3A_67, %ge3A_75 : i32
      %convert_element_type3A_77 = arith.extui %ge3A_76 : i1 to i32
      %cond3A_78 = arith.constant 0 : i32
      %cond3A_79 = arith.cmpi ne, %convert_element_type3A_77, %cond3A_78 : i32
      scf.if %cond3A_79 {
        %dma_wait3A_107 = arith.constant 0 : i32
        %dma_wait3A_108 = tpu.memref_slice %arg6[%add3A_70, %dma_wait3A_107] : memref<320000x128xf32, #tpu.memory_space<hbm>> -> memref<200x128xf32, #tpu.memory_space<hbm>>
        %dma_wait3A_109 = arith.constant 0 : i32
        %dma_wait3A_110 = tpu.memref_slice %arg6[%add3A_70, %dma_wait3A_109] : memref<320000x128xf32, #tpu.memory_space<hbm>> -> memref<200x128xf32, #tpu.memory_space<hbm>>
        tpu.wait_dma2 semaphore(%arg21 : memref<!tpu.dma_semaphore, #tpu.memory_space<semaphore_mem>>) src(%arg14 : memref<200x128xf32, #tpu.memory_space<vmem>>) dst(%dma_wait3A_110 : memref<200x128xf32, #tpu.memory_space<hbm>>)
        %dma_wait3A_111 = arith.constant 0 : i32
        %dma_wait3A_112 = tpu.memref_slice %arg7[%add3A_70, %dma_wait3A_111] : memref<320000x128xf32, #tpu.memory_space<hbm>> -> memref<200x128xf32, #tpu.memory_space<hbm>>
        %dma_wait3A_113 = arith.constant 0 : i32
        %dma_wait3A_114 = tpu.memref_slice %arg7[%add3A_70, %dma_wait3A_113] : memref<320000x128xf32, #tpu.memory_space<hbm>> -> memref<200x128xf32, #tpu.memory_space<hbm>>
        tpu.wait_dma2 semaphore(%arg21 : memref<!tpu.dma_semaphore, #tpu.memory_space<semaphore_mem>>) src(%arg15 : memref<200x128xf32, #tpu.memory_space<vmem>>) dst(%dma_wait3A_114 : memref<200x128xf32, #tpu.memory_space<hbm>>)
      } else {
      }
      %dma_start3A_80 = arith.constant 0 : i32
      %dma_start3A_81 = arith.constant 0 : i32
      %dma_start3A_82 = tpu.memref_slice %arg2[%dma_start3A_80, %dma_start3A_81] : memref<10000x128xf32, #tpu.memory_space<hbm>> -> memref<10000x128xf32, #tpu.memory_space<hbm>>
      tpu.enqueue_indirect_dma source(%dma_start3A_82 : memref<10000x128xf32, #tpu.memory_space<hbm>>) target(%arg14 : memref<200x128xf32, #tpu.memory_space<vmem>>) offsets(%arg12 : memref<200xi32, #tpu.memory_space<vmem>>) semaphore(%arg19 : memref<!tpu.dma_semaphore, #tpu.memory_space<semaphore_mem>>)
      %dma_start3A_83 = arith.constant 0 : i32
      %dma_start3A_84 = arith.constant 0 : i32
      %dma_start3A_85 = tpu.memref_slice %arg3[%dma_start3A_83, %dma_start3A_84] : memref<10000x128xf32, #tpu.memory_space<hbm>> -> memref<10000x128xf32, #tpu.memory_space<hbm>>
      tpu.enqueue_indirect_dma source(%dma_start3A_85 : memref<10000x128xf32, #tpu.memory_space<hbm>>) target(%arg15 : memref<200x128xf32, #tpu.memory_space<vmem>>) offsets(%arg13 : memref<200xi32, #tpu.memory_space<vmem>>) semaphore(%arg19 : memref<!tpu.dma_semaphore, #tpu.memory_space<semaphore_mem>>)
      %add3A_86 = arith.constant 1 : i32
      %add3A_87 = arith.addi %add3A_67, %add3A_86 : i32
      %lt3A_88 = arith.constant 50 : i32
      %lt3A_89 = arith.cmpi slt, %add3A_87, %lt3A_88 : i32
      %convert_element_type3A_90 = arith.extui %lt3A_89 : i1 to i32
      %cond3A_91 = arith.constant 0 : i32
      %cond3A_92 = arith.cmpi ne, %convert_element_type3A_90, %cond3A_91 : i32
      scf.if %cond3A_92 {
        %mul3A_107 = arith.constant 200 : i32
        %mul3A_108 = arith.muli %add3A_87, %mul3A_107 : i32
        %add3A_109 = arith.addi %mul3A_2, %mul3A_108 : i32
        %dma_start3A_110 = tpu.memref_slice %arg4[%add3A_109] : memref<320000xi32, #tpu.memory_space<hbm>> -> memref<200xi32, #tpu.memory_space<hbm>>
        %dma_start3A_111 = tpu.memref_slice %arg4[%add3A_109] : memref<320000xi32, #tpu.memory_space<hbm>> -> memref<200xi32, #tpu.memory_space<hbm>>
        tpu.enqueue_dma source(%dma_start3A_111 : memref<200xi32, #tpu.memory_space<hbm>>) target(%arg8 : memref<200xi32, #tpu.memory_space<vmem>>) target_semaphore(%arg16 : memref<!tpu.dma_semaphore, #tpu.memory_space<semaphore_mem>>)
        %dma_start3A_112 = tpu.memref_slice %arg5[%add3A_109] : memref<320000xi32, #tpu.memory_space<hbm>> -> memref<200xi32, #tpu.memory_space<hbm>>
        %dma_start3A_113 = tpu.memref_slice %arg5[%add3A_109] : memref<320000xi32, #tpu.memory_space<hbm>> -> memref<200xi32, #tpu.memory_space<hbm>>
        tpu.enqueue_dma source(%dma_start3A_113 : memref<200xi32, #tpu.memory_space<hbm>>) target(%arg9 : memref<200xi32, #tpu.memory_space<vmem>>) target_semaphore(%arg16 : memref<!tpu.dma_semaphore, #tpu.memory_space<semaphore_mem>>)
      } else {
      }
      %dma_wait3A_93 = arith.constant 0 : i32
      %dma_wait3A_94 = arith.constant 0 : i32
      %dma_wait3A_95 = tpu.memref_slice %arg2[%dma_wait3A_93, %dma_wait3A_94] : memref<10000x128xf32, #tpu.memory_space<hbm>> -> memref<10000x128xf32, #tpu.memory_space<hbm>>
      tpu.wait_indirect_dma semaphore(%arg19 : memref<!tpu.dma_semaphore, #tpu.memory_space<semaphore_mem>>) src(%dma_wait3A_95 : memref<10000x128xf32, #tpu.memory_space<hbm>>) dst(%arg14 : memref<200x128xf32, #tpu.memory_space<vmem>>)
      %dma_wait3A_96 = arith.constant 0 : i32
      %dma_wait3A_97 = arith.constant 0 : i32
      %dma_wait3A_98 = tpu.memref_slice %arg3[%dma_wait3A_96, %dma_wait3A_97] : memref<10000x128xf32, #tpu.memory_space<hbm>> -> memref<10000x128xf32, #tpu.memory_space<hbm>>
      tpu.wait_indirect_dma semaphore(%arg19 : memref<!tpu.dma_semaphore, #tpu.memory_space<semaphore_mem>>) src(%dma_wait3A_98 : memref<10000x128xf32, #tpu.memory_space<hbm>>) dst(%arg15 : memref<200x128xf32, #tpu.memory_space<vmem>>)
      %dma_start3A_99 = arith.constant 0 : i32
      %dma_start3A_100 = tpu.memref_slice %arg6[%add3A_70, %dma_start3A_99] : memref<320000x128xf32, #tpu.memory_space<hbm>> -> memref<200x128xf32, #tpu.memory_space<hbm>>
      %dma_start3A_101 = arith.constant 0 : i32
      %dma_start3A_102 = tpu.memref_slice %arg6[%add3A_70, %dma_start3A_101] : memref<320000x128xf32, #tpu.memory_space<hbm>> -> memref<200x128xf32, #tpu.memory_space<hbm>>
      tpu.enqueue_dma source(%arg14 : memref<200x128xf32, #tpu.memory_space<vmem>>) target(%dma_start3A_102 : memref<200x128xf32, #tpu.memory_space<hbm>>) target_semaphore(%arg21 : memref<!tpu.dma_semaphore, #tpu.memory_space<semaphore_mem>>)
      %dma_start3A_103 = arith.constant 0 : i32
      %dma_start3A_104 = tpu.memref_slice %arg7[%add3A_70, %dma_start3A_103] : memref<320000x128xf32, #tpu.memory_space<hbm>> -> memref<200x128xf32, #tpu.memory_space<hbm>>
      %dma_start3A_105 = arith.constant 0 : i32
      %dma_start3A_106 = tpu.memref_slice %arg7[%add3A_70, %dma_start3A_105] : memref<320000x128xf32, #tpu.memory_space<hbm>> -> memref<200x128xf32, #tpu.memory_space<hbm>>
      tpu.enqueue_dma source(%arg15 : memref<200x128xf32, #tpu.memory_space<vmem>>) target(%dma_start3A_106 : memref<200x128xf32, #tpu.memory_space<hbm>>) target_semaphore(%arg21 : memref<!tpu.dma_semaphore, #tpu.memory_space<semaphore_mem>>)
    }
    %scan3A_10 = arith.constant 25 : i32
    %dma_wait3A = arith.constant 0 : i32
    %dma_wait3A_11 = tpu.memref_slice %arg6[%mul3A_2, %dma_wait3A] : memref<320000x128xf32, #tpu.memory_space<hbm>> -> memref<200x128xf32, #tpu.memory_space<hbm>>
    %dma_wait3A_12 = arith.constant 0 : i32
    %dma_wait3A_13 = tpu.memref_slice %arg6[%mul3A_2, %dma_wait3A_12] : memref<320000x128xf32, #tpu.memory_space<hbm>> -> memref<200x128xf32, #tpu.memory_space<hbm>>
    tpu.wait_dma2 semaphore(%arg20 : memref<!tpu.dma_semaphore, #tpu.memory_space<semaphore_mem>>) src(%arg10 : memref<200x128xf32, #tpu.memory_space<vmem>>) dst(%dma_wait3A_13 : memref<200x128xf32, #tpu.memory_space<hbm>>)
    %dma_wait3A_14 = arith.constant 0 : i32
    %dma_wait3A_15 = tpu.memref_slice %arg7[%mul3A_2, %dma_wait3A_14] : memref<320000x128xf32, #tpu.memory_space<hbm>> -> memref<200x128xf32, #tpu.memory_space<hbm>>
    %dma_wait3A_16 = arith.constant 0 : i32
    %dma_wait3A_17 = tpu.memref_slice %arg7[%mul3A_2, %dma_wait3A_16] : memref<320000x128xf32, #tpu.memory_space<hbm>> -> memref<200x128xf32, #tpu.memory_space<hbm>>
    tpu.wait_dma2 semaphore(%arg20 : memref<!tpu.dma_semaphore, #tpu.memory_space<semaphore_mem>>) src(%arg11 : memref<200x128xf32, #tpu.memory_space<vmem>>) dst(%dma_wait3A_17 : memref<200x128xf32, #tpu.memory_space<hbm>>)
    %dma_wait3A_18 = arith.constant 0 : i32
    %dma_wait3A_19 = tpu.memref_slice %arg6[%mul3A_2, %dma_wait3A_18] : memref<320000x128xf32, #tpu.memory_space<hbm>> -> memref<200x128xf32, #tpu.memory_space<hbm>>
    %dma_wait3A_20 = arith.constant 0 : i32
    %dma_wait3A_21 = tpu.memref_slice %arg6[%mul3A_2, %dma_wait3A_20] : memref<320000x128xf32, #tpu.memory_space<hbm>> -> memref<200x128xf32, #tpu.memory_space<hbm>>
    tpu.wait_dma2 semaphore(%arg21 : memref<!tpu.dma_semaphore, #tpu.memory_space<semaphore_mem>>) src(%arg14 : memref<200x128xf32, #tpu.memory_space<vmem>>) dst(%dma_wait3A_21 : memref<200x128xf32, #tpu.memory_space<hbm>>)
    %dma_wait3A_22 = arith.constant 0 : i32
    %dma_wait3A_23 = tpu.memref_slice %arg7[%mul3A_2, %dma_wait3A_22] : memref<320000x128xf32, #tpu.memory_space<hbm>> -> memref<200x128xf32, #tpu.memory_space<hbm>>
    %dma_wait3A_24 = arith.constant 0 : i32
    %dma_wait3A_25 = tpu.memref_slice %arg7[%mul3A_2, %dma_wait3A_24] : memref<320000x128xf32, #tpu.memory_space<hbm>> -> memref<200x128xf32, #tpu.memory_space<hbm>>
    tpu.wait_dma2 semaphore(%arg21 : memref<!tpu.dma_semaphore, #tpu.memory_space<semaphore_mem>>) src(%arg15 : memref<200x128xf32, #tpu.memory_space<vmem>>) dst(%dma_wait3A_25 : memref<200x128xf32, #tpu.memory_space<hbm>>)
    return
  }
}

#map = affine_map<(d0, d1) -> (0)>
module attributes {stable_mosaic.version = 14 : i64} {
  func.func @_scatter_body(%arg0: i32, %arg1: i32, %arg2: memref<40960000xf32, #tpu.memory_space<hbm>>, %arg3: memref<320000xi32, #tpu.memory_space<hbm>>, %arg4: memref<5242880xf32, #tpu.memory_space<hbm>>, %arg5: memref<800xi32, #tpu.memory_space<vmem>>, %arg6: memref<800xi32, #tpu.memory_space<vmem>>, %arg7: memref<12800xf32, #tpu.memory_space<vmem>>, %arg8: memref<12800xf32, #tpu.memory_space<vmem>>, %arg9: memref<80016xf32, #tpu.memory_space<vmem>>, %arg10: memref<!tpu.dma_semaphore, #tpu.memory_space<semaphore_mem>>, %arg11: memref<!tpu.dma_semaphore, #tpu.memory_space<semaphore_mem>>) attributes {dimension_semantics = [#tpu.dimension_semantics<core_parallel>, #tpu.dimension_semantics<subcore_parallel>], iteration_bounds = array<i64: 2, 16>, scalar_prefetch = 0 : i64, scratch_operands = 7 : i64, tpu.core_type = #tpu.core_type<sc_vector_subcore>, window_params = [{transform_indices = #map}, {transform_indices = #map}, {transform_indices = #map}]} {
    %and3A = arith.constant 7 : i32
    %and3A_0 = arith.andi %arg1, %and3A : i32
    %shift_right_arithmetic3A = arith.constant 3 : i32
    %shift_right_arithmetic3A_1 = arith.shrsi %arg1, %shift_right_arithmetic3A : i32
    %mul3A = arith.constant 2 : i32
    %mul3A_2 = arith.muli %mul3A, %arg0 : i32
    %add3A = arith.addi %shift_right_arithmetic3A_1, %mul3A_2 : i32
    %mul3A_3 = arith.constant 80000 : i32
    %mul3A_4 = arith.muli %add3A, %mul3A_3 : i32
    %mul3A_5 = arith.constant 320000 : i32
    %mul3A_6 = arith.muli %and3A_0, %mul3A_5 : i32
    %add3A_7 = arith.addi %mul3A_6, %mul3A_4 : i32
    %mul3A_8 = arith.constant 16 : i32
    %mul3A_9 = arith.muli %add3A_7, %mul3A_8 : i32
    %mul3A_10 = arith.constant 8 : i32
    %mul3A_11 = arith.muli %add3A, %mul3A_10 : i32
    %add3A_12 = arith.addi %mul3A_11, %and3A_0 : i32
    %mul3A_13 = arith.constant 163840 : i32
    %mul3A_14 = arith.muli %add3A_12, %mul3A_13 : i32
    %scan3A = arith.constant 0 : i32
    %scan3A_15 = arith.constant 0 : i32
    %scan3A_16 = arith.constant 5001 : i32
    %scan3A_17 = arith.addi %scan3A_15, %scan3A_16 : i32
    %scan3A_18 = arith.constant 1 : i32
    scf.for %scan3A_49 = %scan3A_15 to %scan3A_17 step %scan3A_18  : i32 {
      %broadcast_in_dim3A = arith.constant 0xFF800000 : f32
      %broadcast_in_dim3A_50 = vector.broadcast %broadcast_in_dim3A : f32 to vector<16xf32>
      %mul3A_51 = arith.constant 16 : i32
      %mul3A_52 = arith.muli %scan3A_49, %mul3A_51 : i32
      %swap3A = arith.index_cast %mul3A_52 : i32 to index
      %swap3A_53 = tpu.vector_load %arg9[%swap3A] {strides = array<i32>} : memref<80016xf32, #tpu.memory_space<vmem>>, vector<16xf32>,
      tpu.vector_store %arg9[%swap3A], %broadcast_in_dim3A_50 {strides = array<i32>} : memref<80016xf32, #tpu.memory_space<vmem>>, vector<16xf32>,
    }
    %scan3A_19 = arith.constant 5001 : i32
    %dma_start3A = tpu.memref_slice %arg3[%mul3A_4] : memref<320000xi32, #tpu.memory_space<hbm>> -> memref<800xi32, #tpu.memory_space<hbm>>
    %dma_start3A_20 = tpu.memref_slice %arg3[%mul3A_4] : memref<320000xi32, #tpu.memory_space<hbm>> -> memref<800xi32, #tpu.memory_space<hbm>>
    tpu.enqueue_dma source(%dma_start3A_20 : memref<800xi32, #tpu.memory_space<hbm>>) target(%arg5 : memref<800xi32, #tpu.memory_space<vmem>>) target_semaphore(%arg10 : memref<!tpu.dma_semaphore, #tpu.memory_space<semaphore_mem>>)
    %dma_start3A_21 = tpu.memref_slice %arg2[%mul3A_9] : memref<40960000xf32, #tpu.memory_space<hbm>> -> memref<12800xf32, #tpu.memory_space<hbm>>
    %dma_start3A_22 = tpu.memref_slice %arg2[%mul3A_9] : memref<40960000xf32, #tpu.memory_space<hbm>> -> memref<12800xf32, #tpu.memory_space<hbm>>
    tpu.enqueue_dma source(%dma_start3A_22 : memref<12800xf32, #tpu.memory_space<hbm>>) target(%arg7 : memref<12800xf32, #tpu.memory_space<vmem>>) target_semaphore(%arg11 : memref<!tpu.dma_semaphore, #tpu.memory_space<semaphore_mem>>)
    %scan3A_23 = arith.constant 0 : i32
    %scan3A_24 = arith.constant 0 : i32
    %scan3A_25 = arith.constant 50 : i32
    %scan3A_26 = arith.addi %scan3A_24, %scan3A_25 : i32
    %scan3A_27 = arith.constant 1 : i32
    scf.for %scan3A_49 = %scan3A_24 to %scan3A_26 step %scan3A_27  : i32 {
      %mul3A_50 = arith.constant 2 : i32
      %mul3A_51 = arith.muli %scan3A_49, %mul3A_50 : i32
      %dma_wait3A = tpu.memref_slice %arg3[%mul3A_4] : memref<320000xi32, #tpu.memory_space<hbm>> -> memref<800xi32, #tpu.memory_space<hbm>>
      %dma_wait3A_52 = tpu.memref_slice %arg3[%mul3A_4] : memref<320000xi32, #tpu.memory_space<hbm>> -> memref<800xi32, #tpu.memory_space<hbm>>
      tpu.wait_dma2 semaphore(%arg10 : memref<!tpu.dma_semaphore, #tpu.memory_space<semaphore_mem>>) src(%dma_wait3A_52 : memref<800xi32, #tpu.memory_space<hbm>>) dst(%arg5 : memref<800xi32, #tpu.memory_space<vmem>>)
      %dma_wait3A_53 = tpu.memref_slice %arg2[%mul3A_9] : memref<40960000xf32, #tpu.memory_space<hbm>> -> memref<12800xf32, #tpu.memory_space<hbm>>
      %dma_wait3A_54 = tpu.memref_slice %arg2[%mul3A_9] : memref<40960000xf32, #tpu.memory_space<hbm>> -> memref<12800xf32, #tpu.memory_space<hbm>>
      tpu.wait_dma2 semaphore(%arg11 : memref<!tpu.dma_semaphore, #tpu.memory_space<semaphore_mem>>) src(%dma_wait3A_54 : memref<12800xf32, #tpu.memory_space<hbm>>) dst(%arg7 : memref<12800xf32, #tpu.memory_space<vmem>>)
      %add3A_55 = arith.constant 1 : i32
      %add3A_56 = arith.addi %mul3A_51, %add3A_55 : i32
      %lt3A = arith.constant 100 : i32
      %lt3A_57 = arith.cmpi slt, %add3A_56, %lt3A : i32
      %convert_element_type3A = arith.extui %lt3A_57 : i1 to i32
      %cond3A = arith.constant 0 : i32
      %cond3A_58 = arith.cmpi ne, %convert_element_type3A, %cond3A : i32
      scf.if %cond3A_58 {
        %mul3A_86 = arith.constant 800 : i32
        %mul3A_87 = arith.muli %add3A_56, %mul3A_86 : i32
        %add3A_88 = arith.addi %mul3A_4, %mul3A_87 : i32
        %dma_start3A_89 = tpu.memref_slice %arg3[%add3A_88] : memref<320000xi32, #tpu.memory_space<hbm>> -> memref<800xi32, #tpu.memory_space<hbm>>
        %dma_start3A_90 = tpu.memref_slice %arg3[%add3A_88] : memref<320000xi32, #tpu.memory_space<hbm>> -> memref<800xi32, #tpu.memory_space<hbm>>
        tpu.enqueue_dma source(%dma_start3A_90 : memref<800xi32, #tpu.memory_space<hbm>>) target(%arg6 : memref<800xi32, #tpu.memory_space<vmem>>) target_semaphore(%arg10 : memref<!tpu.dma_semaphore, #tpu.memory_space<semaphore_mem>>)
        %mul3A_91 = arith.constant 800 : i32
        %mul3A_92 = arith.muli %add3A_56, %mul3A_91 : i32
        %mul3A_93 = arith.constant 16 : i32
        %mul3A_94 = arith.muli %mul3A_92, %mul3A_93 : i32
        %add3A_95 = arith.addi %mul3A_9, %mul3A_94 : i32
        %dma_start3A_96 = tpu.memref_slice %arg2[%add3A_95] : memref<40960000xf32, #tpu.memory_space<hbm>> -> memref<12800xf32, #tpu.memory_space<hbm>>
        %dma_start3A_97 = tpu.memref_slice %arg2[%add3A_95] : memref<40960000xf32, #tpu.memory_space<hbm>> -> memref<12800xf32, #tpu.memory_space<hbm>>
        tpu.enqueue_dma source(%dma_start3A_97 : memref<12800xf32, #tpu.memory_space<hbm>>) target(%arg8 : memref<12800xf32, #tpu.memory_space<vmem>>) target_semaphore(%arg11 : memref<!tpu.dma_semaphore, #tpu.memory_space<semaphore_mem>>)
      } else {
      }
      %scan3A_59 = arith.constant 0 : i32
      %scan3A_60 = arith.constant 0 : i32
      %scan3A_61 = arith.constant 50 : i32
      %scan3A_62 = arith.addi %scan3A_60, %scan3A_61 : i32
      %scan3A_63 = arith.constant 2 : i32
      scf.for %scan3A_86 = %scan3A_60 to %scan3A_62 step %scan3A_63  : i32 {
        %mul3A_87 = arith.constant 16 : i32
        %mul3A_88 = arith.muli %scan3A_86, %mul3A_87 : i32
        %get3A = arith.index_cast %mul3A_88 : i32 to index
        %get3A_89 = tpu.vector_load %arg5[%get3A] {strides = array<i32>} : memref<800xi32, #tpu.memory_space<vmem>>, vector<16xi32>,
        %sub3A = arith.constant 0 : i32
        %sub3A_90 = vector.broadcast %sub3A : i32 to vector<16xi32>
        %sub3A_91 = arith.subi %get3A_89, %sub3A_90 : vector<16xi32>
        %ge3A = arith.constant 0 : i32
        %ge3A_92 = vector.broadcast %ge3A : i32 to vector<16xi32>
        %ge3A_93 = arith.cmpi sge, %sub3A_91, %ge3A_92 : vector<16xi32>
        %lt3A_94 = arith.constant 5000 : i32
        %lt3A_95 = vector.broadcast %lt3A_94 : i32 to vector<16xi32>
        %lt3A_96 = arith.cmpi slt, %sub3A_91, %lt3A_95 : vector<16xi32>
        %and3A_97 = arith.andi %ge3A_93, %lt3A_96 : vector<16xi1>
        %jit3A = arith.constant 5000 : i32
        %broadcast_in_dim3A = vector.broadcast %jit3A : i32 to vector<16xi32>
        %select_n3A = arith.select %and3A_97, %sub3A_91, %broadcast_in_dim3A : vector<16xi1>, vector<16xi32>
        %mul3A_98 = arith.constant 16 : i32
        %mul3A_99 = vector.broadcast %mul3A_98 : i32 to vector<16xi32>
        %mul3A_100 = arith.muli %select_n3A, %mul3A_99 : vector<16xi32>
        %slice3A = vector.extract_strided_slice %mul3A_100 {offsets = [0], sizes = [1], strides = [1]} : vector<16xi32> to vector<1xi32>
        %squeeze3A = vector.extract %slice3A[0] : i32 from vector<1xi32>
        %mul3A_101 = arith.constant 256 : i32
        %mul3A_102 = arith.muli %scan3A_86, %mul3A_101 : i32
        %add3A_103 = arith.constant 0 : i32
        %add3A_104 = arith.addi %mul3A_102, %add3A_103 : i32
        %get3A_105 = arith.index_cast %add3A_104 : i32 to index
        %get3A_106 = tpu.vector_load %arg7[%get3A_105] {strides = array<i32>} : memref<12800xf32, #tpu.memory_space<vmem>>, vector<16xf32>,
        %get3A_107 = arith.index_cast %squeeze3A : i32 to index
        %get3A_108 = tpu.vector_load %arg9[%get3A_107] {strides = array<i32>} : memref<80016xf32, #tpu.memory_space<vmem>>, vector<16xf32>,
        %max3A = arith.maximumf %get3A_108, %get3A_106 : vector<16xf32>
        %swap3A = arith.index_cast %squeeze3A : i32 to index
        %swap3A_109 = tpu.vector_load %arg9[%swap3A] {strides = array<i32>} : memref<80016xf32, #tpu.memory_space<vmem>>, vector<16xf32>,
        tpu.vector_store %arg9[%swap3A], %max3A {strides = array<i32>} : memref<80016xf32, #tpu.memory_space<vmem>>, vector<16xf32>,
        %slice3A_110 = vector.extract_strided_slice %mul3A_100 {offsets = [1], sizes = [1], strides = [1]} : vector<16xi32> to vector<1xi32>
        %squeeze3A_111 = vector.extract %slice3A_110[0] : i32 from vector<1xi32>
        %mul3A_112 = arith.constant 256 : i32
        %mul3A_113 = arith.muli %scan3A_86, %mul3A_112 : i32
        %add3A_114 = arith.constant 16 : i32
        %add3A_115 = arith.addi %mul3A_113, %add3A_114 : i32
        %get3A_116 = arith.index_cast %add3A_115 : i32 to index
        %get3A_117 = tpu.vector_load %arg7[%get3A_116] {strides = array<i32>} : memref<12800xf32, #tpu.memory_space<vmem>>, vector<16xf32>,
        %get3A_118 = arith.index_cast %squeeze3A_111 : i32 to index
        %get3A_119 = tpu.vector_load %arg9[%get3A_118] {strides = array<i32>} : memref<80016xf32, #tpu.memory_space<vmem>>, vector<16xf32>,
        %max3A_120 = arith.maximumf %get3A_119, %get3A_117 : vector<16xf32>
        %swap3A_121 = arith.index_cast %squeeze3A_111 : i32 to index
        %swap3A_122 = tpu.vector_load %arg9[%swap3A_121] {strides = array<i32>} : memref<80016xf32, #tpu.memory_space<vmem>>, vector<16xf32>,
        tpu.vector_store %arg9[%swap3A_121], %max3A_120 {strides = array<i32>} : memref<80016xf32, #tpu.memory_space<vmem>>, vector<16xf32>,
        %slice3A_123 = vector.extract_strided_slice %mul3A_100 {offsets = [2], sizes = [1], strides = [1]} : vector<16xi32> to vector<1xi32>
        %squeeze3A_124 = vector.extract %slice3A_123[0] : i32 from vector<1xi32>
        %mul3A_125 = arith.constant 256 : i32
        %mul3A_126 = arith.muli %scan3A_86, %mul3A_125 : i32
        %add3A_127 = arith.constant 32 : i32
        %add3A_128 = arith.addi %mul3A_126, %add3A_127 : i32
        %get3A_129 = arith.index_cast %add3A_128 : i32 to index
        %get3A_130 = tpu.vector_load %arg7[%get3A_129] {strides = array<i32>} : memref<12800xf32, #tpu.memory_space<vmem>>, vector<16xf32>,
        %get3A_131 = arith.index_cast %squeeze3A_124 : i32 to index
        %get3A_132 = tpu.vector_load %arg9[%get3A_131] {strides = array<i32>} : memref<80016xf32, #tpu.memory_space<vmem>>, vector<16xf32>,
        %max3A_133 = arith.maximumf %get3A_132, %get3A_130 : vector<16xf32>
        %swap3A_134 = arith.index_cast %squeeze3A_124 : i32 to index
        %swap3A_135 = tpu.vector_load %arg9[%swap3A_134] {strides = array<i32>} : memref<80016xf32, #tpu.memory_space<vmem>>, vector<16xf32>,
        tpu.vector_store %arg9[%swap3A_134], %max3A_133 {strides = array<i32>} : memref<80016xf32, #tpu.memory_space<vmem>>, vector<16xf32>,
        %slice3A_136 = vector.extract_strided_slice %mul3A_100 {offsets = [3], sizes = [1], strides = [1]} : vector<16xi32> to vector<1xi32>
        %squeeze3A_137 = vector.extract %slice3A_136[0] : i32 from vector<1xi32>
        %mul3A_138 = arith.constant 256 : i32
        %mul3A_139 = arith.muli %scan3A_86, %mul3A_138 : i32
        %add3A_140 = arith.constant 48 : i32
        %add3A_141 = arith.addi %mul3A_139, %add3A_140 : i32
        %get3A_142 = arith.index_cast %add3A_141 : i32 to index
        %get3A_143 = tpu.vector_load %arg7[%get3A_142] {strides = array<i32>} : memref<12800xf32, #tpu.memory_space<vmem>>, vector<16xf32>,
        %get3A_144 = arith.index_cast %squeeze3A_137 : i32 to index
        %get3A_145 = tpu.vector_load %arg9[%get3A_144] {strides = array<i32>} : memref<80016xf32, #tpu.memory_space<vmem>>, vector<16xf32>,
        %max3A_146 = arith.maximumf %get3A_145, %get3A_143 : vector<16xf32>
        %swap3A_147 = arith.index_cast %squeeze3A_137 : i32 to index
        %swap3A_148 = tpu.vector_load %arg9[%swap3A_147] {strides = array<i32>} : memref<80016xf32, #tpu.memory_space<vmem>>, vector<16xf32>,
        tpu.vector_store %arg9[%swap3A_147], %max3A_146 {strides = array<i32>} : memref<80016xf32, #tpu.memory_space<vmem>>, vector<16xf32>,
        %slice3A_149 = vector.extract_strided_slice %mul3A_100 {offsets = [4], sizes = [1], strides = [1]} : vector<16xi32> to vector<1xi32>
        %squeeze3A_150 = vector.extract %slice3A_149[0] : i32 from vector<1xi32>
        %mul3A_151 = arith.constant 256 : i32
        %mul3A_152 = arith.muli %scan3A_86, %mul3A_151 : i32
        %add3A_153 = arith.constant 64 : i32
        %add3A_154 = arith.addi %mul3A_152, %add3A_153 : i32
        %get3A_155 = arith.index_cast %add3A_154 : i32 to index
        %get3A_156 = tpu.vector_load %arg7[%get3A_155] {strides = array<i32>} : memref<12800xf32, #tpu.memory_space<vmem>>, vector<16xf32>,
        %get3A_157 = arith.index_cast %squeeze3A_150 : i32 to index
        %get3A_158 = tpu.vector_load %arg9[%get3A_157] {strides = array<i32>} : memref<80016xf32, #tpu.memory_space<vmem>>, vector<16xf32>,
        %max3A_159 = arith.maximumf %get3A_158, %get3A_156 : vector<16xf32>
        %swap3A_160 = arith.index_cast %squeeze3A_150 : i32 to index
        %swap3A_161 = tpu.vector_load %arg9[%swap3A_160] {strides = array<i32>} : memref<80016xf32, #tpu.memory_space<vmem>>, vector<16xf32>,
        tpu.vector_store %arg9[%swap3A_160], %max3A_159 {strides = array<i32>} : memref<80016xf32, #tpu.memory_space<vmem>>, vector<16xf32>,
        %slice3A_162 = vector.extract_strided_slice %mul3A_100 {offsets = [5], sizes = [1], strides = [1]} : vector<16xi32> to vector<1xi32>
        %squeeze3A_163 = vector.extract %slice3A_162[0] : i32 from vector<1xi32>
        %mul3A_164 = arith.constant 256 : i32
        %mul3A_165 = arith.muli %scan3A_86, %mul3A_164 : i32
        %add3A_166 = arith.constant 80 : i32
        %add3A_167 = arith.addi %mul3A_165, %add3A_166 : i32
        %get3A_168 = arith.index_cast %add3A_167 : i32 to index
        %get3A_169 = tpu.vector_load %arg7[%get3A_168] {strides = array<i32>} : memref<12800xf32, #tpu.memory_space<vmem>>, vector<16xf32>,
        %get3A_170 = arith.index_cast %squeeze3A_163 : i32 to index
        %get3A_171 = tpu.vector_load %arg9[%get3A_170] {strides = array<i32>} : memref<80016xf32, #tpu.memory_space<vmem>>, vector<16xf32>,
        %max3A_172 = arith.maximumf %get3A_171, %get3A_169 : vector<16xf32>
        %swap3A_173 = arith.index_cast %squeeze3A_163 : i32 to index
        %swap3A_174 = tpu.vector_load %arg9[%swap3A_173] {strides = array<i32>} : memref<80016xf32, #tpu.memory_space<vmem>>, vector<16xf32>,
        tpu.vector_store %arg9[%swap3A_173], %max3A_172 {strides = array<i32>} : memref<80016xf32, #tpu.memory_space<vmem>>, vector<16xf32>,
        %slice3A_175 = vector.extract_strided_slice %mul3A_100 {offsets = [6], sizes = [1], strides = [1]} : vector<16xi32> to vector<1xi32>
        %squeeze3A_176 = vector.extract %slice3A_175[0] : i32 from vector<1xi32>
        %mul3A_177 = arith.constant 256 : i32
        %mul3A_178 = arith.muli %scan3A_86, %mul3A_177 : i32
        %add3A_179 = arith.constant 96 : i32
        %add3A_180 = arith.addi %mul3A_178, %add3A_179 : i32
        %get3A_181 = arith.index_cast %add3A_180 : i32 to index
        %get3A_182 = tpu.vector_load %arg7[%get3A_181] {strides = array<i32>} : memref<12800xf32, #tpu.memory_space<vmem>>, vector<16xf32>,
        %get3A_183 = arith.index_cast %squeeze3A_176 : i32 to index
        %get3A_184 = tpu.vector_load %arg9[%get3A_183] {strides = array<i32>} : memref<80016xf32, #tpu.memory_space<vmem>>, vector<16xf32>,
        %max3A_185 = arith.maximumf %get3A_184, %get3A_182 : vector<16xf32>
        %swap3A_186 = arith.index_cast %squeeze3A_176 : i32 to index
        %swap3A_187 = tpu.vector_load %arg9[%swap3A_186] {strides = array<i32>} : memref<80016xf32, #tpu.memory_space<vmem>>, vector<16xf32>,
        tpu.vector_store %arg9[%swap3A_186], %max3A_185 {strides = array<i32>} : memref<80016xf32, #tpu.memory_space<vmem>>, vector<16xf32>,
        %slice3A_188 = vector.extract_strided_slice %mul3A_100 {offsets = [7], sizes = [1], strides = [1]} : vector<16xi32> to vector<1xi32>
        %squeeze3A_189 = vector.extract %slice3A_188[0] : i32 from vector<1xi32>
        %mul3A_190 = arith.constant 256 : i32
        %mul3A_191 = arith.muli %scan3A_86, %mul3A_190 : i32
        %add3A_192 = arith.constant 112 : i32
        %add3A_193 = arith.addi %mul3A_191, %add3A_192 : i32
        %get3A_194 = arith.index_cast %add3A_193 : i32 to index
        %get3A_195 = tpu.vector_load %arg7[%get3A_194] {strides = array<i32>} : memref<12800xf32, #tpu.memory_space<vmem>>, vector<16xf32>,
        %get3A_196 = arith.index_cast %squeeze3A_189 : i32 to index
        %get3A_197 = tpu.vector_load %arg9[%get3A_196] {strides = array<i32>} : memref<80016xf32, #tpu.memory_space<vmem>>, vector<16xf32>,
        %max3A_198 = arith.maximumf %get3A_197, %get3A_195 : vector<16xf32>
        %swap3A_199 = arith.index_cast %squeeze3A_189 : i32 to index
        %swap3A_200 = tpu.vector_load %arg9[%swap3A_199] {strides = array<i32>} : memref<80016xf32, #tpu.memory_space<vmem>>, vector<16xf32>,
        tpu.vector_store %arg9[%swap3A_199], %max3A_198 {strides = array<i32>} : memref<80016xf32, #tpu.memory_space<vmem>>, vector<16xf32>,
        %slice3A_201 = vector.extract_strided_slice %mul3A_100 {offsets = [8], sizes = [1], strides = [1]} : vector<16xi32> to vector<1xi32>
        %squeeze3A_202 = vector.extract %slice3A_201[0] : i32 from vector<1xi32>
        %mul3A_203 = arith.constant 256 : i32
        %mul3A_204 = arith.muli %scan3A_86, %mul3A_203 : i32
        %add3A_205 = arith.constant 128 : i32
        %add3A_206 = arith.addi %mul3A_204, %add3A_205 : i32
        %get3A_207 = arith.index_cast %add3A_206 : i32 to index
        %get3A_208 = tpu.vector_load %arg7[%get3A_207] {strides = array<i32>} : memref<12800xf32, #tpu.memory_space<vmem>>, vector<16xf32>,
        %get3A_209 = arith.index_cast %squeeze3A_202 : i32 to index
        %get3A_210 = tpu.vector_load %arg9[%get3A_209] {strides = array<i32>} : memref<80016xf32, #tpu.memory_space<vmem>>, vector<16xf32>,
        %max3A_211 = arith.maximumf %get3A_210, %get3A_208 : vector<16xf32>
        %swap3A_212 = arith.index_cast %squeeze3A_202 : i32 to index
        %swap3A_213 = tpu.vector_load %arg9[%swap3A_212] {strides = array<i32>} : memref<80016xf32, #tpu.memory_space<vmem>>, vector<16xf32>,
        tpu.vector_store %arg9[%swap3A_212], %max3A_211 {strides = array<i32>} : memref<80016xf32, #tpu.memory_space<vmem>>, vector<16xf32>,
        %slice3A_214 = vector.extract_strided_slice %mul3A_100 {offsets = [9], sizes = [1], strides = [1]} : vector<16xi32> to vector<1xi32>
        %squeeze3A_215 = vector.extract %slice3A_214[0] : i32 from vector<1xi32>
        %mul3A_216 = arith.constant 256 : i32
        %mul3A_217 = arith.muli %scan3A_86, %mul3A_216 : i32
        %add3A_218 = arith.constant 144 : i32
        %add3A_219 = arith.addi %mul3A_217, %add3A_218 : i32
        %get3A_220 = arith.index_cast %add3A_219 : i32 to index
        %get3A_221 = tpu.vector_load %arg7[%get3A_220] {strides = array<i32>} : memref<12800xf32, #tpu.memory_space<vmem>>, vector<16xf32>,
        %get3A_222 = arith.index_cast %squeeze3A_215 : i32 to index
        %get3A_223 = tpu.vector_load %arg9[%get3A_222] {strides = array<i32>} : memref<80016xf32, #tpu.memory_space<vmem>>, vector<16xf32>,
        %max3A_224 = arith.maximumf %get3A_223, %get3A_221 : vector<16xf32>
        %swap3A_225 = arith.index_cast %squeeze3A_215 : i32 to index
        %swap3A_226 = tpu.vector_load %arg9[%swap3A_225] {strides = array<i32>} : memref<80016xf32, #tpu.memory_space<vmem>>, vector<16xf32>,
        tpu.vector_store %arg9[%swap3A_225], %max3A_224 {strides = array<i32>} : memref<80016xf32, #tpu.memory_space<vmem>>, vector<16xf32>,
        %slice3A_227 = vector.extract_strided_slice %mul3A_100 {offsets = [10], sizes = [1], strides = [1]} : vector<16xi32> to vector<1xi32>
        %squeeze3A_228 = vector.extract %slice3A_227[0] : i32 from vector<1xi32>
        %mul3A_229 = arith.constant 256 : i32
        %mul3A_230 = arith.muli %scan3A_86, %mul3A_229 : i32
        %add3A_231 = arith.constant 160 : i32
        %add3A_232 = arith.addi %mul3A_230, %add3A_231 : i32
        %get3A_233 = arith.index_cast %add3A_232 : i32 to index
        %get3A_234 = tpu.vector_load %arg7[%get3A_233] {strides = array<i32>} : memref<12800xf32, #tpu.memory_space<vmem>>, vector<16xf32>,
        %get3A_235 = arith.index_cast %squeeze3A_228 : i32 to index
        %get3A_236 = tpu.vector_load %arg9[%get3A_235] {strides = array<i32>} : memref<80016xf32, #tpu.memory_space<vmem>>, vector<16xf32>,
        %max3A_237 = arith.maximumf %get3A_236, %get3A_234 : vector<16xf32>
        %swap3A_238 = arith.index_cast %squeeze3A_228 : i32 to index
        %swap3A_239 = tpu.vector_load %arg9[%swap3A_238] {strides = array<i32>} : memref<80016xf32, #tpu.memory_space<vmem>>, vector<16xf32>,
        tpu.vector_store %arg9[%swap3A_238], %max3A_237 {strides = array<i32>} : memref<80016xf32, #tpu.memory_space<vmem>>, vector<16xf32>,
        %slice3A_240 = vector.extract_strided_slice %mul3A_100 {offsets = [11], sizes = [1], strides = [1]} : vector<16xi32> to vector<1xi32>
        %squeeze3A_241 = vector.extract %slice3A_240[0] : i32 from vector<1xi32>
        %mul3A_242 = arith.constant 256 : i32
        %mul3A_243 = arith.muli %scan3A_86, %mul3A_242 : i32
        %add3A_244 = arith.constant 176 : i32
        %add3A_245 = arith.addi %mul3A_243, %add3A_244 : i32
        %get3A_246 = arith.index_cast %add3A_245 : i32 to index
        %get3A_247 = tpu.vector_load %arg7[%get3A_246] {strides = array<i32>} : memref<12800xf32, #tpu.memory_space<vmem>>, vector<16xf32>,
        %get3A_248 = arith.index_cast %squeeze3A_241 : i32 to index
        %get3A_249 = tpu.vector_load %arg9[%get3A_248] {strides = array<i32>} : memref<80016xf32, #tpu.memory_space<vmem>>, vector<16xf32>,
        %max3A_250 = arith.maximumf %get3A_249, %get3A_247 : vector<16xf32>
        %swap3A_251 = arith.index_cast %squeeze3A_241 : i32 to index
        %swap3A_252 = tpu.vector_load %arg9[%swap3A_251] {strides = array<i32>} : memref<80016xf32, #tpu.memory_space<vmem>>, vector<16xf32>,
        tpu.vector_store %arg9[%swap3A_251], %max3A_250 {strides = array<i32>} : memref<80016xf32, #tpu.memory_space<vmem>>, vector<16xf32>,
        %slice3A_253 = vector.extract_strided_slice %mul3A_100 {offsets = [12], sizes = [1], strides = [1]} : vector<16xi32> to vector<1xi32>
        %squeeze3A_254 = vector.extract %slice3A_253[0] : i32 from vector<1xi32>
        %mul3A_255 = arith.constant 256 : i32
        %mul3A_256 = arith.muli %scan3A_86, %mul3A_255 : i32
        %add3A_257 = arith.constant 192 : i32
        %add3A_258 = arith.addi %mul3A_256, %add3A_257 : i32
        %get3A_259 = arith.index_cast %add3A_258 : i32 to index
        %get3A_260 = tpu.vector_load %arg7[%get3A_259] {strides = array<i32>} : memref<12800xf32, #tpu.memory_space<vmem>>, vector<16xf32>,
        %get3A_261 = arith.index_cast %squeeze3A_254 : i32 to index
        %get3A_262 = tpu.vector_load %arg9[%get3A_261] {strides = array<i32>} : memref<80016xf32, #tpu.memory_space<vmem>>, vector<16xf32>,
        %max3A_263 = arith.maximumf %get3A_262, %get3A_260 : vector<16xf32>
        %swap3A_264 = arith.index_cast %squeeze3A_254 : i32 to index
        %swap3A_265 = tpu.vector_load %arg9[%swap3A_264] {strides = array<i32>} : memref<80016xf32, #tpu.memory_space<vmem>>, vector<16xf32>,
        tpu.vector_store %arg9[%swap3A_264], %max3A_263 {strides = array<i32>} : memref<80016xf32, #tpu.memory_space<vmem>>, vector<16xf32>,
        %slice3A_266 = vector.extract_strided_slice %mul3A_100 {offsets = [13], sizes = [1], strides = [1]} : vector<16xi32> to vector<1xi32>
        %squeeze3A_267 = vector.extract %slice3A_266[0] : i32 from vector<1xi32>
        %mul3A_268 = arith.constant 256 : i32
        %mul3A_269 = arith.muli %scan3A_86, %mul3A_268 : i32
        %add3A_270 = arith.constant 208 : i32
        %add3A_271 = arith.addi %mul3A_269, %add3A_270 : i32
        %get3A_272 = arith.index_cast %add3A_271 : i32 to index
        %get3A_273 = tpu.vector_load %arg7[%get3A_272] {strides = array<i32>} : memref<12800xf32, #tpu.memory_space<vmem>>, vector<16xf32>,
        %get3A_274 = arith.index_cast %squeeze3A_267 : i32 to index
        %get3A_275 = tpu.vector_load %arg9[%get3A_274] {strides = array<i32>} : memref<80016xf32, #tpu.memory_space<vmem>>, vector<16xf32>,
        %max3A_276 = arith.maximumf %get3A_275, %get3A_273 : vector<16xf32>
        %swap3A_277 = arith.index_cast %squeeze3A_267 : i32 to index
        %swap3A_278 = tpu.vector_load %arg9[%swap3A_277] {strides = array<i32>} : memref<80016xf32, #tpu.memory_space<vmem>>, vector<16xf32>,
        tpu.vector_store %arg9[%swap3A_277], %max3A_276 {strides = array<i32>} : memref<80016xf32, #tpu.memory_space<vmem>>, vector<16xf32>,
        %slice3A_279 = vector.extract_strided_slice %mul3A_100 {offsets = [14], sizes = [1], strides = [1]} : vector<16xi32> to vector<1xi32>
        %squeeze3A_280 = vector.extract %slice3A_279[0] : i32 from vector<1xi32>
        %mul3A_281 = arith.constant 256 : i32
        %mul3A_282 = arith.muli %scan3A_86, %mul3A_281 : i32
        %add3A_283 = arith.constant 224 : i32
        %add3A_284 = arith.addi %mul3A_282, %add3A_283 : i32
        %get3A_285 = arith.index_cast %add3A_284 : i32 to index
        %get3A_286 = tpu.vector_load %arg7[%get3A_285] {strides = array<i32>} : memref<12800xf32, #tpu.memory_space<vmem>>, vector<16xf32>,
        %get3A_287 = arith.index_cast %squeeze3A_280 : i32 to index
        %get3A_288 = tpu.vector_load %arg9[%get3A_287] {strides = array<i32>} : memref<80016xf32, #tpu.memory_space<vmem>>, vector<16xf32>,
        %max3A_289 = arith.maximumf %get3A_288, %get3A_286 : vector<16xf32>
        %swap3A_290 = arith.index_cast %squeeze3A_280 : i32 to index
        %swap3A_291 = tpu.vector_load %arg9[%swap3A_290] {strides = array<i32>} : memref<80016xf32, #tpu.memory_space<vmem>>, vector<16xf32>,
        tpu.vector_store %arg9[%swap3A_290], %max3A_289 {strides = array<i32>} : memref<80016xf32, #tpu.memory_space<vmem>>, vector<16xf32>,
        %slice3A_292 = vector.extract_strided_slice %mul3A_100 {offsets = [15], sizes = [1], strides = [1]} : vector<16xi32> to vector<1xi32>
        %squeeze3A_293 = vector.extract %slice3A_292[0] : i32 from vector<1xi32>
        %mul3A_294 = arith.constant 256 : i32
        %mul3A_295 = arith.muli %scan3A_86, %mul3A_294 : i32
        %add3A_296 = arith.constant 240 : i32
        %add3A_297 = arith.addi %mul3A_295, %add3A_296 : i32
        %get3A_298 = arith.index_cast %add3A_297 : i32 to index
        %get3A_299 = tpu.vector_load %arg7[%get3A_298] {strides = array<i32>} : memref<12800xf32, #tpu.memory_space<vmem>>, vector<16xf32>,
        %get3A_300 = arith.index_cast %squeeze3A_293 : i32 to index
        %get3A_301 = tpu.vector_load %arg9[%get3A_300] {strides = array<i32>} : memref<80016xf32, #tpu.memory_space<vmem>>, vector<16xf32>,
        %max3A_302 = arith.maximumf %get3A_301, %get3A_299 : vector<16xf32>
        %swap3A_303 = arith.index_cast %squeeze3A_293 : i32 to index
        %swap3A_304 = tpu.vector_load %arg9[%swap3A_303] {strides = array<i32>} : memref<80016xf32, #tpu.memory_space<vmem>>, vector<16xf32>,
        tpu.vector_store %arg9[%swap3A_303], %max3A_302 {strides = array<i32>} : memref<80016xf32, #tpu.memory_space<vmem>>, vector<16xf32>,
        %scan3A_305 = arith.constant 1 : i32
        %scan3A_306 = arith.addi %scan3A_86, %scan3A_305 : i32
        %mul3A_307 = arith.constant 16 : i32
        %mul3A_308 = arith.muli %scan3A_306, %mul3A_307 : i32
        %get3A_309 = arith.index_cast %mul3A_308 : i32 to index
        %get3A_310 = tpu.vector_load %arg5[%get3A_309] {strides = array<i32>} : memref<800xi32, #tpu.memory_space<vmem>>, vector<16xi32>,
        %sub3A_311 = arith.constant 0 : i32
        %sub3A_312 = vector.broadcast %sub3A_311 : i32 to vector<16xi32>
        %sub3A_313 = arith.subi %get3A_310, %sub3A_312 : vector<16xi32>
        %ge3A_314 = arith.constant 0 : i32
        %ge3A_315 = vector.broadcast %ge3A_314 : i32 to vector<16xi32>
        %ge3A_316 = arith.cmpi sge, %sub3A_313, %ge3A_315 : vector<16xi32>
        %lt3A_317 = arith.constant 5000 : i32
        %lt3A_318 = vector.broadcast %lt3A_317 : i32 to vector<16xi32>
        %lt3A_319 = arith.cmpi slt, %sub3A_313, %lt3A_318 : vector<16xi32>
        %and3A_320 = arith.andi %ge3A_316, %lt3A_319 : vector<16xi1>
        %jit3A_321 = arith.constant 5000 : i32
        %broadcast_in_dim3A_322 = vector.broadcast %jit3A_321 : i32 to vector<16xi32>
        %select_n3A_323 = arith.select %and3A_320, %sub3A_313, %broadcast_in_dim3A_322 : vector<16xi1>, vector<16xi32>
        %mul3A_324 = arith.constant 16 : i32
        %mul3A_325 = vector.broadcast %mul3A_324 : i32 to vector<16xi32>
        %mul3A_326 = arith.muli %select_n3A_323, %mul3A_325 : vector<16xi32>
        %slice3A_327 = vector.extract_strided_slice %mul3A_326 {offsets = [0], sizes = [1], strides = [1]} : vector<16xi32> to vector<1xi32>
        %squeeze3A_328 = vector.extract %slice3A_327[0] : i32 from vector<1xi32>
        %mul3A_329 = arith.constant 256 : i32
        %mul3A_330 = arith.muli %scan3A_306, %mul3A_329 : i32
        %add3A_331 = arith.constant 0 : i32
        %add3A_332 = arith.addi %mul3A_330, %add3A_331 : i32
        %get3A_333 = arith.index_cast %add3A_332 : i32 to index
        %get3A_334 = tpu.vector_load %arg7[%get3A_333] {strides = array<i32>} : memref<12800xf32, #tpu.memory_space<vmem>>, vector<16xf32>,
        %get3A_335 = arith.index_cast %squeeze3A_328 : i32 to index
        %get3A_336 = tpu.vector_load %arg9[%get3A_335] {strides = array<i32>} : memref<80016xf32, #tpu.memory_space<vmem>>, vector<16xf32>,
        %max3A_337 = arith.maximumf %get3A_336, %get3A_334 : vector<16xf32>
        %swap3A_338 = arith.index_cast %squeeze3A_328 : i32 to index
        %swap3A_339 = tpu.vector_load %arg9[%swap3A_338] {strides = array<i32>} : memref<80016xf32, #tpu.memory_space<vmem>>, vector<16xf32>,
        tpu.vector_store %arg9[%swap3A_338], %max3A_337 {strides = array<i32>} : memref<80016xf32, #tpu.memory_space<vmem>>, vector<16xf32>,
        %slice3A_340 = vector.extract_strided_slice %mul3A_326 {offsets = [1], sizes = [1], strides = [1]} : vector<16xi32> to vector<1xi32>
        %squeeze3A_341 = vector.extract %slice3A_340[0] : i32 from vector<1xi32>
        %mul3A_342 = arith.constant 256 : i32
        %mul3A_343 = arith.muli %scan3A_306, %mul3A_342 : i32
        %add3A_344 = arith.constant 16 : i32
        %add3A_345 = arith.addi %mul3A_343, %add3A_344 : i32
        %get3A_346 = arith.index_cast %add3A_345 : i32 to index
        %get3A_347 = tpu.vector_load %arg7[%get3A_346] {strides = array<i32>} : memref<12800xf32, #tpu.memory_space<vmem>>, vector<16xf32>,
        %get3A_348 = arith.index_cast %squeeze3A_341 : i32 to index
        %get3A_349 = tpu.vector_load %arg9[%get3A_348] {strides = array<i32>} : memref<80016xf32, #tpu.memory_space<vmem>>, vector<16xf32>,
        %max3A_350 = arith.maximumf %get3A_349, %get3A_347 : vector<16xf32>
        %swap3A_351 = arith.index_cast %squeeze3A_341 : i32 to index
        %swap3A_352 = tpu.vector_load %arg9[%swap3A_351] {strides = array<i32>} : memref<80016xf32, #tpu.memory_space<vmem>>, vector<16xf32>,
        tpu.vector_store %arg9[%swap3A_351], %max3A_350 {strides = array<i32>} : memref<80016xf32, #tpu.memory_space<vmem>>, vector<16xf32>,
        %slice3A_353 = vector.extract_strided_slice %mul3A_326 {offsets = [2], sizes = [1], strides = [1]} : vector<16xi32> to vector<1xi32>
        %squeeze3A_354 = vector.extract %slice3A_353[0] : i32 from vector<1xi32>
        %mul3A_355 = arith.constant 256 : i32
        %mul3A_356 = arith.muli %scan3A_306, %mul3A_355 : i32
        %add3A_357 = arith.constant 32 : i32
        %add3A_358 = arith.addi %mul3A_356, %add3A_357 : i32
        %get3A_359 = arith.index_cast %add3A_358 : i32 to index
        %get3A_360 = tpu.vector_load %arg7[%get3A_359] {strides = array<i32>} : memref<12800xf32, #tpu.memory_space<vmem>>, vector<16xf32>,
        %get3A_361 = arith.index_cast %squeeze3A_354 : i32 to index
        %get3A_362 = tpu.vector_load %arg9[%get3A_361] {strides = array<i32>} : memref<80016xf32, #tpu.memory_space<vmem>>, vector<16xf32>,
        %max3A_363 = arith.maximumf %get3A_362, %get3A_360 : vector<16xf32>
        %swap3A_364 = arith.index_cast %squeeze3A_354 : i32 to index
        %swap3A_365 = tpu.vector_load %arg9[%swap3A_364] {strides = array<i32>} : memref<80016xf32, #tpu.memory_space<vmem>>, vector<16xf32>,
        tpu.vector_store %arg9[%swap3A_364], %max3A_363 {strides = array<i32>} : memref<80016xf32, #tpu.memory_space<vmem>>, vector<16xf32>,
        %slice3A_366 = vector.extract_strided_slice %mul3A_326 {offsets = [3], sizes = [1], strides = [1]} : vector<16xi32> to vector<1xi32>
        %squeeze3A_367 = vector.extract %slice3A_366[0] : i32 from vector<1xi32>
        %mul3A_368 = arith.constant 256 : i32
        %mul3A_369 = arith.muli %scan3A_306, %mul3A_368 : i32
        %add3A_370 = arith.constant 48 : i32
        %add3A_371 = arith.addi %mul3A_369, %add3A_370 : i32
        %get3A_372 = arith.index_cast %add3A_371 : i32 to index
        %get3A_373 = tpu.vector_load %arg7[%get3A_372] {strides = array<i32>} : memref<12800xf32, #tpu.memory_space<vmem>>, vector<16xf32>,
        %get3A_374 = arith.index_cast %squeeze3A_367 : i32 to index
        %get3A_375 = tpu.vector_load %arg9[%get3A_374] {strides = array<i32>} : memref<80016xf32, #tpu.memory_space<vmem>>, vector<16xf32>,
        %max3A_376 = arith.maximumf %get3A_375, %get3A_373 : vector<16xf32>
        %swap3A_377 = arith.index_cast %squeeze3A_367 : i32 to index
        %swap3A_378 = tpu.vector_load %arg9[%swap3A_377] {strides = array<i32>} : memref<80016xf32, #tpu.memory_space<vmem>>, vector<16xf32>,
        tpu.vector_store %arg9[%swap3A_377], %max3A_376 {strides = array<i32>} : memref<80016xf32, #tpu.memory_space<vmem>>, vector<16xf32>,
        %slice3A_379 = vector.extract_strided_slice %mul3A_326 {offsets = [4], sizes = [1], strides = [1]} : vector<16xi32> to vector<1xi32>
        %squeeze3A_380 = vector.extract %slice3A_379[0] : i32 from vector<1xi32>
        %mul3A_381 = arith.constant 256 : i32
        %mul3A_382 = arith.muli %scan3A_306, %mul3A_381 : i32
        %add3A_383 = arith.constant 64 : i32
        %add3A_384 = arith.addi %mul3A_382, %add3A_383 : i32
        %get3A_385 = arith.index_cast %add3A_384 : i32 to index
        %get3A_386 = tpu.vector_load %arg7[%get3A_385] {strides = array<i32>} : memref<12800xf32, #tpu.memory_space<vmem>>, vector<16xf32>,
        %get3A_387 = arith.index_cast %squeeze3A_380 : i32 to index
        %get3A_388 = tpu.vector_load %arg9[%get3A_387] {strides = array<i32>} : memref<80016xf32, #tpu.memory_space<vmem>>, vector<16xf32>,
        %max3A_389 = arith.maximumf %get3A_388, %get3A_386 : vector<16xf32>
        %swap3A_390 = arith.index_cast %squeeze3A_380 : i32 to index
        %swap3A_391 = tpu.vector_load %arg9[%swap3A_390] {strides = array<i32>} : memref<80016xf32, #tpu.memory_space<vmem>>, vector<16xf32>,
        tpu.vector_store %arg9[%swap3A_390], %max3A_389 {strides = array<i32>} : memref<80016xf32, #tpu.memory_space<vmem>>, vector<16xf32>,
        %slice3A_392 = vector.extract_strided_slice %mul3A_326 {offsets = [5], sizes = [1], strides = [1]} : vector<16xi32> to vector<1xi32>
        %squeeze3A_393 = vector.extract %slice3A_392[0] : i32 from vector<1xi32>
        %mul3A_394 = arith.constant 256 : i32
        %mul3A_395 = arith.muli %scan3A_306, %mul3A_394 : i32
        %add3A_396 = arith.constant 80 : i32
        %add3A_397 = arith.addi %mul3A_395, %add3A_396 : i32
        %get3A_398 = arith.index_cast %add3A_397 : i32 to index
        %get3A_399 = tpu.vector_load %arg7[%get3A_398] {strides = array<i32>} : memref<12800xf32, #tpu.memory_space<vmem>>, vector<16xf32>,
        %get3A_400 = arith.index_cast %squeeze3A_393 : i32 to index
        %get3A_401 = tpu.vector_load %arg9[%get3A_400] {strides = array<i32>} : memref<80016xf32, #tpu.memory_space<vmem>>, vector<16xf32>,
        %max3A_402 = arith.maximumf %get3A_401, %get3A_399 : vector<16xf32>
        %swap3A_403 = arith.index_cast %squeeze3A_393 : i32 to index
        %swap3A_404 = tpu.vector_load %arg9[%swap3A_403] {strides = array<i32>} : memref<80016xf32, #tpu.memory_space<vmem>>, vector<16xf32>,
        tpu.vector_store %arg9[%swap3A_403], %max3A_402 {strides = array<i32>} : memref<80016xf32, #tpu.memory_space<vmem>>, vector<16xf32>,
        %slice3A_405 = vector.extract_strided_slice %mul3A_326 {offsets = [6], sizes = [1], strides = [1]} : vector<16xi32> to vector<1xi32>
        %squeeze3A_406 = vector.extract %slice3A_405[0] : i32 from vector<1xi32>
        %mul3A_407 = arith.constant 256 : i32
        %mul3A_408 = arith.muli %scan3A_306, %mul3A_407 : i32
        %add3A_409 = arith.constant 96 : i32
        %add3A_410 = arith.addi %mul3A_408, %add3A_409 : i32
        %get3A_411 = arith.index_cast %add3A_410 : i32 to index
        %get3A_412 = tpu.vector_load %arg7[%get3A_411] {strides = array<i32>} : memref<12800xf32, #tpu.memory_space<vmem>>, vector<16xf32>,
        %get3A_413 = arith.index_cast %squeeze3A_406 : i32 to index
        %get3A_414 = tpu.vector_load %arg9[%get3A_413] {strides = array<i32>} : memref<80016xf32, #tpu.memory_space<vmem>>, vector<16xf32>,
        %max3A_415 = arith.maximumf %get3A_414, %get3A_412 : vector<16xf32>
        %swap3A_416 = arith.index_cast %squeeze3A_406 : i32 to index
        %swap3A_417 = tpu.vector_load %arg9[%swap3A_416] {strides = array<i32>} : memref<80016xf32, #tpu.memory_space<vmem>>, vector<16xf32>,
        tpu.vector_store %arg9[%swap3A_416], %max3A_415 {strides = array<i32>} : memref<80016xf32, #tpu.memory_space<vmem>>, vector<16xf32>,
        %slice3A_418 = vector.extract_strided_slice %mul3A_326 {offsets = [7], sizes = [1], strides = [1]} : vector<16xi32> to vector<1xi32>
        %squeeze3A_419 = vector.extract %slice3A_418[0] : i32 from vector<1xi32>
        %mul3A_420 = arith.constant 256 : i32
        %mul3A_421 = arith.muli %scan3A_306, %mul3A_420 : i32
        %add3A_422 = arith.constant 112 : i32
        %add3A_423 = arith.addi %mul3A_421, %add3A_422 : i32
        %get3A_424 = arith.index_cast %add3A_423 : i32 to index
        %get3A_425 = tpu.vector_load %arg7[%get3A_424] {strides = array<i32>} : memref<12800xf32, #tpu.memory_space<vmem>>, vector<16xf32>,
        %get3A_426 = arith.index_cast %squeeze3A_419 : i32 to index
        %get3A_427 = tpu.vector_load %arg9[%get3A_426] {strides = array<i32>} : memref<80016xf32, #tpu.memory_space<vmem>>, vector<16xf32>,
        %max3A_428 = arith.maximumf %get3A_427, %get3A_425 : vector<16xf32>
        %swap3A_429 = arith.index_cast %squeeze3A_419 : i32 to index
        %swap3A_430 = tpu.vector_load %arg9[%swap3A_429] {strides = array<i32>} : memref<80016xf32, #tpu.memory_space<vmem>>, vector<16xf32>,
        tpu.vector_store %arg9[%swap3A_429], %max3A_428 {strides = array<i32>} : memref<80016xf32, #tpu.memory_space<vmem>>, vector<16xf32>,
        %slice3A_431 = vector.extract_strided_slice %mul3A_326 {offsets = [8], sizes = [1], strides = [1]} : vector<16xi32> to vector<1xi32>
        %squeeze3A_432 = vector.extract %slice3A_431[0] : i32 from vector<1xi32>
        %mul3A_433 = arith.constant 256 : i32
        %mul3A_434 = arith.muli %scan3A_306, %mul3A_433 : i32
        %add3A_435 = arith.constant 128 : i32
        %add3A_436 = arith.addi %mul3A_434, %add3A_435 : i32
        %get3A_437 = arith.index_cast %add3A_436 : i32 to index
        %get3A_438 = tpu.vector_load %arg7[%get3A_437] {strides = array<i32>} : memref<12800xf32, #tpu.memory_space<vmem>>, vector<16xf32>,
        %get3A_439 = arith.index_cast %squeeze3A_432 : i32 to index
        %get3A_440 = tpu.vector_load %arg9[%get3A_439] {strides = array<i32>} : memref<80016xf32, #tpu.memory_space<vmem>>, vector<16xf32>,
        %max3A_441 = arith.maximumf %get3A_440, %get3A_438 : vector<16xf32>
        %swap3A_442 = arith.index_cast %squeeze3A_432 : i32 to index
        %swap3A_443 = tpu.vector_load %arg9[%swap3A_442] {strides = array<i32>} : memref<80016xf32, #tpu.memory_space<vmem>>, vector<16xf32>,
        tpu.vector_store %arg9[%swap3A_442], %max3A_441 {strides = array<i32>} : memref<80016xf32, #tpu.memory_space<vmem>>, vector<16xf32>,
        %slice3A_444 = vector.extract_strided_slice %mul3A_326 {offsets = [9], sizes = [1], strides = [1]} : vector<16xi32> to vector<1xi32>
        %squeeze3A_445 = vector.extract %slice3A_444[0] : i32 from vector<1xi32>
        %mul3A_446 = arith.constant 256 : i32
        %mul3A_447 = arith.muli %scan3A_306, %mul3A_446 : i32
        %add3A_448 = arith.constant 144 : i32
        %add3A_449 = arith.addi %mul3A_447, %add3A_448 : i32
        %get3A_450 = arith.index_cast %add3A_449 : i32 to index
        %get3A_451 = tpu.vector_load %arg7[%get3A_450] {strides = array<i32>} : memref<12800xf32, #tpu.memory_space<vmem>>, vector<16xf32>,
        %get3A_452 = arith.index_cast %squeeze3A_445 : i32 to index
        %get3A_453 = tpu.vector_load %arg9[%get3A_452] {strides = array<i32>} : memref<80016xf32, #tpu.memory_space<vmem>>, vector<16xf32>,
        %max3A_454 = arith.maximumf %get3A_453, %get3A_451 : vector<16xf32>
        %swap3A_455 = arith.index_cast %squeeze3A_445 : i32 to index
        %swap3A_456 = tpu.vector_load %arg9[%swap3A_455] {strides = array<i32>} : memref<80016xf32, #tpu.memory_space<vmem>>, vector<16xf32>,
        tpu.vector_store %arg9[%swap3A_455], %max3A_454 {strides = array<i32>} : memref<80016xf32, #tpu.memory_space<vmem>>, vector<16xf32>,
        %slice3A_457 = vector.extract_strided_slice %mul3A_326 {offsets = [10], sizes = [1], strides = [1]} : vector<16xi32> to vector<1xi32>
        %squeeze3A_458 = vector.extract %slice3A_457[0] : i32 from vector<1xi32>
        %mul3A_459 = arith.constant 256 : i32
        %mul3A_460 = arith.muli %scan3A_306, %mul3A_459 : i32
        %add3A_461 = arith.constant 160 : i32
        %add3A_462 = arith.addi %mul3A_460, %add3A_461 : i32
        %get3A_463 = arith.index_cast %add3A_462 : i32 to index
        %get3A_464 = tpu.vector_load %arg7[%get3A_463] {strides = array<i32>} : memref<12800xf32, #tpu.memory_space<vmem>>, vector<16xf32>,
        %get3A_465 = arith.index_cast %squeeze3A_458 : i32 to index
        %get3A_466 = tpu.vector_load %arg9[%get3A_465] {strides = array<i32>} : memref<80016xf32, #tpu.memory_space<vmem>>, vector<16xf32>,
        %max3A_467 = arith.maximumf %get3A_466, %get3A_464 : vector<16xf32>
        %swap3A_468 = arith.index_cast %squeeze3A_458 : i32 to index
        %swap3A_469 = tpu.vector_load %arg9[%swap3A_468] {strides = array<i32>} : memref<80016xf32, #tpu.memory_space<vmem>>, vector<16xf32>,
        tpu.vector_store %arg9[%swap3A_468], %max3A_467 {strides = array<i32>} : memref<80016xf32, #tpu.memory_space<vmem>>, vector<16xf32>,
        %slice3A_470 = vector.extract_strided_slice %mul3A_326 {offsets = [11], sizes = [1], strides = [1]} : vector<16xi32> to vector<1xi32>
        %squeeze3A_471 = vector.extract %slice3A_470[0] : i32 from vector<1xi32>
        %mul3A_472 = arith.constant 256 : i32
        %mul3A_473 = arith.muli %scan3A_306, %mul3A_472 : i32
        %add3A_474 = arith.constant 176 : i32
        %add3A_475 = arith.addi %mul3A_473, %add3A_474 : i32
        %get3A_476 = arith.index_cast %add3A_475 : i32 to index
        %get3A_477 = tpu.vector_load %arg7[%get3A_476] {strides = array<i32>} : memref<12800xf32, #tpu.memory_space<vmem>>, vector<16xf32>,
        %get3A_478 = arith.index_cast %squeeze3A_471 : i32 to index
        %get3A_479 = tpu.vector_load %arg9[%get3A_478] {strides = array<i32>} : memref<80016xf32, #tpu.memory_space<vmem>>, vector<16xf32>,
        %max3A_480 = arith.maximumf %get3A_479, %get3A_477 : vector<16xf32>
        %swap3A_481 = arith.index_cast %squeeze3A_471 : i32 to index
        %swap3A_482 = tpu.vector_load %arg9[%swap3A_481] {strides = array<i32>} : memref<80016xf32, #tpu.memory_space<vmem>>, vector<16xf32>,
        tpu.vector_store %arg9[%swap3A_481], %max3A_480 {strides = array<i32>} : memref<80016xf32, #tpu.memory_space<vmem>>, vector<16xf32>,
        %slice3A_483 = vector.extract_strided_slice %mul3A_326 {offsets = [12], sizes = [1], strides = [1]} : vector<16xi32> to vector<1xi32>
        %squeeze3A_484 = vector.extract %slice3A_483[0] : i32 from vector<1xi32>
        %mul3A_485 = arith.constant 256 : i32
        %mul3A_486 = arith.muli %scan3A_306, %mul3A_485 : i32
        %add3A_487 = arith.constant 192 : i32
        %add3A_488 = arith.addi %mul3A_486, %add3A_487 : i32
        %get3A_489 = arith.index_cast %add3A_488 : i32 to index
        %get3A_490 = tpu.vector_load %arg7[%get3A_489] {strides = array<i32>} : memref<12800xf32, #tpu.memory_space<vmem>>, vector<16xf32>,
        %get3A_491 = arith.index_cast %squeeze3A_484 : i32 to index
        %get3A_492 = tpu.vector_load %arg9[%get3A_491] {strides = array<i32>} : memref<80016xf32, #tpu.memory_space<vmem>>, vector<16xf32>,
        %max3A_493 = arith.maximumf %get3A_492, %get3A_490 : vector<16xf32>
        %swap3A_494 = arith.index_cast %squeeze3A_484 : i32 to index
        %swap3A_495 = tpu.vector_load %arg9[%swap3A_494] {strides = array<i32>} : memref<80016xf32, #tpu.memory_space<vmem>>, vector<16xf32>,
        tpu.vector_store %arg9[%swap3A_494], %max3A_493 {strides = array<i32>} : memref<80016xf32, #tpu.memory_space<vmem>>, vector<16xf32>,
        %slice3A_496 = vector.extract_strided_slice %mul3A_326 {offsets = [13], sizes = [1], strides = [1]} : vector<16xi32> to vector<1xi32>
        %squeeze3A_497 = vector.extract %slice3A_496[0] : i32 from vector<1xi32>
        %mul3A_498 = arith.constant 256 : i32
        %mul3A_499 = arith.muli %scan3A_306, %mul3A_498 : i32
        %add3A_500 = arith.constant 208 : i32
        %add3A_501 = arith.addi %mul3A_499, %add3A_500 : i32
        %get3A_502 = arith.index_cast %add3A_501 : i32 to index
        %get3A_503 = tpu.vector_load %arg7[%get3A_502] {strides = array<i32>} : memref<12800xf32, #tpu.memory_space<vmem>>, vector<16xf32>,
        %get3A_504 = arith.index_cast %squeeze3A_497 : i32 to index
        %get3A_505 = tpu.vector_load %arg9[%get3A_504] {strides = array<i32>} : memref<80016xf32, #tpu.memory_space<vmem>>, vector<16xf32>,
        %max3A_506 = arith.maximumf %get3A_505, %get3A_503 : vector<16xf32>
        %swap3A_507 = arith.index_cast %squeeze3A_497 : i32 to index
        %swap3A_508 = tpu.vector_load %arg9[%swap3A_507] {strides = array<i32>} : memref<80016xf32, #tpu.memory_space<vmem>>, vector<16xf32>,
        tpu.vector_store %arg9[%swap3A_507], %max3A_506 {strides = array<i32>} : memref<80016xf32, #tpu.memory_space<vmem>>, vector<16xf32>,
        %slice3A_509 = vector.extract_strided_slice %mul3A_326 {offsets = [14], sizes = [1], strides = [1]} : vector<16xi32> to vector<1xi32>
        %squeeze3A_510 = vector.extract %slice3A_509[0] : i32 from vector<1xi32>
        %mul3A_511 = arith.constant 256 : i32
        %mul3A_512 = arith.muli %scan3A_306, %mul3A_511 : i32
        %add3A_513 = arith.constant 224 : i32
        %add3A_514 = arith.addi %mul3A_512, %add3A_513 : i32
        %get3A_515 = arith.index_cast %add3A_514 : i32 to index
        %get3A_516 = tpu.vector_load %arg7[%get3A_515] {strides = array<i32>} : memref<12800xf32, #tpu.memory_space<vmem>>, vector<16xf32>,
        %get3A_517 = arith.index_cast %squeeze3A_510 : i32 to index
        %get3A_518 = tpu.vector_load %arg9[%get3A_517] {strides = array<i32>} : memref<80016xf32, #tpu.memory_space<vmem>>, vector<16xf32>,
        %max3A_519 = arith.maximumf %get3A_518, %get3A_516 : vector<16xf32>
        %swap3A_520 = arith.index_cast %squeeze3A_510 : i32 to index
        %swap3A_521 = tpu.vector_load %arg9[%swap3A_520] {strides = array<i32>} : memref<80016xf32, #tpu.memory_space<vmem>>, vector<16xf32>,
        tpu.vector_store %arg9[%swap3A_520], %max3A_519 {strides = array<i32>} : memref<80016xf32, #tpu.memory_space<vmem>>, vector<16xf32>,
        %slice3A_522 = vector.extract_strided_slice %mul3A_326 {offsets = [15], sizes = [1], strides = [1]} : vector<16xi32> to vector<1xi32>
        %squeeze3A_523 = vector.extract %slice3A_522[0] : i32 from vector<1xi32>
        %mul3A_524 = arith.constant 256 : i32
        %mul3A_525 = arith.muli %scan3A_306, %mul3A_524 : i32
        %add3A_526 = arith.constant 240 : i32
        %add3A_527 = arith.addi %mul3A_525, %add3A_526 : i32
        %get3A_528 = arith.index_cast %add3A_527 : i32 to index
        %get3A_529 = tpu.vector_load %arg7[%get3A_528] {strides = array<i32>} : memref<12800xf32, #tpu.memory_space<vmem>>, vector<16xf32>,
        %get3A_530 = arith.index_cast %squeeze3A_523 : i32 to index
        %get3A_531 = tpu.vector_load %arg9[%get3A_530] {strides = array<i32>} : memref<80016xf32, #tpu.memory_space<vmem>>, vector<16xf32>,
        %max3A_532 = arith.maximumf %get3A_531, %get3A_529 : vector<16xf32>
        %swap3A_533 = arith.index_cast %squeeze3A_523 : i32 to index
        %swap3A_534 = tpu.vector_load %arg9[%swap3A_533] {strides = array<i32>} : memref<80016xf32, #tpu.memory_space<vmem>>, vector<16xf32>,
        tpu.vector_store %arg9[%swap3A_533], %max3A_532 {strides = array<i32>} : memref<80016xf32, #tpu.memory_space<vmem>>, vector<16xf32>,
      }
      %scan3A_64 = arith.constant 50 : i32
      %mul3A_65 = arith.constant 2 : i32
      %mul3A_66 = arith.muli %scan3A_49, %mul3A_65 : i32
      %add3A_67 = arith.constant 1 : i32
      %add3A_68 = arith.addi %mul3A_66, %add3A_67 : i32
      %dma_wait3A_69 = tpu.memref_slice %arg3[%mul3A_4] : memref<320000xi32, #tpu.memory_space<hbm>> -> memref<800xi32, #tpu.memory_space<hbm>>
      %dma_wait3A_70 = tpu.memref_slice %arg3[%mul3A_4] : memref<320000xi32, #tpu.memory_space<hbm>> -> memref<800xi32, #tpu.memory_space<hbm>>
      tpu.wait_dma2 semaphore(%arg10 : memref<!tpu.dma_semaphore, #tpu.memory_space<semaphore_mem>>) src(%dma_wait3A_70 : memref<800xi32, #tpu.memory_space<hbm>>) dst(%arg6 : memref<800xi32, #tpu.memory_space<vmem>>)
      %dma_wait3A_71 = tpu.memref_slice %arg2[%mul3A_9] : memref<40960000xf32, #tpu.memory_space<hbm>> -> memref<12800xf32, #tpu.memory_space<hbm>>
      %dma_wait3A_72 = tpu.memref_slice %arg2[%mul3A_9] : memref<40960000xf32, #tpu.memory_space<hbm>> -> memref<12800xf32, #tpu.memory_space<hbm>>
      tpu.wait_dma2 semaphore(%arg11 : memref<!tpu.dma_semaphore, #tpu.memory_space<semaphore_mem>>) src(%dma_wait3A_72 : memref<12800xf32, #tpu.memory_space<hbm>>) dst(%arg8 : memref<12800xf32, #tpu.memory_space<vmem>>)
      %add3A_73 = arith.constant 1 : i32
      %add3A_74 = arith.addi %add3A_68, %add3A_73 : i32
      %lt3A_75 = arith.constant 100 : i32
      %lt3A_76 = arith.cmpi slt, %add3A_74, %lt3A_75 : i32
      %convert_element_type3A_77 = arith.extui %lt3A_76 : i1 to i32
      %cond3A_78 = arith.constant 0 : i32
      %cond3A_79 = arith.cmpi ne, %convert_element_type3A_77, %cond3A_78 : i32
      scf.if %cond3A_79 {
        %mul3A_86 = arith.constant 800 : i32
        %mul3A_87 = arith.muli %add3A_74, %mul3A_86 : i32
        %add3A_88 = arith.addi %mul3A_4, %mul3A_87 : i32
        %dma_start3A_89 = tpu.memref_slice %arg3[%add3A_88] : memref<320000xi32, #tpu.memory_space<hbm>> -> memref<800xi32, #tpu.memory_space<hbm>>
        %dma_start3A_90 = tpu.memref_slice %arg3[%add3A_88] : memref<320000xi32, #tpu.memory_space<hbm>> -> memref<800xi32, #tpu.memory_space<hbm>>
        tpu.enqueue_dma source(%dma_start3A_90 : memref<800xi32, #tpu.memory_space<hbm>>) target(%arg5 : memref<800xi32, #tpu.memory_space<vmem>>) target_semaphore(%arg10 : memref<!tpu.dma_semaphore, #tpu.memory_space<semaphore_mem>>)
        %mul3A_91 = arith.constant 800 : i32
        %mul3A_92 = arith.muli %add3A_74, %mul3A_91 : i32
        %mul3A_93 = arith.constant 16 : i32
        %mul3A_94 = arith.muli %mul3A_92, %mul3A_93 : i32
        %add3A_95 = arith.addi %mul3A_9, %mul3A_94 : i32
        %dma_start3A_96 = tpu.memref_slice %arg2[%add3A_95] : memref<40960000xf32, #tpu.memory_space<hbm>> -> memref<12800xf32, #tpu.memory_space<hbm>>
        %dma_start3A_97 = tpu.memref_slice %arg2[%add3A_95] : memref<40960000xf32, #tpu.memory_space<hbm>> -> memref<12800xf32, #tpu.memory_space<hbm>>
        tpu.enqueue_dma source(%dma_start3A_97 : memref<12800xf32, #tpu.memory_space<hbm>>) target(%arg7 : memref<12800xf32, #tpu.memory_space<vmem>>) target_semaphore(%arg11 : memref<!tpu.dma_semaphore, #tpu.memory_space<semaphore_mem>>)
      } else {
      }
      %scan3A_80 = arith.constant 0 : i32
      %scan3A_81 = arith.constant 0 : i32
      %scan3A_82 = arith.constant 50 : i32
      %scan3A_83 = arith.addi %scan3A_81, %scan3A_82 : i32
      %scan3A_84 = arith.constant 2 : i32
      scf.for %scan3A_86 = %scan3A_81 to %scan3A_83 step %scan3A_84  : i32 {
        %mul3A_87 = arith.constant 16 : i32
        %mul3A_88 = arith.muli %scan3A_86, %mul3A_87 : i32
        %get3A = arith.index_cast %mul3A_88 : i32 to index
        %get3A_89 = tpu.vector_load %arg6[%get3A] {strides = array<i32>} : memref<800xi32, #tpu.memory_space<vmem>>, vector<16xi32>,
        %sub3A = arith.constant 0 : i32
        %sub3A_90 = vector.broadcast %sub3A : i32 to vector<16xi32>
        %sub3A_91 = arith.subi %get3A_89, %sub3A_90 : vector<16xi32>
        %ge3A = arith.constant 0 : i32
        %ge3A_92 = vector.broadcast %ge3A : i32 to vector<16xi32>
        %ge3A_93 = arith.cmpi sge, %sub3A_91, %ge3A_92 : vector<16xi32>
        %lt3A_94 = arith.constant 5000 : i32
        %lt3A_95 = vector.broadcast %lt3A_94 : i32 to vector<16xi32>
        %lt3A_96 = arith.cmpi slt, %sub3A_91, %lt3A_95 : vector<16xi32>
        %and3A_97 = arith.andi %ge3A_93, %lt3A_96 : vector<16xi1>
        %jit3A = arith.constant 5000 : i32
        %broadcast_in_dim3A = vector.broadcast %jit3A : i32 to vector<16xi32>
        %select_n3A = arith.select %and3A_97, %sub3A_91, %broadcast_in_dim3A : vector<16xi1>, vector<16xi32>
        %mul3A_98 = arith.constant 16 : i32
        %mul3A_99 = vector.broadcast %mul3A_98 : i32 to vector<16xi32>
        %mul3A_100 = arith.muli %select_n3A, %mul3A_99 : vector<16xi32>
        %slice3A = vector.extract_strided_slice %mul3A_100 {offsets = [0], sizes = [1], strides = [1]} : vector<16xi32> to vector<1xi32>
        %squeeze3A = vector.extract %slice3A[0] : i32 from vector<1xi32>
        %mul3A_101 = arith.constant 256 : i32
        %mul3A_102 = arith.muli %scan3A_86, %mul3A_101 : i32
        %add3A_103 = arith.constant 0 : i32
        %add3A_104 = arith.addi %mul3A_102, %add3A_103 : i32
        %get3A_105 = arith.index_cast %add3A_104 : i32 to index
        %get3A_106 = tpu.vector_load %arg8[%get3A_105] {strides = array<i32>} : memref<12800xf32, #tpu.memory_space<vmem>>, vector<16xf32>,
        %get3A_107 = arith.index_cast %squeeze3A : i32 to index
        %get3A_108 = tpu.vector_load %arg9[%get3A_107] {strides = array<i32>} : memref<80016xf32, #tpu.memory_space<vmem>>, vector<16xf32>,
        %max3A = arith.maximumf %get3A_108, %get3A_106 : vector<16xf32>
        %swap3A = arith.index_cast %squeeze3A : i32 to index
        %swap3A_109 = tpu.vector_load %arg9[%swap3A] {strides = array<i32>} : memref<80016xf32, #tpu.memory_space<vmem>>, vector<16xf32>,
        tpu.vector_store %arg9[%swap3A], %max3A {strides = array<i32>} : memref<80016xf32, #tpu.memory_space<vmem>>, vector<16xf32>,
        %slice3A_110 = vector.extract_strided_slice %mul3A_100 {offsets = [1], sizes = [1], strides = [1]} : vector<16xi32> to vector<1xi32>
        %squeeze3A_111 = vector.extract %slice3A_110[0] : i32 from vector<1xi32>
        %mul3A_112 = arith.constant 256 : i32
        %mul3A_113 = arith.muli %scan3A_86, %mul3A_112 : i32
        %add3A_114 = arith.constant 16 : i32
        %add3A_115 = arith.addi %mul3A_113, %add3A_114 : i32
        %get3A_116 = arith.index_cast %add3A_115 : i32 to index
        %get3A_117 = tpu.vector_load %arg8[%get3A_116] {strides = array<i32>} : memref<12800xf32, #tpu.memory_space<vmem>>, vector<16xf32>,
        %get3A_118 = arith.index_cast %squeeze3A_111 : i32 to index
        %get3A_119 = tpu.vector_load %arg9[%get3A_118] {strides = array<i32>} : memref<80016xf32, #tpu.memory_space<vmem>>, vector<16xf32>,
        %max3A_120 = arith.maximumf %get3A_119, %get3A_117 : vector<16xf32>
        %swap3A_121 = arith.index_cast %squeeze3A_111 : i32 to index
        %swap3A_122 = tpu.vector_load %arg9[%swap3A_121] {strides = array<i32>} : memref<80016xf32, #tpu.memory_space<vmem>>, vector<16xf32>,
        tpu.vector_store %arg9[%swap3A_121], %max3A_120 {strides = array<i32>} : memref<80016xf32, #tpu.memory_space<vmem>>, vector<16xf32>,
        %slice3A_123 = vector.extract_strided_slice %mul3A_100 {offsets = [2], sizes = [1], strides = [1]} : vector<16xi32> to vector<1xi32>
        %squeeze3A_124 = vector.extract %slice3A_123[0] : i32 from vector<1xi32>
        %mul3A_125 = arith.constant 256 : i32
        %mul3A_126 = arith.muli %scan3A_86, %mul3A_125 : i32
        %add3A_127 = arith.constant 32 : i32
        %add3A_128 = arith.addi %mul3A_126, %add3A_127 : i32
        %get3A_129 = arith.index_cast %add3A_128 : i32 to index
        %get3A_130 = tpu.vector_load %arg8[%get3A_129] {strides = array<i32>} : memref<12800xf32, #tpu.memory_space<vmem>>, vector<16xf32>,
        %get3A_131 = arith.index_cast %squeeze3A_124 : i32 to index
        %get3A_132 = tpu.vector_load %arg9[%get3A_131] {strides = array<i32>} : memref<80016xf32, #tpu.memory_space<vmem>>, vector<16xf32>,
        %max3A_133 = arith.maximumf %get3A_132, %get3A_130 : vector<16xf32>
        %swap3A_134 = arith.index_cast %squeeze3A_124 : i32 to index
        %swap3A_135 = tpu.vector_load %arg9[%swap3A_134] {strides = array<i32>} : memref<80016xf32, #tpu.memory_space<vmem>>, vector<16xf32>,
        tpu.vector_store %arg9[%swap3A_134], %max3A_133 {strides = array<i32>} : memref<80016xf32, #tpu.memory_space<vmem>>, vector<16xf32>,
        %slice3A_136 = vector.extract_strided_slice %mul3A_100 {offsets = [3], sizes = [1], strides = [1]} : vector<16xi32> to vector<1xi32>
        %squeeze3A_137 = vector.extract %slice3A_136[0] : i32 from vector<1xi32>
        %mul3A_138 = arith.constant 256 : i32
        %mul3A_139 = arith.muli %scan3A_86, %mul3A_138 : i32
        %add3A_140 = arith.constant 48 : i32
        %add3A_141 = arith.addi %mul3A_139, %add3A_140 : i32
        %get3A_142 = arith.index_cast %add3A_141 : i32 to index
        %get3A_143 = tpu.vector_load %arg8[%get3A_142] {strides = array<i32>} : memref<12800xf32, #tpu.memory_space<vmem>>, vector<16xf32>,
        %get3A_144 = arith.index_cast %squeeze3A_137 : i32 to index
        %get3A_145 = tpu.vector_load %arg9[%get3A_144] {strides = array<i32>} : memref<80016xf32, #tpu.memory_space<vmem>>, vector<16xf32>,
        %max3A_146 = arith.maximumf %get3A_145, %get3A_143 : vector<16xf32>
        %swap3A_147 = arith.index_cast %squeeze3A_137 : i32 to index
        %swap3A_148 = tpu.vector_load %arg9[%swap3A_147] {strides = array<i32>} : memref<80016xf32, #tpu.memory_space<vmem>>, vector<16xf32>,
        tpu.vector_store %arg9[%swap3A_147], %max3A_146 {strides = array<i32>} : memref<80016xf32, #tpu.memory_space<vmem>>, vector<16xf32>,
        %slice3A_149 = vector.extract_strided_slice %mul3A_100 {offsets = [4], sizes = [1], strides = [1]} : vector<16xi32> to vector<1xi32>
        %squeeze3A_150 = vector.extract %slice3A_149[0] : i32 from vector<1xi32>
        %mul3A_151 = arith.constant 256 : i32
        %mul3A_152 = arith.muli %scan3A_86, %mul3A_151 : i32
        %add3A_153 = arith.constant 64 : i32
        %add3A_154 = arith.addi %mul3A_152, %add3A_153 : i32
        %get3A_155 = arith.index_cast %add3A_154 : i32 to index
        %get3A_156 = tpu.vector_load %arg8[%get3A_155] {strides = array<i32>} : memref<12800xf32, #tpu.memory_space<vmem>>, vector<16xf32>,
        %get3A_157 = arith.index_cast %squeeze3A_150 : i32 to index
        %get3A_158 = tpu.vector_load %arg9[%get3A_157] {strides = array<i32>} : memref<80016xf32, #tpu.memory_space<vmem>>, vector<16xf32>,
        %max3A_159 = arith.maximumf %get3A_158, %get3A_156 : vector<16xf32>
        %swap3A_160 = arith.index_cast %squeeze3A_150 : i32 to index
        %swap3A_161 = tpu.vector_load %arg9[%swap3A_160] {strides = array<i32>} : memref<80016xf32, #tpu.memory_space<vmem>>, vector<16xf32>,
        tpu.vector_store %arg9[%swap3A_160], %max3A_159 {strides = array<i32>} : memref<80016xf32, #tpu.memory_space<vmem>>, vector<16xf32>,
        %slice3A_162 = vector.extract_strided_slice %mul3A_100 {offsets = [5], sizes = [1], strides = [1]} : vector<16xi32> to vector<1xi32>
        %squeeze3A_163 = vector.extract %slice3A_162[0] : i32 from vector<1xi32>
        %mul3A_164 = arith.constant 256 : i32
        %mul3A_165 = arith.muli %scan3A_86, %mul3A_164 : i32
        %add3A_166 = arith.constant 80 : i32
        %add3A_167 = arith.addi %mul3A_165, %add3A_166 : i32
        %get3A_168 = arith.index_cast %add3A_167 : i32 to index
        %get3A_169 = tpu.vector_load %arg8[%get3A_168] {strides = array<i32>} : memref<12800xf32, #tpu.memory_space<vmem>>, vector<16xf32>,
        %get3A_170 = arith.index_cast %squeeze3A_163 : i32 to index
        %get3A_171 = tpu.vector_load %arg9[%get3A_170] {strides = array<i32>} : memref<80016xf32, #tpu.memory_space<vmem>>, vector<16xf32>,
        %max3A_172 = arith.maximumf %get3A_171, %get3A_169 : vector<16xf32>
        %swap3A_173 = arith.index_cast %squeeze3A_163 : i32 to index
        %swap3A_174 = tpu.vector_load %arg9[%swap3A_173] {strides = array<i32>} : memref<80016xf32, #tpu.memory_space<vmem>>, vector<16xf32>,
        tpu.vector_store %arg9[%swap3A_173], %max3A_172 {strides = array<i32>} : memref<80016xf32, #tpu.memory_space<vmem>>, vector<16xf32>,
        %slice3A_175 = vector.extract_strided_slice %mul3A_100 {offsets = [6], sizes = [1], strides = [1]} : vector<16xi32> to vector<1xi32>
        %squeeze3A_176 = vector.extract %slice3A_175[0] : i32 from vector<1xi32>
        %mul3A_177 = arith.constant 256 : i32
        %mul3A_178 = arith.muli %scan3A_86, %mul3A_177 : i32
        %add3A_179 = arith.constant 96 : i32
        %add3A_180 = arith.addi %mul3A_178, %add3A_179 : i32
        %get3A_181 = arith.index_cast %add3A_180 : i32 to index
        %get3A_182 = tpu.vector_load %arg8[%get3A_181] {strides = array<i32>} : memref<12800xf32, #tpu.memory_space<vmem>>, vector<16xf32>,
        %get3A_183 = arith.index_cast %squeeze3A_176 : i32 to index
        %get3A_184 = tpu.vector_load %arg9[%get3A_183] {strides = array<i32>} : memref<80016xf32, #tpu.memory_space<vmem>>, vector<16xf32>,
        %max3A_185 = arith.maximumf %get3A_184, %get3A_182 : vector<16xf32>
        %swap3A_186 = arith.index_cast %squeeze3A_176 : i32 to index
        %swap3A_187 = tpu.vector_load %arg9[%swap3A_186] {strides = array<i32>} : memref<80016xf32, #tpu.memory_space<vmem>>, vector<16xf32>,
        tpu.vector_store %arg9[%swap3A_186], %max3A_185 {strides = array<i32>} : memref<80016xf32, #tpu.memory_space<vmem>>, vector<16xf32>,
        %slice3A_188 = vector.extract_strided_slice %mul3A_100 {offsets = [7], sizes = [1], strides = [1]} : vector<16xi32> to vector<1xi32>
        %squeeze3A_189 = vector.extract %slice3A_188[0] : i32 from vector<1xi32>
        %mul3A_190 = arith.constant 256 : i32
        %mul3A_191 = arith.muli %scan3A_86, %mul3A_190 : i32
        %add3A_192 = arith.constant 112 : i32
        %add3A_193 = arith.addi %mul3A_191, %add3A_192 : i32
        %get3A_194 = arith.index_cast %add3A_193 : i32 to index
        %get3A_195 = tpu.vector_load %arg8[%get3A_194] {strides = array<i32>} : memref<12800xf32, #tpu.memory_space<vmem>>, vector<16xf32>,
        %get3A_196 = arith.index_cast %squeeze3A_189 : i32 to index
        %get3A_197 = tpu.vector_load %arg9[%get3A_196] {strides = array<i32>} : memref<80016xf32, #tpu.memory_space<vmem>>, vector<16xf32>,
        %max3A_198 = arith.maximumf %get3A_197, %get3A_195 : vector<16xf32>
        %swap3A_199 = arith.index_cast %squeeze3A_189 : i32 to index
        %swap3A_200 = tpu.vector_load %arg9[%swap3A_199] {strides = array<i32>} : memref<80016xf32, #tpu.memory_space<vmem>>, vector<16xf32>,
        tpu.vector_store %arg9[%swap3A_199], %max3A_198 {strides = array<i32>} : memref<80016xf32, #tpu.memory_space<vmem>>, vector<16xf32>,
        %slice3A_201 = vector.extract_strided_slice %mul3A_100 {offsets = [8], sizes = [1], strides = [1]} : vector<16xi32> to vector<1xi32>
        %squeeze3A_202 = vector.extract %slice3A_201[0] : i32 from vector<1xi32>
        %mul3A_203 = arith.constant 256 : i32
        %mul3A_204 = arith.muli %scan3A_86, %mul3A_203 : i32
        %add3A_205 = arith.constant 128 : i32
        %add3A_206 = arith.addi %mul3A_204, %add3A_205 : i32
        %get3A_207 = arith.index_cast %add3A_206 : i32 to index
        %get3A_208 = tpu.vector_load %arg8[%get3A_207] {strides = array<i32>} : memref<12800xf32, #tpu.memory_space<vmem>>, vector<16xf32>,
        %get3A_209 = arith.index_cast %squeeze3A_202 : i32 to index
        %get3A_210 = tpu.vector_load %arg9[%get3A_209] {strides = array<i32>} : memref<80016xf32, #tpu.memory_space<vmem>>, vector<16xf32>,
        %max3A_211 = arith.maximumf %get3A_210, %get3A_208 : vector<16xf32>
        %swap3A_212 = arith.index_cast %squeeze3A_202 : i32 to index
        %swap3A_213 = tpu.vector_load %arg9[%swap3A_212] {strides = array<i32>} : memref<80016xf32, #tpu.memory_space<vmem>>, vector<16xf32>,
        tpu.vector_store %arg9[%swap3A_212], %max3A_211 {strides = array<i32>} : memref<80016xf32, #tpu.memory_space<vmem>>, vector<16xf32>,
        %slice3A_214 = vector.extract_strided_slice %mul3A_100 {offsets = [9], sizes = [1], strides = [1]} : vector<16xi32> to vector<1xi32>
        %squeeze3A_215 = vector.extract %slice3A_214[0] : i32 from vector<1xi32>
        %mul3A_216 = arith.constant 256 : i32
        %mul3A_217 = arith.muli %scan3A_86, %mul3A_216 : i32
        %add3A_218 = arith.constant 144 : i32
        %add3A_219 = arith.addi %mul3A_217, %add3A_218 : i32
        %get3A_220 = arith.index_cast %add3A_219 : i32 to index
        %get3A_221 = tpu.vector_load %arg8[%get3A_220] {strides = array<i32>} : memref<12800xf32, #tpu.memory_space<vmem>>, vector<16xf32>,
        %get3A_222 = arith.index_cast %squeeze3A_215 : i32 to index
        %get3A_223 = tpu.vector_load %arg9[%get3A_222] {strides = array<i32>} : memref<80016xf32, #tpu.memory_space<vmem>>, vector<16xf32>,
        %max3A_224 = arith.maximumf %get3A_223, %get3A_221 : vector<16xf32>
        %swap3A_225 = arith.index_cast %squeeze3A_215 : i32 to index
        %swap3A_226 = tpu.vector_load %arg9[%swap3A_225] {strides = array<i32>} : memref<80016xf32, #tpu.memory_space<vmem>>, vector<16xf32>,
        tpu.vector_store %arg9[%swap3A_225], %max3A_224 {strides = array<i32>} : memref<80016xf32, #tpu.memory_space<vmem>>, vector<16xf32>,
        %slice3A_227 = vector.extract_strided_slice %mul3A_100 {offsets = [10], sizes = [1], strides = [1]} : vector<16xi32> to vector<1xi32>
        %squeeze3A_228 = vector.extract %slice3A_227[0] : i32 from vector<1xi32>
        %mul3A_229 = arith.constant 256 : i32
        %mul3A_230 = arith.muli %scan3A_86, %mul3A_229 : i32
        %add3A_231 = arith.constant 160 : i32
        %add3A_232 = arith.addi %mul3A_230, %add3A_231 : i32
        %get3A_233 = arith.index_cast %add3A_232 : i32 to index
        %get3A_234 = tpu.vector_load %arg8[%get3A_233] {strides = array<i32>} : memref<12800xf32, #tpu.memory_space<vmem>>, vector<16xf32>,
        %get3A_235 = arith.index_cast %squeeze3A_228 : i32 to index
        %get3A_236 = tpu.vector_load %arg9[%get3A_235] {strides = array<i32>} : memref<80016xf32, #tpu.memory_space<vmem>>, vector<16xf32>,
        %max3A_237 = arith.maximumf %get3A_236, %get3A_234 : vector<16xf32>
        %swap3A_238 = arith.index_cast %squeeze3A_228 : i32 to index
        %swap3A_239 = tpu.vector_load %arg9[%swap3A_238] {strides = array<i32>} : memref<80016xf32, #tpu.memory_space<vmem>>, vector<16xf32>,
        tpu.vector_store %arg9[%swap3A_238], %max3A_237 {strides = array<i32>} : memref<80016xf32, #tpu.memory_space<vmem>>, vector<16xf32>,
        %slice3A_240 = vector.extract_strided_slice %mul3A_100 {offsets = [11], sizes = [1], strides = [1]} : vector<16xi32> to vector<1xi32>
        %squeeze3A_241 = vector.extract %slice3A_240[0] : i32 from vector<1xi32>
        %mul3A_242 = arith.constant 256 : i32
        %mul3A_243 = arith.muli %scan3A_86, %mul3A_242 : i32
        %add3A_244 = arith.constant 176 : i32
        %add3A_245 = arith.addi %mul3A_243, %add3A_244 : i32
        %get3A_246 = arith.index_cast %add3A_245 : i32 to index
        %get3A_247 = tpu.vector_load %arg8[%get3A_246] {strides = array<i32>} : memref<12800xf32, #tpu.memory_space<vmem>>, vector<16xf32>,
        %get3A_248 = arith.index_cast %squeeze3A_241 : i32 to index
        %get3A_249 = tpu.vector_load %arg9[%get3A_248] {strides = array<i32>} : memref<80016xf32, #tpu.memory_space<vmem>>, vector<16xf32>,
        %max3A_250 = arith.maximumf %get3A_249, %get3A_247 : vector<16xf32>
        %swap3A_251 = arith.index_cast %squeeze3A_241 : i32 to index
        %swap3A_252 = tpu.vector_load %arg9[%swap3A_251] {strides = array<i32>} : memref<80016xf32, #tpu.memory_space<vmem>>, vector<16xf32>,
        tpu.vector_store %arg9[%swap3A_251], %max3A_250 {strides = array<i32>} : memref<80016xf32, #tpu.memory_space<vmem>>, vector<16xf32>,
        %slice3A_253 = vector.extract_strided_slice %mul3A_100 {offsets = [12], sizes = [1], strides = [1]} : vector<16xi32> to vector<1xi32>
        %squeeze3A_254 = vector.extract %slice3A_253[0] : i32 from vector<1xi32>
        %mul3A_255 = arith.constant 256 : i32
        %mul3A_256 = arith.muli %scan3A_86, %mul3A_255 : i32
        %add3A_257 = arith.constant 192 : i32
        %add3A_258 = arith.addi %mul3A_256, %add3A_257 : i32
        %get3A_259 = arith.index_cast %add3A_258 : i32 to index
        %get3A_260 = tpu.vector_load %arg8[%get3A_259] {strides = array<i32>} : memref<12800xf32, #tpu.memory_space<vmem>>, vector<16xf32>,
        %get3A_261 = arith.index_cast %squeeze3A_254 : i32 to index
        %get3A_262 = tpu.vector_load %arg9[%get3A_261] {strides = array<i32>} : memref<80016xf32, #tpu.memory_space<vmem>>, vector<16xf32>,
        %max3A_263 = arith.maximumf %get3A_262, %get3A_260 : vector<16xf32>
        %swap3A_264 = arith.index_cast %squeeze3A_254 : i32 to index
        %swap3A_265 = tpu.vector_load %arg9[%swap3A_264] {strides = array<i32>} : memref<80016xf32, #tpu.memory_space<vmem>>, vector<16xf32>,
        tpu.vector_store %arg9[%swap3A_264], %max3A_263 {strides = array<i32>} : memref<80016xf32, #tpu.memory_space<vmem>>, vector<16xf32>,
        %slice3A_266 = vector.extract_strided_slice %mul3A_100 {offsets = [13], sizes = [1], strides = [1]} : vector<16xi32> to vector<1xi32>
        %squeeze3A_267 = vector.extract %slice3A_266[0] : i32 from vector<1xi32>
        %mul3A_268 = arith.constant 256 : i32
        %mul3A_269 = arith.muli %scan3A_86, %mul3A_268 : i32
        %add3A_270 = arith.constant 208 : i32
        %add3A_271 = arith.addi %mul3A_269, %add3A_270 : i32
        %get3A_272 = arith.index_cast %add3A_271 : i32 to index
        %get3A_273 = tpu.vector_load %arg8[%get3A_272] {strides = array<i32>} : memref<12800xf32, #tpu.memory_space<vmem>>, vector<16xf32>,
        %get3A_274 = arith.index_cast %squeeze3A_267 : i32 to index
        %get3A_275 = tpu.vector_load %arg9[%get3A_274] {strides = array<i32>} : memref<80016xf32, #tpu.memory_space<vmem>>, vector<16xf32>,
        %max3A_276 = arith.maximumf %get3A_275, %get3A_273 : vector<16xf32>
        %swap3A_277 = arith.index_cast %squeeze3A_267 : i32 to index
        %swap3A_278 = tpu.vector_load %arg9[%swap3A_277] {strides = array<i32>} : memref<80016xf32, #tpu.memory_space<vmem>>, vector<16xf32>,
        tpu.vector_store %arg9[%swap3A_277], %max3A_276 {strides = array<i32>} : memref<80016xf32, #tpu.memory_space<vmem>>, vector<16xf32>,
        %slice3A_279 = vector.extract_strided_slice %mul3A_100 {offsets = [14], sizes = [1], strides = [1]} : vector<16xi32> to vector<1xi32>
        %squeeze3A_280 = vector.extract %slice3A_279[0] : i32 from vector<1xi32>
        %mul3A_281 = arith.constant 256 : i32
        %mul3A_282 = arith.muli %scan3A_86, %mul3A_281 : i32
        %add3A_283 = arith.constant 224 : i32
        %add3A_284 = arith.addi %mul3A_282, %add3A_283 : i32
        %get3A_285 = arith.index_cast %add3A_284 : i32 to index
        %get3A_286 = tpu.vector_load %arg8[%get3A_285] {strides = array<i32>} : memref<12800xf32, #tpu.memory_space<vmem>>, vector<16xf32>,
        %get3A_287 = arith.index_cast %squeeze3A_280 : i32 to index
        %get3A_288 = tpu.vector_load %arg9[%get3A_287] {strides = array<i32>} : memref<80016xf32, #tpu.memory_space<vmem>>, vector<16xf32>,
        %max3A_289 = arith.maximumf %get3A_288, %get3A_286 : vector<16xf32>
        %swap3A_290 = arith.index_cast %squeeze3A_280 : i32 to index
        %swap3A_291 = tpu.vector_load %arg9[%swap3A_290] {strides = array<i32>} : memref<80016xf32, #tpu.memory_space<vmem>>, vector<16xf32>,
        tpu.vector_store %arg9[%swap3A_290], %max3A_289 {strides = array<i32>} : memref<80016xf32, #tpu.memory_space<vmem>>, vector<16xf32>,
        %slice3A_292 = vector.extract_strided_slice %mul3A_100 {offsets = [15], sizes = [1], strides = [1]} : vector<16xi32> to vector<1xi32>
        %squeeze3A_293 = vector.extract %slice3A_292[0] : i32 from vector<1xi32>
        %mul3A_294 = arith.constant 256 : i32
        %mul3A_295 = arith.muli %scan3A_86, %mul3A_294 : i32
        %add3A_296 = arith.constant 240 : i32
        %add3A_297 = arith.addi %mul3A_295, %add3A_296 : i32
        %get3A_298 = arith.index_cast %add3A_297 : i32 to index
        %get3A_299 = tpu.vector_load %arg8[%get3A_298] {strides = array<i32>} : memref<12800xf32, #tpu.memory_space<vmem>>, vector<16xf32>,
        %get3A_300 = arith.index_cast %squeeze3A_293 : i32 to index
        %get3A_301 = tpu.vector_load %arg9[%get3A_300] {strides = array<i32>} : memref<80016xf32, #tpu.memory_space<vmem>>, vector<16xf32>,
        %max3A_302 = arith.maximumf %get3A_301, %get3A_299 : vector<16xf32>
        %swap3A_303 = arith.index_cast %squeeze3A_293 : i32 to index
        %swap3A_304 = tpu.vector_load %arg9[%swap3A_303] {strides = array<i32>} : memref<80016xf32, #tpu.memory_space<vmem>>, vector<16xf32>,
        tpu.vector_store %arg9[%swap3A_303], %max3A_302 {strides = array<i32>} : memref<80016xf32, #tpu.memory_space<vmem>>, vector<16xf32>,
        %scan3A_305 = arith.constant 1 : i32
        %scan3A_306 = arith.addi %scan3A_86, %scan3A_305 : i32
        %mul3A_307 = arith.constant 16 : i32
        %mul3A_308 = arith.muli %scan3A_306, %mul3A_307 : i32
        %get3A_309 = arith.index_cast %mul3A_308 : i32 to index
        %get3A_310 = tpu.vector_load %arg6[%get3A_309] {strides = array<i32>} : memref<800xi32, #tpu.memory_space<vmem>>, vector<16xi32>,
        %sub3A_311 = arith.constant 0 : i32
        %sub3A_312 = vector.broadcast %sub3A_311 : i32 to vector<16xi32>
        %sub3A_313 = arith.subi %get3A_310, %sub3A_312 : vector<16xi32>
        %ge3A_314 = arith.constant 0 : i32
        %ge3A_315 = vector.broadcast %ge3A_314 : i32 to vector<16xi32>
        %ge3A_316 = arith.cmpi sge, %sub3A_313, %ge3A_315 : vector<16xi32>
        %lt3A_317 = arith.constant 5000 : i32
        %lt3A_318 = vector.broadcast %lt3A_317 : i32 to vector<16xi32>
        %lt3A_319 = arith.cmpi slt, %sub3A_313, %lt3A_318 : vector<16xi32>
        %and3A_320 = arith.andi %ge3A_316, %lt3A_319 : vector<16xi1>
        %jit3A_321 = arith.constant 5000 : i32
        %broadcast_in_dim3A_322 = vector.broadcast %jit3A_321 : i32 to vector<16xi32>
        %select_n3A_323 = arith.select %and3A_320, %sub3A_313, %broadcast_in_dim3A_322 : vector<16xi1>, vector<16xi32>
        %mul3A_324 = arith.constant 16 : i32
        %mul3A_325 = vector.broadcast %mul3A_324 : i32 to vector<16xi32>
        %mul3A_326 = arith.muli %select_n3A_323, %mul3A_325 : vector<16xi32>
        %slice3A_327 = vector.extract_strided_slice %mul3A_326 {offsets = [0], sizes = [1], strides = [1]} : vector<16xi32> to vector<1xi32>
        %squeeze3A_328 = vector.extract %slice3A_327[0] : i32 from vector<1xi32>
        %mul3A_329 = arith.constant 256 : i32
        %mul3A_330 = arith.muli %scan3A_306, %mul3A_329 : i32
        %add3A_331 = arith.constant 0 : i32
        %add3A_332 = arith.addi %mul3A_330, %add3A_331 : i32
        %get3A_333 = arith.index_cast %add3A_332 : i32 to index
        %get3A_334 = tpu.vector_load %arg8[%get3A_333] {strides = array<i32>} : memref<12800xf32, #tpu.memory_space<vmem>>, vector<16xf32>,
        %get3A_335 = arith.index_cast %squeeze3A_328 : i32 to index
        %get3A_336 = tpu.vector_load %arg9[%get3A_335] {strides = array<i32>} : memref<80016xf32, #tpu.memory_space<vmem>>, vector<16xf32>,
        %max3A_337 = arith.maximumf %get3A_336, %get3A_334 : vector<16xf32>
        %swap3A_338 = arith.index_cast %squeeze3A_328 : i32 to index
        %swap3A_339 = tpu.vector_load %arg9[%swap3A_338] {strides = array<i32>} : memref<80016xf32, #tpu.memory_space<vmem>>, vector<16xf32>,
        tpu.vector_store %arg9[%swap3A_338], %max3A_337 {strides = array<i32>} : memref<80016xf32, #tpu.memory_space<vmem>>, vector<16xf32>,
        %slice3A_340 = vector.extract_strided_slice %mul3A_326 {offsets = [1], sizes = [1], strides = [1]} : vector<16xi32> to vector<1xi32>
        %squeeze3A_341 = vector.extract %slice3A_340[0] : i32 from vector<1xi32>
        %mul3A_342 = arith.constant 256 : i32
        %mul3A_343 = arith.muli %scan3A_306, %mul3A_342 : i32
        %add3A_344 = arith.constant 16 : i32
        %add3A_345 = arith.addi %mul3A_343, %add3A_344 : i32
        %get3A_346 = arith.index_cast %add3A_345 : i32 to index
        %get3A_347 = tpu.vector_load %arg8[%get3A_346] {strides = array<i32>} : memref<12800xf32, #tpu.memory_space<vmem>>, vector<16xf32>,
        %get3A_348 = arith.index_cast %squeeze3A_341 : i32 to index
        %get3A_349 = tpu.vector_load %arg9[%get3A_348] {strides = array<i32>} : memref<80016xf32, #tpu.memory_space<vmem>>, vector<16xf32>,
        %max3A_350 = arith.maximumf %get3A_349, %get3A_347 : vector<16xf32>
        %swap3A_351 = arith.index_cast %squeeze3A_341 : i32 to index
        %swap3A_352 = tpu.vector_load %arg9[%swap3A_351] {strides = array<i32>} : memref<80016xf32, #tpu.memory_space<vmem>>, vector<16xf32>,
        tpu.vector_store %arg9[%swap3A_351], %max3A_350 {strides = array<i32>} : memref<80016xf32, #tpu.memory_space<vmem>>, vector<16xf32>,
        %slice3A_353 = vector.extract_strided_slice %mul3A_326 {offsets = [2], sizes = [1], strides = [1]} : vector<16xi32> to vector<1xi32>
        %squeeze3A_354 = vector.extract %slice3A_353[0] : i32 from vector<1xi32>
        %mul3A_355 = arith.constant 256 : i32
        %mul3A_356 = arith.muli %scan3A_306, %mul3A_355 : i32
        %add3A_357 = arith.constant 32 : i32
        %add3A_358 = arith.addi %mul3A_356, %add3A_357 : i32
        %get3A_359 = arith.index_cast %add3A_358 : i32 to index
        %get3A_360 = tpu.vector_load %arg8[%get3A_359] {strides = array<i32>} : memref<12800xf32, #tpu.memory_space<vmem>>, vector<16xf32>,
        %get3A_361 = arith.index_cast %squeeze3A_354 : i32 to index
        %get3A_362 = tpu.vector_load %arg9[%get3A_361] {strides = array<i32>} : memref<80016xf32, #tpu.memory_space<vmem>>, vector<16xf32>,
        %max3A_363 = arith.maximumf %get3A_362, %get3A_360 : vector<16xf32>
        %swap3A_364 = arith.index_cast %squeeze3A_354 : i32 to index
        %swap3A_365 = tpu.vector_load %arg9[%swap3A_364] {strides = array<i32>} : memref<80016xf32, #tpu.memory_space<vmem>>, vector<16xf32>,
        tpu.vector_store %arg9[%swap3A_364], %max3A_363 {strides = array<i32>} : memref<80016xf32, #tpu.memory_space<vmem>>, vector<16xf32>,
        %slice3A_366 = vector.extract_strided_slice %mul3A_326 {offsets = [3], sizes = [1], strides = [1]} : vector<16xi32> to vector<1xi32>
        %squeeze3A_367 = vector.extract %slice3A_366[0] : i32 from vector<1xi32>
        %mul3A_368 = arith.constant 256 : i32
        %mul3A_369 = arith.muli %scan3A_306, %mul3A_368 : i32
        %add3A_370 = arith.constant 48 : i32
        %add3A_371 = arith.addi %mul3A_369, %add3A_370 : i32
        %get3A_372 = arith.index_cast %add3A_371 : i32 to index
        %get3A_373 = tpu.vector_load %arg8[%get3A_372] {strides = array<i32>} : memref<12800xf32, #tpu.memory_space<vmem>>, vector<16xf32>,
        %get3A_374 = arith.index_cast %squeeze3A_367 : i32 to index
        %get3A_375 = tpu.vector_load %arg9[%get3A_374] {strides = array<i32>} : memref<80016xf32, #tpu.memory_space<vmem>>, vector<16xf32>,
        %max3A_376 = arith.maximumf %get3A_375, %get3A_373 : vector<16xf32>
        %swap3A_377 = arith.index_cast %squeeze3A_367 : i32 to index
        %swap3A_378 = tpu.vector_load %arg9[%swap3A_377] {strides = array<i32>} : memref<80016xf32, #tpu.memory_space<vmem>>, vector<16xf32>,
        tpu.vector_store %arg9[%swap3A_377], %max3A_376 {strides = array<i32>} : memref<80016xf32, #tpu.memory_space<vmem>>, vector<16xf32>,
        %slice3A_379 = vector.extract_strided_slice %mul3A_326 {offsets = [4], sizes = [1], strides = [1]} : vector<16xi32> to vector<1xi32>
        %squeeze3A_380 = vector.extract %slice3A_379[0] : i32 from vector<1xi32>
        %mul3A_381 = arith.constant 256 : i32
        %mul3A_382 = arith.muli %scan3A_306, %mul3A_381 : i32
        %add3A_383 = arith.constant 64 : i32
        %add3A_384 = arith.addi %mul3A_382, %add3A_383 : i32
        %get3A_385 = arith.index_cast %add3A_384 : i32 to index
        %get3A_386 = tpu.vector_load %arg8[%get3A_385] {strides = array<i32>} : memref<12800xf32, #tpu.memory_space<vmem>>, vector<16xf32>,
        %get3A_387 = arith.index_cast %squeeze3A_380 : i32 to index
        %get3A_388 = tpu.vector_load %arg9[%get3A_387] {strides = array<i32>} : memref<80016xf32, #tpu.memory_space<vmem>>, vector<16xf32>,
        %max3A_389 = arith.maximumf %get3A_388, %get3A_386 : vector<16xf32>
        %swap3A_390 = arith.index_cast %squeeze3A_380 : i32 to index
        %swap3A_391 = tpu.vector_load %arg9[%swap3A_390] {strides = array<i32>} : memref<80016xf32, #tpu.memory_space<vmem>>, vector<16xf32>,
        tpu.vector_store %arg9[%swap3A_390], %max3A_389 {strides = array<i32>} : memref<80016xf32, #tpu.memory_space<vmem>>, vector<16xf32>,
        %slice3A_392 = vector.extract_strided_slice %mul3A_326 {offsets = [5], sizes = [1], strides = [1]} : vector<16xi32> to vector<1xi32>
        %squeeze3A_393 = vector.extract %slice3A_392[0] : i32 from vector<1xi32>
        %mul3A_394 = arith.constant 256 : i32
        %mul3A_395 = arith.muli %scan3A_306, %mul3A_394 : i32
        %add3A_396 = arith.constant 80 : i32
        %add3A_397 = arith.addi %mul3A_395, %add3A_396 : i32
        %get3A_398 = arith.index_cast %add3A_397 : i32 to index
        %get3A_399 = tpu.vector_load %arg8[%get3A_398] {strides = array<i32>} : memref<12800xf32, #tpu.memory_space<vmem>>, vector<16xf32>,
        %get3A_400 = arith.index_cast %squeeze3A_393 : i32 to index
        %get3A_401 = tpu.vector_load %arg9[%get3A_400] {strides = array<i32>} : memref<80016xf32, #tpu.memory_space<vmem>>, vector<16xf32>,
        %max3A_402 = arith.maximumf %get3A_401, %get3A_399 : vector<16xf32>
        %swap3A_403 = arith.index_cast %squeeze3A_393 : i32 to index
        %swap3A_404 = tpu.vector_load %arg9[%swap3A_403] {strides = array<i32>} : memref<80016xf32, #tpu.memory_space<vmem>>, vector<16xf32>,
        tpu.vector_store %arg9[%swap3A_403], %max3A_402 {strides = array<i32>} : memref<80016xf32, #tpu.memory_space<vmem>>, vector<16xf32>,
        %slice3A_405 = vector.extract_strided_slice %mul3A_326 {offsets = [6], sizes = [1], strides = [1]} : vector<16xi32> to vector<1xi32>
        %squeeze3A_406 = vector.extract %slice3A_405[0] : i32 from vector<1xi32>
        %mul3A_407 = arith.constant 256 : i32
        %mul3A_408 = arith.muli %scan3A_306, %mul3A_407 : i32
        %add3A_409 = arith.constant 96 : i32
        %add3A_410 = arith.addi %mul3A_408, %add3A_409 : i32
        %get3A_411 = arith.index_cast %add3A_410 : i32 to index
        %get3A_412 = tpu.vector_load %arg8[%get3A_411] {strides = array<i32>} : memref<12800xf32, #tpu.memory_space<vmem>>, vector<16xf32>,
        %get3A_413 = arith.index_cast %squeeze3A_406 : i32 to index
        %get3A_414 = tpu.vector_load %arg9[%get3A_413] {strides = array<i32>} : memref<80016xf32, #tpu.memory_space<vmem>>, vector<16xf32>,
        %max3A_415 = arith.maximumf %get3A_414, %get3A_412 : vector<16xf32>
        %swap3A_416 = arith.index_cast %squeeze3A_406 : i32 to index
        %swap3A_417 = tpu.vector_load %arg9[%swap3A_416] {strides = array<i32>} : memref<80016xf32, #tpu.memory_space<vmem>>, vector<16xf32>,
        tpu.vector_store %arg9[%swap3A_416], %max3A_415 {strides = array<i32>} : memref<80016xf32, #tpu.memory_space<vmem>>, vector<16xf32>,
        %slice3A_418 = vector.extract_strided_slice %mul3A_326 {offsets = [7], sizes = [1], strides = [1]} : vector<16xi32> to vector<1xi32>
        %squeeze3A_419 = vector.extract %slice3A_418[0] : i32 from vector<1xi32>
        %mul3A_420 = arith.constant 256 : i32
        %mul3A_421 = arith.muli %scan3A_306, %mul3A_420 : i32
        %add3A_422 = arith.constant 112 : i32
        %add3A_423 = arith.addi %mul3A_421, %add3A_422 : i32
        %get3A_424 = arith.index_cast %add3A_423 : i32 to index
        %get3A_425 = tpu.vector_load %arg8[%get3A_424] {strides = array<i32>} : memref<12800xf32, #tpu.memory_space<vmem>>, vector<16xf32>,
        %get3A_426 = arith.index_cast %squeeze3A_419 : i32 to index
        %get3A_427 = tpu.vector_load %arg9[%get3A_426] {strides = array<i32>} : memref<80016xf32, #tpu.memory_space<vmem>>, vector<16xf32>,
        %max3A_428 = arith.maximumf %get3A_427, %get3A_425 : vector<16xf32>
        %swap3A_429 = arith.index_cast %squeeze3A_419 : i32 to index
        %swap3A_430 = tpu.vector_load %arg9[%swap3A_429] {strides = array<i32>} : memref<80016xf32, #tpu.memory_space<vmem>>, vector<16xf32>,
        tpu.vector_store %arg9[%swap3A_429], %max3A_428 {strides = array<i32>} : memref<80016xf32, #tpu.memory_space<vmem>>, vector<16xf32>,
        %slice3A_431 = vector.extract_strided_slice %mul3A_326 {offsets = [8], sizes = [1], strides = [1]} : vector<16xi32> to vector<1xi32>
        %squeeze3A_432 = vector.extract %slice3A_431[0] : i32 from vector<1xi32>
        %mul3A_433 = arith.constant 256 : i32
        %mul3A_434 = arith.muli %scan3A_306, %mul3A_433 : i32
        %add3A_435 = arith.constant 128 : i32
        %add3A_436 = arith.addi %mul3A_434, %add3A_435 : i32
        %get3A_437 = arith.index_cast %add3A_436 : i32 to index
        %get3A_438 = tpu.vector_load %arg8[%get3A_437] {strides = array<i32>} : memref<12800xf32, #tpu.memory_space<vmem>>, vector<16xf32>,
        %get3A_439 = arith.index_cast %squeeze3A_432 : i32 to index
        %get3A_440 = tpu.vector_load %arg9[%get3A_439] {strides = array<i32>} : memref<80016xf32, #tpu.memory_space<vmem>>, vector<16xf32>,
        %max3A_441 = arith.maximumf %get3A_440, %get3A_438 : vector<16xf32>
        %swap3A_442 = arith.index_cast %squeeze3A_432 : i32 to index
        %swap3A_443 = tpu.vector_load %arg9[%swap3A_442] {strides = array<i32>} : memref<80016xf32, #tpu.memory_space<vmem>>, vector<16xf32>,
        tpu.vector_store %arg9[%swap3A_442], %max3A_441 {strides = array<i32>} : memref<80016xf32, #tpu.memory_space<vmem>>, vector<16xf32>,
        %slice3A_444 = vector.extract_strided_slice %mul3A_326 {offsets = [9], sizes = [1], strides = [1]} : vector<16xi32> to vector<1xi32>
        %squeeze3A_445 = vector.extract %slice3A_444[0] : i32 from vector<1xi32>
        %mul3A_446 = arith.constant 256 : i32
        %mul3A_447 = arith.muli %scan3A_306, %mul3A_446 : i32
        %add3A_448 = arith.constant 144 : i32
        %add3A_449 = arith.addi %mul3A_447, %add3A_448 : i32
        %get3A_450 = arith.index_cast %add3A_449 : i32 to index
        %get3A_451 = tpu.vector_load %arg8[%get3A_450] {strides = array<i32>} : memref<12800xf32, #tpu.memory_space<vmem>>, vector<16xf32>,
        %get3A_452 = arith.index_cast %squeeze3A_445 : i32 to index
        %get3A_453 = tpu.vector_load %arg9[%get3A_452] {strides = array<i32>} : memref<80016xf32, #tpu.memory_space<vmem>>, vector<16xf32>,
        %max3A_454 = arith.maximumf %get3A_453, %get3A_451 : vector<16xf32>
        %swap3A_455 = arith.index_cast %squeeze3A_445 : i32 to index
        %swap3A_456 = tpu.vector_load %arg9[%swap3A_455] {strides = array<i32>} : memref<80016xf32, #tpu.memory_space<vmem>>, vector<16xf32>,
        tpu.vector_store %arg9[%swap3A_455], %max3A_454 {strides = array<i32>} : memref<80016xf32, #tpu.memory_space<vmem>>, vector<16xf32>,
        %slice3A_457 = vector.extract_strided_slice %mul3A_326 {offsets = [10], sizes = [1], strides = [1]} : vector<16xi32> to vector<1xi32>
        %squeeze3A_458 = vector.extract %slice3A_457[0] : i32 from vector<1xi32>
        %mul3A_459 = arith.constant 256 : i32
        %mul3A_460 = arith.muli %scan3A_306, %mul3A_459 : i32
        %add3A_461 = arith.constant 160 : i32
        %add3A_462 = arith.addi %mul3A_460, %add3A_461 : i32
        %get3A_463 = arith.index_cast %add3A_462 : i32 to index
        %get3A_464 = tpu.vector_load %arg8[%get3A_463] {strides = array<i32>} : memref<12800xf32, #tpu.memory_space<vmem>>, vector<16xf32>,
        %get3A_465 = arith.index_cast %squeeze3A_458 : i32 to index
        %get3A_466 = tpu.vector_load %arg9[%get3A_465] {strides = array<i32>} : memref<80016xf32, #tpu.memory_space<vmem>>, vector<16xf32>,
        %max3A_467 = arith.maximumf %get3A_466, %get3A_464 : vector<16xf32>
        %swap3A_468 = arith.index_cast %squeeze3A_458 : i32 to index
        %swap3A_469 = tpu.vector_load %arg9[%swap3A_468] {strides = array<i32>} : memref<80016xf32, #tpu.memory_space<vmem>>, vector<16xf32>,
        tpu.vector_store %arg9[%swap3A_468], %max3A_467 {strides = array<i32>} : memref<80016xf32, #tpu.memory_space<vmem>>, vector<16xf32>,
        %slice3A_470 = vector.extract_strided_slice %mul3A_326 {offsets = [11], sizes = [1], strides = [1]} : vector<16xi32> to vector<1xi32>
        %squeeze3A_471 = vector.extract %slice3A_470[0] : i32 from vector<1xi32>
        %mul3A_472 = arith.constant 256 : i32
        %mul3A_473 = arith.muli %scan3A_306, %mul3A_472 : i32
        %add3A_474 = arith.constant 176 : i32
        %add3A_475 = arith.addi %mul3A_473, %add3A_474 : i32
        %get3A_476 = arith.index_cast %add3A_475 : i32 to index
        %get3A_477 = tpu.vector_load %arg8[%get3A_476] {strides = array<i32>} : memref<12800xf32, #tpu.memory_space<vmem>>, vector<16xf32>,
        %get3A_478 = arith.index_cast %squeeze3A_471 : i32 to index
        %get3A_479 = tpu.vector_load %arg9[%get3A_478] {strides = array<i32>} : memref<80016xf32, #tpu.memory_space<vmem>>, vector<16xf32>,
        %max3A_480 = arith.maximumf %get3A_479, %get3A_477 : vector<16xf32>
        %swap3A_481 = arith.index_cast %squeeze3A_471 : i32 to index
        %swap3A_482 = tpu.vector_load %arg9[%swap3A_481] {strides = array<i32>} : memref<80016xf32, #tpu.memory_space<vmem>>, vector<16xf32>,
        tpu.vector_store %arg9[%swap3A_481], %max3A_480 {strides = array<i32>} : memref<80016xf32, #tpu.memory_space<vmem>>, vector<16xf32>,
        %slice3A_483 = vector.extract_strided_slice %mul3A_326 {offsets = [12], sizes = [1], strides = [1]} : vector<16xi32> to vector<1xi32>
        %squeeze3A_484 = vector.extract %slice3A_483[0] : i32 from vector<1xi32>
        %mul3A_485 = arith.constant 256 : i32
        %mul3A_486 = arith.muli %scan3A_306, %mul3A_485 : i32
        %add3A_487 = arith.constant 192 : i32
        %add3A_488 = arith.addi %mul3A_486, %add3A_487 : i32
        %get3A_489 = arith.index_cast %add3A_488 : i32 to index
        %get3A_490 = tpu.vector_load %arg8[%get3A_489] {strides = array<i32>} : memref<12800xf32, #tpu.memory_space<vmem>>, vector<16xf32>,
        %get3A_491 = arith.index_cast %squeeze3A_484 : i32 to index
        %get3A_492 = tpu.vector_load %arg9[%get3A_491] {strides = array<i32>} : memref<80016xf32, #tpu.memory_space<vmem>>, vector<16xf32>,
        %max3A_493 = arith.maximumf %get3A_492, %get3A_490 : vector<16xf32>
        %swap3A_494 = arith.index_cast %squeeze3A_484 : i32 to index
        %swap3A_495 = tpu.vector_load %arg9[%swap3A_494] {strides = array<i32>} : memref<80016xf32, #tpu.memory_space<vmem>>, vector<16xf32>,
        tpu.vector_store %arg9[%swap3A_494], %max3A_493 {strides = array<i32>} : memref<80016xf32, #tpu.memory_space<vmem>>, vector<16xf32>,
        %slice3A_496 = vector.extract_strided_slice %mul3A_326 {offsets = [13], sizes = [1], strides = [1]} : vector<16xi32> to vector<1xi32>
        %squeeze3A_497 = vector.extract %slice3A_496[0] : i32 from vector<1xi32>
        %mul3A_498 = arith.constant 256 : i32
        %mul3A_499 = arith.muli %scan3A_306, %mul3A_498 : i32
        %add3A_500 = arith.constant 208 : i32
        %add3A_501 = arith.addi %mul3A_499, %add3A_500 : i32
        %get3A_502 = arith.index_cast %add3A_501 : i32 to index
        %get3A_503 = tpu.vector_load %arg8[%get3A_502] {strides = array<i32>} : memref<12800xf32, #tpu.memory_space<vmem>>, vector<16xf32>,
        %get3A_504 = arith.index_cast %squeeze3A_497 : i32 to index
        %get3A_505 = tpu.vector_load %arg9[%get3A_504] {strides = array<i32>} : memref<80016xf32, #tpu.memory_space<vmem>>, vector<16xf32>,
        %max3A_506 = arith.maximumf %get3A_505, %get3A_503 : vector<16xf32>
        %swap3A_507 = arith.index_cast %squeeze3A_497 : i32 to index
        %swap3A_508 = tpu.vector_load %arg9[%swap3A_507] {strides = array<i32>} : memref<80016xf32, #tpu.memory_space<vmem>>, vector<16xf32>,
        tpu.vector_store %arg9[%swap3A_507], %max3A_506 {strides = array<i32>} : memref<80016xf32, #tpu.memory_space<vmem>>, vector<16xf32>,
        %slice3A_509 = vector.extract_strided_slice %mul3A_326 {offsets = [14], sizes = [1], strides = [1]} : vector<16xi32> to vector<1xi32>
        %squeeze3A_510 = vector.extract %slice3A_509[0] : i32 from vector<1xi32>
        %mul3A_511 = arith.constant 256 : i32
        %mul3A_512 = arith.muli %scan3A_306, %mul3A_511 : i32
        %add3A_513 = arith.constant 224 : i32
        %add3A_514 = arith.addi %mul3A_512, %add3A_513 : i32
        %get3A_515 = arith.index_cast %add3A_514 : i32 to index
        %get3A_516 = tpu.vector_load %arg8[%get3A_515] {strides = array<i32>} : memref<12800xf32, #tpu.memory_space<vmem>>, vector<16xf32>,
        %get3A_517 = arith.index_cast %squeeze3A_510 : i32 to index
        %get3A_518 = tpu.vector_load %arg9[%get3A_517] {strides = array<i32>} : memref<80016xf32, #tpu.memory_space<vmem>>, vector<16xf32>,
        %max3A_519 = arith.maximumf %get3A_518, %get3A_516 : vector<16xf32>
        %swap3A_520 = arith.index_cast %squeeze3A_510 : i32 to index
        %swap3A_521 = tpu.vector_load %arg9[%swap3A_520] {strides = array<i32>} : memref<80016xf32, #tpu.memory_space<vmem>>, vector<16xf32>,
        tpu.vector_store %arg9[%swap3A_520], %max3A_519 {strides = array<i32>} : memref<80016xf32, #tpu.memory_space<vmem>>, vector<16xf32>,
        %slice3A_522 = vector.extract_strided_slice %mul3A_326 {offsets = [15], sizes = [1], strides = [1]} : vector<16xi32> to vector<1xi32>
        %squeeze3A_523 = vector.extract %slice3A_522[0] : i32 from vector<1xi32>
        %mul3A_524 = arith.constant 256 : i32
        %mul3A_525 = arith.muli %scan3A_306, %mul3A_524 : i32
        %add3A_526 = arith.constant 240 : i32
        %add3A_527 = arith.addi %mul3A_525, %add3A_526 : i32
        %get3A_528 = arith.index_cast %add3A_527 : i32 to index
        %get3A_529 = tpu.vector_load %arg8[%get3A_528] {strides = array<i32>} : memref<12800xf32, #tpu.memory_space<vmem>>, vector<16xf32>,
        %get3A_530 = arith.index_cast %squeeze3A_523 : i32 to index
        %get3A_531 = tpu.vector_load %arg9[%get3A_530] {strides = array<i32>} : memref<80016xf32, #tpu.memory_space<vmem>>, vector<16xf32>,
        %max3A_532 = arith.maximumf %get3A_531, %get3A_529 : vector<16xf32>
        %swap3A_533 = arith.index_cast %squeeze3A_523 : i32 to index
        %swap3A_534 = tpu.vector_load %arg9[%swap3A_533] {strides = array<i32>} : memref<80016xf32, #tpu.memory_space<vmem>>, vector<16xf32>,
        tpu.vector_store %arg9[%swap3A_533], %max3A_532 {strides = array<i32>} : memref<80016xf32, #tpu.memory_space<vmem>>, vector<16xf32>,
      }
      %scan3A_85 = arith.constant 50 : i32
    }
    %scan3A_28 = arith.constant 50 : i32
    %add3A_29 = arith.constant 0 : i32
    %add3A_30 = arith.addi %mul3A_14, %add3A_29 : i32
    "tpu.region"() ({
      %run_scoped3A = tpu.sem_alloc : memref<!tpu.dma_semaphore, #tpu.memory_space<semaphore_mem>>
      %dma_start3A_49 = arith.constant 0 : i32
      %dma_start3A_50 = tpu.memref_slice %arg9[%dma_start3A_49] : memref<80016xf32, #tpu.memory_space<vmem>> -> memref<80000xf32, #tpu.memory_space<vmem>>
      %dma_start3A_51 = tpu.memref_slice %arg4[%add3A_30] : memref<5242880xf32, #tpu.memory_space<hbm>> -> memref<80000xf32, #tpu.memory_space<hbm>>
      %dma_start3A_52 = tpu.memref_slice %arg4[%add3A_30] : memref<5242880xf32, #tpu.memory_space<hbm>> -> memref<80000xf32, #tpu.memory_space<hbm>>
      %dma_start3A_53 = arith.constant 0 : i32
      %dma_start3A_54 = tpu.memref_slice %arg9[%dma_start3A_53] : memref<80016xf32, #tpu.memory_space<vmem>> -> memref<80000xf32, #tpu.memory_space<vmem>>
      tpu.enqueue_dma source(%dma_start3A_54 : memref<80000xf32, #tpu.memory_space<vmem>>) target(%dma_start3A_52 : memref<80000xf32, #tpu.memory_space<hbm>>) target_semaphore(%run_scoped3A : memref<!tpu.dma_semaphore, #tpu.memory_space<semaphore_mem>>)
      %dma_wait3A = arith.constant 0 : i32
      %dma_wait3A_55 = tpu.memref_slice %arg9[%dma_wait3A] : memref<80016xf32, #tpu.memory_space<vmem>> -> memref<80000xf32, #tpu.memory_space<vmem>>
      %dma_wait3A_56 = tpu.memref_slice %arg4[%add3A_30] : memref<5242880xf32, #tpu.memory_space<hbm>> -> memref<80000xf32, #tpu.memory_space<hbm>>
      %dma_wait3A_57 = tpu.memref_slice %arg4[%add3A_30] : memref<5242880xf32, #tpu.memory_space<hbm>> -> memref<80000xf32, #tpu.memory_space<hbm>>
      %dma_wait3A_58 = arith.constant 0 : i32
      %dma_wait3A_59 = tpu.memref_slice %arg9[%dma_wait3A_58] : memref<80016xf32, #tpu.memory_space<vmem>> -> memref<80000xf32, #tpu.memory_space<vmem>>
      tpu.wait_dma2 semaphore(%run_scoped3A : memref<!tpu.dma_semaphore, #tpu.memory_space<semaphore_mem>>) src(%dma_wait3A_59 : memref<80000xf32, #tpu.memory_space<vmem>>) dst(%dma_wait3A_57 : memref<80000xf32, #tpu.memory_space<hbm>>)
      tpu.yield
    }) : () -> ()
    %scan3A_31 = arith.constant 0 : i32
    %scan3A_32 = arith.constant 0 : i32
    %scan3A_33 = arith.constant 5001 : i32
    %scan3A_34 = arith.addi %scan3A_32, %scan3A_33 : i32
    %scan3A_35 = arith.constant 1 : i32
    scf.for %scan3A_49 = %scan3A_32 to %scan3A_34 step %scan3A_35  : i32 {
      %broadcast_in_dim3A = arith.constant 0xFF800000 : f32
      %broadcast_in_dim3A_50 = vector.broadcast %broadcast_in_dim3A : f32 to vector<16xf32>
      %mul3A_51 = arith.constant 16 : i32
      %mul3A_52 = arith.muli %scan3A_49, %mul3A_51 : i32
      %swap3A = arith.index_cast %mul3A_52 : i32 to index
      %swap3A_53 = tpu.vector_load %arg9[%swap3A] {strides = array<i32>} : memref<80016xf32, #tpu.memory_space<vmem>>, vector<16xf32>,
      tpu.vector_store %arg9[%swap3A], %broadcast_in_dim3A_50 {strides = array<i32>} : memref<80016xf32, #tpu.memory_space<vmem>>, vector<16xf32>,
    }
    %scan3A_36 = arith.constant 5001 : i32
    %dma_start3A_37 = tpu.memref_slice %arg3[%mul3A_4] : memref<320000xi32, #tpu.memory_space<hbm>> -> memref<800xi32, #tpu.memory_space<hbm>>
    %dma_start3A_38 = tpu.memref_slice %arg3[%mul3A_4] : memref<320000xi32, #tpu.memory_space<hbm>> -> memref<800xi32, #tpu.memory_space<hbm>>
    tpu.enqueue_dma source(%dma_start3A_38 : memref<800xi32, #tpu.memory_space<hbm>>) target(%arg5 : memref<800xi32, #tpu.memory_space<vmem>>) target_semaphore(%arg10 : memref<!tpu.dma_semaphore, #tpu.memory_space<semaphore_mem>>)
    %dma_start3A_39 = tpu.memref_slice %arg2[%mul3A_9] : memref<40960000xf32, #tpu.memory_space<hbm>> -> memref<12800xf32, #tpu.memory_space<hbm>>
    %dma_start3A_40 = tpu.memref_slice %arg2[%mul3A_9] : memref<40960000xf32, #tpu.memory_space<hbm>> -> memref<12800xf32, #tpu.memory_space<hbm>>
    tpu.enqueue_dma source(%dma_start3A_40 : memref<12800xf32, #tpu.memory_space<hbm>>) target(%arg7 : memref<12800xf32, #tpu.memory_space<vmem>>) target_semaphore(%arg11 : memref<!tpu.dma_semaphore, #tpu.memory_space<semaphore_mem>>)
    %scan3A_41 = arith.constant 0 : i32
    %scan3A_42 = arith.constant 0 : i32
    %scan3A_43 = arith.constant 50 : i32
    %scan3A_44 = arith.addi %scan3A_42, %scan3A_43 : i32
    %scan3A_45 = arith.constant 1 : i32
    scf.for %scan3A_49 = %scan3A_42 to %scan3A_44 step %scan3A_45  : i32 {
      %mul3A_50 = arith.constant 2 : i32
      %mul3A_51 = arith.muli %scan3A_49, %mul3A_50 : i32
      %dma_wait3A = tpu.memref_slice %arg3[%mul3A_4] : memref<320000xi32, #tpu.memory_space<hbm>> -> memref<800xi32, #tpu.memory_space<hbm>>
      %dma_wait3A_52 = tpu.memref_slice %arg3[%mul3A_4] : memref<320000xi32, #tpu.memory_space<hbm>> -> memref<800xi32, #tpu.memory_space<hbm>>
      tpu.wait_dma2 semaphore(%arg10 : memref<!tpu.dma_semaphore, #tpu.memory_space<semaphore_mem>>) src(%dma_wait3A_52 : memref<800xi32, #tpu.memory_space<hbm>>) dst(%arg5 : memref<800xi32, #tpu.memory_space<vmem>>)
      %dma_wait3A_53 = tpu.memref_slice %arg2[%mul3A_9] : memref<40960000xf32, #tpu.memory_space<hbm>> -> memref<12800xf32, #tpu.memory_space<hbm>>
      %dma_wait3A_54 = tpu.memref_slice %arg2[%mul3A_9] : memref<40960000xf32, #tpu.memory_space<hbm>> -> memref<12800xf32, #tpu.memory_space<hbm>>
      tpu.wait_dma2 semaphore(%arg11 : memref<!tpu.dma_semaphore, #tpu.memory_space<semaphore_mem>>) src(%dma_wait3A_54 : memref<12800xf32, #tpu.memory_space<hbm>>) dst(%arg7 : memref<12800xf32, #tpu.memory_space<vmem>>)
      %add3A_55 = arith.constant 1 : i32
      %add3A_56 = arith.addi %mul3A_51, %add3A_55 : i32
      %lt3A = arith.constant 100 : i32
      %lt3A_57 = arith.cmpi slt, %add3A_56, %lt3A : i32
      %convert_element_type3A = arith.extui %lt3A_57 : i1 to i32
      %cond3A = arith.constant 0 : i32
      %cond3A_58 = arith.cmpi ne, %convert_element_type3A, %cond3A : i32
      scf.if %cond3A_58 {
        %mul3A_86 = arith.constant 800 : i32
        %mul3A_87 = arith.muli %add3A_56, %mul3A_86 : i32
        %add3A_88 = arith.addi %mul3A_4, %mul3A_87 : i32
        %dma_start3A_89 = tpu.memref_slice %arg3[%add3A_88] : memref<320000xi32, #tpu.memory_space<hbm>> -> memref<800xi32, #tpu.memory_space<hbm>>
        %dma_start3A_90 = tpu.memref_slice %arg3[%add3A_88] : memref<320000xi32, #tpu.memory_space<hbm>> -> memref<800xi32, #tpu.memory_space<hbm>>
        tpu.enqueue_dma source(%dma_start3A_90 : memref<800xi32, #tpu.memory_space<hbm>>) target(%arg6 : memref<800xi32, #tpu.memory_space<vmem>>) target_semaphore(%arg10 : memref<!tpu.dma_semaphore, #tpu.memory_space<semaphore_mem>>)
        %mul3A_91 = arith.constant 800 : i32
        %mul3A_92 = arith.muli %add3A_56, %mul3A_91 : i32
        %mul3A_93 = arith.constant 16 : i32
        %mul3A_94 = arith.muli %mul3A_92, %mul3A_93 : i32
        %add3A_95 = arith.addi %mul3A_9, %mul3A_94 : i32
        %dma_start3A_96 = tpu.memref_slice %arg2[%add3A_95] : memref<40960000xf32, #tpu.memory_space<hbm>> -> memref<12800xf32, #tpu.memory_space<hbm>>
        %dma_start3A_97 = tpu.memref_slice %arg2[%add3A_95] : memref<40960000xf32, #tpu.memory_space<hbm>> -> memref<12800xf32, #tpu.memory_space<hbm>>
        tpu.enqueue_dma source(%dma_start3A_97 : memref<12800xf32, #tpu.memory_space<hbm>>) target(%arg8 : memref<12800xf32, #tpu.memory_space<vmem>>) target_semaphore(%arg11 : memref<!tpu.dma_semaphore, #tpu.memory_space<semaphore_mem>>)
      } else {
      }
      %scan3A_59 = arith.constant 0 : i32
      %scan3A_60 = arith.constant 0 : i32
      %scan3A_61 = arith.constant 50 : i32
      %scan3A_62 = arith.addi %scan3A_60, %scan3A_61 : i32
      %scan3A_63 = arith.constant 2 : i32
      scf.for %scan3A_86 = %scan3A_60 to %scan3A_62 step %scan3A_63  : i32 {
        %mul3A_87 = arith.constant 16 : i32
        %mul3A_88 = arith.muli %scan3A_86, %mul3A_87 : i32
        %get3A = arith.index_cast %mul3A_88 : i32 to index
        %get3A_89 = tpu.vector_load %arg5[%get3A] {strides = array<i32>} : memref<800xi32, #tpu.memory_space<vmem>>, vector<16xi32>,
        %sub3A = arith.constant 5000 : i32
        %sub3A_90 = vector.broadcast %sub3A : i32 to vector<16xi32>
        %sub3A_91 = arith.subi %get3A_89, %sub3A_90 : vector<16xi32>
        %ge3A = arith.constant 0 : i32
        %ge3A_92 = vector.broadcast %ge3A : i32 to vector<16xi32>
        %ge3A_93 = arith.cmpi sge, %sub3A_91, %ge3A_92 : vector<16xi32>
        %lt3A_94 = arith.constant 5000 : i32
        %lt3A_95 = vector.broadcast %lt3A_94 : i32 to vector<16xi32>
        %lt3A_96 = arith.cmpi slt, %sub3A_91, %lt3A_95 : vector<16xi32>
        %and3A_97 = arith.andi %ge3A_93, %lt3A_96 : vector<16xi1>
        %jit3A = arith.constant 5000 : i32
        %broadcast_in_dim3A = vector.broadcast %jit3A : i32 to vector<16xi32>
        %select_n3A = arith.select %and3A_97, %sub3A_91, %broadcast_in_dim3A : vector<16xi1>, vector<16xi32>
        %mul3A_98 = arith.constant 16 : i32
        %mul3A_99 = vector.broadcast %mul3A_98 : i32 to vector<16xi32>
        %mul3A_100 = arith.muli %select_n3A, %mul3A_99 : vector<16xi32>
        %slice3A = vector.extract_strided_slice %mul3A_100 {offsets = [0], sizes = [1], strides = [1]} : vector<16xi32> to vector<1xi32>
        %squeeze3A = vector.extract %slice3A[0] : i32 from vector<1xi32>
        %mul3A_101 = arith.constant 256 : i32
        %mul3A_102 = arith.muli %scan3A_86, %mul3A_101 : i32
        %add3A_103 = arith.constant 0 : i32
        %add3A_104 = arith.addi %mul3A_102, %add3A_103 : i32
        %get3A_105 = arith.index_cast %add3A_104 : i32 to index
        %get3A_106 = tpu.vector_load %arg7[%get3A_105] {strides = array<i32>} : memref<12800xf32, #tpu.memory_space<vmem>>, vector<16xf32>,
        %get3A_107 = arith.index_cast %squeeze3A : i32 to index
        %get3A_108 = tpu.vector_load %arg9[%get3A_107] {strides = array<i32>} : memref<80016xf32, #tpu.memory_space<vmem>>, vector<16xf32>,
        %max3A = arith.maximumf %get3A_108, %get3A_106 : vector<16xf32>
        %swap3A = arith.index_cast %squeeze3A : i32 to index
        %swap3A_109 = tpu.vector_load %arg9[%swap3A] {strides = array<i32>} : memref<80016xf32, #tpu.memory_space<vmem>>, vector<16xf32>,
        tpu.vector_store %arg9[%swap3A], %max3A {strides = array<i32>} : memref<80016xf32, #tpu.memory_space<vmem>>, vector<16xf32>,
        %slice3A_110 = vector.extract_strided_slice %mul3A_100 {offsets = [1], sizes = [1], strides = [1]} : vector<16xi32> to vector<1xi32>
        %squeeze3A_111 = vector.extract %slice3A_110[0] : i32 from vector<1xi32>
        %mul3A_112 = arith.constant 256 : i32
        %mul3A_113 = arith.muli %scan3A_86, %mul3A_112 : i32
        %add3A_114 = arith.constant 16 : i32
        %add3A_115 = arith.addi %mul3A_113, %add3A_114 : i32
        %get3A_116 = arith.index_cast %add3A_115 : i32 to index
        %get3A_117 = tpu.vector_load %arg7[%get3A_116] {strides = array<i32>} : memref<12800xf32, #tpu.memory_space<vmem>>, vector<16xf32>,
        %get3A_118 = arith.index_cast %squeeze3A_111 : i32 to index
        %get3A_119 = tpu.vector_load %arg9[%get3A_118] {strides = array<i32>} : memref<80016xf32, #tpu.memory_space<vmem>>, vector<16xf32>,
        %max3A_120 = arith.maximumf %get3A_119, %get3A_117 : vector<16xf32>
        %swap3A_121 = arith.index_cast %squeeze3A_111 : i32 to index
        %swap3A_122 = tpu.vector_load %arg9[%swap3A_121] {strides = array<i32>} : memref<80016xf32, #tpu.memory_space<vmem>>, vector<16xf32>,
        tpu.vector_store %arg9[%swap3A_121], %max3A_120 {strides = array<i32>} : memref<80016xf32, #tpu.memory_space<vmem>>, vector<16xf32>,
        %slice3A_123 = vector.extract_strided_slice %mul3A_100 {offsets = [2], sizes = [1], strides = [1]} : vector<16xi32> to vector<1xi32>
        %squeeze3A_124 = vector.extract %slice3A_123[0] : i32 from vector<1xi32>
        %mul3A_125 = arith.constant 256 : i32
        %mul3A_126 = arith.muli %scan3A_86, %mul3A_125 : i32
        %add3A_127 = arith.constant 32 : i32
        %add3A_128 = arith.addi %mul3A_126, %add3A_127 : i32
        %get3A_129 = arith.index_cast %add3A_128 : i32 to index
        %get3A_130 = tpu.vector_load %arg7[%get3A_129] {strides = array<i32>} : memref<12800xf32, #tpu.memory_space<vmem>>, vector<16xf32>,
        %get3A_131 = arith.index_cast %squeeze3A_124 : i32 to index
        %get3A_132 = tpu.vector_load %arg9[%get3A_131] {strides = array<i32>} : memref<80016xf32, #tpu.memory_space<vmem>>, vector<16xf32>,
        %max3A_133 = arith.maximumf %get3A_132, %get3A_130 : vector<16xf32>
        %swap3A_134 = arith.index_cast %squeeze3A_124 : i32 to index
        %swap3A_135 = tpu.vector_load %arg9[%swap3A_134] {strides = array<i32>} : memref<80016xf32, #tpu.memory_space<vmem>>, vector<16xf32>,
        tpu.vector_store %arg9[%swap3A_134], %max3A_133 {strides = array<i32>} : memref<80016xf32, #tpu.memory_space<vmem>>, vector<16xf32>,
        %slice3A_136 = vector.extract_strided_slice %mul3A_100 {offsets = [3], sizes = [1], strides = [1]} : vector<16xi32> to vector<1xi32>
        %squeeze3A_137 = vector.extract %slice3A_136[0] : i32 from vector<1xi32>
        %mul3A_138 = arith.constant 256 : i32
        %mul3A_139 = arith.muli %scan3A_86, %mul3A_138 : i32
        %add3A_140 = arith.constant 48 : i32
        %add3A_141 = arith.addi %mul3A_139, %add3A_140 : i32
        %get3A_142 = arith.index_cast %add3A_141 : i32 to index
        %get3A_143 = tpu.vector_load %arg7[%get3A_142] {strides = array<i32>} : memref<12800xf32, #tpu.memory_space<vmem>>, vector<16xf32>,
        %get3A_144 = arith.index_cast %squeeze3A_137 : i32 to index
        %get3A_145 = tpu.vector_load %arg9[%get3A_144] {strides = array<i32>} : memref<80016xf32, #tpu.memory_space<vmem>>, vector<16xf32>,
        %max3A_146 = arith.maximumf %get3A_145, %get3A_143 : vector<16xf32>
        %swap3A_147 = arith.index_cast %squeeze3A_137 : i32 to index
        %swap3A_148 = tpu.vector_load %arg9[%swap3A_147] {strides = array<i32>} : memref<80016xf32, #tpu.memory_space<vmem>>, vector<16xf32>,
        tpu.vector_store %arg9[%swap3A_147], %max3A_146 {strides = array<i32>} : memref<80016xf32, #tpu.memory_space<vmem>>, vector<16xf32>,
        %slice3A_149 = vector.extract_strided_slice %mul3A_100 {offsets = [4], sizes = [1], strides = [1]} : vector<16xi32> to vector<1xi32>
        %squeeze3A_150 = vector.extract %slice3A_149[0] : i32 from vector<1xi32>
        %mul3A_151 = arith.constant 256 : i32
        %mul3A_152 = arith.muli %scan3A_86, %mul3A_151 : i32
        %add3A_153 = arith.constant 64 : i32
        %add3A_154 = arith.addi %mul3A_152, %add3A_153 : i32
        %get3A_155 = arith.index_cast %add3A_154 : i32 to index
        %get3A_156 = tpu.vector_load %arg7[%get3A_155] {strides = array<i32>} : memref<12800xf32, #tpu.memory_space<vmem>>, vector<16xf32>,
        %get3A_157 = arith.index_cast %squeeze3A_150 : i32 to index
        %get3A_158 = tpu.vector_load %arg9[%get3A_157] {strides = array<i32>} : memref<80016xf32, #tpu.memory_space<vmem>>, vector<16xf32>,
        %max3A_159 = arith.maximumf %get3A_158, %get3A_156 : vector<16xf32>
        %swap3A_160 = arith.index_cast %squeeze3A_150 : i32 to index
        %swap3A_161 = tpu.vector_load %arg9[%swap3A_160] {strides = array<i32>} : memref<80016xf32, #tpu.memory_space<vmem>>, vector<16xf32>,
        tpu.vector_store %arg9[%swap3A_160], %max3A_159 {strides = array<i32>} : memref<80016xf32, #tpu.memory_space<vmem>>, vector<16xf32>,
        %slice3A_162 = vector.extract_strided_slice %mul3A_100 {offsets = [5], sizes = [1], strides = [1]} : vector<16xi32> to vector<1xi32>
        %squeeze3A_163 = vector.extract %slice3A_162[0] : i32 from vector<1xi32>
        %mul3A_164 = arith.constant 256 : i32
        %mul3A_165 = arith.muli %scan3A_86, %mul3A_164 : i32
        %add3A_166 = arith.constant 80 : i32
        %add3A_167 = arith.addi %mul3A_165, %add3A_166 : i32
        %get3A_168 = arith.index_cast %add3A_167 : i32 to index
        %get3A_169 = tpu.vector_load %arg7[%get3A_168] {strides = array<i32>} : memref<12800xf32, #tpu.memory_space<vmem>>, vector<16xf32>,
        %get3A_170 = arith.index_cast %squeeze3A_163 : i32 to index
        %get3A_171 = tpu.vector_load %arg9[%get3A_170] {strides = array<i32>} : memref<80016xf32, #tpu.memory_space<vmem>>, vector<16xf32>,
        %max3A_172 = arith.maximumf %get3A_171, %get3A_169 : vector<16xf32>
        %swap3A_173 = arith.index_cast %squeeze3A_163 : i32 to index
        %swap3A_174 = tpu.vector_load %arg9[%swap3A_173] {strides = array<i32>} : memref<80016xf32, #tpu.memory_space<vmem>>, vector<16xf32>,
        tpu.vector_store %arg9[%swap3A_173], %max3A_172 {strides = array<i32>} : memref<80016xf32, #tpu.memory_space<vmem>>, vector<16xf32>,
        %slice3A_175 = vector.extract_strided_slice %mul3A_100 {offsets = [6], sizes = [1], strides = [1]} : vector<16xi32> to vector<1xi32>
        %squeeze3A_176 = vector.extract %slice3A_175[0] : i32 from vector<1xi32>
        %mul3A_177 = arith.constant 256 : i32
        %mul3A_178 = arith.muli %scan3A_86, %mul3A_177 : i32
        %add3A_179 = arith.constant 96 : i32
        %add3A_180 = arith.addi %mul3A_178, %add3A_179 : i32
        %get3A_181 = arith.index_cast %add3A_180 : i32 to index
        %get3A_182 = tpu.vector_load %arg7[%get3A_181] {strides = array<i32>} : memref<12800xf32, #tpu.memory_space<vmem>>, vector<16xf32>,
        %get3A_183 = arith.index_cast %squeeze3A_176 : i32 to index
        %get3A_184 = tpu.vector_load %arg9[%get3A_183] {strides = array<i32>} : memref<80016xf32, #tpu.memory_space<vmem>>, vector<16xf32>,
        %max3A_185 = arith.maximumf %get3A_184, %get3A_182 : vector<16xf32>
        %swap3A_186 = arith.index_cast %squeeze3A_176 : i32 to index
        %swap3A_187 = tpu.vector_load %arg9[%swap3A_186] {strides = array<i32>} : memref<80016xf32, #tpu.memory_space<vmem>>, vector<16xf32>,
        tpu.vector_store %arg9[%swap3A_186], %max3A_185 {strides = array<i32>} : memref<80016xf32, #tpu.memory_space<vmem>>, vector<16xf32>,
        %slice3A_188 = vector.extract_strided_slice %mul3A_100 {offsets = [7], sizes = [1], strides = [1]} : vector<16xi32> to vector<1xi32>
        %squeeze3A_189 = vector.extract %slice3A_188[0] : i32 from vector<1xi32>
        %mul3A_190 = arith.constant 256 : i32
        %mul3A_191 = arith.muli %scan3A_86, %mul3A_190 : i32
        %add3A_192 = arith.constant 112 : i32
        %add3A_193 = arith.addi %mul3A_191, %add3A_192 : i32
        %get3A_194 = arith.index_cast %add3A_193 : i32 to index
        %get3A_195 = tpu.vector_load %arg7[%get3A_194] {strides = array<i32>} : memref<12800xf32, #tpu.memory_space<vmem>>, vector<16xf32>,
        %get3A_196 = arith.index_cast %squeeze3A_189 : i32 to index
        %get3A_197 = tpu.vector_load %arg9[%get3A_196] {strides = array<i32>} : memref<80016xf32, #tpu.memory_space<vmem>>, vector<16xf32>,
        %max3A_198 = arith.maximumf %get3A_197, %get3A_195 : vector<16xf32>
        %swap3A_199 = arith.index_cast %squeeze3A_189 : i32 to index
        %swap3A_200 = tpu.vector_load %arg9[%swap3A_199] {strides = array<i32>} : memref<80016xf32, #tpu.memory_space<vmem>>, vector<16xf32>,
        tpu.vector_store %arg9[%swap3A_199], %max3A_198 {strides = array<i32>} : memref<80016xf32, #tpu.memory_space<vmem>>, vector<16xf32>,
        %slice3A_201 = vector.extract_strided_slice %mul3A_100 {offsets = [8], sizes = [1], strides = [1]} : vector<16xi32> to vector<1xi32>
        %squeeze3A_202 = vector.extract %slice3A_201[0] : i32 from vector<1xi32>
        %mul3A_203 = arith.constant 256 : i32
        %mul3A_204 = arith.muli %scan3A_86, %mul3A_203 : i32
        %add3A_205 = arith.constant 128 : i32
        %add3A_206 = arith.addi %mul3A_204, %add3A_205 : i32
        %get3A_207 = arith.index_cast %add3A_206 : i32 to index
        %get3A_208 = tpu.vector_load %arg7[%get3A_207] {strides = array<i32>} : memref<12800xf32, #tpu.memory_space<vmem>>, vector<16xf32>,
        %get3A_209 = arith.index_cast %squeeze3A_202 : i32 to index
        %get3A_210 = tpu.vector_load %arg9[%get3A_209] {strides = array<i32>} : memref<80016xf32, #tpu.memory_space<vmem>>, vector<16xf32>,
        %max3A_211 = arith.maximumf %get3A_210, %get3A_208 : vector<16xf32>
        %swap3A_212 = arith.index_cast %squeeze3A_202 : i32 to index
        %swap3A_213 = tpu.vector_load %arg9[%swap3A_212] {strides = array<i32>} : memref<80016xf32, #tpu.memory_space<vmem>>, vector<16xf32>,
        tpu.vector_store %arg9[%swap3A_212], %max3A_211 {strides = array<i32>} : memref<80016xf32, #tpu.memory_space<vmem>>, vector<16xf32>,
        %slice3A_214 = vector.extract_strided_slice %mul3A_100 {offsets = [9], sizes = [1], strides = [1]} : vector<16xi32> to vector<1xi32>
        %squeeze3A_215 = vector.extract %slice3A_214[0] : i32 from vector<1xi32>
        %mul3A_216 = arith.constant 256 : i32
        %mul3A_217 = arith.muli %scan3A_86, %mul3A_216 : i32
        %add3A_218 = arith.constant 144 : i32
        %add3A_219 = arith.addi %mul3A_217, %add3A_218 : i32
        %get3A_220 = arith.index_cast %add3A_219 : i32 to index
        %get3A_221 = tpu.vector_load %arg7[%get3A_220] {strides = array<i32>} : memref<12800xf32, #tpu.memory_space<vmem>>, vector<16xf32>,
        %get3A_222 = arith.index_cast %squeeze3A_215 : i32 to index
        %get3A_223 = tpu.vector_load %arg9[%get3A_222] {strides = array<i32>} : memref<80016xf32, #tpu.memory_space<vmem>>, vector<16xf32>,
        %max3A_224 = arith.maximumf %get3A_223, %get3A_221 : vector<16xf32>
        %swap3A_225 = arith.index_cast %squeeze3A_215 : i32 to index
        %swap3A_226 = tpu.vector_load %arg9[%swap3A_225] {strides = array<i32>} : memref<80016xf32, #tpu.memory_space<vmem>>, vector<16xf32>,
        tpu.vector_store %arg9[%swap3A_225], %max3A_224 {strides = array<i32>} : memref<80016xf32, #tpu.memory_space<vmem>>, vector<16xf32>,
        %slice3A_227 = vector.extract_strided_slice %mul3A_100 {offsets = [10], sizes = [1], strides = [1]} : vector<16xi32> to vector<1xi32>
        %squeeze3A_228 = vector.extract %slice3A_227[0] : i32 from vector<1xi32>
        %mul3A_229 = arith.constant 256 : i32
        %mul3A_230 = arith.muli %scan3A_86, %mul3A_229 : i32
        %add3A_231 = arith.constant 160 : i32
        %add3A_232 = arith.addi %mul3A_230, %add3A_231 : i32
        %get3A_233 = arith.index_cast %add3A_232 : i32 to index
        %get3A_234 = tpu.vector_load %arg7[%get3A_233] {strides = array<i32>} : memref<12800xf32, #tpu.memory_space<vmem>>, vector<16xf32>,
        %get3A_235 = arith.index_cast %squeeze3A_228 : i32 to index
        %get3A_236 = tpu.vector_load %arg9[%get3A_235] {strides = array<i32>} : memref<80016xf32, #tpu.memory_space<vmem>>, vector<16xf32>,
        %max3A_237 = arith.maximumf %get3A_236, %get3A_234 : vector<16xf32>
        %swap3A_238 = arith.index_cast %squeeze3A_228 : i32 to index
        %swap3A_239 = tpu.vector_load %arg9[%swap3A_238] {strides = array<i32>} : memref<80016xf32, #tpu.memory_space<vmem>>, vector<16xf32>,
        tpu.vector_store %arg9[%swap3A_238], %max3A_237 {strides = array<i32>} : memref<80016xf32, #tpu.memory_space<vmem>>, vector<16xf32>,
        %slice3A_240 = vector.extract_strided_slice %mul3A_100 {offsets = [11], sizes = [1], strides = [1]} : vector<16xi32> to vector<1xi32>
        %squeeze3A_241 = vector.extract %slice3A_240[0] : i32 from vector<1xi32>
        %mul3A_242 = arith.constant 256 : i32
        %mul3A_243 = arith.muli %scan3A_86, %mul3A_242 : i32
        %add3A_244 = arith.constant 176 : i32
        %add3A_245 = arith.addi %mul3A_243, %add3A_244 : i32
        %get3A_246 = arith.index_cast %add3A_245 : i32 to index
        %get3A_247 = tpu.vector_load %arg7[%get3A_246] {strides = array<i32>} : memref<12800xf32, #tpu.memory_space<vmem>>, vector<16xf32>,
        %get3A_248 = arith.index_cast %squeeze3A_241 : i32 to index
        %get3A_249 = tpu.vector_load %arg9[%get3A_248] {strides = array<i32>} : memref<80016xf32, #tpu.memory_space<vmem>>, vector<16xf32>,
        %max3A_250 = arith.maximumf %get3A_249, %get3A_247 : vector<16xf32>
        %swap3A_251 = arith.index_cast %squeeze3A_241 : i32 to index
        %swap3A_252 = tpu.vector_load %arg9[%swap3A_251] {strides = array<i32>} : memref<80016xf32, #tpu.memory_space<vmem>>, vector<16xf32>,
        tpu.vector_store %arg9[%swap3A_251], %max3A_250 {strides = array<i32>} : memref<80016xf32, #tpu.memory_space<vmem>>, vector<16xf32>,
        %slice3A_253 = vector.extract_strided_slice %mul3A_100 {offsets = [12], sizes = [1], strides = [1]} : vector<16xi32> to vector<1xi32>
        %squeeze3A_254 = vector.extract %slice3A_253[0] : i32 from vector<1xi32>
        %mul3A_255 = arith.constant 256 : i32
        %mul3A_256 = arith.muli %scan3A_86, %mul3A_255 : i32
        %add3A_257 = arith.constant 192 : i32
        %add3A_258 = arith.addi %mul3A_256, %add3A_257 : i32
        %get3A_259 = arith.index_cast %add3A_258 : i32 to index
        %get3A_260 = tpu.vector_load %arg7[%get3A_259] {strides = array<i32>} : memref<12800xf32, #tpu.memory_space<vmem>>, vector<16xf32>,
        %get3A_261 = arith.index_cast %squeeze3A_254 : i32 to index
        %get3A_262 = tpu.vector_load %arg9[%get3A_261] {strides = array<i32>} : memref<80016xf32, #tpu.memory_space<vmem>>, vector<16xf32>,
        %max3A_263 = arith.maximumf %get3A_262, %get3A_260 : vector<16xf32>
        %swap3A_264 = arith.index_cast %squeeze3A_254 : i32 to index
        %swap3A_265 = tpu.vector_load %arg9[%swap3A_264] {strides = array<i32>} : memref<80016xf32, #tpu.memory_space<vmem>>, vector<16xf32>,
        tpu.vector_store %arg9[%swap3A_264], %max3A_263 {strides = array<i32>} : memref<80016xf32, #tpu.memory_space<vmem>>, vector<16xf32>,
        %slice3A_266 = vector.extract_strided_slice %mul3A_100 {offsets = [13], sizes = [1], strides = [1]} : vector<16xi32> to vector<1xi32>
        %squeeze3A_267 = vector.extract %slice3A_266[0] : i32 from vector<1xi32>
        %mul3A_268 = arith.constant 256 : i32
        %mul3A_269 = arith.muli %scan3A_86, %mul3A_268 : i32
        %add3A_270 = arith.constant 208 : i32
        %add3A_271 = arith.addi %mul3A_269, %add3A_270 : i32
        %get3A_272 = arith.index_cast %add3A_271 : i32 to index
        %get3A_273 = tpu.vector_load %arg7[%get3A_272] {strides = array<i32>} : memref<12800xf32, #tpu.memory_space<vmem>>, vector<16xf32>,
        %get3A_274 = arith.index_cast %squeeze3A_267 : i32 to index
        %get3A_275 = tpu.vector_load %arg9[%get3A_274] {strides = array<i32>} : memref<80016xf32, #tpu.memory_space<vmem>>, vector<16xf32>,
        %max3A_276 = arith.maximumf %get3A_275, %get3A_273 : vector<16xf32>
        %swap3A_277 = arith.index_cast %squeeze3A_267 : i32 to index
        %swap3A_278 = tpu.vector_load %arg9[%swap3A_277] {strides = array<i32>} : memref<80016xf32, #tpu.memory_space<vmem>>, vector<16xf32>,
        tpu.vector_store %arg9[%swap3A_277], %max3A_276 {strides = array<i32>} : memref<80016xf32, #tpu.memory_space<vmem>>, vector<16xf32>,
        %slice3A_279 = vector.extract_strided_slice %mul3A_100 {offsets = [14], sizes = [1], strides = [1]} : vector<16xi32> to vector<1xi32>
        %squeeze3A_280 = vector.extract %slice3A_279[0] : i32 from vector<1xi32>
        %mul3A_281 = arith.constant 256 : i32
        %mul3A_282 = arith.muli %scan3A_86, %mul3A_281 : i32
        %add3A_283 = arith.constant 224 : i32
        %add3A_284 = arith.addi %mul3A_282, %add3A_283 : i32
        %get3A_285 = arith.index_cast %add3A_284 : i32 to index
        %get3A_286 = tpu.vector_load %arg7[%get3A_285] {strides = array<i32>} : memref<12800xf32, #tpu.memory_space<vmem>>, vector<16xf32>,
        %get3A_287 = arith.index_cast %squeeze3A_280 : i32 to index
        %get3A_288 = tpu.vector_load %arg9[%get3A_287] {strides = array<i32>} : memref<80016xf32, #tpu.memory_space<vmem>>, vector<16xf32>,
        %max3A_289 = arith.maximumf %get3A_288, %get3A_286 : vector<16xf32>
        %swap3A_290 = arith.index_cast %squeeze3A_280 : i32 to index
        %swap3A_291 = tpu.vector_load %arg9[%swap3A_290] {strides = array<i32>} : memref<80016xf32, #tpu.memory_space<vmem>>, vector<16xf32>,
        tpu.vector_store %arg9[%swap3A_290], %max3A_289 {strides = array<i32>} : memref<80016xf32, #tpu.memory_space<vmem>>, vector<16xf32>,
        %slice3A_292 = vector.extract_strided_slice %mul3A_100 {offsets = [15], sizes = [1], strides = [1]} : vector<16xi32> to vector<1xi32>
        %squeeze3A_293 = vector.extract %slice3A_292[0] : i32 from vector<1xi32>
        %mul3A_294 = arith.constant 256 : i32
        %mul3A_295 = arith.muli %scan3A_86, %mul3A_294 : i32
        %add3A_296 = arith.constant 240 : i32
        %add3A_297 = arith.addi %mul3A_295, %add3A_296 : i32
        %get3A_298 = arith.index_cast %add3A_297 : i32 to index
        %get3A_299 = tpu.vector_load %arg7[%get3A_298] {strides = array<i32>} : memref<12800xf32, #tpu.memory_space<vmem>>, vector<16xf32>,
        %get3A_300 = arith.index_cast %squeeze3A_293 : i32 to index
        %get3A_301 = tpu.vector_load %arg9[%get3A_300] {strides = array<i32>} : memref<80016xf32, #tpu.memory_space<vmem>>, vector<16xf32>,
        %max3A_302 = arith.maximumf %get3A_301, %get3A_299 : vector<16xf32>
        %swap3A_303 = arith.index_cast %squeeze3A_293 : i32 to index
        %swap3A_304 = tpu.vector_load %arg9[%swap3A_303] {strides = array<i32>} : memref<80016xf32, #tpu.memory_space<vmem>>, vector<16xf32>,
        tpu.vector_store %arg9[%swap3A_303], %max3A_302 {strides = array<i32>} : memref<80016xf32, #tpu.memory_space<vmem>>, vector<16xf32>,
        %scan3A_305 = arith.constant 1 : i32
        %scan3A_306 = arith.addi %scan3A_86, %scan3A_305 : i32
        %mul3A_307 = arith.constant 16 : i32
        %mul3A_308 = arith.muli %scan3A_306, %mul3A_307 : i32
        %get3A_309 = arith.index_cast %mul3A_308 : i32 to index
        %get3A_310 = tpu.vector_load %arg5[%get3A_309] {strides = array<i32>} : memref<800xi32, #tpu.memory_space<vmem>>, vector<16xi32>,
        %sub3A_311 = arith.constant 5000 : i32
        %sub3A_312 = vector.broadcast %sub3A_311 : i32 to vector<16xi32>
        %sub3A_313 = arith.subi %get3A_310, %sub3A_312 : vector<16xi32>
        %ge3A_314 = arith.constant 0 : i32
        %ge3A_315 = vector.broadcast %ge3A_314 : i32 to vector<16xi32>
        %ge3A_316 = arith.cmpi sge, %sub3A_313, %ge3A_315 : vector<16xi32>
        %lt3A_317 = arith.constant 5000 : i32
        %lt3A_318 = vector.broadcast %lt3A_317 : i32 to vector<16xi32>
        %lt3A_319 = arith.cmpi slt, %sub3A_313, %lt3A_318 : vector<16xi32>
        %and3A_320 = arith.andi %ge3A_316, %lt3A_319 : vector<16xi1>
        %jit3A_321 = arith.constant 5000 : i32
        %broadcast_in_dim3A_322 = vector.broadcast %jit3A_321 : i32 to vector<16xi32>
        %select_n3A_323 = arith.select %and3A_320, %sub3A_313, %broadcast_in_dim3A_322 : vector<16xi1>, vector<16xi32>
        %mul3A_324 = arith.constant 16 : i32
        %mul3A_325 = vector.broadcast %mul3A_324 : i32 to vector<16xi32>
        %mul3A_326 = arith.muli %select_n3A_323, %mul3A_325 : vector<16xi32>
        %slice3A_327 = vector.extract_strided_slice %mul3A_326 {offsets = [0], sizes = [1], strides = [1]} : vector<16xi32> to vector<1xi32>
        %squeeze3A_328 = vector.extract %slice3A_327[0] : i32 from vector<1xi32>
        %mul3A_329 = arith.constant 256 : i32
        %mul3A_330 = arith.muli %scan3A_306, %mul3A_329 : i32
        %add3A_331 = arith.constant 0 : i32
        %add3A_332 = arith.addi %mul3A_330, %add3A_331 : i32
        %get3A_333 = arith.index_cast %add3A_332 : i32 to index
        %get3A_334 = tpu.vector_load %arg7[%get3A_333] {strides = array<i32>} : memref<12800xf32, #tpu.memory_space<vmem>>, vector<16xf32>,
        %get3A_335 = arith.index_cast %squeeze3A_328 : i32 to index
        %get3A_336 = tpu.vector_load %arg9[%get3A_335] {strides = array<i32>} : memref<80016xf32, #tpu.memory_space<vmem>>, vector<16xf32>,
        %max3A_337 = arith.maximumf %get3A_336, %get3A_334 : vector<16xf32>
        %swap3A_338 = arith.index_cast %squeeze3A_328 : i32 to index
        %swap3A_339 = tpu.vector_load %arg9[%swap3A_338] {strides = array<i32>} : memref<80016xf32, #tpu.memory_space<vmem>>, vector<16xf32>,
        tpu.vector_store %arg9[%swap3A_338], %max3A_337 {strides = array<i32>} : memref<80016xf32, #tpu.memory_space<vmem>>, vector<16xf32>,
        %slice3A_340 = vector.extract_strided_slice %mul3A_326 {offsets = [1], sizes = [1], strides = [1]} : vector<16xi32> to vector<1xi32>
        %squeeze3A_341 = vector.extract %slice3A_340[0] : i32 from vector<1xi32>
        %mul3A_342 = arith.constant 256 : i32
        %mul3A_343 = arith.muli %scan3A_306, %mul3A_342 : i32
        %add3A_344 = arith.constant 16 : i32
        %add3A_345 = arith.addi %mul3A_343, %add3A_344 : i32
        %get3A_346 = arith.index_cast %add3A_345 : i32 to index
        %get3A_347 = tpu.vector_load %arg7[%get3A_346] {strides = array<i32>} : memref<12800xf32, #tpu.memory_space<vmem>>, vector<16xf32>,
        %get3A_348 = arith.index_cast %squeeze3A_341 : i32 to index
        %get3A_349 = tpu.vector_load %arg9[%get3A_348] {strides = array<i32>} : memref<80016xf32, #tpu.memory_space<vmem>>, vector<16xf32>,
        %max3A_350 = arith.maximumf %get3A_349, %get3A_347 : vector<16xf32>
        %swap3A_351 = arith.index_cast %squeeze3A_341 : i32 to index
        %swap3A_352 = tpu.vector_load %arg9[%swap3A_351] {strides = array<i32>} : memref<80016xf32, #tpu.memory_space<vmem>>, vector<16xf32>,
        tpu.vector_store %arg9[%swap3A_351], %max3A_350 {strides = array<i32>} : memref<80016xf32, #tpu.memory_space<vmem>>, vector<16xf32>,
        %slice3A_353 = vector.extract_strided_slice %mul3A_326 {offsets = [2], sizes = [1], strides = [1]} : vector<16xi32> to vector<1xi32>
        %squeeze3A_354 = vector.extract %slice3A_353[0] : i32 from vector<1xi32>
        %mul3A_355 = arith.constant 256 : i32
        %mul3A_356 = arith.muli %scan3A_306, %mul3A_355 : i32
        %add3A_357 = arith.constant 32 : i32
        %add3A_358 = arith.addi %mul3A_356, %add3A_357 : i32
        %get3A_359 = arith.index_cast %add3A_358 : i32 to index
        %get3A_360 = tpu.vector_load %arg7[%get3A_359] {strides = array<i32>} : memref<12800xf32, #tpu.memory_space<vmem>>, vector<16xf32>,
        %get3A_361 = arith.index_cast %squeeze3A_354 : i32 to index
        %get3A_362 = tpu.vector_load %arg9[%get3A_361] {strides = array<i32>} : memref<80016xf32, #tpu.memory_space<vmem>>, vector<16xf32>,
        %max3A_363 = arith.maximumf %get3A_362, %get3A_360 : vector<16xf32>
        %swap3A_364 = arith.index_cast %squeeze3A_354 : i32 to index
        %swap3A_365 = tpu.vector_load %arg9[%swap3A_364] {strides = array<i32>} : memref<80016xf32, #tpu.memory_space<vmem>>, vector<16xf32>,
        tpu.vector_store %arg9[%swap3A_364], %max3A_363 {strides = array<i32>} : memref<80016xf32, #tpu.memory_space<vmem>>, vector<16xf32>,
        %slice3A_366 = vector.extract_strided_slice %mul3A_326 {offsets = [3], sizes = [1], strides = [1]} : vector<16xi32> to vector<1xi32>
        %squeeze3A_367 = vector.extract %slice3A_366[0] : i32 from vector<1xi32>
        %mul3A_368 = arith.constant 256 : i32
        %mul3A_369 = arith.muli %scan3A_306, %mul3A_368 : i32
        %add3A_370 = arith.constant 48 : i32
        %add3A_371 = arith.addi %mul3A_369, %add3A_370 : i32
        %get3A_372 = arith.index_cast %add3A_371 : i32 to index
        %get3A_373 = tpu.vector_load %arg7[%get3A_372] {strides = array<i32>} : memref<12800xf32, #tpu.memory_space<vmem>>, vector<16xf32>,
        %get3A_374 = arith.index_cast %squeeze3A_367 : i32 to index
        %get3A_375 = tpu.vector_load %arg9[%get3A_374] {strides = array<i32>} : memref<80016xf32, #tpu.memory_space<vmem>>, vector<16xf32>,
        %max3A_376 = arith.maximumf %get3A_375, %get3A_373 : vector<16xf32>
        %swap3A_377 = arith.index_cast %squeeze3A_367 : i32 to index
        %swap3A_378 = tpu.vector_load %arg9[%swap3A_377] {strides = array<i32>} : memref<80016xf32, #tpu.memory_space<vmem>>, vector<16xf32>,
        tpu.vector_store %arg9[%swap3A_377], %max3A_376 {strides = array<i32>} : memref<80016xf32, #tpu.memory_space<vmem>>, vector<16xf32>,
        %slice3A_379 = vector.extract_strided_slice %mul3A_326 {offsets = [4], sizes = [1], strides = [1]} : vector<16xi32> to vector<1xi32>
        %squeeze3A_380 = vector.extract %slice3A_379[0] : i32 from vector<1xi32>
        %mul3A_381 = arith.constant 256 : i32
        %mul3A_382 = arith.muli %scan3A_306, %mul3A_381 : i32
        %add3A_383 = arith.constant 64 : i32
        %add3A_384 = arith.addi %mul3A_382, %add3A_383 : i32
        %get3A_385 = arith.index_cast %add3A_384 : i32 to index
        %get3A_386 = tpu.vector_load %arg7[%get3A_385] {strides = array<i32>} : memref<12800xf32, #tpu.memory_space<vmem>>, vector<16xf32>,
        %get3A_387 = arith.index_cast %squeeze3A_380 : i32 to index
        %get3A_388 = tpu.vector_load %arg9[%get3A_387] {strides = array<i32>} : memref<80016xf32, #tpu.memory_space<vmem>>, vector<16xf32>,
        %max3A_389 = arith.maximumf %get3A_388, %get3A_386 : vector<16xf32>
        %swap3A_390 = arith.index_cast %squeeze3A_380 : i32 to index
        %swap3A_391 = tpu.vector_load %arg9[%swap3A_390] {strides = array<i32>} : memref<80016xf32, #tpu.memory_space<vmem>>, vector<16xf32>,
        tpu.vector_store %arg9[%swap3A_390], %max3A_389 {strides = array<i32>} : memref<80016xf32, #tpu.memory_space<vmem>>, vector<16xf32>,
        %slice3A_392 = vector.extract_strided_slice %mul3A_326 {offsets = [5], sizes = [1], strides = [1]} : vector<16xi32> to vector<1xi32>
        %squeeze3A_393 = vector.extract %slice3A_392[0] : i32 from vector<1xi32>
        %mul3A_394 = arith.constant 256 : i32
        %mul3A_395 = arith.muli %scan3A_306, %mul3A_394 : i32
        %add3A_396 = arith.constant 80 : i32
        %add3A_397 = arith.addi %mul3A_395, %add3A_396 : i32
        %get3A_398 = arith.index_cast %add3A_397 : i32 to index
        %get3A_399 = tpu.vector_load %arg7[%get3A_398] {strides = array<i32>} : memref<12800xf32, #tpu.memory_space<vmem>>, vector<16xf32>,
        %get3A_400 = arith.index_cast %squeeze3A_393 : i32 to index
        %get3A_401 = tpu.vector_load %arg9[%get3A_400] {strides = array<i32>} : memref<80016xf32, #tpu.memory_space<vmem>>, vector<16xf32>,
        %max3A_402 = arith.maximumf %get3A_401, %get3A_399 : vector<16xf32>
        %swap3A_403 = arith.index_cast %squeeze3A_393 : i32 to index
        %swap3A_404 = tpu.vector_load %arg9[%swap3A_403] {strides = array<i32>} : memref<80016xf32, #tpu.memory_space<vmem>>, vector<16xf32>,
        tpu.vector_store %arg9[%swap3A_403], %max3A_402 {strides = array<i32>} : memref<80016xf32, #tpu.memory_space<vmem>>, vector<16xf32>,
        %slice3A_405 = vector.extract_strided_slice %mul3A_326 {offsets = [6], sizes = [1], strides = [1]} : vector<16xi32> to vector<1xi32>
        %squeeze3A_406 = vector.extract %slice3A_405[0] : i32 from vector<1xi32>
        %mul3A_407 = arith.constant 256 : i32
        %mul3A_408 = arith.muli %scan3A_306, %mul3A_407 : i32
        %add3A_409 = arith.constant 96 : i32
        %add3A_410 = arith.addi %mul3A_408, %add3A_409 : i32
        %get3A_411 = arith.index_cast %add3A_410 : i32 to index
        %get3A_412 = tpu.vector_load %arg7[%get3A_411] {strides = array<i32>} : memref<12800xf32, #tpu.memory_space<vmem>>, vector<16xf32>,
        %get3A_413 = arith.index_cast %squeeze3A_406 : i32 to index
        %get3A_414 = tpu.vector_load %arg9[%get3A_413] {strides = array<i32>} : memref<80016xf32, #tpu.memory_space<vmem>>, vector<16xf32>,
        %max3A_415 = arith.maximumf %get3A_414, %get3A_412 : vector<16xf32>
        %swap3A_416 = arith.index_cast %squeeze3A_406 : i32 to index
        %swap3A_417 = tpu.vector_load %arg9[%swap3A_416] {strides = array<i32>} : memref<80016xf32, #tpu.memory_space<vmem>>, vector<16xf32>,
        tpu.vector_store %arg9[%swap3A_416], %max3A_415 {strides = array<i32>} : memref<80016xf32, #tpu.memory_space<vmem>>, vector<16xf32>,
        %slice3A_418 = vector.extract_strided_slice %mul3A_326 {offsets = [7], sizes = [1], strides = [1]} : vector<16xi32> to vector<1xi32>
        %squeeze3A_419 = vector.extract %slice3A_418[0] : i32 from vector<1xi32>
        %mul3A_420 = arith.constant 256 : i32
        %mul3A_421 = arith.muli %scan3A_306, %mul3A_420 : i32
        %add3A_422 = arith.constant 112 : i32
        %add3A_423 = arith.addi %mul3A_421, %add3A_422 : i32
        %get3A_424 = arith.index_cast %add3A_423 : i32 to index
        %get3A_425 = tpu.vector_load %arg7[%get3A_424] {strides = array<i32>} : memref<12800xf32, #tpu.memory_space<vmem>>, vector<16xf32>,
        %get3A_426 = arith.index_cast %squeeze3A_419 : i32 to index
        %get3A_427 = tpu.vector_load %arg9[%get3A_426] {strides = array<i32>} : memref<80016xf32, #tpu.memory_space<vmem>>, vector<16xf32>,
        %max3A_428 = arith.maximumf %get3A_427, %get3A_425 : vector<16xf32>
        %swap3A_429 = arith.index_cast %squeeze3A_419 : i32 to index
        %swap3A_430 = tpu.vector_load %arg9[%swap3A_429] {strides = array<i32>} : memref<80016xf32, #tpu.memory_space<vmem>>, vector<16xf32>,
        tpu.vector_store %arg9[%swap3A_429], %max3A_428 {strides = array<i32>} : memref<80016xf32, #tpu.memory_space<vmem>>, vector<16xf32>,
        %slice3A_431 = vector.extract_strided_slice %mul3A_326 {offsets = [8], sizes = [1], strides = [1]} : vector<16xi32> to vector<1xi32>
        %squeeze3A_432 = vector.extract %slice3A_431[0] : i32 from vector<1xi32>
        %mul3A_433 = arith.constant 256 : i32
        %mul3A_434 = arith.muli %scan3A_306, %mul3A_433 : i32
        %add3A_435 = arith.constant 128 : i32
        %add3A_436 = arith.addi %mul3A_434, %add3A_435 : i32
        %get3A_437 = arith.index_cast %add3A_436 : i32 to index
        %get3A_438 = tpu.vector_load %arg7[%get3A_437] {strides = array<i32>} : memref<12800xf32, #tpu.memory_space<vmem>>, vector<16xf32>,
        %get3A_439 = arith.index_cast %squeeze3A_432 : i32 to index
        %get3A_440 = tpu.vector_load %arg9[%get3A_439] {strides = array<i32>} : memref<80016xf32, #tpu.memory_space<vmem>>, vector<16xf32>,
        %max3A_441 = arith.maximumf %get3A_440, %get3A_438 : vector<16xf32>
        %swap3A_442 = arith.index_cast %squeeze3A_432 : i32 to index
        %swap3A_443 = tpu.vector_load %arg9[%swap3A_442] {strides = array<i32>} : memref<80016xf32, #tpu.memory_space<vmem>>, vector<16xf32>,
        tpu.vector_store %arg9[%swap3A_442], %max3A_441 {strides = array<i32>} : memref<80016xf32, #tpu.memory_space<vmem>>, vector<16xf32>,
        %slice3A_444 = vector.extract_strided_slice %mul3A_326 {offsets = [9], sizes = [1], strides = [1]} : vector<16xi32> to vector<1xi32>
        %squeeze3A_445 = vector.extract %slice3A_444[0] : i32 from vector<1xi32>
        %mul3A_446 = arith.constant 256 : i32
        %mul3A_447 = arith.muli %scan3A_306, %mul3A_446 : i32
        %add3A_448 = arith.constant 144 : i32
        %add3A_449 = arith.addi %mul3A_447, %add3A_448 : i32
        %get3A_450 = arith.index_cast %add3A_449 : i32 to index
        %get3A_451 = tpu.vector_load %arg7[%get3A_450] {strides = array<i32>} : memref<12800xf32, #tpu.memory_space<vmem>>, vector<16xf32>,
        %get3A_452 = arith.index_cast %squeeze3A_445 : i32 to index
        %get3A_453 = tpu.vector_load %arg9[%get3A_452] {strides = array<i32>} : memref<80016xf32, #tpu.memory_space<vmem>>, vector<16xf32>,
        %max3A_454 = arith.maximumf %get3A_453, %get3A_451 : vector<16xf32>
        %swap3A_455 = arith.index_cast %squeeze3A_445 : i32 to index
        %swap3A_456 = tpu.vector_load %arg9[%swap3A_455] {strides = array<i32>} : memref<80016xf32, #tpu.memory_space<vmem>>, vector<16xf32>,
        tpu.vector_store %arg9[%swap3A_455], %max3A_454 {strides = array<i32>} : memref<80016xf32, #tpu.memory_space<vmem>>, vector<16xf32>,
        %slice3A_457 = vector.extract_strided_slice %mul3A_326 {offsets = [10], sizes = [1], strides = [1]} : vector<16xi32> to vector<1xi32>
        %squeeze3A_458 = vector.extract %slice3A_457[0] : i32 from vector<1xi32>
        %mul3A_459 = arith.constant 256 : i32
        %mul3A_460 = arith.muli %scan3A_306, %mul3A_459 : i32
        %add3A_461 = arith.constant 160 : i32
        %add3A_462 = arith.addi %mul3A_460, %add3A_461 : i32
        %get3A_463 = arith.index_cast %add3A_462 : i32 to index
        %get3A_464 = tpu.vector_load %arg7[%get3A_463] {strides = array<i32>} : memref<12800xf32, #tpu.memory_space<vmem>>, vector<16xf32>,
        %get3A_465 = arith.index_cast %squeeze3A_458 : i32 to index
        %get3A_466 = tpu.vector_load %arg9[%get3A_465] {strides = array<i32>} : memref<80016xf32, #tpu.memory_space<vmem>>, vector<16xf32>,
        %max3A_467 = arith.maximumf %get3A_466, %get3A_464 : vector<16xf32>
        %swap3A_468 = arith.index_cast %squeeze3A_458 : i32 to index
        %swap3A_469 = tpu.vector_load %arg9[%swap3A_468] {strides = array<i32>} : memref<80016xf32, #tpu.memory_space<vmem>>, vector<16xf32>,
        tpu.vector_store %arg9[%swap3A_468], %max3A_467 {strides = array<i32>} : memref<80016xf32, #tpu.memory_space<vmem>>, vector<16xf32>,
        %slice3A_470 = vector.extract_strided_slice %mul3A_326 {offsets = [11], sizes = [1], strides = [1]} : vector<16xi32> to vector<1xi32>
        %squeeze3A_471 = vector.extract %slice3A_470[0] : i32 from vector<1xi32>
        %mul3A_472 = arith.constant 256 : i32
        %mul3A_473 = arith.muli %scan3A_306, %mul3A_472 : i32
        %add3A_474 = arith.constant 176 : i32
        %add3A_475 = arith.addi %mul3A_473, %add3A_474 : i32
        %get3A_476 = arith.index_cast %add3A_475 : i32 to index
        %get3A_477 = tpu.vector_load %arg7[%get3A_476] {strides = array<i32>} : memref<12800xf32, #tpu.memory_space<vmem>>, vector<16xf32>,
        %get3A_478 = arith.index_cast %squeeze3A_471 : i32 to index
        %get3A_479 = tpu.vector_load %arg9[%get3A_478] {strides = array<i32>} : memref<80016xf32, #tpu.memory_space<vmem>>, vector<16xf32>,
        %max3A_480 = arith.maximumf %get3A_479, %get3A_477 : vector<16xf32>
        %swap3A_481 = arith.index_cast %squeeze3A_471 : i32 to index
        %swap3A_482 = tpu.vector_load %arg9[%swap3A_481] {strides = array<i32>} : memref<80016xf32, #tpu.memory_space<vmem>>, vector<16xf32>,
        tpu.vector_store %arg9[%swap3A_481], %max3A_480 {strides = array<i32>} : memref<80016xf32, #tpu.memory_space<vmem>>, vector<16xf32>,
        %slice3A_483 = vector.extract_strided_slice %mul3A_326 {offsets = [12], sizes = [1], strides = [1]} : vector<16xi32> to vector<1xi32>
        %squeeze3A_484 = vector.extract %slice3A_483[0] : i32 from vector<1xi32>
        %mul3A_485 = arith.constant 256 : i32
        %mul3A_486 = arith.muli %scan3A_306, %mul3A_485 : i32
        %add3A_487 = arith.constant 192 : i32
        %add3A_488 = arith.addi %mul3A_486, %add3A_487 : i32
        %get3A_489 = arith.index_cast %add3A_488 : i32 to index
        %get3A_490 = tpu.vector_load %arg7[%get3A_489] {strides = array<i32>} : memref<12800xf32, #tpu.memory_space<vmem>>, vector<16xf32>,
        %get3A_491 = arith.index_cast %squeeze3A_484 : i32 to index
        %get3A_492 = tpu.vector_load %arg9[%get3A_491] {strides = array<i32>} : memref<80016xf32, #tpu.memory_space<vmem>>, vector<16xf32>,
        %max3A_493 = arith.maximumf %get3A_492, %get3A_490 : vector<16xf32>
        %swap3A_494 = arith.index_cast %squeeze3A_484 : i32 to index
        %swap3A_495 = tpu.vector_load %arg9[%swap3A_494] {strides = array<i32>} : memref<80016xf32, #tpu.memory_space<vmem>>, vector<16xf32>,
        tpu.vector_store %arg9[%swap3A_494], %max3A_493 {strides = array<i32>} : memref<80016xf32, #tpu.memory_space<vmem>>, vector<16xf32>,
        %slice3A_496 = vector.extract_strided_slice %mul3A_326 {offsets = [13], sizes = [1], strides = [1]} : vector<16xi32> to vector<1xi32>
        %squeeze3A_497 = vector.extract %slice3A_496[0] : i32 from vector<1xi32>
        %mul3A_498 = arith.constant 256 : i32
        %mul3A_499 = arith.muli %scan3A_306, %mul3A_498 : i32
        %add3A_500 = arith.constant 208 : i32
        %add3A_501 = arith.addi %mul3A_499, %add3A_500 : i32
        %get3A_502 = arith.index_cast %add3A_501 : i32 to index
        %get3A_503 = tpu.vector_load %arg7[%get3A_502] {strides = array<i32>} : memref<12800xf32, #tpu.memory_space<vmem>>, vector<16xf32>,
        %get3A_504 = arith.index_cast %squeeze3A_497 : i32 to index
        %get3A_505 = tpu.vector_load %arg9[%get3A_504] {strides = array<i32>} : memref<80016xf32, #tpu.memory_space<vmem>>, vector<16xf32>,
        %max3A_506 = arith.maximumf %get3A_505, %get3A_503 : vector<16xf32>
        %swap3A_507 = arith.index_cast %squeeze3A_497 : i32 to index
        %swap3A_508 = tpu.vector_load %arg9[%swap3A_507] {strides = array<i32>} : memref<80016xf32, #tpu.memory_space<vmem>>, vector<16xf32>,
        tpu.vector_store %arg9[%swap3A_507], %max3A_506 {strides = array<i32>} : memref<80016xf32, #tpu.memory_space<vmem>>, vector<16xf32>,
        %slice3A_509 = vector.extract_strided_slice %mul3A_326 {offsets = [14], sizes = [1], strides = [1]} : vector<16xi32> to vector<1xi32>
        %squeeze3A_510 = vector.extract %slice3A_509[0] : i32 from vector<1xi32>
        %mul3A_511 = arith.constant 256 : i32
        %mul3A_512 = arith.muli %scan3A_306, %mul3A_511 : i32
        %add3A_513 = arith.constant 224 : i32
        %add3A_514 = arith.addi %mul3A_512, %add3A_513 : i32
        %get3A_515 = arith.index_cast %add3A_514 : i32 to index
        %get3A_516 = tpu.vector_load %arg7[%get3A_515] {strides = array<i32>} : memref<12800xf32, #tpu.memory_space<vmem>>, vector<16xf32>,
        %get3A_517 = arith.index_cast %squeeze3A_510 : i32 to index
        %get3A_518 = tpu.vector_load %arg9[%get3A_517] {strides = array<i32>} : memref<80016xf32, #tpu.memory_space<vmem>>, vector<16xf32>,
        %max3A_519 = arith.maximumf %get3A_518, %get3A_516 : vector<16xf32>
        %swap3A_520 = arith.index_cast %squeeze3A_510 : i32 to index
        %swap3A_521 = tpu.vector_load %arg9[%swap3A_520] {strides = array<i32>} : memref<80016xf32, #tpu.memory_space<vmem>>, vector<16xf32>,
        tpu.vector_store %arg9[%swap3A_520], %max3A_519 {strides = array<i32>} : memref<80016xf32, #tpu.memory_space<vmem>>, vector<16xf32>,
        %slice3A_522 = vector.extract_strided_slice %mul3A_326 {offsets = [15], sizes = [1], strides = [1]} : vector<16xi32> to vector<1xi32>
        %squeeze3A_523 = vector.extract %slice3A_522[0] : i32 from vector<1xi32>
        %mul3A_524 = arith.constant 256 : i32
        %mul3A_525 = arith.muli %scan3A_306, %mul3A_524 : i32
        %add3A_526 = arith.constant 240 : i32
        %add3A_527 = arith.addi %mul3A_525, %add3A_526 : i32
        %get3A_528 = arith.index_cast %add3A_527 : i32 to index
        %get3A_529 = tpu.vector_load %arg7[%get3A_528] {strides = array<i32>} : memref<12800xf32, #tpu.memory_space<vmem>>, vector<16xf32>,
        %get3A_530 = arith.index_cast %squeeze3A_523 : i32 to index
        %get3A_531 = tpu.vector_load %arg9[%get3A_530] {strides = array<i32>} : memref<80016xf32, #tpu.memory_space<vmem>>, vector<16xf32>,
        %max3A_532 = arith.maximumf %get3A_531, %get3A_529 : vector<16xf32>
        %swap3A_533 = arith.index_cast %squeeze3A_523 : i32 to index
        %swap3A_534 = tpu.vector_load %arg9[%swap3A_533] {strides = array<i32>} : memref<80016xf32, #tpu.memory_space<vmem>>, vector<16xf32>,
        tpu.vector_store %arg9[%swap3A_533], %max3A_532 {strides = array<i32>} : memref<80016xf32, #tpu.memory_space<vmem>>, vector<16xf32>,
      }
      %scan3A_64 = arith.constant 50 : i32
      %mul3A_65 = arith.constant 2 : i32
      %mul3A_66 = arith.muli %scan3A_49, %mul3A_65 : i32
      %add3A_67 = arith.constant 1 : i32
      %add3A_68 = arith.addi %mul3A_66, %add3A_67 : i32
      %dma_wait3A_69 = tpu.memref_slice %arg3[%mul3A_4] : memref<320000xi32, #tpu.memory_space<hbm>> -> memref<800xi32, #tpu.memory_space<hbm>>
      %dma_wait3A_70 = tpu.memref_slice %arg3[%mul3A_4] : memref<320000xi32, #tpu.memory_space<hbm>> -> memref<800xi32, #tpu.memory_space<hbm>>
      tpu.wait_dma2 semaphore(%arg10 : memref<!tpu.dma_semaphore, #tpu.memory_space<semaphore_mem>>) src(%dma_wait3A_70 : memref<800xi32, #tpu.memory_space<hbm>>) dst(%arg6 : memref<800xi32, #tpu.memory_space<vmem>>)
      %dma_wait3A_71 = tpu.memref_slice %arg2[%mul3A_9] : memref<40960000xf32, #tpu.memory_space<hbm>> -> memref<12800xf32, #tpu.memory_space<hbm>>
      %dma_wait3A_72 = tpu.memref_slice %arg2[%mul3A_9] : memref<40960000xf32, #tpu.memory_space<hbm>> -> memref<12800xf32, #tpu.memory_space<hbm>>
      tpu.wait_dma2 semaphore(%arg11 : memref<!tpu.dma_semaphore, #tpu.memory_space<semaphore_mem>>) src(%dma_wait3A_72 : memref<12800xf32, #tpu.memory_space<hbm>>) dst(%arg8 : memref<12800xf32, #tpu.memory_space<vmem>>)
      %add3A_73 = arith.constant 1 : i32
      %add3A_74 = arith.addi %add3A_68, %add3A_73 : i32
      %lt3A_75 = arith.constant 100 : i32
      %lt3A_76 = arith.cmpi slt, %add3A_74, %lt3A_75 : i32
      %convert_element_type3A_77 = arith.extui %lt3A_76 : i1 to i32
      %cond3A_78 = arith.constant 0 : i32
      %cond3A_79 = arith.cmpi ne, %convert_element_type3A_77, %cond3A_78 : i32
      scf.if %cond3A_79 {
        %mul3A_86 = arith.constant 800 : i32
        %mul3A_87 = arith.muli %add3A_74, %mul3A_86 : i32
        %add3A_88 = arith.addi %mul3A_4, %mul3A_87 : i32
        %dma_start3A_89 = tpu.memref_slice %arg3[%add3A_88] : memref<320000xi32, #tpu.memory_space<hbm>> -> memref<800xi32, #tpu.memory_space<hbm>>
        %dma_start3A_90 = tpu.memref_slice %arg3[%add3A_88] : memref<320000xi32, #tpu.memory_space<hbm>> -> memref<800xi32, #tpu.memory_space<hbm>>
        tpu.enqueue_dma source(%dma_start3A_90 : memref<800xi32, #tpu.memory_space<hbm>>) target(%arg5 : memref<800xi32, #tpu.memory_space<vmem>>) target_semaphore(%arg10 : memref<!tpu.dma_semaphore, #tpu.memory_space<semaphore_mem>>)
        %mul3A_91 = arith.constant 800 : i32
        %mul3A_92 = arith.muli %add3A_74, %mul3A_91 : i32
        %mul3A_93 = arith.constant 16 : i32
        %mul3A_94 = arith.muli %mul3A_92, %mul3A_93 : i32
        %add3A_95 = arith.addi %mul3A_9, %mul3A_94 : i32
        %dma_start3A_96 = tpu.memref_slice %arg2[%add3A_95] : memref<40960000xf32, #tpu.memory_space<hbm>> -> memref<12800xf32, #tpu.memory_space<hbm>>
        %dma_start3A_97 = tpu.memref_slice %arg2[%add3A_95] : memref<40960000xf32, #tpu.memory_space<hbm>> -> memref<12800xf32, #tpu.memory_space<hbm>>
        tpu.enqueue_dma source(%dma_start3A_97 : memref<12800xf32, #tpu.memory_space<hbm>>) target(%arg7 : memref<12800xf32, #tpu.memory_space<vmem>>) target_semaphore(%arg11 : memref<!tpu.dma_semaphore, #tpu.memory_space<semaphore_mem>>)
      } else {
      }
      %scan3A_80 = arith.constant 0 : i32
      %scan3A_81 = arith.constant 0 : i32
      %scan3A_82 = arith.constant 50 : i32
      %scan3A_83 = arith.addi %scan3A_81, %scan3A_82 : i32
      %scan3A_84 = arith.constant 2 : i32
      scf.for %scan3A_86 = %scan3A_81 to %scan3A_83 step %scan3A_84  : i32 {
        %mul3A_87 = arith.constant 16 : i32
        %mul3A_88 = arith.muli %scan3A_86, %mul3A_87 : i32
        %get3A = arith.index_cast %mul3A_88 : i32 to index
        %get3A_89 = tpu.vector_load %arg6[%get3A] {strides = array<i32>} : memref<800xi32, #tpu.memory_space<vmem>>, vector<16xi32>,
        %sub3A = arith.constant 5000 : i32
        %sub3A_90 = vector.broadcast %sub3A : i32 to vector<16xi32>
        %sub3A_91 = arith.subi %get3A_89, %sub3A_90 : vector<16xi32>
        %ge3A = arith.constant 0 : i32
        %ge3A_92 = vector.broadcast %ge3A : i32 to vector<16xi32>
        %ge3A_93 = arith.cmpi sge, %sub3A_91, %ge3A_92 : vector<16xi32>
        %lt3A_94 = arith.constant 5000 : i32
        %lt3A_95 = vector.broadcast %lt3A_94 : i32 to vector<16xi32>
        %lt3A_96 = arith.cmpi slt, %sub3A_91, %lt3A_95 : vector<16xi32>
        %and3A_97 = arith.andi %ge3A_93, %lt3A_96 : vector<16xi1>
        %jit3A = arith.constant 5000 : i32
        %broadcast_in_dim3A = vector.broadcast %jit3A : i32 to vector<16xi32>
        %select_n3A = arith.select %and3A_97, %sub3A_91, %broadcast_in_dim3A : vector<16xi1>, vector<16xi32>
        %mul3A_98 = arith.constant 16 : i32
        %mul3A_99 = vector.broadcast %mul3A_98 : i32 to vector<16xi32>
        %mul3A_100 = arith.muli %select_n3A, %mul3A_99 : vector<16xi32>
        %slice3A = vector.extract_strided_slice %mul3A_100 {offsets = [0], sizes = [1], strides = [1]} : vector<16xi32> to vector<1xi32>
        %squeeze3A = vector.extract %slice3A[0] : i32 from vector<1xi32>
        %mul3A_101 = arith.constant 256 : i32
        %mul3A_102 = arith.muli %scan3A_86, %mul3A_101 : i32
        %add3A_103 = arith.constant 0 : i32
        %add3A_104 = arith.addi %mul3A_102, %add3A_103 : i32
        %get3A_105 = arith.index_cast %add3A_104 : i32 to index
        %get3A_106 = tpu.vector_load %arg8[%get3A_105] {strides = array<i32>} : memref<12800xf32, #tpu.memory_space<vmem>>, vector<16xf32>,
        %get3A_107 = arith.index_cast %squeeze3A : i32 to index
        %get3A_108 = tpu.vector_load %arg9[%get3A_107] {strides = array<i32>} : memref<80016xf32, #tpu.memory_space<vmem>>, vector<16xf32>,
        %max3A = arith.maximumf %get3A_108, %get3A_106 : vector<16xf32>
        %swap3A = arith.index_cast %squeeze3A : i32 to index
        %swap3A_109 = tpu.vector_load %arg9[%swap3A] {strides = array<i32>} : memref<80016xf32, #tpu.memory_space<vmem>>, vector<16xf32>,
        tpu.vector_store %arg9[%swap3A], %max3A {strides = array<i32>} : memref<80016xf32, #tpu.memory_space<vmem>>, vector<16xf32>,
        %slice3A_110 = vector.extract_strided_slice %mul3A_100 {offsets = [1], sizes = [1], strides = [1]} : vector<16xi32> to vector<1xi32>
        %squeeze3A_111 = vector.extract %slice3A_110[0] : i32 from vector<1xi32>
        %mul3A_112 = arith.constant 256 : i32
        %mul3A_113 = arith.muli %scan3A_86, %mul3A_112 : i32
        %add3A_114 = arith.constant 16 : i32
        %add3A_115 = arith.addi %mul3A_113, %add3A_114 : i32
        %get3A_116 = arith.index_cast %add3A_115 : i32 to index
        %get3A_117 = tpu.vector_load %arg8[%get3A_116] {strides = array<i32>} : memref<12800xf32, #tpu.memory_space<vmem>>, vector<16xf32>,
        %get3A_118 = arith.index_cast %squeeze3A_111 : i32 to index
        %get3A_119 = tpu.vector_load %arg9[%get3A_118] {strides = array<i32>} : memref<80016xf32, #tpu.memory_space<vmem>>, vector<16xf32>,
        %max3A_120 = arith.maximumf %get3A_119, %get3A_117 : vector<16xf32>
        %swap3A_121 = arith.index_cast %squeeze3A_111 : i32 to index
        %swap3A_122 = tpu.vector_load %arg9[%swap3A_121] {strides = array<i32>} : memref<80016xf32, #tpu.memory_space<vmem>>, vector<16xf32>,
        tpu.vector_store %arg9[%swap3A_121], %max3A_120 {strides = array<i32>} : memref<80016xf32, #tpu.memory_space<vmem>>, vector<16xf32>,
        %slice3A_123 = vector.extract_strided_slice %mul3A_100 {offsets = [2], sizes = [1], strides = [1]} : vector<16xi32> to vector<1xi32>
        %squeeze3A_124 = vector.extract %slice3A_123[0] : i32 from vector<1xi32>
        %mul3A_125 = arith.constant 256 : i32
        %mul3A_126 = arith.muli %scan3A_86, %mul3A_125 : i32
        %add3A_127 = arith.constant 32 : i32
        %add3A_128 = arith.addi %mul3A_126, %add3A_127 : i32
        %get3A_129 = arith.index_cast %add3A_128 : i32 to index
        %get3A_130 = tpu.vector_load %arg8[%get3A_129] {strides = array<i32>} : memref<12800xf32, #tpu.memory_space<vmem>>, vector<16xf32>,
        %get3A_131 = arith.index_cast %squeeze3A_124 : i32 to index
        %get3A_132 = tpu.vector_load %arg9[%get3A_131] {strides = array<i32>} : memref<80016xf32, #tpu.memory_space<vmem>>, vector<16xf32>,
        %max3A_133 = arith.maximumf %get3A_132, %get3A_130 : vector<16xf32>
        %swap3A_134 = arith.index_cast %squeeze3A_124 : i32 to index
        %swap3A_135 = tpu.vector_load %arg9[%swap3A_134] {strides = array<i32>} : memref<80016xf32, #tpu.memory_space<vmem>>, vector<16xf32>,
        tpu.vector_store %arg9[%swap3A_134], %max3A_133 {strides = array<i32>} : memref<80016xf32, #tpu.memory_space<vmem>>, vector<16xf32>,
        %slice3A_136 = vector.extract_strided_slice %mul3A_100 {offsets = [3], sizes = [1], strides = [1]} : vector<16xi32> to vector<1xi32>
        %squeeze3A_137 = vector.extract %slice3A_136[0] : i32 from vector<1xi32>
        %mul3A_138 = arith.constant 256 : i32
        %mul3A_139 = arith.muli %scan3A_86, %mul3A_138 : i32
        %add3A_140 = arith.constant 48 : i32
        %add3A_141 = arith.addi %mul3A_139, %add3A_140 : i32
        %get3A_142 = arith.index_cast %add3A_141 : i32 to index
        %get3A_143 = tpu.vector_load %arg8[%get3A_142] {strides = array<i32>} : memref<12800xf32, #tpu.memory_space<vmem>>, vector<16xf32>,
        %get3A_144 = arith.index_cast %squeeze3A_137 : i32 to index
        %get3A_145 = tpu.vector_load %arg9[%get3A_144] {strides = array<i32>} : memref<80016xf32, #tpu.memory_space<vmem>>, vector<16xf32>,
        %max3A_146 = arith.maximumf %get3A_145, %get3A_143 : vector<16xf32>
        %swap3A_147 = arith.index_cast %squeeze3A_137 : i32 to index
        %swap3A_148 = tpu.vector_load %arg9[%swap3A_147] {strides = array<i32>} : memref<80016xf32, #tpu.memory_space<vmem>>, vector<16xf32>,
        tpu.vector_store %arg9[%swap3A_147], %max3A_146 {strides = array<i32>} : memref<80016xf32, #tpu.memory_space<vmem>>, vector<16xf32>,
        %slice3A_149 = vector.extract_strided_slice %mul3A_100 {offsets = [4], sizes = [1], strides = [1]} : vector<16xi32> to vector<1xi32>
        %squeeze3A_150 = vector.extract %slice3A_149[0] : i32 from vector<1xi32>
        %mul3A_151 = arith.constant 256 : i32
        %mul3A_152 = arith.muli %scan3A_86, %mul3A_151 : i32
        %add3A_153 = arith.constant 64 : i32
        %add3A_154 = arith.addi %mul3A_152, %add3A_153 : i32
        %get3A_155 = arith.index_cast %add3A_154 : i32 to index
        %get3A_156 = tpu.vector_load %arg8[%get3A_155] {strides = array<i32>} : memref<12800xf32, #tpu.memory_space<vmem>>, vector<16xf32>,
        %get3A_157 = arith.index_cast %squeeze3A_150 : i32 to index
        %get3A_158 = tpu.vector_load %arg9[%get3A_157] {strides = array<i32>} : memref<80016xf32, #tpu.memory_space<vmem>>, vector<16xf32>,
        %max3A_159 = arith.maximumf %get3A_158, %get3A_156 : vector<16xf32>
        %swap3A_160 = arith.index_cast %squeeze3A_150 : i32 to index
        %swap3A_161 = tpu.vector_load %arg9[%swap3A_160] {strides = array<i32>} : memref<80016xf32, #tpu.memory_space<vmem>>, vector<16xf32>,
        tpu.vector_store %arg9[%swap3A_160], %max3A_159 {strides = array<i32>} : memref<80016xf32, #tpu.memory_space<vmem>>, vector<16xf32>,
        %slice3A_162 = vector.extract_strided_slice %mul3A_100 {offsets = [5], sizes = [1], strides = [1]} : vector<16xi32> to vector<1xi32>
        %squeeze3A_163 = vector.extract %slice3A_162[0] : i32 from vector<1xi32>
        %mul3A_164 = arith.constant 256 : i32
        %mul3A_165 = arith.muli %scan3A_86, %mul3A_164 : i32
        %add3A_166 = arith.constant 80 : i32
        %add3A_167 = arith.addi %mul3A_165, %add3A_166 : i32
        %get3A_168 = arith.index_cast %add3A_167 : i32 to index
        %get3A_169 = tpu.vector_load %arg8[%get3A_168] {strides = array<i32>} : memref<12800xf32, #tpu.memory_space<vmem>>, vector<16xf32>,
        %get3A_170 = arith.index_cast %squeeze3A_163 : i32 to index
        %get3A_171 = tpu.vector_load %arg9[%get3A_170] {strides = array<i32>} : memref<80016xf32, #tpu.memory_space<vmem>>, vector<16xf32>,
        %max3A_172 = arith.maximumf %get3A_171, %get3A_169 : vector<16xf32>
        %swap3A_173 = arith.index_cast %squeeze3A_163 : i32 to index
        %swap3A_174 = tpu.vector_load %arg9[%swap3A_173] {strides = array<i32>} : memref<80016xf32, #tpu.memory_space<vmem>>, vector<16xf32>,
        tpu.vector_store %arg9[%swap3A_173], %max3A_172 {strides = array<i32>} : memref<80016xf32, #tpu.memory_space<vmem>>, vector<16xf32>,
        %slice3A_175 = vector.extract_strided_slice %mul3A_100 {offsets = [6], sizes = [1], strides = [1]} : vector<16xi32> to vector<1xi32>
        %squeeze3A_176 = vector.extract %slice3A_175[0] : i32 from vector<1xi32>
        %mul3A_177 = arith.constant 256 : i32
        %mul3A_178 = arith.muli %scan3A_86, %mul3A_177 : i32
        %add3A_179 = arith.constant 96 : i32
        %add3A_180 = arith.addi %mul3A_178, %add3A_179 : i32
        %get3A_181 = arith.index_cast %add3A_180 : i32 to index
        %get3A_182 = tpu.vector_load %arg8[%get3A_181] {strides = array<i32>} : memref<12800xf32, #tpu.memory_space<vmem>>, vector<16xf32>,
        %get3A_183 = arith.index_cast %squeeze3A_176 : i32 to index
        %get3A_184 = tpu.vector_load %arg9[%get3A_183] {strides = array<i32>} : memref<80016xf32, #tpu.memory_space<vmem>>, vector<16xf32>,
        %max3A_185 = arith.maximumf %get3A_184, %get3A_182 : vector<16xf32>
        %swap3A_186 = arith.index_cast %squeeze3A_176 : i32 to index
        %swap3A_187 = tpu.vector_load %arg9[%swap3A_186] {strides = array<i32>} : memref<80016xf32, #tpu.memory_space<vmem>>, vector<16xf32>,
        tpu.vector_store %arg9[%swap3A_186], %max3A_185 {strides = array<i32>} : memref<80016xf32, #tpu.memory_space<vmem>>, vector<16xf32>,
        %slice3A_188 = vector.extract_strided_slice %mul3A_100 {offsets = [7], sizes = [1], strides = [1]} : vector<16xi32> to vector<1xi32>
        %squeeze3A_189 = vector.extract %slice3A_188[0] : i32 from vector<1xi32>
        %mul3A_190 = arith.constant 256 : i32
        %mul3A_191 = arith.muli %scan3A_86, %mul3A_190 : i32
        %add3A_192 = arith.constant 112 : i32
        %add3A_193 = arith.addi %mul3A_191, %add3A_192 : i32
        %get3A_194 = arith.index_cast %add3A_193 : i32 to index
        %get3A_195 = tpu.vector_load %arg8[%get3A_194] {strides = array<i32>} : memref<12800xf32, #tpu.memory_space<vmem>>, vector<16xf32>,
        %get3A_196 = arith.index_cast %squeeze3A_189 : i32 to index
        %get3A_197 = tpu.vector_load %arg9[%get3A_196] {strides = array<i32>} : memref<80016xf32, #tpu.memory_space<vmem>>, vector<16xf32>,
        %max3A_198 = arith.maximumf %get3A_197, %get3A_195 : vector<16xf32>
        %swap3A_199 = arith.index_cast %squeeze3A_189 : i32 to index
        %swap3A_200 = tpu.vector_load %arg9[%swap3A_199] {strides = array<i32>} : memref<80016xf32, #tpu.memory_space<vmem>>, vector<16xf32>,
        tpu.vector_store %arg9[%swap3A_199], %max3A_198 {strides = array<i32>} : memref<80016xf32, #tpu.memory_space<vmem>>, vector<16xf32>,
        %slice3A_201 = vector.extract_strided_slice %mul3A_100 {offsets = [8], sizes = [1], strides = [1]} : vector<16xi32> to vector<1xi32>
        %squeeze3A_202 = vector.extract %slice3A_201[0] : i32 from vector<1xi32>
        %mul3A_203 = arith.constant 256 : i32
        %mul3A_204 = arith.muli %scan3A_86, %mul3A_203 : i32
        %add3A_205 = arith.constant 128 : i32
        %add3A_206 = arith.addi %mul3A_204, %add3A_205 : i32
        %get3A_207 = arith.index_cast %add3A_206 : i32 to index
        %get3A_208 = tpu.vector_load %arg8[%get3A_207] {strides = array<i32>} : memref<12800xf32, #tpu.memory_space<vmem>>, vector<16xf32>,
        %get3A_209 = arith.index_cast %squeeze3A_202 : i32 to index
        %get3A_210 = tpu.vector_load %arg9[%get3A_209] {strides = array<i32>} : memref<80016xf32, #tpu.memory_space<vmem>>, vector<16xf32>,
        %max3A_211 = arith.maximumf %get3A_210, %get3A_208 : vector<16xf32>
        %swap3A_212 = arith.index_cast %squeeze3A_202 : i32 to index
        %swap3A_213 = tpu.vector_load %arg9[%swap3A_212] {strides = array<i32>} : memref<80016xf32, #tpu.memory_space<vmem>>, vector<16xf32>,
        tpu.vector_store %arg9[%swap3A_212], %max3A_211 {strides = array<i32>} : memref<80016xf32, #tpu.memory_space<vmem>>, vector<16xf32>,
        %slice3A_214 = vector.extract_strided_slice %mul3A_100 {offsets = [9], sizes = [1], strides = [1]} : vector<16xi32> to vector<1xi32>
        %squeeze3A_215 = vector.extract %slice3A_214[0] : i32 from vector<1xi32>
        %mul3A_216 = arith.constant 256 : i32
        %mul3A_217 = arith.muli %scan3A_86, %mul3A_216 : i32
        %add3A_218 = arith.constant 144 : i32
        %add3A_219 = arith.addi %mul3A_217, %add3A_218 : i32
        %get3A_220 = arith.index_cast %add3A_219 : i32 to index
        %get3A_221 = tpu.vector_load %arg8[%get3A_220] {strides = array<i32>} : memref<12800xf32, #tpu.memory_space<vmem>>, vector<16xf32>,
        %get3A_222 = arith.index_cast %squeeze3A_215 : i32 to index
        %get3A_223 = tpu.vector_load %arg9[%get3A_222] {strides = array<i32>} : memref<80016xf32, #tpu.memory_space<vmem>>, vector<16xf32>,
        %max3A_224 = arith.maximumf %get3A_223, %get3A_221 : vector<16xf32>
        %swap3A_225 = arith.index_cast %squeeze3A_215 : i32 to index
        %swap3A_226 = tpu.vector_load %arg9[%swap3A_225] {strides = array<i32>} : memref<80016xf32, #tpu.memory_space<vmem>>, vector<16xf32>,
        tpu.vector_store %arg9[%swap3A_225], %max3A_224 {strides = array<i32>} : memref<80016xf32, #tpu.memory_space<vmem>>, vector<16xf32>,
        %slice3A_227 = vector.extract_strided_slice %mul3A_100 {offsets = [10], sizes = [1], strides = [1]} : vector<16xi32> to vector<1xi32>
        %squeeze3A_228 = vector.extract %slice3A_227[0] : i32 from vector<1xi32>
        %mul3A_229 = arith.constant 256 : i32
        %mul3A_230 = arith.muli %scan3A_86, %mul3A_229 : i32
        %add3A_231 = arith.constant 160 : i32
        %add3A_232 = arith.addi %mul3A_230, %add3A_231 : i32
        %get3A_233 = arith.index_cast %add3A_232 : i32 to index
        %get3A_234 = tpu.vector_load %arg8[%get3A_233] {strides = array<i32>} : memref<12800xf32, #tpu.memory_space<vmem>>, vector<16xf32>,
        %get3A_235 = arith.index_cast %squeeze3A_228 : i32 to index
        %get3A_236 = tpu.vector_load %arg9[%get3A_235] {strides = array<i32>} : memref<80016xf32, #tpu.memory_space<vmem>>, vector<16xf32>,
        %max3A_237 = arith.maximumf %get3A_236, %get3A_234 : vector<16xf32>
        %swap3A_238 = arith.index_cast %squeeze3A_228 : i32 to index
        %swap3A_239 = tpu.vector_load %arg9[%swap3A_238] {strides = array<i32>} : memref<80016xf32, #tpu.memory_space<vmem>>, vector<16xf32>,
        tpu.vector_store %arg9[%swap3A_238], %max3A_237 {strides = array<i32>} : memref<80016xf32, #tpu.memory_space<vmem>>, vector<16xf32>,
        %slice3A_240 = vector.extract_strided_slice %mul3A_100 {offsets = [11], sizes = [1], strides = [1]} : vector<16xi32> to vector<1xi32>
        %squeeze3A_241 = vector.extract %slice3A_240[0] : i32 from vector<1xi32>
        %mul3A_242 = arith.constant 256 : i32
        %mul3A_243 = arith.muli %scan3A_86, %mul3A_242 : i32
        %add3A_244 = arith.constant 176 : i32
        %add3A_245 = arith.addi %mul3A_243, %add3A_244 : i32
        %get3A_246 = arith.index_cast %add3A_245 : i32 to index
        %get3A_247 = tpu.vector_load %arg8[%get3A_246] {strides = array<i32>} : memref<12800xf32, #tpu.memory_space<vmem>>, vector<16xf32>,
        %get3A_248 = arith.index_cast %squeeze3A_241 : i32 to index
        %get3A_249 = tpu.vector_load %arg9[%get3A_248] {strides = array<i32>} : memref<80016xf32, #tpu.memory_space<vmem>>, vector<16xf32>,
        %max3A_250 = arith.maximumf %get3A_249, %get3A_247 : vector<16xf32>
        %swap3A_251 = arith.index_cast %squeeze3A_241 : i32 to index
        %swap3A_252 = tpu.vector_load %arg9[%swap3A_251] {strides = array<i32>} : memref<80016xf32, #tpu.memory_space<vmem>>, vector<16xf32>,
        tpu.vector_store %arg9[%swap3A_251], %max3A_250 {strides = array<i32>} : memref<80016xf32, #tpu.memory_space<vmem>>, vector<16xf32>,
        %slice3A_253 = vector.extract_strided_slice %mul3A_100 {offsets = [12], sizes = [1], strides = [1]} : vector<16xi32> to vector<1xi32>
        %squeeze3A_254 = vector.extract %slice3A_253[0] : i32 from vector<1xi32>
        %mul3A_255 = arith.constant 256 : i32
        %mul3A_256 = arith.muli %scan3A_86, %mul3A_255 : i32
        %add3A_257 = arith.constant 192 : i32
        %add3A_258 = arith.addi %mul3A_256, %add3A_257 : i32
        %get3A_259 = arith.index_cast %add3A_258 : i32 to index
        %get3A_260 = tpu.vector_load %arg8[%get3A_259] {strides = array<i32>} : memref<12800xf32, #tpu.memory_space<vmem>>, vector<16xf32>,
        %get3A_261 = arith.index_cast %squeeze3A_254 : i32 to index
        %get3A_262 = tpu.vector_load %arg9[%get3A_261] {strides = array<i32>} : memref<80016xf32, #tpu.memory_space<vmem>>, vector<16xf32>,
        %max3A_263 = arith.maximumf %get3A_262, %get3A_260 : vector<16xf32>
        %swap3A_264 = arith.index_cast %squeeze3A_254 : i32 to index
        %swap3A_265 = tpu.vector_load %arg9[%swap3A_264] {strides = array<i32>} : memref<80016xf32, #tpu.memory_space<vmem>>, vector<16xf32>,
        tpu.vector_store %arg9[%swap3A_264], %max3A_263 {strides = array<i32>} : memref<80016xf32, #tpu.memory_space<vmem>>, vector<16xf32>,
        %slice3A_266 = vector.extract_strided_slice %mul3A_100 {offsets = [13], sizes = [1], strides = [1]} : vector<16xi32> to vector<1xi32>
        %squeeze3A_267 = vector.extract %slice3A_266[0] : i32 from vector<1xi32>
        %mul3A_268 = arith.constant 256 : i32
        %mul3A_269 = arith.muli %scan3A_86, %mul3A_268 : i32
        %add3A_270 = arith.constant 208 : i32
        %add3A_271 = arith.addi %mul3A_269, %add3A_270 : i32
        %get3A_272 = arith.index_cast %add3A_271 : i32 to index
        %get3A_273 = tpu.vector_load %arg8[%get3A_272] {strides = array<i32>} : memref<12800xf32, #tpu.memory_space<vmem>>, vector<16xf32>,
        %get3A_274 = arith.index_cast %squeeze3A_267 : i32 to index
        %get3A_275 = tpu.vector_load %arg9[%get3A_274] {strides = array<i32>} : memref<80016xf32, #tpu.memory_space<vmem>>, vector<16xf32>,
        %max3A_276 = arith.maximumf %get3A_275, %get3A_273 : vector<16xf32>
        %swap3A_277 = arith.index_cast %squeeze3A_267 : i32 to index
        %swap3A_278 = tpu.vector_load %arg9[%swap3A_277] {strides = array<i32>} : memref<80016xf32, #tpu.memory_space<vmem>>, vector<16xf32>,
        tpu.vector_store %arg9[%swap3A_277], %max3A_276 {strides = array<i32>} : memref<80016xf32, #tpu.memory_space<vmem>>, vector<16xf32>,
        %slice3A_279 = vector.extract_strided_slice %mul3A_100 {offsets = [14], sizes = [1], strides = [1]} : vector<16xi32> to vector<1xi32>
        %squeeze3A_280 = vector.extract %slice3A_279[0] : i32 from vector<1xi32>
        %mul3A_281 = arith.constant 256 : i32
        %mul3A_282 = arith.muli %scan3A_86, %mul3A_281 : i32
        %add3A_283 = arith.constant 224 : i32
        %add3A_284 = arith.addi %mul3A_282, %add3A_283 : i32
        %get3A_285 = arith.index_cast %add3A_284 : i32 to index
        %get3A_286 = tpu.vector_load %arg8[%get3A_285] {strides = array<i32>} : memref<12800xf32, #tpu.memory_space<vmem>>, vector<16xf32>,
        %get3A_287 = arith.index_cast %squeeze3A_280 : i32 to index
        %get3A_288 = tpu.vector_load %arg9[%get3A_287] {strides = array<i32>} : memref<80016xf32, #tpu.memory_space<vmem>>, vector<16xf32>,
        %max3A_289 = arith.maximumf %get3A_288, %get3A_286 : vector<16xf32>
        %swap3A_290 = arith.index_cast %squeeze3A_280 : i32 to index
        %swap3A_291 = tpu.vector_load %arg9[%swap3A_290] {strides = array<i32>} : memref<80016xf32, #tpu.memory_space<vmem>>, vector<16xf32>,
        tpu.vector_store %arg9[%swap3A_290], %max3A_289 {strides = array<i32>} : memref<80016xf32, #tpu.memory_space<vmem>>, vector<16xf32>,
        %slice3A_292 = vector.extract_strided_slice %mul3A_100 {offsets = [15], sizes = [1], strides = [1]} : vector<16xi32> to vector<1xi32>
        %squeeze3A_293 = vector.extract %slice3A_292[0] : i32 from vector<1xi32>
        %mul3A_294 = arith.constant 256 : i32
        %mul3A_295 = arith.muli %scan3A_86, %mul3A_294 : i32
        %add3A_296 = arith.constant 240 : i32
        %add3A_297 = arith.addi %mul3A_295, %add3A_296 : i32
        %get3A_298 = arith.index_cast %add3A_297 : i32 to index
        %get3A_299 = tpu.vector_load %arg8[%get3A_298] {strides = array<i32>} : memref<12800xf32, #tpu.memory_space<vmem>>, vector<16xf32>,
        %get3A_300 = arith.index_cast %squeeze3A_293 : i32 to index
        %get3A_301 = tpu.vector_load %arg9[%get3A_300] {strides = array<i32>} : memref<80016xf32, #tpu.memory_space<vmem>>, vector<16xf32>,
        %max3A_302 = arith.maximumf %get3A_301, %get3A_299 : vector<16xf32>
        %swap3A_303 = arith.index_cast %squeeze3A_293 : i32 to index
        %swap3A_304 = tpu.vector_load %arg9[%swap3A_303] {strides = array<i32>} : memref<80016xf32, #tpu.memory_space<vmem>>, vector<16xf32>,
        tpu.vector_store %arg9[%swap3A_303], %max3A_302 {strides = array<i32>} : memref<80016xf32, #tpu.memory_space<vmem>>, vector<16xf32>,
        %scan3A_305 = arith.constant 1 : i32
        %scan3A_306 = arith.addi %scan3A_86, %scan3A_305 : i32
        %mul3A_307 = arith.constant 16 : i32
        %mul3A_308 = arith.muli %scan3A_306, %mul3A_307 : i32
        %get3A_309 = arith.index_cast %mul3A_308 : i32 to index
        %get3A_310 = tpu.vector_load %arg6[%get3A_309] {strides = array<i32>} : memref<800xi32, #tpu.memory_space<vmem>>, vector<16xi32>,
        %sub3A_311 = arith.constant 5000 : i32
        %sub3A_312 = vector.broadcast %sub3A_311 : i32 to vector<16xi32>
        %sub3A_313 = arith.subi %get3A_310, %sub3A_312 : vector<16xi32>
        %ge3A_314 = arith.constant 0 : i32
        %ge3A_315 = vector.broadcast %ge3A_314 : i32 to vector<16xi32>
        %ge3A_316 = arith.cmpi sge, %sub3A_313, %ge3A_315 : vector<16xi32>
        %lt3A_317 = arith.constant 5000 : i32
        %lt3A_318 = vector.broadcast %lt3A_317 : i32 to vector<16xi32>
        %lt3A_319 = arith.cmpi slt, %sub3A_313, %lt3A_318 : vector<16xi32>
        %and3A_320 = arith.andi %ge3A_316, %lt3A_319 : vector<16xi1>
        %jit3A_321 = arith.constant 5000 : i32
        %broadcast_in_dim3A_322 = vector.broadcast %jit3A_321 : i32 to vector<16xi32>
        %select_n3A_323 = arith.select %and3A_320, %sub3A_313, %broadcast_in_dim3A_322 : vector<16xi1>, vector<16xi32>
        %mul3A_324 = arith.constant 16 : i32
        %mul3A_325 = vector.broadcast %mul3A_324 : i32 to vector<16xi32>
        %mul3A_326 = arith.muli %select_n3A_323, %mul3A_325 : vector<16xi32>
        %slice3A_327 = vector.extract_strided_slice %mul3A_326 {offsets = [0], sizes = [1], strides = [1]} : vector<16xi32> to vector<1xi32>
        %squeeze3A_328 = vector.extract %slice3A_327[0] : i32 from vector<1xi32>
        %mul3A_329 = arith.constant 256 : i32
        %mul3A_330 = arith.muli %scan3A_306, %mul3A_329 : i32
        %add3A_331 = arith.constant 0 : i32
        %add3A_332 = arith.addi %mul3A_330, %add3A_331 : i32
        %get3A_333 = arith.index_cast %add3A_332 : i32 to index
        %get3A_334 = tpu.vector_load %arg8[%get3A_333] {strides = array<i32>} : memref<12800xf32, #tpu.memory_space<vmem>>, vector<16xf32>,
        %get3A_335 = arith.index_cast %squeeze3A_328 : i32 to index
        %get3A_336 = tpu.vector_load %arg9[%get3A_335] {strides = array<i32>} : memref<80016xf32, #tpu.memory_space<vmem>>, vector<16xf32>,
        %max3A_337 = arith.maximumf %get3A_336, %get3A_334 : vector<16xf32>
        %swap3A_338 = arith.index_cast %squeeze3A_328 : i32 to index
        %swap3A_339 = tpu.vector_load %arg9[%swap3A_338] {strides = array<i32>} : memref<80016xf32, #tpu.memory_space<vmem>>, vector<16xf32>,
        tpu.vector_store %arg9[%swap3A_338], %max3A_337 {strides = array<i32>} : memref<80016xf32, #tpu.memory_space<vmem>>, vector<16xf32>,
        %slice3A_340 = vector.extract_strided_slice %mul3A_326 {offsets = [1], sizes = [1], strides = [1]} : vector<16xi32> to vector<1xi32>
        %squeeze3A_341 = vector.extract %slice3A_340[0] : i32 from vector<1xi32>
        %mul3A_342 = arith.constant 256 : i32
        %mul3A_343 = arith.muli %scan3A_306, %mul3A_342 : i32
        %add3A_344 = arith.constant 16 : i32
        %add3A_345 = arith.addi %mul3A_343, %add3A_344 : i32
        %get3A_346 = arith.index_cast %add3A_345 : i32 to index
        %get3A_347 = tpu.vector_load %arg8[%get3A_346] {strides = array<i32>} : memref<12800xf32, #tpu.memory_space<vmem>>, vector<16xf32>,
        %get3A_348 = arith.index_cast %squeeze3A_341 : i32 to index
        %get3A_349 = tpu.vector_load %arg9[%get3A_348] {strides = array<i32>} : memref<80016xf32, #tpu.memory_space<vmem>>, vector<16xf32>,
        %max3A_350 = arith.maximumf %get3A_349, %get3A_347 : vector<16xf32>
        %swap3A_351 = arith.index_cast %squeeze3A_341 : i32 to index
        %swap3A_352 = tpu.vector_load %arg9[%swap3A_351] {strides = array<i32>} : memref<80016xf32, #tpu.memory_space<vmem>>, vector<16xf32>,
        tpu.vector_store %arg9[%swap3A_351], %max3A_350 {strides = array<i32>} : memref<80016xf32, #tpu.memory_space<vmem>>, vector<16xf32>,
        %slice3A_353 = vector.extract_strided_slice %mul3A_326 {offsets = [2], sizes = [1], strides = [1]} : vector<16xi32> to vector<1xi32>
        %squeeze3A_354 = vector.extract %slice3A_353[0] : i32 from vector<1xi32>
        %mul3A_355 = arith.constant 256 : i32
        %mul3A_356 = arith.muli %scan3A_306, %mul3A_355 : i32
        %add3A_357 = arith.constant 32 : i32
        %add3A_358 = arith.addi %mul3A_356, %add3A_357 : i32
        %get3A_359 = arith.index_cast %add3A_358 : i32 to index
        %get3A_360 = tpu.vector_load %arg8[%get3A_359] {strides = array<i32>} : memref<12800xf32, #tpu.memory_space<vmem>>, vector<16xf32>,
        %get3A_361 = arith.index_cast %squeeze3A_354 : i32 to index
        %get3A_362 = tpu.vector_load %arg9[%get3A_361] {strides = array<i32>} : memref<80016xf32, #tpu.memory_space<vmem>>, vector<16xf32>,
        %max3A_363 = arith.maximumf %get3A_362, %get3A_360 : vector<16xf32>
        %swap3A_364 = arith.index_cast %squeeze3A_354 : i32 to index
        %swap3A_365 = tpu.vector_load %arg9[%swap3A_364] {strides = array<i32>} : memref<80016xf32, #tpu.memory_space<vmem>>, vector<16xf32>,
        tpu.vector_store %arg9[%swap3A_364], %max3A_363 {strides = array<i32>} : memref<80016xf32, #tpu.memory_space<vmem>>, vector<16xf32>,
        %slice3A_366 = vector.extract_strided_slice %mul3A_326 {offsets = [3], sizes = [1], strides = [1]} : vector<16xi32> to vector<1xi32>
        %squeeze3A_367 = vector.extract %slice3A_366[0] : i32 from vector<1xi32>
        %mul3A_368 = arith.constant 256 : i32
        %mul3A_369 = arith.muli %scan3A_306, %mul3A_368 : i32
        %add3A_370 = arith.constant 48 : i32
        %add3A_371 = arith.addi %mul3A_369, %add3A_370 : i32
        %get3A_372 = arith.index_cast %add3A_371 : i32 to index
        %get3A_373 = tpu.vector_load %arg8[%get3A_372] {strides = array<i32>} : memref<12800xf32, #tpu.memory_space<vmem>>, vector<16xf32>,
        %get3A_374 = arith.index_cast %squeeze3A_367 : i32 to index
        %get3A_375 = tpu.vector_load %arg9[%get3A_374] {strides = array<i32>} : memref<80016xf32, #tpu.memory_space<vmem>>, vector<16xf32>,
        %max3A_376 = arith.maximumf %get3A_375, %get3A_373 : vector<16xf32>
        %swap3A_377 = arith.index_cast %squeeze3A_367 : i32 to index
        %swap3A_378 = tpu.vector_load %arg9[%swap3A_377] {strides = array<i32>} : memref<80016xf32, #tpu.memory_space<vmem>>, vector<16xf32>,
        tpu.vector_store %arg9[%swap3A_377], %max3A_376 {strides = array<i32>} : memref<80016xf32, #tpu.memory_space<vmem>>, vector<16xf32>,
        %slice3A_379 = vector.extract_strided_slice %mul3A_326 {offsets = [4], sizes = [1], strides = [1]} : vector<16xi32> to vector<1xi32>
        %squeeze3A_380 = vector.extract %slice3A_379[0] : i32 from vector<1xi32>
        %mul3A_381 = arith.constant 256 : i32
        %mul3A_382 = arith.muli %scan3A_306, %mul3A_381 : i32
        %add3A_383 = arith.constant 64 : i32
        %add3A_384 = arith.addi %mul3A_382, %add3A_383 : i32
        %get3A_385 = arith.index_cast %add3A_384 : i32 to index
        %get3A_386 = tpu.vector_load %arg8[%get3A_385] {strides = array<i32>} : memref<12800xf32, #tpu.memory_space<vmem>>, vector<16xf32>,
        %get3A_387 = arith.index_cast %squeeze3A_380 : i32 to index
        %get3A_388 = tpu.vector_load %arg9[%get3A_387] {strides = array<i32>} : memref<80016xf32, #tpu.memory_space<vmem>>, vector<16xf32>,
        %max3A_389 = arith.maximumf %get3A_388, %get3A_386 : vector<16xf32>
        %swap3A_390 = arith.index_cast %squeeze3A_380 : i32 to index
        %swap3A_391 = tpu.vector_load %arg9[%swap3A_390] {strides = array<i32>} : memref<80016xf32, #tpu.memory_space<vmem>>, vector<16xf32>,
        tpu.vector_store %arg9[%swap3A_390], %max3A_389 {strides = array<i32>} : memref<80016xf32, #tpu.memory_space<vmem>>, vector<16xf32>,
        %slice3A_392 = vector.extract_strided_slice %mul3A_326 {offsets = [5], sizes = [1], strides = [1]} : vector<16xi32> to vector<1xi32>
        %squeeze3A_393 = vector.extract %slice3A_392[0] : i32 from vector<1xi32>
        %mul3A_394 = arith.constant 256 : i32
        %mul3A_395 = arith.muli %scan3A_306, %mul3A_394 : i32
        %add3A_396 = arith.constant 80 : i32
        %add3A_397 = arith.addi %mul3A_395, %add3A_396 : i32
        %get3A_398 = arith.index_cast %add3A_397 : i32 to index
        %get3A_399 = tpu.vector_load %arg8[%get3A_398] {strides = array<i32>} : memref<12800xf32, #tpu.memory_space<vmem>>, vector<16xf32>,
        %get3A_400 = arith.index_cast %squeeze3A_393 : i32 to index
        %get3A_401 = tpu.vector_load %arg9[%get3A_400] {strides = array<i32>} : memref<80016xf32, #tpu.memory_space<vmem>>, vector<16xf32>,
        %max3A_402 = arith.maximumf %get3A_401, %get3A_399 : vector<16xf32>
        %swap3A_403 = arith.index_cast %squeeze3A_393 : i32 to index
        %swap3A_404 = tpu.vector_load %arg9[%swap3A_403] {strides = array<i32>} : memref<80016xf32, #tpu.memory_space<vmem>>, vector<16xf32>,
        tpu.vector_store %arg9[%swap3A_403], %max3A_402 {strides = array<i32>} : memref<80016xf32, #tpu.memory_space<vmem>>, vector<16xf32>,
        %slice3A_405 = vector.extract_strided_slice %mul3A_326 {offsets = [6], sizes = [1], strides = [1]} : vector<16xi32> to vector<1xi32>
        %squeeze3A_406 = vector.extract %slice3A_405[0] : i32 from vector<1xi32>
        %mul3A_407 = arith.constant 256 : i32
        %mul3A_408 = arith.muli %scan3A_306, %mul3A_407 : i32
        %add3A_409 = arith.constant 96 : i32
        %add3A_410 = arith.addi %mul3A_408, %add3A_409 : i32
        %get3A_411 = arith.index_cast %add3A_410 : i32 to index
        %get3A_412 = tpu.vector_load %arg8[%get3A_411] {strides = array<i32>} : memref<12800xf32, #tpu.memory_space<vmem>>, vector<16xf32>,
        %get3A_413 = arith.index_cast %squeeze3A_406 : i32 to index
        %get3A_414 = tpu.vector_load %arg9[%get3A_413] {strides = array<i32>} : memref<80016xf32, #tpu.memory_space<vmem>>, vector<16xf32>,
        %max3A_415 = arith.maximumf %get3A_414, %get3A_412 : vector<16xf32>
        %swap3A_416 = arith.index_cast %squeeze3A_406 : i32 to index
        %swap3A_417 = tpu.vector_load %arg9[%swap3A_416] {strides = array<i32>} : memref<80016xf32, #tpu.memory_space<vmem>>, vector<16xf32>,
        tpu.vector_store %arg9[%swap3A_416], %max3A_415 {strides = array<i32>} : memref<80016xf32, #tpu.memory_space<vmem>>, vector<16xf32>,
        %slice3A_418 = vector.extract_strided_slice %mul3A_326 {offsets = [7], sizes = [1], strides = [1]} : vector<16xi32> to vector<1xi32>
        %squeeze3A_419 = vector.extract %slice3A_418[0] : i32 from vector<1xi32>
        %mul3A_420 = arith.constant 256 : i32
        %mul3A_421 = arith.muli %scan3A_306, %mul3A_420 : i32
        %add3A_422 = arith.constant 112 : i32
        %add3A_423 = arith.addi %mul3A_421, %add3A_422 : i32
        %get3A_424 = arith.index_cast %add3A_423 : i32 to index
        %get3A_425 = tpu.vector_load %arg8[%get3A_424] {strides = array<i32>} : memref<12800xf32, #tpu.memory_space<vmem>>, vector<16xf32>,
        %get3A_426 = arith.index_cast %squeeze3A_419 : i32 to index
        %get3A_427 = tpu.vector_load %arg9[%get3A_426] {strides = array<i32>} : memref<80016xf32, #tpu.memory_space<vmem>>, vector<16xf32>,
        %max3A_428 = arith.maximumf %get3A_427, %get3A_425 : vector<16xf32>
        %swap3A_429 = arith.index_cast %squeeze3A_419 : i32 to index
        %swap3A_430 = tpu.vector_load %arg9[%swap3A_429] {strides = array<i32>} : memref<80016xf32, #tpu.memory_space<vmem>>, vector<16xf32>,
        tpu.vector_store %arg9[%swap3A_429], %max3A_428 {strides = array<i32>} : memref<80016xf32, #tpu.memory_space<vmem>>, vector<16xf32>,
        %slice3A_431 = vector.extract_strided_slice %mul3A_326 {offsets = [8], sizes = [1], strides = [1]} : vector<16xi32> to vector<1xi32>
        %squeeze3A_432 = vector.extract %slice3A_431[0] : i32 from vector<1xi32>
        %mul3A_433 = arith.constant 256 : i32
        %mul3A_434 = arith.muli %scan3A_306, %mul3A_433 : i32
        %add3A_435 = arith.constant 128 : i32
        %add3A_436 = arith.addi %mul3A_434, %add3A_435 : i32
        %get3A_437 = arith.index_cast %add3A_436 : i32 to index
        %get3A_438 = tpu.vector_load %arg8[%get3A_437] {strides = array<i32>} : memref<12800xf32, #tpu.memory_space<vmem>>, vector<16xf32>,
        %get3A_439 = arith.index_cast %squeeze3A_432 : i32 to index
        %get3A_440 = tpu.vector_load %arg9[%get3A_439] {strides = array<i32>} : memref<80016xf32, #tpu.memory_space<vmem>>, vector<16xf32>,
        %max3A_441 = arith.maximumf %get3A_440, %get3A_438 : vector<16xf32>
        %swap3A_442 = arith.index_cast %squeeze3A_432 : i32 to index
        %swap3A_443 = tpu.vector_load %arg9[%swap3A_442] {strides = array<i32>} : memref<80016xf32, #tpu.memory_space<vmem>>, vector<16xf32>,
        tpu.vector_store %arg9[%swap3A_442], %max3A_441 {strides = array<i32>} : memref<80016xf32, #tpu.memory_space<vmem>>, vector<16xf32>,
        %slice3A_444 = vector.extract_strided_slice %mul3A_326 {offsets = [9], sizes = [1], strides = [1]} : vector<16xi32> to vector<1xi32>
        %squeeze3A_445 = vector.extract %slice3A_444[0] : i32 from vector<1xi32>
        %mul3A_446 = arith.constant 256 : i32
        %mul3A_447 = arith.muli %scan3A_306, %mul3A_446 : i32
        %add3A_448 = arith.constant 144 : i32
        %add3A_449 = arith.addi %mul3A_447, %add3A_448 : i32
        %get3A_450 = arith.index_cast %add3A_449 : i32 to index
        %get3A_451 = tpu.vector_load %arg8[%get3A_450] {strides = array<i32>} : memref<12800xf32, #tpu.memory_space<vmem>>, vector<16xf32>,
        %get3A_452 = arith.index_cast %squeeze3A_445 : i32 to index
        %get3A_453 = tpu.vector_load %arg9[%get3A_452] {strides = array<i32>} : memref<80016xf32, #tpu.memory_space<vmem>>, vector<16xf32>,
        %max3A_454 = arith.maximumf %get3A_453, %get3A_451 : vector<16xf32>
        %swap3A_455 = arith.index_cast %squeeze3A_445 : i32 to index
        %swap3A_456 = tpu.vector_load %arg9[%swap3A_455] {strides = array<i32>} : memref<80016xf32, #tpu.memory_space<vmem>>, vector<16xf32>,
        tpu.vector_store %arg9[%swap3A_455], %max3A_454 {strides = array<i32>} : memref<80016xf32, #tpu.memory_space<vmem>>, vector<16xf32>,
        %slice3A_457 = vector.extract_strided_slice %mul3A_326 {offsets = [10], sizes = [1], strides = [1]} : vector<16xi32> to vector<1xi32>
        %squeeze3A_458 = vector.extract %slice3A_457[0] : i32 from vector<1xi32>
        %mul3A_459 = arith.constant 256 : i32
        %mul3A_460 = arith.muli %scan3A_306, %mul3A_459 : i32
        %add3A_461 = arith.constant 160 : i32
        %add3A_462 = arith.addi %mul3A_460, %add3A_461 : i32
        %get3A_463 = arith.index_cast %add3A_462 : i32 to index
        %get3A_464 = tpu.vector_load %arg8[%get3A_463] {strides = array<i32>} : memref<12800xf32, #tpu.memory_space<vmem>>, vector<16xf32>,
        %get3A_465 = arith.index_cast %squeeze3A_458 : i32 to index
        %get3A_466 = tpu.vector_load %arg9[%get3A_465] {strides = array<i32>} : memref<80016xf32, #tpu.memory_space<vmem>>, vector<16xf32>,
        %max3A_467 = arith.maximumf %get3A_466, %get3A_464 : vector<16xf32>
        %swap3A_468 = arith.index_cast %squeeze3A_458 : i32 to index
        %swap3A_469 = tpu.vector_load %arg9[%swap3A_468] {strides = array<i32>} : memref<80016xf32, #tpu.memory_space<vmem>>, vector<16xf32>,
        tpu.vector_store %arg9[%swap3A_468], %max3A_467 {strides = array<i32>} : memref<80016xf32, #tpu.memory_space<vmem>>, vector<16xf32>,
        %slice3A_470 = vector.extract_strided_slice %mul3A_326 {offsets = [11], sizes = [1], strides = [1]} : vector<16xi32> to vector<1xi32>
        %squeeze3A_471 = vector.extract %slice3A_470[0] : i32 from vector<1xi32>
        %mul3A_472 = arith.constant 256 : i32
        %mul3A_473 = arith.muli %scan3A_306, %mul3A_472 : i32
        %add3A_474 = arith.constant 176 : i32
        %add3A_475 = arith.addi %mul3A_473, %add3A_474 : i32
        %get3A_476 = arith.index_cast %add3A_475 : i32 to index
        %get3A_477 = tpu.vector_load %arg8[%get3A_476] {strides = array<i32>} : memref<12800xf32, #tpu.memory_space<vmem>>, vector<16xf32>,
        %get3A_478 = arith.index_cast %squeeze3A_471 : i32 to index
        %get3A_479 = tpu.vector_load %arg9[%get3A_478] {strides = array<i32>} : memref<80016xf32, #tpu.memory_space<vmem>>, vector<16xf32>,
        %max3A_480 = arith.maximumf %get3A_479, %get3A_477 : vector<16xf32>
        %swap3A_481 = arith.index_cast %squeeze3A_471 : i32 to index
        %swap3A_482 = tpu.vector_load %arg9[%swap3A_481] {strides = array<i32>} : memref<80016xf32, #tpu.memory_space<vmem>>, vector<16xf32>,
        tpu.vector_store %arg9[%swap3A_481], %max3A_480 {strides = array<i32>} : memref<80016xf32, #tpu.memory_space<vmem>>, vector<16xf32>,
        %slice3A_483 = vector.extract_strided_slice %mul3A_326 {offsets = [12], sizes = [1], strides = [1]} : vector<16xi32> to vector<1xi32>
        %squeeze3A_484 = vector.extract %slice3A_483[0] : i32 from vector<1xi32>
        %mul3A_485 = arith.constant 256 : i32
        %mul3A_486 = arith.muli %scan3A_306, %mul3A_485 : i32
        %add3A_487 = arith.constant 192 : i32
        %add3A_488 = arith.addi %mul3A_486, %add3A_487 : i32
        %get3A_489 = arith.index_cast %add3A_488 : i32 to index
        %get3A_490 = tpu.vector_load %arg8[%get3A_489] {strides = array<i32>} : memref<12800xf32, #tpu.memory_space<vmem>>, vector<16xf32>,
        %get3A_491 = arith.index_cast %squeeze3A_484 : i32 to index
        %get3A_492 = tpu.vector_load %arg9[%get3A_491] {strides = array<i32>} : memref<80016xf32, #tpu.memory_space<vmem>>, vector<16xf32>,
        %max3A_493 = arith.maximumf %get3A_492, %get3A_490 : vector<16xf32>
        %swap3A_494 = arith.index_cast %squeeze3A_484 : i32 to index
        %swap3A_495 = tpu.vector_load %arg9[%swap3A_494] {strides = array<i32>} : memref<80016xf32, #tpu.memory_space<vmem>>, vector<16xf32>,
        tpu.vector_store %arg9[%swap3A_494], %max3A_493 {strides = array<i32>} : memref<80016xf32, #tpu.memory_space<vmem>>, vector<16xf32>,
        %slice3A_496 = vector.extract_strided_slice %mul3A_326 {offsets = [13], sizes = [1], strides = [1]} : vector<16xi32> to vector<1xi32>
        %squeeze3A_497 = vector.extract %slice3A_496[0] : i32 from vector<1xi32>
        %mul3A_498 = arith.constant 256 : i32
        %mul3A_499 = arith.muli %scan3A_306, %mul3A_498 : i32
        %add3A_500 = arith.constant 208 : i32
        %add3A_501 = arith.addi %mul3A_499, %add3A_500 : i32
        %get3A_502 = arith.index_cast %add3A_501 : i32 to index
        %get3A_503 = tpu.vector_load %arg8[%get3A_502] {strides = array<i32>} : memref<12800xf32, #tpu.memory_space<vmem>>, vector<16xf32>,
        %get3A_504 = arith.index_cast %squeeze3A_497 : i32 to index
        %get3A_505 = tpu.vector_load %arg9[%get3A_504] {strides = array<i32>} : memref<80016xf32, #tpu.memory_space<vmem>>, vector<16xf32>,
        %max3A_506 = arith.maximumf %get3A_505, %get3A_503 : vector<16xf32>
        %swap3A_507 = arith.index_cast %squeeze3A_497 : i32 to index
        %swap3A_508 = tpu.vector_load %arg9[%swap3A_507] {strides = array<i32>} : memref<80016xf32, #tpu.memory_space<vmem>>, vector<16xf32>,
        tpu.vector_store %arg9[%swap3A_507], %max3A_506 {strides = array<i32>} : memref<80016xf32, #tpu.memory_space<vmem>>, vector<16xf32>,
        %slice3A_509 = vector.extract_strided_slice %mul3A_326 {offsets = [14], sizes = [1], strides = [1]} : vector<16xi32> to vector<1xi32>
        %squeeze3A_510 = vector.extract %slice3A_509[0] : i32 from vector<1xi32>
        %mul3A_511 = arith.constant 256 : i32
        %mul3A_512 = arith.muli %scan3A_306, %mul3A_511 : i32
        %add3A_513 = arith.constant 224 : i32
        %add3A_514 = arith.addi %mul3A_512, %add3A_513 : i32
        %get3A_515 = arith.index_cast %add3A_514 : i32 to index
        %get3A_516 = tpu.vector_load %arg8[%get3A_515] {strides = array<i32>} : memref<12800xf32, #tpu.memory_space<vmem>>, vector<16xf32>,
        %get3A_517 = arith.index_cast %squeeze3A_510 : i32 to index
        %get3A_518 = tpu.vector_load %arg9[%get3A_517] {strides = array<i32>} : memref<80016xf32, #tpu.memory_space<vmem>>, vector<16xf32>,
        %max3A_519 = arith.maximumf %get3A_518, %get3A_516 : vector<16xf32>
        %swap3A_520 = arith.index_cast %squeeze3A_510 : i32 to index
        %swap3A_521 = tpu.vector_load %arg9[%swap3A_520] {strides = array<i32>} : memref<80016xf32, #tpu.memory_space<vmem>>, vector<16xf32>,
        tpu.vector_store %arg9[%swap3A_520], %max3A_519 {strides = array<i32>} : memref<80016xf32, #tpu.memory_space<vmem>>, vector<16xf32>,
        %slice3A_522 = vector.extract_strided_slice %mul3A_326 {offsets = [15], sizes = [1], strides = [1]} : vector<16xi32> to vector<1xi32>
        %squeeze3A_523 = vector.extract %slice3A_522[0] : i32 from vector<1xi32>
        %mul3A_524 = arith.constant 256 : i32
        %mul3A_525 = arith.muli %scan3A_306, %mul3A_524 : i32
        %add3A_526 = arith.constant 240 : i32
        %add3A_527 = arith.addi %mul3A_525, %add3A_526 : i32
        %get3A_528 = arith.index_cast %add3A_527 : i32 to index
        %get3A_529 = tpu.vector_load %arg8[%get3A_528] {strides = array<i32>} : memref<12800xf32, #tpu.memory_space<vmem>>, vector<16xf32>,
        %get3A_530 = arith.index_cast %squeeze3A_523 : i32 to index
        %get3A_531 = tpu.vector_load %arg9[%get3A_530] {strides = array<i32>} : memref<80016xf32, #tpu.memory_space<vmem>>, vector<16xf32>,
        %max3A_532 = arith.maximumf %get3A_531, %get3A_529 : vector<16xf32>
        %swap3A_533 = arith.index_cast %squeeze3A_523 : i32 to index
        %swap3A_534 = tpu.vector_load %arg9[%swap3A_533] {strides = array<i32>} : memref<80016xf32, #tpu.memory_space<vmem>>, vector<16xf32>,
        tpu.vector_store %arg9[%swap3A_533], %max3A_532 {strides = array<i32>} : memref<80016xf32, #tpu.memory_space<vmem>>, vector<16xf32>,
      }
      %scan3A_85 = arith.constant 50 : i32
    }
    %scan3A_46 = arith.constant 50 : i32
    %add3A_47 = arith.constant 80000 : i32
    %add3A_48 = arith.addi %mul3A_14, %add3A_47 : i32
    "tpu.region"() ({
      %run_scoped3A = tpu.sem_alloc : memref<!tpu.dma_semaphore, #tpu.memory_space<semaphore_mem>>
      %dma_start3A_49 = arith.constant 0 : i32
      %dma_start3A_50 = tpu.memref_slice %arg9[%dma_start3A_49] : memref<80016xf32, #tpu.memory_space<vmem>> -> memref<80000xf32, #tpu.memory_space<vmem>>
      %dma_start3A_51 = tpu.memref_slice %arg4[%add3A_48] : memref<5242880xf32, #tpu.memory_space<hbm>> -> memref<80000xf32, #tpu.memory_space<hbm>>
      %dma_start3A_52 = tpu.memref_slice %arg4[%add3A_48] : memref<5242880xf32, #tpu.memory_space<hbm>> -> memref<80000xf32, #tpu.memory_space<hbm>>
      %dma_start3A_53 = arith.constant 0 : i32
      %dma_start3A_54 = tpu.memref_slice %arg9[%dma_start3A_53] : memref<80016xf32, #tpu.memory_space<vmem>> -> memref<80000xf32, #tpu.memory_space<vmem>>
      tpu.enqueue_dma source(%dma_start3A_54 : memref<80000xf32, #tpu.memory_space<vmem>>) target(%dma_start3A_52 : memref<80000xf32, #tpu.memory_space<hbm>>) target_semaphore(%run_scoped3A : memref<!tpu.dma_semaphore, #tpu.memory_space<semaphore_mem>>)
      %dma_wait3A = arith.constant 0 : i32
      %dma_wait3A_55 = tpu.memref_slice %arg9[%dma_wait3A] : memref<80016xf32, #tpu.memory_space<vmem>> -> memref<80000xf32, #tpu.memory_space<vmem>>
      %dma_wait3A_56 = tpu.memref_slice %arg4[%add3A_48] : memref<5242880xf32, #tpu.memory_space<hbm>> -> memref<80000xf32, #tpu.memory_space<hbm>>
      %dma_wait3A_57 = tpu.memref_slice %arg4[%add3A_48] : memref<5242880xf32, #tpu.memory_space<hbm>> -> memref<80000xf32, #tpu.memory_space<hbm>>
      %dma_wait3A_58 = arith.constant 0 : i32
      %dma_wait3A_59 = tpu.memref_slice %arg9[%dma_wait3A_58] : memref<80016xf32, #tpu.memory_space<vmem>> -> memref<80000xf32, #tpu.memory_space<vmem>>
      tpu.wait_dma2 semaphore(%run_scoped3A : memref<!tpu.dma_semaphore, #tpu.memory_space<semaphore_mem>>) src(%dma_wait3A_59 : memref<80000xf32, #tpu.memory_space<vmem>>) dst(%dma_wait3A_57 : memref<80000xf32, #tpu.memory_space<hbm>>)
      tpu.yield
    }) : () -> ()
    return
  }
}

module attributes {stable_mosaic.version = 14 : i64} {
  func.func @_proj_body(%arg0: i32, %arg1: memref<2000x128xf32, #tpu.memory_space<vmem>>, %arg2: memref<256x128xf32, #tpu.memory_space<vmem>>, %arg3: memref<1x128xf32, #tpu.memory_space<vmem>>, %arg4: memref<2000x128xf32, #tpu.memory_space<vmem>>, %arg5: memref<2000x128xf32, #tpu.memory_space<vmem>>) attributes {dimension_semantics = [#tpu.dimension_semantics<arbitrary>], iteration_bounds = array<i64: 5>, scalar_prefetch = 0 : i64, scratch_operands = 0 : i64, tpu.core_type = #tpu.core_type<tc>, window_params = [{transform_indices = @transform_0, window_bounds = array<i64: 2000, 128>}, {pipeline_mode = #tpu.pipeline_mode<synchronous>, transform_indices = @transform_1, window_bounds = array<i64: 256, 128>}, {pipeline_mode = #tpu.pipeline_mode<synchronous>, transform_indices = @transform_2, window_bounds = array<i64: 1, 128>}, {transform_indices = @transform_3, window_bounds = array<i64: 2000, 128>}, {transform_indices = @transform_4, window_bounds = array<i64: 2000, 128>}]} {
    %get3A = arith.constant 0 : index
    %get3A_0 = arith.constant 0 : index
    %get3A_1 = vector.load %arg2[%get3A, %get3A_0] : memref<256x128xf32, #tpu.memory_space<vmem>>, vector<128x128xf32>
    %get3A_2 = arith.constant 128 : index
    %get3A_3 = arith.constant 0 : index
    %get3A_4 = vector.load %arg2[%get3A_2, %get3A_3] : memref<256x128xf32, #tpu.memory_space<vmem>>, vector<128x128xf32>
    %get3A_5 = arith.constant 0 : index
    %get3A_6 = arith.constant 0 : index
    %get3A_7 = vector.load %arg1[%get3A_5, %get3A_6] : memref<2000x128xf32, #tpu.memory_space<vmem>>, vector<2000x128xf32>
    %sub3A = arith.subf %get3A_1, %get3A_4 : vector<128x128xf32>
    %dot_general3A = arith.constant dense<0.000000e+00> : vector<2000x128xf32>
    %dot_general3A_8 = tpu.matmul %get3A_7, %sub3A, %dot_general3A {dimension_numbers = #tpu.dot_dimension_numbers<[1], [0], [0], [1], [0, 0, 1, 1], [], []>, transpose_lhs_hint = false} : vector<2000x128xf32>, vector<128x128xf32>, vector<2000x128xf32> -> vector<2000x128xf32>
    %get3A_9 = arith.constant 0 : index
    %get3A_10 = arith.constant 0 : index
    %get3A_11 = vector.load %arg3[%get3A_9, %get3A_10] : memref<1x128xf32, #tpu.memory_space<vmem>>, vector<1x128xf32>
    %add3A = vector.broadcast %get3A_11 : vector<1x128xf32> to vector<2000x128xf32>
    %add3A_12 = arith.addf %dot_general3A_8, %add3A : vector<2000x128xf32>
    %swap3A = arith.constant 0 : index
    %swap3A_13 = arith.constant 0 : index
    %swap3A_14 = vector.load %arg4[%swap3A, %swap3A_13] : memref<2000x128xf32, #tpu.memory_space<vmem>>, vector<2000x128xf32>
    tpu.vector_store %arg4[%swap3A, %swap3A_13], %add3A_12 {strides = array<i32>} : memref<2000x128xf32, #tpu.memory_space<vmem>>, vector<2000x128xf32>,
    %dot_general3A_15 = arith.constant dense<0.000000e+00> : vector<2000x128xf32>
    %dot_general3A_16 = tpu.matmul %get3A_7, %get3A_4, %dot_general3A_15 {dimension_numbers = #tpu.dot_dimension_numbers<[1], [0], [0], [1], [0, 0, 1, 1], [], []>, transpose_lhs_hint = false} : vector<2000x128xf32>, vector<128x128xf32>, vector<2000x128xf32> -> vector<2000x128xf32>
    %swap3A_17 = arith.constant 0 : index
    %swap3A_18 = arith.constant 0 : index
    %swap3A_19 = vector.load %arg5[%swap3A_17, %swap3A_18] : memref<2000x128xf32, #tpu.memory_space<vmem>>, vector<2000x128xf32>
    tpu.vector_store %arg5[%swap3A_17, %swap3A_18], %dot_general3A_16 {strides = array<i32>} : memref<2000x128xf32, #tpu.memory_space<vmem>>, vector<2000x128xf32>,
    return
  }
  func.func @transform_0(%arg0: i32) -> (i32, i32) {
    %c0_i32 = arith.constant 0 : i32
    %c0_i32_0 = arith.constant 0 : i32
    return %arg0, %c0_i32 : i32, i32
  }
  func.func @transform_1(%arg0: i32) -> (i32, i32) {
    %c0_i32 = arith.constant 0 : i32
    %c0_i32_0 = arith.constant 0 : i32
    %c0_i32_1 = arith.constant 0 : i32
    return %c0_i32, %c0_i32_0 : i32, i32
  }
  func.func @transform_2(%arg0: i32) -> (i32, i32) {
    %c0_i32 = arith.constant 0 : i32
    %c0_i32_0 = arith.constant 0 : i32
    %c0_i32_1 = arith.constant 0 : i32
    return %c0_i32, %c0_i32_0 : i32, i32
  }
  func.func @transform_3(%arg0: i32) -> (i32, i32) {
    %c0_i32 = arith.constant 0 : i32
    %c0_i32_0 = arith.constant 0 : i32
    return %arg0, %c0_i32 : i32, i32
  }
  func.func @transform_4(%arg0: i32) -> (i32, i32) {
    %c0_i32 = arith.constant 0 : i32
    %c0_i32_0 = arith.constant 0 : i32
    return %arg0, %c0_i32 : i32, i32
  }
}

module attributes {stable_mosaic.version = 14 : i64} {
  func.func @_merge_body(%arg0: i32, %arg1: memref<256x128xf32, #tpu.memory_space<vmem>>, %arg2: memref<256x128xf32, #tpu.memory_space<vmem>>, %arg3: memref<256x128xf32, #tpu.memory_space<vmem>>, %arg4: memref<256x128xf32, #tpu.memory_space<vmem>>, %arg5: memref<256x128xf32, #tpu.memory_space<vmem>>, %arg6: memref<256x128xf32, #tpu.memory_space<vmem>>, %arg7: memref<256x128xf32, #tpu.memory_space<vmem>>, %arg8: memref<256x128xf32, #tpu.memory_space<vmem>>, %arg9: memref<256x128xf32, #tpu.memory_space<vmem>>, %arg10: memref<256x128xf32, #tpu.memory_space<vmem>>, %arg11: memref<256x128xf32, #tpu.memory_space<vmem>>, %arg12: memref<256x128xf32, #tpu.memory_space<vmem>>, %arg13: memref<256x128xf32, #tpu.memory_space<vmem>>, %arg14: memref<256x128xf32, #tpu.memory_space<vmem>>, %arg15: memref<256x128xf32, #tpu.memory_space<vmem>>, %arg16: memref<256x128xf32, #tpu.memory_space<vmem>>, %arg17: memref<256x128xf32, #tpu.memory_space<vmem>>, %arg18: memref<256x128xf32, #tpu.memory_space<vmem>>, %arg19: memref<256x128xf32, #tpu.memory_space<vmem>>, %arg20: memref<256x128xf32, #tpu.memory_space<vmem>>, %arg21: memref<256x128xf32, #tpu.memory_space<vmem>>, %arg22: memref<256x128xf32, #tpu.memory_space<vmem>>, %arg23: memref<256x128xf32, #tpu.memory_space<vmem>>, %arg24: memref<256x128xf32, #tpu.memory_space<vmem>>, %arg25: memref<256x128xf32, #tpu.memory_space<vmem>>, %arg26: memref<256x128xf32, #tpu.memory_space<vmem>>, %arg27: memref<256x128xf32, #tpu.memory_space<vmem>>, %arg28: memref<256x128xf32, #tpu.memory_space<vmem>>, %arg29: memref<256x128xf32, #tpu.memory_space<vmem>>, %arg30: memref<256x128xf32, #tpu.memory_space<vmem>>, %arg31: memref<256x128xf32, #tpu.memory_space<vmem>>, %arg32: memref<256x128xf32, #tpu.memory_space<vmem>>, %arg33: memref<8x256x128xf32, #tpu.memory_space<vmem>>) attributes {dimension_semantics = [#tpu.dimension_semantics<arbitrary>], iteration_bounds = array<i64: 5>, scalar_prefetch = 0 : i64, scratch_operands = 0 : i64, tpu.core_type = #tpu.core_type<tc>, window_params = [{transform_indices = @transform_0, window_bounds = array<i64: 256, 128>}, {transform_indices = @transform_1, window_bounds = array<i64: 256, 128>}, {transform_indices = @transform_2, window_bounds = array<i64: 256, 128>}, {transform_indices = @transform_3, window_bounds = array<i64: 256, 128>}, {transform_indices = @transform_4, window_bounds = array<i64: 256, 128>}, {transform_indices = @transform_5, window_bounds = array<i64: 256, 128>}, {transform_indices = @transform_6, window_bounds = array<i64: 256, 128>}, {transform_indices = @transform_7, window_bounds = array<i64: 256, 128>}, {transform_indices = @transform_8, window_bounds = array<i64: 256, 128>}, {transform_indices = @transform_9, window_bounds = array<i64: 256, 128>}, {transform_indices = @transform_10, window_bounds = array<i64: 256, 128>}, {transform_indices = @transform_11, window_bounds = array<i64: 256, 128>}, {transform_indices = @transform_12, window_bounds = array<i64: 256, 128>}, {transform_indices = @transform_13, window_bounds = array<i64: 256, 128>}, {transform_indices = @transform_14, window_bounds = array<i64: 256, 128>}, {transform_indices = @transform_15, window_bounds = array<i64: 256, 128>}, {transform_indices = @transform_16, window_bounds = array<i64: 256, 128>}, {transform_indices = @transform_17, window_bounds = array<i64: 256, 128>}, {transform_indices = @transform_18, window_bounds = array<i64: 256, 128>}, {transform_indices = @transform_19, window_bounds = array<i64: 256, 128>}, {transform_indices = @transform_20, window_bounds = array<i64: 256, 128>}, {transform_indices = @transform_21, window_bounds = array<i64: 256, 128>}, {transform_indices = @transform_22, window_bounds = array<i64: 256, 128>}, {transform_indices = @transform_23, window_bounds = array<i64: 256, 128>}, {transform_indices = @transform_24, window_bounds = array<i64: 256, 128>}, {transform_indices = @transform_25, window_bounds = array<i64: 256, 128>}, {transform_indices = @transform_26, window_bounds = array<i64: 256, 128>}, {transform_indices = @transform_27, window_bounds = array<i64: 256, 128>}, {transform_indices = @transform_28, window_bounds = array<i64: 256, 128>}, {transform_indices = @transform_29, window_bounds = array<i64: 256, 128>}, {transform_indices = @transform_30, window_bounds = array<i64: 256, 128>}, {transform_indices = @transform_31, window_bounds = array<i64: 256, 128>}, {transform_indices = @transform_32, window_bounds = array<i64: 8, 256, 128>}]} {
    %get3A = arith.constant 0 : index
    %get3A_0 = arith.constant 0 : index
    %get3A_1 = vector.load %arg1[%get3A, %get3A_0] : memref<256x128xf32, #tpu.memory_space<vmem>>, vector<256x128xf32>
    %get3A_2 = arith.constant 0 : index
    %get3A_3 = arith.constant 0 : index
    %get3A_4 = vector.load %arg2[%get3A_2, %get3A_3] : memref<256x128xf32, #tpu.memory_space<vmem>>, vector<256x128xf32>
    %max3A = arith.maximumf %get3A_1, %get3A_4 : vector<256x128xf32>
    %get3A_5 = arith.constant 0 : index
    %get3A_6 = arith.constant 0 : index
    %get3A_7 = vector.load %arg3[%get3A_5, %get3A_6] : memref<256x128xf32, #tpu.memory_space<vmem>>, vector<256x128xf32>
    %max3A_8 = arith.maximumf %max3A, %get3A_7 : vector<256x128xf32>
    %get3A_9 = arith.constant 0 : index
    %get3A_10 = arith.constant 0 : index
    %get3A_11 = vector.load %arg4[%get3A_9, %get3A_10] : memref<256x128xf32, #tpu.memory_space<vmem>>, vector<256x128xf32>
    %max3A_12 = arith.maximumf %max3A_8, %get3A_11 : vector<256x128xf32>
    %eq3A = arith.constant 0xFF800000 : f32
    %eq3A_13 = vector.broadcast %eq3A : f32 to vector<256x128xf32>
    %eq3A_14 = arith.cmpf oeq, %max3A_12, %eq3A_13 : vector<256x128xf32>
    %jit3A = arith.constant 0.000000e+00 : f32
    %broadcast_in_dim3A = vector.broadcast %jit3A : f32 to vector<256x128xf32>
    %select_n3A = arith.select %eq3A_14, %broadcast_in_dim3A, %max3A_12 : vector<256x128xi1>, vector<256x128xf32>
    %swap3A = arith.constant 0 : index
    %swap3A_15 = arith.constant 0 : index
    %swap3A_16 = arith.constant 0 : index
    %swap3A_17 = vector.load %arg33[%swap3A, %swap3A_15, %swap3A_16] : memref<8x256x128xf32, #tpu.memory_space<vmem>>, vector<1x256x128xf32>
    %swap3A_18 = vector.shape_cast %swap3A_17 : vector<1x256x128xf32> to vector<256x128xf32>
    %swap3A_19 = vector.shape_cast %select_n3A : vector<256x128xf32> to vector<1x256x128xf32>
    tpu.vector_store %arg33[%swap3A, %swap3A_15, %swap3A_16], %swap3A_19 {strides = array<i32>} : memref<8x256x128xf32, #tpu.memory_space<vmem>>, vector<1x256x128xf32>,
    %get3A_20 = arith.constant 0 : index
    %get3A_21 = arith.constant 0 : index
    %get3A_22 = vector.load %arg5[%get3A_20, %get3A_21] : memref<256x128xf32, #tpu.memory_space<vmem>>, vector<256x128xf32>
    %get3A_23 = arith.constant 0 : index
    %get3A_24 = arith.constant 0 : index
    %get3A_25 = vector.load %arg6[%get3A_23, %get3A_24] : memref<256x128xf32, #tpu.memory_space<vmem>>, vector<256x128xf32>
    %max3A_26 = arith.maximumf %get3A_22, %get3A_25 : vector<256x128xf32>
    %get3A_27 = arith.constant 0 : index
    %get3A_28 = arith.constant 0 : index
    %get3A_29 = vector.load %arg7[%get3A_27, %get3A_28] : memref<256x128xf32, #tpu.memory_space<vmem>>, vector<256x128xf32>
    %max3A_30 = arith.maximumf %max3A_26, %get3A_29 : vector<256x128xf32>
    %get3A_31 = arith.constant 0 : index
    %get3A_32 = arith.constant 0 : index
    %get3A_33 = vector.load %arg8[%get3A_31, %get3A_32] : memref<256x128xf32, #tpu.memory_space<vmem>>, vector<256x128xf32>
    %max3A_34 = arith.maximumf %max3A_30, %get3A_33 : vector<256x128xf32>
    %eq3A_35 = arith.constant 0xFF800000 : f32
    %eq3A_36 = vector.broadcast %eq3A_35 : f32 to vector<256x128xf32>
    %eq3A_37 = arith.cmpf oeq, %max3A_34, %eq3A_36 : vector<256x128xf32>
    %jit3A_38 = arith.constant 0.000000e+00 : f32
    %broadcast_in_dim3A_39 = vector.broadcast %jit3A_38 : f32 to vector<256x128xf32>
    %select_n3A_40 = arith.select %eq3A_37, %broadcast_in_dim3A_39, %max3A_34 : vector<256x128xi1>, vector<256x128xf32>
    %swap3A_41 = arith.constant 1 : index
    %swap3A_42 = arith.constant 0 : index
    %swap3A_43 = arith.constant 0 : index
    %swap3A_44 = vector.load %arg33[%swap3A_41, %swap3A_42, %swap3A_43] : memref<8x256x128xf32, #tpu.memory_space<vmem>>, vector<1x256x128xf32>
    %swap3A_45 = vector.shape_cast %swap3A_44 : vector<1x256x128xf32> to vector<256x128xf32>
    %swap3A_46 = vector.shape_cast %select_n3A_40 : vector<256x128xf32> to vector<1x256x128xf32>
    tpu.vector_store %arg33[%swap3A_41, %swap3A_42, %swap3A_43], %swap3A_46 {strides = array<i32>} : memref<8x256x128xf32, #tpu.memory_space<vmem>>, vector<1x256x128xf32>,
    %get3A_47 = arith.constant 0 : index
    %get3A_48 = arith.constant 0 : index
    %get3A_49 = vector.load %arg9[%get3A_47, %get3A_48] : memref<256x128xf32, #tpu.memory_space<vmem>>, vector<256x128xf32>
    %get3A_50 = arith.constant 0 : index
    %get3A_51 = arith.constant 0 : index
    %get3A_52 = vector.load %arg10[%get3A_50, %get3A_51] : memref<256x128xf32, #tpu.memory_space<vmem>>, vector<256x128xf32>
    %max3A_53 = arith.maximumf %get3A_49, %get3A_52 : vector<256x128xf32>
    %get3A_54 = arith.constant 0 : index
    %get3A_55 = arith.constant 0 : index
    %get3A_56 = vector.load %arg11[%get3A_54, %get3A_55] : memref<256x128xf32, #tpu.memory_space<vmem>>, vector<256x128xf32>
    %max3A_57 = arith.maximumf %max3A_53, %get3A_56 : vector<256x128xf32>
    %get3A_58 = arith.constant 0 : index
    %get3A_59 = arith.constant 0 : index
    %get3A_60 = vector.load %arg12[%get3A_58, %get3A_59] : memref<256x128xf32, #tpu.memory_space<vmem>>, vector<256x128xf32>
    %max3A_61 = arith.maximumf %max3A_57, %get3A_60 : vector<256x128xf32>
    %eq3A_62 = arith.constant 0xFF800000 : f32
    %eq3A_63 = vector.broadcast %eq3A_62 : f32 to vector<256x128xf32>
    %eq3A_64 = arith.cmpf oeq, %max3A_61, %eq3A_63 : vector<256x128xf32>
    %jit3A_65 = arith.constant 0.000000e+00 : f32
    %broadcast_in_dim3A_66 = vector.broadcast %jit3A_65 : f32 to vector<256x128xf32>
    %select_n3A_67 = arith.select %eq3A_64, %broadcast_in_dim3A_66, %max3A_61 : vector<256x128xi1>, vector<256x128xf32>
    %swap3A_68 = arith.constant 2 : index
    %swap3A_69 = arith.constant 0 : index
    %swap3A_70 = arith.constant 0 : index
    %swap3A_71 = vector.load %arg33[%swap3A_68, %swap3A_69, %swap3A_70] : memref<8x256x128xf32, #tpu.memory_space<vmem>>, vector<1x256x128xf32>
    %swap3A_72 = vector.shape_cast %swap3A_71 : vector<1x256x128xf32> to vector<256x128xf32>
    %swap3A_73 = vector.shape_cast %select_n3A_67 : vector<256x128xf32> to vector<1x256x128xf32>
    tpu.vector_store %arg33[%swap3A_68, %swap3A_69, %swap3A_70], %swap3A_73 {strides = array<i32>} : memref<8x256x128xf32, #tpu.memory_space<vmem>>, vector<1x256x128xf32>,
    %get3A_74 = arith.constant 0 : index
    %get3A_75 = arith.constant 0 : index
    %get3A_76 = vector.load %arg13[%get3A_74, %get3A_75] : memref<256x128xf32, #tpu.memory_space<vmem>>, vector<256x128xf32>
    %get3A_77 = arith.constant 0 : index
    %get3A_78 = arith.constant 0 : index
    %get3A_79 = vector.load %arg14[%get3A_77, %get3A_78] : memref<256x128xf32, #tpu.memory_space<vmem>>, vector<256x128xf32>
    %max3A_80 = arith.maximumf %get3A_76, %get3A_79 : vector<256x128xf32>
    %get3A_81 = arith.constant 0 : index
    %get3A_82 = arith.constant 0 : index
    %get3A_83 = vector.load %arg15[%get3A_81, %get3A_82] : memref<256x128xf32, #tpu.memory_space<vmem>>, vector<256x128xf32>
    %max3A_84 = arith.maximumf %max3A_80, %get3A_83 : vector<256x128xf32>
    %get3A_85 = arith.constant 0 : index
    %get3A_86 = arith.constant 0 : index
    %get3A_87 = vector.load %arg16[%get3A_85, %get3A_86] : memref<256x128xf32, #tpu.memory_space<vmem>>, vector<256x128xf32>
    %max3A_88 = arith.maximumf %max3A_84, %get3A_87 : vector<256x128xf32>
    %eq3A_89 = arith.constant 0xFF800000 : f32
    %eq3A_90 = vector.broadcast %eq3A_89 : f32 to vector<256x128xf32>
    %eq3A_91 = arith.cmpf oeq, %max3A_88, %eq3A_90 : vector<256x128xf32>
    %jit3A_92 = arith.constant 0.000000e+00 : f32
    %broadcast_in_dim3A_93 = vector.broadcast %jit3A_92 : f32 to vector<256x128xf32>
    %select_n3A_94 = arith.select %eq3A_91, %broadcast_in_dim3A_93, %max3A_88 : vector<256x128xi1>, vector<256x128xf32>
    %swap3A_95 = arith.constant 3 : index
    %swap3A_96 = arith.constant 0 : index
    %swap3A_97 = arith.constant 0 : index
    %swap3A_98 = vector.load %arg33[%swap3A_95, %swap3A_96, %swap3A_97] : memref<8x256x128xf32, #tpu.memory_space<vmem>>, vector<1x256x128xf32>
    %swap3A_99 = vector.shape_cast %swap3A_98 : vector<1x256x128xf32> to vector<256x128xf32>
    %swap3A_100 = vector.shape_cast %select_n3A_94 : vector<256x128xf32> to vector<1x256x128xf32>
    tpu.vector_store %arg33[%swap3A_95, %swap3A_96, %swap3A_97], %swap3A_100 {strides = array<i32>} : memref<8x256x128xf32, #tpu.memory_space<vmem>>, vector<1x256x128xf32>,
    %get3A_101 = arith.constant 0 : index
    %get3A_102 = arith.constant 0 : index
    %get3A_103 = vector.load %arg17[%get3A_101, %get3A_102] : memref<256x128xf32, #tpu.memory_space<vmem>>, vector<256x128xf32>
    %get3A_104 = arith.constant 0 : index
    %get3A_105 = arith.constant 0 : index
    %get3A_106 = vector.load %arg18[%get3A_104, %get3A_105] : memref<256x128xf32, #tpu.memory_space<vmem>>, vector<256x128xf32>
    %max3A_107 = arith.maximumf %get3A_103, %get3A_106 : vector<256x128xf32>
    %get3A_108 = arith.constant 0 : index
    %get3A_109 = arith.constant 0 : index
    %get3A_110 = vector.load %arg19[%get3A_108, %get3A_109] : memref<256x128xf32, #tpu.memory_space<vmem>>, vector<256x128xf32>
    %max3A_111 = arith.maximumf %max3A_107, %get3A_110 : vector<256x128xf32>
    %get3A_112 = arith.constant 0 : index
    %get3A_113 = arith.constant 0 : index
    %get3A_114 = vector.load %arg20[%get3A_112, %get3A_113] : memref<256x128xf32, #tpu.memory_space<vmem>>, vector<256x128xf32>
    %max3A_115 = arith.maximumf %max3A_111, %get3A_114 : vector<256x128xf32>
    %eq3A_116 = arith.constant 0xFF800000 : f32
    %eq3A_117 = vector.broadcast %eq3A_116 : f32 to vector<256x128xf32>
    %eq3A_118 = arith.cmpf oeq, %max3A_115, %eq3A_117 : vector<256x128xf32>
    %jit3A_119 = arith.constant 0.000000e+00 : f32
    %broadcast_in_dim3A_120 = vector.broadcast %jit3A_119 : f32 to vector<256x128xf32>
    %select_n3A_121 = arith.select %eq3A_118, %broadcast_in_dim3A_120, %max3A_115 : vector<256x128xi1>, vector<256x128xf32>
    %swap3A_122 = arith.constant 4 : index
    %swap3A_123 = arith.constant 0 : index
    %swap3A_124 = arith.constant 0 : index
    %swap3A_125 = vector.load %arg33[%swap3A_122, %swap3A_123, %swap3A_124] : memref<8x256x128xf32, #tpu.memory_space<vmem>>, vector<1x256x128xf32>
    %swap3A_126 = vector.shape_cast %swap3A_125 : vector<1x256x128xf32> to vector<256x128xf32>
    %swap3A_127 = vector.shape_cast %select_n3A_121 : vector<256x128xf32> to vector<1x256x128xf32>
    tpu.vector_store %arg33[%swap3A_122, %swap3A_123, %swap3A_124], %swap3A_127 {strides = array<i32>} : memref<8x256x128xf32, #tpu.memory_space<vmem>>, vector<1x256x128xf32>,
    %get3A_128 = arith.constant 0 : index
    %get3A_129 = arith.constant 0 : index
    %get3A_130 = vector.load %arg21[%get3A_128, %get3A_129] : memref<256x128xf32, #tpu.memory_space<vmem>>, vector<256x128xf32>
    %get3A_131 = arith.constant 0 : index
    %get3A_132 = arith.constant 0 : index
    %get3A_133 = vector.load %arg22[%get3A_131, %get3A_132] : memref<256x128xf32, #tpu.memory_space<vmem>>, vector<256x128xf32>
    %max3A_134 = arith.maximumf %get3A_130, %get3A_133 : vector<256x128xf32>
    %get3A_135 = arith.constant 0 : index
    %get3A_136 = arith.constant 0 : index
    %get3A_137 = vector.load %arg23[%get3A_135, %get3A_136] : memref<256x128xf32, #tpu.memory_space<vmem>>, vector<256x128xf32>
    %max3A_138 = arith.maximumf %max3A_134, %get3A_137 : vector<256x128xf32>
    %get3A_139 = arith.constant 0 : index
    %get3A_140 = arith.constant 0 : index
    %get3A_141 = vector.load %arg24[%get3A_139, %get3A_140] : memref<256x128xf32, #tpu.memory_space<vmem>>, vector<256x128xf32>
    %max3A_142 = arith.maximumf %max3A_138, %get3A_141 : vector<256x128xf32>
    %eq3A_143 = arith.constant 0xFF800000 : f32
    %eq3A_144 = vector.broadcast %eq3A_143 : f32 to vector<256x128xf32>
    %eq3A_145 = arith.cmpf oeq, %max3A_142, %eq3A_144 : vector<256x128xf32>
    %jit3A_146 = arith.constant 0.000000e+00 : f32
    %broadcast_in_dim3A_147 = vector.broadcast %jit3A_146 : f32 to vector<256x128xf32>
    %select_n3A_148 = arith.select %eq3A_145, %broadcast_in_dim3A_147, %max3A_142 : vector<256x128xi1>, vector<256x128xf32>
    %swap3A_149 = arith.constant 5 : index
    %swap3A_150 = arith.constant 0 : index
    %swap3A_151 = arith.constant 0 : index
    %swap3A_152 = vector.load %arg33[%swap3A_149, %swap3A_150, %swap3A_151] : memref<8x256x128xf32, #tpu.memory_space<vmem>>, vector<1x256x128xf32>
    %swap3A_153 = vector.shape_cast %swap3A_152 : vector<1x256x128xf32> to vector<256x128xf32>
    %swap3A_154 = vector.shape_cast %select_n3A_148 : vector<256x128xf32> to vector<1x256x128xf32>
    tpu.vector_store %arg33[%swap3A_149, %swap3A_150, %swap3A_151], %swap3A_154 {strides = array<i32>} : memref<8x256x128xf32, #tpu.memory_space<vmem>>, vector<1x256x128xf32>,
    %get3A_155 = arith.constant 0 : index
    %get3A_156 = arith.constant 0 : index
    %get3A_157 = vector.load %arg25[%get3A_155, %get3A_156] : memref<256x128xf32, #tpu.memory_space<vmem>>, vector<256x128xf32>
    %get3A_158 = arith.constant 0 : index
    %get3A_159 = arith.constant 0 : index
    %get3A_160 = vector.load %arg26[%get3A_158, %get3A_159] : memref<256x128xf32, #tpu.memory_space<vmem>>, vector<256x128xf32>
    %max3A_161 = arith.maximumf %get3A_157, %get3A_160 : vector<256x128xf32>
    %get3A_162 = arith.constant 0 : index
    %get3A_163 = arith.constant 0 : index
    %get3A_164 = vector.load %arg27[%get3A_162, %get3A_163] : memref<256x128xf32, #tpu.memory_space<vmem>>, vector<256x128xf32>
    %max3A_165 = arith.maximumf %max3A_161, %get3A_164 : vector<256x128xf32>
    %get3A_166 = arith.constant 0 : index
    %get3A_167 = arith.constant 0 : index
    %get3A_168 = vector.load %arg28[%get3A_166, %get3A_167] : memref<256x128xf32, #tpu.memory_space<vmem>>, vector<256x128xf32>
    %max3A_169 = arith.maximumf %max3A_165, %get3A_168 : vector<256x128xf32>
    %eq3A_170 = arith.constant 0xFF800000 : f32
    %eq3A_171 = vector.broadcast %eq3A_170 : f32 to vector<256x128xf32>
    %eq3A_172 = arith.cmpf oeq, %max3A_169, %eq3A_171 : vector<256x128xf32>
    %jit3A_173 = arith.constant 0.000000e+00 : f32
    %broadcast_in_dim3A_174 = vector.broadcast %jit3A_173 : f32 to vector<256x128xf32>
    %select_n3A_175 = arith.select %eq3A_172, %broadcast_in_dim3A_174, %max3A_169 : vector<256x128xi1>, vector<256x128xf32>
    %swap3A_176 = arith.constant 6 : index
    %swap3A_177 = arith.constant 0 : index
    %swap3A_178 = arith.constant 0 : index
    %swap3A_179 = vector.load %arg33[%swap3A_176, %swap3A_177, %swap3A_178] : memref<8x256x128xf32, #tpu.memory_space<vmem>>, vector<1x256x128xf32>
    %swap3A_180 = vector.shape_cast %swap3A_179 : vector<1x256x128xf32> to vector<256x128xf32>
    %swap3A_181 = vector.shape_cast %select_n3A_175 : vector<256x128xf32> to vector<1x256x128xf32>
    tpu.vector_store %arg33[%swap3A_176, %swap3A_177, %swap3A_178], %swap3A_181 {strides = array<i32>} : memref<8x256x128xf32, #tpu.memory_space<vmem>>, vector<1x256x128xf32>,
    %get3A_182 = arith.constant 0 : index
    %get3A_183 = arith.constant 0 : index
    %get3A_184 = vector.load %arg29[%get3A_182, %get3A_183] : memref<256x128xf32, #tpu.memory_space<vmem>>, vector<256x128xf32>
    %get3A_185 = arith.constant 0 : index
    %get3A_186 = arith.constant 0 : index
    %get3A_187 = vector.load %arg30[%get3A_185, %get3A_186] : memref<256x128xf32, #tpu.memory_space<vmem>>, vector<256x128xf32>
    %max3A_188 = arith.maximumf %get3A_184, %get3A_187 : vector<256x128xf32>
    %get3A_189 = arith.constant 0 : index
    %get3A_190 = arith.constant 0 : index
    %get3A_191 = vector.load %arg31[%get3A_189, %get3A_190] : memref<256x128xf32, #tpu.memory_space<vmem>>, vector<256x128xf32>
    %max3A_192 = arith.maximumf %max3A_188, %get3A_191 : vector<256x128xf32>
    %get3A_193 = arith.constant 0 : index
    %get3A_194 = arith.constant 0 : index
    %get3A_195 = vector.load %arg32[%get3A_193, %get3A_194] : memref<256x128xf32, #tpu.memory_space<vmem>>, vector<256x128xf32>
    %max3A_196 = arith.maximumf %max3A_192, %get3A_195 : vector<256x128xf32>
    %eq3A_197 = arith.constant 0xFF800000 : f32
    %eq3A_198 = vector.broadcast %eq3A_197 : f32 to vector<256x128xf32>
    %eq3A_199 = arith.cmpf oeq, %max3A_196, %eq3A_198 : vector<256x128xf32>
    %jit3A_200 = arith.constant 0.000000e+00 : f32
    %broadcast_in_dim3A_201 = vector.broadcast %jit3A_200 : f32 to vector<256x128xf32>
    %select_n3A_202 = arith.select %eq3A_199, %broadcast_in_dim3A_201, %max3A_196 : vector<256x128xi1>, vector<256x128xf32>
    %swap3A_203 = arith.constant 7 : index
    %swap3A_204 = arith.constant 0 : index
    %swap3A_205 = arith.constant 0 : index
    %swap3A_206 = vector.load %arg33[%swap3A_203, %swap3A_204, %swap3A_205] : memref<8x256x128xf32, #tpu.memory_space<vmem>>, vector<1x256x128xf32>
    %swap3A_207 = vector.shape_cast %swap3A_206 : vector<1x256x128xf32> to vector<256x128xf32>
    %swap3A_208 = vector.shape_cast %select_n3A_202 : vector<256x128xf32> to vector<1x256x128xf32>
    tpu.vector_store %arg33[%swap3A_203, %swap3A_204, %swap3A_205], %swap3A_208 {strides = array<i32>} : memref<8x256x128xf32, #tpu.memory_space<vmem>>, vector<1x256x128xf32>,
    return
  }
  func.func @transform_0(%arg0: i32) -> (i32, i32) {
    %add3A = arith.constant 0 : i32
    %add3A_0 = arith.addi %add3A, %arg0 : i32
    %c0_i32 = arith.constant 0 : i32
    %c0_i32_1 = arith.constant 0 : i32
    return %add3A_0, %c0_i32 : i32, i32
  }
  func.func @transform_1(%arg0: i32) -> (i32, i32) {
    %add3A = arith.constant 40 : i32
    %add3A_0 = arith.addi %add3A, %arg0 : i32
    %c0_i32 = arith.constant 0 : i32
    %c0_i32_1 = arith.constant 0 : i32
    return %add3A_0, %c0_i32 : i32, i32
  }
  func.func @transform_2(%arg0: i32) -> (i32, i32) {
    %add3A = arith.constant 80 : i32
    %add3A_0 = arith.addi %add3A, %arg0 : i32
    %c0_i32 = arith.constant 0 : i32
    %c0_i32_1 = arith.constant 0 : i32
    return %add3A_0, %c0_i32 : i32, i32
  }
  func.func @transform_3(%arg0: i32) -> (i32, i32) {
    %add3A = arith.constant 120 : i32
    %add3A_0 = arith.addi %add3A, %arg0 : i32
    %c0_i32 = arith.constant 0 : i32
    %c0_i32_1 = arith.constant 0 : i32
    return %add3A_0, %c0_i32 : i32, i32
  }
  func.func @transform_4(%arg0: i32) -> (i32, i32) {
    %add3A = arith.constant 5 : i32
    %add3A_0 = arith.addi %add3A, %arg0 : i32
    %c0_i32 = arith.constant 0 : i32
    %c0_i32_1 = arith.constant 0 : i32
    return %add3A_0, %c0_i32 : i32, i32
  }
  func.func @transform_5(%arg0: i32) -> (i32, i32) {
    %add3A = arith.constant 45 : i32
    %add3A_0 = arith.addi %add3A, %arg0 : i32
    %c0_i32 = arith.constant 0 : i32
    %c0_i32_1 = arith.constant 0 : i32
    return %add3A_0, %c0_i32 : i32, i32
  }
  func.func @transform_6(%arg0: i32) -> (i32, i32) {
    %add3A = arith.constant 85 : i32
    %add3A_0 = arith.addi %add3A, %arg0 : i32
    %c0_i32 = arith.constant 0 : i32
    %c0_i32_1 = arith.constant 0 : i32
    return %add3A_0, %c0_i32 : i32, i32
  }
  func.func @transform_7(%arg0: i32) -> (i32, i32) {
    %add3A = arith.constant 125 : i32
    %add3A_0 = arith.addi %add3A, %arg0 : i32
    %c0_i32 = arith.constant 0 : i32
    %c0_i32_1 = arith.constant 0 : i32
    return %add3A_0, %c0_i32 : i32, i32
  }
  func.func @transform_8(%arg0: i32) -> (i32, i32) {
    %add3A = arith.constant 10 : i32
    %add3A_0 = arith.addi %add3A, %arg0 : i32
    %c0_i32 = arith.constant 0 : i32
    %c0_i32_1 = arith.constant 0 : i32
    return %add3A_0, %c0_i32 : i32, i32
  }
  func.func @transform_9(%arg0: i32) -> (i32, i32) {
    %add3A = arith.constant 50 : i32
    %add3A_0 = arith.addi %add3A, %arg0 : i32
    %c0_i32 = arith.constant 0 : i32
    %c0_i32_1 = arith.constant 0 : i32
    return %add3A_0, %c0_i32 : i32, i32
  }
  func.func @transform_10(%arg0: i32) -> (i32, i32) {
    %add3A = arith.constant 90 : i32
    %add3A_0 = arith.addi %add3A, %arg0 : i32
    %c0_i32 = arith.constant 0 : i32
    %c0_i32_1 = arith.constant 0 : i32
    return %add3A_0, %c0_i32 : i32, i32
  }
  func.func @transform_11(%arg0: i32) -> (i32, i32) {
    %add3A = arith.constant 130 : i32
    %add3A_0 = arith.addi %add3A, %arg0 : i32
    %c0_i32 = arith.constant 0 : i32
    %c0_i32_1 = arith.constant 0 : i32
    return %add3A_0, %c0_i32 : i32, i32
  }
  func.func @transform_12(%arg0: i32) -> (i32, i32) {
    %add3A = arith.constant 15 : i32
    %add3A_0 = arith.addi %add3A, %arg0 : i32
    %c0_i32 = arith.constant 0 : i32
    %c0_i32_1 = arith.constant 0 : i32
    return %add3A_0, %c0_i32 : i32, i32
  }
  func.func @transform_13(%arg0: i32) -> (i32, i32) {
    %add3A = arith.constant 55 : i32
    %add3A_0 = arith.addi %add3A, %arg0 : i32
    %c0_i32 = arith.constant 0 : i32
    %c0_i32_1 = arith.constant 0 : i32
    return %add3A_0, %c0_i32 : i32, i32
  }
  func.func @transform_14(%arg0: i32) -> (i32, i32) {
    %add3A = arith.constant 95 : i32
    %add3A_0 = arith.addi %add3A, %arg0 : i32
    %c0_i32 = arith.constant 0 : i32
    %c0_i32_1 = arith.constant 0 : i32
    return %add3A_0, %c0_i32 : i32, i32
  }
  func.func @transform_15(%arg0: i32) -> (i32, i32) {
    %add3A = arith.constant 135 : i32
    %add3A_0 = arith.addi %add3A, %arg0 : i32
    %c0_i32 = arith.constant 0 : i32
    %c0_i32_1 = arith.constant 0 : i32
    return %add3A_0, %c0_i32 : i32, i32
  }
  func.func @transform_16(%arg0: i32) -> (i32, i32) {
    %add3A = arith.constant 20 : i32
    %add3A_0 = arith.addi %add3A, %arg0 : i32
    %c0_i32 = arith.constant 0 : i32
    %c0_i32_1 = arith.constant 0 : i32
    return %add3A_0, %c0_i32 : i32, i32
  }
  func.func @transform_17(%arg0: i32) -> (i32, i32) {
    %add3A = arith.constant 60 : i32
    %add3A_0 = arith.addi %add3A, %arg0 : i32
    %c0_i32 = arith.constant 0 : i32
    %c0_i32_1 = arith.constant 0 : i32
    return %add3A_0, %c0_i32 : i32, i32
  }
  func.func @transform_18(%arg0: i32) -> (i32, i32) {
    %add3A = arith.constant 100 : i32
    %add3A_0 = arith.addi %add3A, %arg0 : i32
    %c0_i32 = arith.constant 0 : i32
    %c0_i32_1 = arith.constant 0 : i32
    return %add3A_0, %c0_i32 : i32, i32
  }
  func.func @transform_19(%arg0: i32) -> (i32, i32) {
    %add3A = arith.constant 140 : i32
    %add3A_0 = arith.addi %add3A, %arg0 : i32
    %c0_i32 = arith.constant 0 : i32
    %c0_i32_1 = arith.constant 0 : i32
    return %add3A_0, %c0_i32 : i32, i32
  }
  func.func @transform_20(%arg0: i32) -> (i32, i32) {
    %add3A = arith.constant 25 : i32
    %add3A_0 = arith.addi %add3A, %arg0 : i32
    %c0_i32 = arith.constant 0 : i32
    %c0_i32_1 = arith.constant 0 : i32
    return %add3A_0, %c0_i32 : i32, i32
  }
  func.func @transform_21(%arg0: i32) -> (i32, i32) {
    %add3A = arith.constant 65 : i32
    %add3A_0 = arith.addi %add3A, %arg0 : i32
    %c0_i32 = arith.constant 0 : i32
    %c0_i32_1 = arith.constant 0 : i32
    return %add3A_0, %c0_i32 : i32, i32
  }
  func.func @transform_22(%arg0: i32) -> (i32, i32) {
    %add3A = arith.constant 105 : i32
    %add3A_0 = arith.addi %add3A, %arg0 : i32
    %c0_i32 = arith.constant 0 : i32
    %c0_i32_1 = arith.constant 0 : i32
    return %add3A_0, %c0_i32 : i32, i32
  }
  func.func @transform_23(%arg0: i32) -> (i32, i32) {
    %add3A = arith.constant 145 : i32
    %add3A_0 = arith.addi %add3A, %arg0 : i32
    %c0_i32 = arith.constant 0 : i32
    %c0_i32_1 = arith.constant 0 : i32
    return %add3A_0, %c0_i32 : i32, i32
  }
  func.func @transform_24(%arg0: i32) -> (i32, i32) {
    %add3A = arith.constant 30 : i32
    %add3A_0 = arith.addi %add3A, %arg0 : i32
    %c0_i32 = arith.constant 0 : i32
    %c0_i32_1 = arith.constant 0 : i32
    return %add3A_0, %c0_i32 : i32, i32
  }
  func.func @transform_25(%arg0: i32) -> (i32, i32) {
    %add3A = arith.constant 70 : i32
    %add3A_0 = arith.addi %add3A, %arg0 : i32
    %c0_i32 = arith.constant 0 : i32
    %c0_i32_1 = arith.constant 0 : i32
    return %add3A_0, %c0_i32 : i32, i32
  }
  func.func @transform_26(%arg0: i32) -> (i32, i32) {
    %add3A = arith.constant 110 : i32
    %add3A_0 = arith.addi %add3A, %arg0 : i32
    %c0_i32 = arith.constant 0 : i32
    %c0_i32_1 = arith.constant 0 : i32
    return %add3A_0, %c0_i32 : i32, i32
  }
  func.func @transform_27(%arg0: i32) -> (i32, i32) {
    %add3A = arith.constant 150 : i32
    %add3A_0 = arith.addi %add3A, %arg0 : i32
    %c0_i32 = arith.constant 0 : i32
    %c0_i32_1 = arith.constant 0 : i32
    return %add3A_0, %c0_i32 : i32, i32
  }
  func.func @transform_28(%arg0: i32) -> (i32, i32) {
    %add3A = arith.constant 35 : i32
    %add3A_0 = arith.addi %add3A, %arg0 : i32
    %c0_i32 = arith.constant 0 : i32
    %c0_i32_1 = arith.constant 0 : i32
    return %add3A_0, %c0_i32 : i32, i32
  }
  func.func @transform_29(%arg0: i32) -> (i32, i32) {
    %add3A = arith.constant 75 : i32
    %add3A_0 = arith.addi %add3A, %arg0 : i32
    %c0_i32 = arith.constant 0 : i32
    %c0_i32_1 = arith.constant 0 : i32
    return %add3A_0, %c0_i32 : i32, i32
  }
  func.func @transform_30(%arg0: i32) -> (i32, i32) {
    %add3A = arith.constant 115 : i32
    %add3A_0 = arith.addi %add3A, %arg0 : i32
    %c0_i32 = arith.constant 0 : i32
    %c0_i32_1 = arith.constant 0 : i32
    return %add3A_0, %c0_i32 : i32, i32
  }
  func.func @transform_31(%arg0: i32) -> (i32, i32) {
    %add3A = arith.constant 155 : i32
    %add3A_0 = arith.addi %add3A, %arg0 : i32
    %c0_i32 = arith.constant 0 : i32
    %c0_i32_1 = arith.constant 0 : i32
    return %add3A_0, %c0_i32 : i32, i32
  }
  func.func @transform_32(%arg0: i32) -> (i32, i32, i32) {
    %c0_i32 = arith.constant 0 : i32
    %c0_i32_0 = arith.constant 0 : i32
    %c0_i32_1 = arith.constant 0 : i32
    return %c0_i32, %arg0, %c0_i32_0 : i32, i32, i32
  }
}

module attributes {stable_mosaic.version = 14 : i64} {
  func.func @_mlp_body(%arg0: i32, %arg1: memref<3200x128xf32, #tpu.memory_space<vmem>>, %arg2: memref<3200x128xf32, #tpu.memory_space<vmem>>, %arg3: memref<128x128xf32, #tpu.memory_space<vmem>>, %arg4: memref<1x128xf32, #tpu.memory_space<vmem>>, %arg5: memref<8x400x128xf32, #tpu.memory_space<vmem>>) attributes {dimension_semantics = [#tpu.dimension_semantics<arbitrary>], iteration_bounds = array<i64: 100>, scalar_prefetch = 0 : i64, scratch_operands = 0 : i64, tpu.core_type = #tpu.core_type<tc>, window_params = [{transform_indices = @transform_0, window_bounds = array<i64: 3200, 128>}, {transform_indices = @transform_1, window_bounds = array<i64: 3200, 128>}, {pipeline_mode = #tpu.pipeline_mode<synchronous>, transform_indices = @transform_2, window_bounds = array<i64: 128, 128>}, {pipeline_mode = #tpu.pipeline_mode<synchronous>, transform_indices = @transform_3, window_bounds = array<i64: 1, 128>}, {transform_indices = @transform_4, window_bounds = array<i64: 8, 400, 128>}]} {
    %get3A = arith.constant 0 : index
    %get3A_0 = arith.constant 0 : index
    %get3A_1 = vector.load %arg1[%get3A, %get3A_0] : memref<3200x128xf32, #tpu.memory_space<vmem>>, vector<3200x128xf32>
    %get3A_2 = arith.constant 0 : index
    %get3A_3 = arith.constant 0 : index
    %get3A_4 = vector.load %arg2[%get3A_2, %get3A_3] : memref<3200x128xf32, #tpu.memory_space<vmem>>, vector<3200x128xf32>
    %add3A = arith.addf %get3A_1, %get3A_4 : vector<3200x128xf32>
    %max3A = arith.constant 0.000000e+00 : f32
    %max3A_5 = vector.broadcast %max3A : f32 to vector<3200x128xf32>
    %max3A_6 = arith.maximumf %add3A, %max3A_5 : vector<3200x128xf32>
    %get3A_7 = arith.constant 0 : index
    %get3A_8 = arith.constant 0 : index
    %get3A_9 = vector.load %arg3[%get3A_7, %get3A_8] : memref<128x128xf32, #tpu.memory_space<vmem>>, vector<128x128xf32>
    %dot_general3A = arith.constant dense<0.000000e+00> : vector<3200x128xf32>
    %dot_general3A_10 = tpu.matmul %max3A_6, %get3A_9, %dot_general3A {dimension_numbers = #tpu.dot_dimension_numbers<[1], [0], [0], [1], [0, 0, 1, 1], [], []>, transpose_lhs_hint = false} : vector<3200x128xf32>, vector<128x128xf32>, vector<3200x128xf32> -> vector<3200x128xf32>
    %get3A_11 = arith.constant 0 : index
    %get3A_12 = arith.constant 0 : index
    %get3A_13 = vector.load %arg4[%get3A_11, %get3A_12] : memref<1x128xf32, #tpu.memory_space<vmem>>, vector<1x128xf32>
    %add3A_14 = vector.broadcast %get3A_13 : vector<1x128xf32> to vector<3200x128xf32>
    %add3A_15 = arith.addf %dot_general3A_10, %add3A_14 : vector<3200x128xf32>
    %reshape3A = vector.shape_cast %add3A_15 : vector<3200x128xf32> to vector<400x8x128xf32>
    %iota3A = tpu.iota {dimensions = array<i32: 1>} : vector<400x128xi32>
    %broadcast_in_dim3A = arith.constant 0.000000e+00 : f32
    %broadcast_in_dim3A_16 = vector.broadcast %broadcast_in_dim3A : f32 to vector<400x128xf32>
    %slice3A = vector.extract_strided_slice %reshape3A {offsets = [0, 0, 0], sizes = [400, 1, 128], strides = [1, 1, 1]} : vector<400x8x128xf32> to vector<400x1x128xf32>
    %squeeze3A = vector.shape_cast %slice3A : vector<400x1x128xf32> to vector<400x128xf32>
    %roll3A = arith.constant 0 : i32
    %roll3A_17 = tpu.dynamic_rotate %squeeze3A by %roll3A dim 1 : vector<400x128xf32>, i32 -> vector<400x128xf32>
    %ge3A = arith.constant 0 : i32
    %ge3A_18 = vector.broadcast %ge3A : i32 to vector<400x128xi32>
    %ge3A_19 = arith.cmpi sge, %iota3A, %ge3A_18 : vector<400x128xi32>
    %lt3A = arith.constant 16 : i32
    %lt3A_20 = vector.broadcast %lt3A : i32 to vector<400x128xi32>
    %lt3A_21 = arith.cmpi slt, %iota3A, %lt3A_20 : vector<400x128xi32>
    %and3A = arith.andi %ge3A_19, %lt3A_21 : vector<400x128xi1>
    %select_n3A = arith.select %and3A, %roll3A_17, %broadcast_in_dim3A_16 : vector<400x128xi1>, vector<400x128xf32>
    %slice3A_22 = vector.extract_strided_slice %reshape3A {offsets = [0, 1, 0], sizes = [400, 1, 128], strides = [1, 1, 1]} : vector<400x8x128xf32> to vector<400x1x128xf32>
    %squeeze3A_23 = vector.shape_cast %slice3A_22 : vector<400x1x128xf32> to vector<400x128xf32>
    %roll3A_24 = arith.constant 16 : i32
    %roll3A_25 = tpu.dynamic_rotate %squeeze3A_23 by %roll3A_24 dim 1 : vector<400x128xf32>, i32 -> vector<400x128xf32>
    %ge3A_26 = arith.constant 16 : i32
    %ge3A_27 = vector.broadcast %ge3A_26 : i32 to vector<400x128xi32>
    %ge3A_28 = arith.cmpi sge, %iota3A, %ge3A_27 : vector<400x128xi32>
    %lt3A_29 = arith.constant 32 : i32
    %lt3A_30 = vector.broadcast %lt3A_29 : i32 to vector<400x128xi32>
    %lt3A_31 = arith.cmpi slt, %iota3A, %lt3A_30 : vector<400x128xi32>
    %and3A_32 = arith.andi %ge3A_28, %lt3A_31 : vector<400x128xi1>
    %select_n3A_33 = arith.select %and3A_32, %roll3A_25, %select_n3A : vector<400x128xi1>, vector<400x128xf32>
    %slice3A_34 = vector.extract_strided_slice %reshape3A {offsets = [0, 2, 0], sizes = [400, 1, 128], strides = [1, 1, 1]} : vector<400x8x128xf32> to vector<400x1x128xf32>
    %squeeze3A_35 = vector.shape_cast %slice3A_34 : vector<400x1x128xf32> to vector<400x128xf32>
    %roll3A_36 = arith.constant 32 : i32
    %roll3A_37 = tpu.dynamic_rotate %squeeze3A_35 by %roll3A_36 dim 1 : vector<400x128xf32>, i32 -> vector<400x128xf32>
    %ge3A_38 = arith.constant 32 : i32
    %ge3A_39 = vector.broadcast %ge3A_38 : i32 to vector<400x128xi32>
    %ge3A_40 = arith.cmpi sge, %iota3A, %ge3A_39 : vector<400x128xi32>
    %lt3A_41 = arith.constant 48 : i32
    %lt3A_42 = vector.broadcast %lt3A_41 : i32 to vector<400x128xi32>
    %lt3A_43 = arith.cmpi slt, %iota3A, %lt3A_42 : vector<400x128xi32>
    %and3A_44 = arith.andi %ge3A_40, %lt3A_43 : vector<400x128xi1>
    %select_n3A_45 = arith.select %and3A_44, %roll3A_37, %select_n3A_33 : vector<400x128xi1>, vector<400x128xf32>
    %slice3A_46 = vector.extract_strided_slice %reshape3A {offsets = [0, 3, 0], sizes = [400, 1, 128], strides = [1, 1, 1]} : vector<400x8x128xf32> to vector<400x1x128xf32>
    %squeeze3A_47 = vector.shape_cast %slice3A_46 : vector<400x1x128xf32> to vector<400x128xf32>
    %roll3A_48 = arith.constant 48 : i32
    %roll3A_49 = tpu.dynamic_rotate %squeeze3A_47 by %roll3A_48 dim 1 : vector<400x128xf32>, i32 -> vector<400x128xf32>
    %ge3A_50 = arith.constant 48 : i32
    %ge3A_51 = vector.broadcast %ge3A_50 : i32 to vector<400x128xi32>
    %ge3A_52 = arith.cmpi sge, %iota3A, %ge3A_51 : vector<400x128xi32>
    %lt3A_53 = arith.constant 64 : i32
    %lt3A_54 = vector.broadcast %lt3A_53 : i32 to vector<400x128xi32>
    %lt3A_55 = arith.cmpi slt, %iota3A, %lt3A_54 : vector<400x128xi32>
    %and3A_56 = arith.andi %ge3A_52, %lt3A_55 : vector<400x128xi1>
    %select_n3A_57 = arith.select %and3A_56, %roll3A_49, %select_n3A_45 : vector<400x128xi1>, vector<400x128xf32>
    %slice3A_58 = vector.extract_strided_slice %reshape3A {offsets = [0, 4, 0], sizes = [400, 1, 128], strides = [1, 1, 1]} : vector<400x8x128xf32> to vector<400x1x128xf32>
    %squeeze3A_59 = vector.shape_cast %slice3A_58 : vector<400x1x128xf32> to vector<400x128xf32>
    %roll3A_60 = arith.constant 64 : i32
    %roll3A_61 = tpu.dynamic_rotate %squeeze3A_59 by %roll3A_60 dim 1 : vector<400x128xf32>, i32 -> vector<400x128xf32>
    %ge3A_62 = arith.constant 64 : i32
    %ge3A_63 = vector.broadcast %ge3A_62 : i32 to vector<400x128xi32>
    %ge3A_64 = arith.cmpi sge, %iota3A, %ge3A_63 : vector<400x128xi32>
    %lt3A_65 = arith.constant 80 : i32
    %lt3A_66 = vector.broadcast %lt3A_65 : i32 to vector<400x128xi32>
    %lt3A_67 = arith.cmpi slt, %iota3A, %lt3A_66 : vector<400x128xi32>
    %and3A_68 = arith.andi %ge3A_64, %lt3A_67 : vector<400x128xi1>
    %select_n3A_69 = arith.select %and3A_68, %roll3A_61, %select_n3A_57 : vector<400x128xi1>, vector<400x128xf32>
    %slice3A_70 = vector.extract_strided_slice %reshape3A {offsets = [0, 5, 0], sizes = [400, 1, 128], strides = [1, 1, 1]} : vector<400x8x128xf32> to vector<400x1x128xf32>
    %squeeze3A_71 = vector.shape_cast %slice3A_70 : vector<400x1x128xf32> to vector<400x128xf32>
    %roll3A_72 = arith.constant 80 : i32
    %roll3A_73 = tpu.dynamic_rotate %squeeze3A_71 by %roll3A_72 dim 1 : vector<400x128xf32>, i32 -> vector<400x128xf32>
    %ge3A_74 = arith.constant 80 : i32
    %ge3A_75 = vector.broadcast %ge3A_74 : i32 to vector<400x128xi32>
    %ge3A_76 = arith.cmpi sge, %iota3A, %ge3A_75 : vector<400x128xi32>
    %lt3A_77 = arith.constant 96 : i32
    %lt3A_78 = vector.broadcast %lt3A_77 : i32 to vector<400x128xi32>
    %lt3A_79 = arith.cmpi slt, %iota3A, %lt3A_78 : vector<400x128xi32>
    %and3A_80 = arith.andi %ge3A_76, %lt3A_79 : vector<400x128xi1>
    %select_n3A_81 = arith.select %and3A_80, %roll3A_73, %select_n3A_69 : vector<400x128xi1>, vector<400x128xf32>
    %slice3A_82 = vector.extract_strided_slice %reshape3A {offsets = [0, 6, 0], sizes = [400, 1, 128], strides = [1, 1, 1]} : vector<400x8x128xf32> to vector<400x1x128xf32>
    %squeeze3A_83 = vector.shape_cast %slice3A_82 : vector<400x1x128xf32> to vector<400x128xf32>
    %roll3A_84 = arith.constant 96 : i32
    %roll3A_85 = tpu.dynamic_rotate %squeeze3A_83 by %roll3A_84 dim 1 : vector<400x128xf32>, i32 -> vector<400x128xf32>
    %ge3A_86 = arith.constant 96 : i32
    %ge3A_87 = vector.broadcast %ge3A_86 : i32 to vector<400x128xi32>
    %ge3A_88 = arith.cmpi sge, %iota3A, %ge3A_87 : vector<400x128xi32>
    %lt3A_89 = arith.constant 112 : i32
    %lt3A_90 = vector.broadcast %lt3A_89 : i32 to vector<400x128xi32>
    %lt3A_91 = arith.cmpi slt, %iota3A, %lt3A_90 : vector<400x128xi32>
    %and3A_92 = arith.andi %ge3A_88, %lt3A_91 : vector<400x128xi1>
    %select_n3A_93 = arith.select %and3A_92, %roll3A_85, %select_n3A_81 : vector<400x128xi1>, vector<400x128xf32>
    %slice3A_94 = vector.extract_strided_slice %reshape3A {offsets = [0, 7, 0], sizes = [400, 1, 128], strides = [1, 1, 1]} : vector<400x8x128xf32> to vector<400x1x128xf32>
    %squeeze3A_95 = vector.shape_cast %slice3A_94 : vector<400x1x128xf32> to vector<400x128xf32>
    %roll3A_96 = arith.constant 112 : i32
    %roll3A_97 = tpu.dynamic_rotate %squeeze3A_95 by %roll3A_96 dim 1 : vector<400x128xf32>, i32 -> vector<400x128xf32>
    %ge3A_98 = arith.constant 112 : i32
    %ge3A_99 = vector.broadcast %ge3A_98 : i32 to vector<400x128xi32>
    %ge3A_100 = arith.cmpi sge, %iota3A, %ge3A_99 : vector<400x128xi32>
    %lt3A_101 = arith.constant 128 : i32
    %lt3A_102 = vector.broadcast %lt3A_101 : i32 to vector<400x128xi32>
    %lt3A_103 = arith.cmpi slt, %iota3A, %lt3A_102 : vector<400x128xi32>
    %and3A_104 = arith.andi %ge3A_100, %lt3A_103 : vector<400x128xi1>
    %select_n3A_105 = arith.select %and3A_104, %roll3A_97, %select_n3A_93 : vector<400x128xi1>, vector<400x128xf32>
    %swap3A = arith.constant 0 : index
    %swap3A_106 = arith.constant 0 : index
    %swap3A_107 = arith.constant 0 : index
    %swap3A_108 = vector.load %arg5[%swap3A, %swap3A_106, %swap3A_107] : memref<8x400x128xf32, #tpu.memory_space<vmem>>, vector<1x400x128xf32>
    %swap3A_109 = vector.shape_cast %swap3A_108 : vector<1x400x128xf32> to vector<400x128xf32>
    %swap3A_110 = vector.shape_cast %select_n3A_105 : vector<400x128xf32> to vector<1x400x128xf32>
    tpu.vector_store %arg5[%swap3A, %swap3A_106, %swap3A_107], %swap3A_110 {strides = array<i32>} : memref<8x400x128xf32, #tpu.memory_space<vmem>>, vector<1x400x128xf32>,
    %broadcast_in_dim3A_111 = arith.constant 0.000000e+00 : f32
    %broadcast_in_dim3A_112 = vector.broadcast %broadcast_in_dim3A_111 : f32 to vector<400x128xf32>
    %slice3A_113 = vector.extract_strided_slice %reshape3A {offsets = [0, 0, 0], sizes = [400, 1, 128], strides = [1, 1, 1]} : vector<400x8x128xf32> to vector<400x1x128xf32>
    %squeeze3A_114 = vector.shape_cast %slice3A_113 : vector<400x1x128xf32> to vector<400x128xf32>
    %roll3A_115 = arith.constant 112 : i32
    %roll3A_116 = tpu.dynamic_rotate %squeeze3A_114 by %roll3A_115 dim 1 : vector<400x128xf32>, i32 -> vector<400x128xf32>
    %ge3A_117 = arith.constant 0 : i32
    %ge3A_118 = vector.broadcast %ge3A_117 : i32 to vector<400x128xi32>
    %ge3A_119 = arith.cmpi sge, %iota3A, %ge3A_118 : vector<400x128xi32>
    %lt3A_120 = arith.constant 16 : i32
    %lt3A_121 = vector.broadcast %lt3A_120 : i32 to vector<400x128xi32>
    %lt3A_122 = arith.cmpi slt, %iota3A, %lt3A_121 : vector<400x128xi32>
    %and3A_123 = arith.andi %ge3A_119, %lt3A_122 : vector<400x128xi1>
    %select_n3A_124 = arith.select %and3A_123, %roll3A_116, %broadcast_in_dim3A_112 : vector<400x128xi1>, vector<400x128xf32>
    %slice3A_125 = vector.extract_strided_slice %reshape3A {offsets = [0, 1, 0], sizes = [400, 1, 128], strides = [1, 1, 1]} : vector<400x8x128xf32> to vector<400x1x128xf32>
    %squeeze3A_126 = vector.shape_cast %slice3A_125 : vector<400x1x128xf32> to vector<400x128xf32>
    %roll3A_127 = arith.constant 0 : i32
    %roll3A_128 = tpu.dynamic_rotate %squeeze3A_126 by %roll3A_127 dim 1 : vector<400x128xf32>, i32 -> vector<400x128xf32>
    %ge3A_129 = arith.constant 16 : i32
    %ge3A_130 = vector.broadcast %ge3A_129 : i32 to vector<400x128xi32>
    %ge3A_131 = arith.cmpi sge, %iota3A, %ge3A_130 : vector<400x128xi32>
    %lt3A_132 = arith.constant 32 : i32
    %lt3A_133 = vector.broadcast %lt3A_132 : i32 to vector<400x128xi32>
    %lt3A_134 = arith.cmpi slt, %iota3A, %lt3A_133 : vector<400x128xi32>
    %and3A_135 = arith.andi %ge3A_131, %lt3A_134 : vector<400x128xi1>
    %select_n3A_136 = arith.select %and3A_135, %roll3A_128, %select_n3A_124 : vector<400x128xi1>, vector<400x128xf32>
    %slice3A_137 = vector.extract_strided_slice %reshape3A {offsets = [0, 2, 0], sizes = [400, 1, 128], strides = [1, 1, 1]} : vector<400x8x128xf32> to vector<400x1x128xf32>
    %squeeze3A_138 = vector.shape_cast %slice3A_137 : vector<400x1x128xf32> to vector<400x128xf32>
    %roll3A_139 = arith.constant 16 : i32
    %roll3A_140 = tpu.dynamic_rotate %squeeze3A_138 by %roll3A_139 dim 1 : vector<400x128xf32>, i32 -> vector<400x128xf32>
    %ge3A_141 = arith.constant 32 : i32
    %ge3A_142 = vector.broadcast %ge3A_141 : i32 to vector<400x128xi32>
    %ge3A_143 = arith.cmpi sge, %iota3A, %ge3A_142 : vector<400x128xi32>
    %lt3A_144 = arith.constant 48 : i32
    %lt3A_145 = vector.broadcast %lt3A_144 : i32 to vector<400x128xi32>
    %lt3A_146 = arith.cmpi slt, %iota3A, %lt3A_145 : vector<400x128xi32>
    %and3A_147 = arith.andi %ge3A_143, %lt3A_146 : vector<400x128xi1>
    %select_n3A_148 = arith.select %and3A_147, %roll3A_140, %select_n3A_136 : vector<400x128xi1>, vector<400x128xf32>
    %slice3A_149 = vector.extract_strided_slice %reshape3A {offsets = [0, 3, 0], sizes = [400, 1, 128], strides = [1, 1, 1]} : vector<400x8x128xf32> to vector<400x1x128xf32>
    %squeeze3A_150 = vector.shape_cast %slice3A_149 : vector<400x1x128xf32> to vector<400x128xf32>
    %roll3A_151 = arith.constant 32 : i32
    %roll3A_152 = tpu.dynamic_rotate %squeeze3A_150 by %roll3A_151 dim 1 : vector<400x128xf32>, i32 -> vector<400x128xf32>
    %ge3A_153 = arith.constant 48 : i32
    %ge3A_154 = vector.broadcast %ge3A_153 : i32 to vector<400x128xi32>
    %ge3A_155 = arith.cmpi sge, %iota3A, %ge3A_154 : vector<400x128xi32>
    %lt3A_156 = arith.constant 64 : i32
    %lt3A_157 = vector.broadcast %lt3A_156 : i32 to vector<400x128xi32>
    %lt3A_158 = arith.cmpi slt, %iota3A, %lt3A_157 : vector<400x128xi32>
    %and3A_159 = arith.andi %ge3A_155, %lt3A_158 : vector<400x128xi1>
    %select_n3A_160 = arith.select %and3A_159, %roll3A_152, %select_n3A_148 : vector<400x128xi1>, vector<400x128xf32>
    %slice3A_161 = vector.extract_strided_slice %reshape3A {offsets = [0, 4, 0], sizes = [400, 1, 128], strides = [1, 1, 1]} : vector<400x8x128xf32> to vector<400x1x128xf32>
    %squeeze3A_162 = vector.shape_cast %slice3A_161 : vector<400x1x128xf32> to vector<400x128xf32>
    %roll3A_163 = arith.constant 48 : i32
    %roll3A_164 = tpu.dynamic_rotate %squeeze3A_162 by %roll3A_163 dim 1 : vector<400x128xf32>, i32 -> vector<400x128xf32>
    %ge3A_165 = arith.constant 64 : i32
    %ge3A_166 = vector.broadcast %ge3A_165 : i32 to vector<400x128xi32>
    %ge3A_167 = arith.cmpi sge, %iota3A, %ge3A_166 : vector<400x128xi32>
    %lt3A_168 = arith.constant 80 : i32
    %lt3A_169 = vector.broadcast %lt3A_168 : i32 to vector<400x128xi32>
    %lt3A_170 = arith.cmpi slt, %iota3A, %lt3A_169 : vector<400x128xi32>
    %and3A_171 = arith.andi %ge3A_167, %lt3A_170 : vector<400x128xi1>
    %select_n3A_172 = arith.select %and3A_171, %roll3A_164, %select_n3A_160 : vector<400x128xi1>, vector<400x128xf32>
    %slice3A_173 = vector.extract_strided_slice %reshape3A {offsets = [0, 5, 0], sizes = [400, 1, 128], strides = [1, 1, 1]} : vector<400x8x128xf32> to vector<400x1x128xf32>
    %squeeze3A_174 = vector.shape_cast %slice3A_173 : vector<400x1x128xf32> to vector<400x128xf32>
    %roll3A_175 = arith.constant 64 : i32
    %roll3A_176 = tpu.dynamic_rotate %squeeze3A_174 by %roll3A_175 dim 1 : vector<400x128xf32>, i32 -> vector<400x128xf32>
    %ge3A_177 = arith.constant 80 : i32
    %ge3A_178 = vector.broadcast %ge3A_177 : i32 to vector<400x128xi32>
    %ge3A_179 = arith.cmpi sge, %iota3A, %ge3A_178 : vector<400x128xi32>
    %lt3A_180 = arith.constant 96 : i32
    %lt3A_181 = vector.broadcast %lt3A_180 : i32 to vector<400x128xi32>
    %lt3A_182 = arith.cmpi slt, %iota3A, %lt3A_181 : vector<400x128xi32>
    %and3A_183 = arith.andi %ge3A_179, %lt3A_182 : vector<400x128xi1>
    %select_n3A_184 = arith.select %and3A_183, %roll3A_176, %select_n3A_172 : vector<400x128xi1>, vector<400x128xf32>
    %slice3A_185 = vector.extract_strided_slice %reshape3A {offsets = [0, 6, 0], sizes = [400, 1, 128], strides = [1, 1, 1]} : vector<400x8x128xf32> to vector<400x1x128xf32>
    %squeeze3A_186 = vector.shape_cast %slice3A_185 : vector<400x1x128xf32> to vector<400x128xf32>
    %roll3A_187 = arith.constant 80 : i32
    %roll3A_188 = tpu.dynamic_rotate %squeeze3A_186 by %roll3A_187 dim 1 : vector<400x128xf32>, i32 -> vector<400x128xf32>
    %ge3A_189 = arith.constant 96 : i32
    %ge3A_190 = vector.broadcast %ge3A_189 : i32 to vector<400x128xi32>
    %ge3A_191 = arith.cmpi sge, %iota3A, %ge3A_190 : vector<400x128xi32>
    %lt3A_192 = arith.constant 112 : i32
    %lt3A_193 = vector.broadcast %lt3A_192 : i32 to vector<400x128xi32>
    %lt3A_194 = arith.cmpi slt, %iota3A, %lt3A_193 : vector<400x128xi32>
    %and3A_195 = arith.andi %ge3A_191, %lt3A_194 : vector<400x128xi1>
    %select_n3A_196 = arith.select %and3A_195, %roll3A_188, %select_n3A_184 : vector<400x128xi1>, vector<400x128xf32>
    %slice3A_197 = vector.extract_strided_slice %reshape3A {offsets = [0, 7, 0], sizes = [400, 1, 128], strides = [1, 1, 1]} : vector<400x8x128xf32> to vector<400x1x128xf32>
    %squeeze3A_198 = vector.shape_cast %slice3A_197 : vector<400x1x128xf32> to vector<400x128xf32>
    %roll3A_199 = arith.constant 96 : i32
    %roll3A_200 = tpu.dynamic_rotate %squeeze3A_198 by %roll3A_199 dim 1 : vector<400x128xf32>, i32 -> vector<400x128xf32>
    %ge3A_201 = arith.constant 112 : i32
    %ge3A_202 = vector.broadcast %ge3A_201 : i32 to vector<400x128xi32>
    %ge3A_203 = arith.cmpi sge, %iota3A, %ge3A_202 : vector<400x128xi32>
    %lt3A_204 = arith.constant 128 : i32
    %lt3A_205 = vector.broadcast %lt3A_204 : i32 to vector<400x128xi32>
    %lt3A_206 = arith.cmpi slt, %iota3A, %lt3A_205 : vector<400x128xi32>
    %and3A_207 = arith.andi %ge3A_203, %lt3A_206 : vector<400x128xi1>
    %select_n3A_208 = arith.select %and3A_207, %roll3A_200, %select_n3A_196 : vector<400x128xi1>, vector<400x128xf32>
    %swap3A_209 = arith.constant 1 : index
    %swap3A_210 = arith.constant 0 : index
    %swap3A_211 = arith.constant 0 : index
    %swap3A_212 = vector.load %arg5[%swap3A_209, %swap3A_210, %swap3A_211] : memref<8x400x128xf32, #tpu.memory_space<vmem>>, vector<1x400x128xf32>
    %swap3A_213 = vector.shape_cast %swap3A_212 : vector<1x400x128xf32> to vector<400x128xf32>
    %swap3A_214 = vector.shape_cast %select_n3A_208 : vector<400x128xf32> to vector<1x400x128xf32>
    tpu.vector_store %arg5[%swap3A_209, %swap3A_210, %swap3A_211], %swap3A_214 {strides = array<i32>} : memref<8x400x128xf32, #tpu.memory_space<vmem>>, vector<1x400x128xf32>,
    %broadcast_in_dim3A_215 = arith.constant 0.000000e+00 : f32
    %broadcast_in_dim3A_216 = vector.broadcast %broadcast_in_dim3A_215 : f32 to vector<400x128xf32>
    %slice3A_217 = vector.extract_strided_slice %reshape3A {offsets = [0, 0, 0], sizes = [400, 1, 128], strides = [1, 1, 1]} : vector<400x8x128xf32> to vector<400x1x128xf32>
    %squeeze3A_218 = vector.shape_cast %slice3A_217 : vector<400x1x128xf32> to vector<400x128xf32>
    %roll3A_219 = arith.constant 96 : i32
    %roll3A_220 = tpu.dynamic_rotate %squeeze3A_218 by %roll3A_219 dim 1 : vector<400x128xf32>, i32 -> vector<400x128xf32>
    %ge3A_221 = arith.constant 0 : i32
    %ge3A_222 = vector.broadcast %ge3A_221 : i32 to vector<400x128xi32>
    %ge3A_223 = arith.cmpi sge, %iota3A, %ge3A_222 : vector<400x128xi32>
    %lt3A_224 = arith.constant 16 : i32
    %lt3A_225 = vector.broadcast %lt3A_224 : i32 to vector<400x128xi32>
    %lt3A_226 = arith.cmpi slt, %iota3A, %lt3A_225 : vector<400x128xi32>
    %and3A_227 = arith.andi %ge3A_223, %lt3A_226 : vector<400x128xi1>
    %select_n3A_228 = arith.select %and3A_227, %roll3A_220, %broadcast_in_dim3A_216 : vector<400x128xi1>, vector<400x128xf32>
    %slice3A_229 = vector.extract_strided_slice %reshape3A {offsets = [0, 1, 0], sizes = [400, 1, 128], strides = [1, 1, 1]} : vector<400x8x128xf32> to vector<400x1x128xf32>
    %squeeze3A_230 = vector.shape_cast %slice3A_229 : vector<400x1x128xf32> to vector<400x128xf32>
    %roll3A_231 = arith.constant 112 : i32
    %roll3A_232 = tpu.dynamic_rotate %squeeze3A_230 by %roll3A_231 dim 1 : vector<400x128xf32>, i32 -> vector<400x128xf32>
    %ge3A_233 = arith.constant 16 : i32
    %ge3A_234 = vector.broadcast %ge3A_233 : i32 to vector<400x128xi32>
    %ge3A_235 = arith.cmpi sge, %iota3A, %ge3A_234 : vector<400x128xi32>
    %lt3A_236 = arith.constant 32 : i32
    %lt3A_237 = vector.broadcast %lt3A_236 : i32 to vector<400x128xi32>
    %lt3A_238 = arith.cmpi slt, %iota3A, %lt3A_237 : vector<400x128xi32>
    %and3A_239 = arith.andi %ge3A_235, %lt3A_238 : vector<400x128xi1>
    %select_n3A_240 = arith.select %and3A_239, %roll3A_232, %select_n3A_228 : vector<400x128xi1>, vector<400x128xf32>
    %slice3A_241 = vector.extract_strided_slice %reshape3A {offsets = [0, 2, 0], sizes = [400, 1, 128], strides = [1, 1, 1]} : vector<400x8x128xf32> to vector<400x1x128xf32>
    %squeeze3A_242 = vector.shape_cast %slice3A_241 : vector<400x1x128xf32> to vector<400x128xf32>
    %roll3A_243 = arith.constant 0 : i32
    %roll3A_244 = tpu.dynamic_rotate %squeeze3A_242 by %roll3A_243 dim 1 : vector<400x128xf32>, i32 -> vector<400x128xf32>
    %ge3A_245 = arith.constant 32 : i32
    %ge3A_246 = vector.broadcast %ge3A_245 : i32 to vector<400x128xi32>
    %ge3A_247 = arith.cmpi sge, %iota3A, %ge3A_246 : vector<400x128xi32>
    %lt3A_248 = arith.constant 48 : i32
    %lt3A_249 = vector.broadcast %lt3A_248 : i32 to vector<400x128xi32>
    %lt3A_250 = arith.cmpi slt, %iota3A, %lt3A_249 : vector<400x128xi32>
    %and3A_251 = arith.andi %ge3A_247, %lt3A_250 : vector<400x128xi1>
    %select_n3A_252 = arith.select %and3A_251, %roll3A_244, %select_n3A_240 : vector<400x128xi1>, vector<400x128xf32>
    %slice3A_253 = vector.extract_strided_slice %reshape3A {offsets = [0, 3, 0], sizes = [400, 1, 128], strides = [1, 1, 1]} : vector<400x8x128xf32> to vector<400x1x128xf32>
    %squeeze3A_254 = vector.shape_cast %slice3A_253 : vector<400x1x128xf32> to vector<400x128xf32>
    %roll3A_255 = arith.constant 16 : i32
    %roll3A_256 = tpu.dynamic_rotate %squeeze3A_254 by %roll3A_255 dim 1 : vector<400x128xf32>, i32 -> vector<400x128xf32>
    %ge3A_257 = arith.constant 48 : i32
    %ge3A_258 = vector.broadcast %ge3A_257 : i32 to vector<400x128xi32>
    %ge3A_259 = arith.cmpi sge, %iota3A, %ge3A_258 : vector<400x128xi32>
    %lt3A_260 = arith.constant 64 : i32
    %lt3A_261 = vector.broadcast %lt3A_260 : i32 to vector<400x128xi32>
    %lt3A_262 = arith.cmpi slt, %iota3A, %lt3A_261 : vector<400x128xi32>
    %and3A_263 = arith.andi %ge3A_259, %lt3A_262 : vector<400x128xi1>
    %select_n3A_264 = arith.select %and3A_263, %roll3A_256, %select_n3A_252 : vector<400x128xi1>, vector<400x128xf32>
    %slice3A_265 = vector.extract_strided_slice %reshape3A {offsets = [0, 4, 0], sizes = [400, 1, 128], strides = [1, 1, 1]} : vector<400x8x128xf32> to vector<400x1x128xf32>
    %squeeze3A_266 = vector.shape_cast %slice3A_265 : vector<400x1x128xf32> to vector<400x128xf32>
    %roll3A_267 = arith.constant 32 : i32
    %roll3A_268 = tpu.dynamic_rotate %squeeze3A_266 by %roll3A_267 dim 1 : vector<400x128xf32>, i32 -> vector<400x128xf32>
    %ge3A_269 = arith.constant 64 : i32
    %ge3A_270 = vector.broadcast %ge3A_269 : i32 to vector<400x128xi32>
    %ge3A_271 = arith.cmpi sge, %iota3A, %ge3A_270 : vector<400x128xi32>
    %lt3A_272 = arith.constant 80 : i32
    %lt3A_273 = vector.broadcast %lt3A_272 : i32 to vector<400x128xi32>
    %lt3A_274 = arith.cmpi slt, %iota3A, %lt3A_273 : vector<400x128xi32>
    %and3A_275 = arith.andi %ge3A_271, %lt3A_274 : vector<400x128xi1>
    %select_n3A_276 = arith.select %and3A_275, %roll3A_268, %select_n3A_264 : vector<400x128xi1>, vector<400x128xf32>
    %slice3A_277 = vector.extract_strided_slice %reshape3A {offsets = [0, 5, 0], sizes = [400, 1, 128], strides = [1, 1, 1]} : vector<400x8x128xf32> to vector<400x1x128xf32>
    %squeeze3A_278 = vector.shape_cast %slice3A_277 : vector<400x1x128xf32> to vector<400x128xf32>
    %roll3A_279 = arith.constant 48 : i32
    %roll3A_280 = tpu.dynamic_rotate %squeeze3A_278 by %roll3A_279 dim 1 : vector<400x128xf32>, i32 -> vector<400x128xf32>
    %ge3A_281 = arith.constant 80 : i32
    %ge3A_282 = vector.broadcast %ge3A_281 : i32 to vector<400x128xi32>
    %ge3A_283 = arith.cmpi sge, %iota3A, %ge3A_282 : vector<400x128xi32>
    %lt3A_284 = arith.constant 96 : i32
    %lt3A_285 = vector.broadcast %lt3A_284 : i32 to vector<400x128xi32>
    %lt3A_286 = arith.cmpi slt, %iota3A, %lt3A_285 : vector<400x128xi32>
    %and3A_287 = arith.andi %ge3A_283, %lt3A_286 : vector<400x128xi1>
    %select_n3A_288 = arith.select %and3A_287, %roll3A_280, %select_n3A_276 : vector<400x128xi1>, vector<400x128xf32>
    %slice3A_289 = vector.extract_strided_slice %reshape3A {offsets = [0, 6, 0], sizes = [400, 1, 128], strides = [1, 1, 1]} : vector<400x8x128xf32> to vector<400x1x128xf32>
    %squeeze3A_290 = vector.shape_cast %slice3A_289 : vector<400x1x128xf32> to vector<400x128xf32>
    %roll3A_291 = arith.constant 64 : i32
    %roll3A_292 = tpu.dynamic_rotate %squeeze3A_290 by %roll3A_291 dim 1 : vector<400x128xf32>, i32 -> vector<400x128xf32>
    %ge3A_293 = arith.constant 96 : i32
    %ge3A_294 = vector.broadcast %ge3A_293 : i32 to vector<400x128xi32>
    %ge3A_295 = arith.cmpi sge, %iota3A, %ge3A_294 : vector<400x128xi32>
    %lt3A_296 = arith.constant 112 : i32
    %lt3A_297 = vector.broadcast %lt3A_296 : i32 to vector<400x128xi32>
    %lt3A_298 = arith.cmpi slt, %iota3A, %lt3A_297 : vector<400x128xi32>
    %and3A_299 = arith.andi %ge3A_295, %lt3A_298 : vector<400x128xi1>
    %select_n3A_300 = arith.select %and3A_299, %roll3A_292, %select_n3A_288 : vector<400x128xi1>, vector<400x128xf32>
    %slice3A_301 = vector.extract_strided_slice %reshape3A {offsets = [0, 7, 0], sizes = [400, 1, 128], strides = [1, 1, 1]} : vector<400x8x128xf32> to vector<400x1x128xf32>
    %squeeze3A_302 = vector.shape_cast %slice3A_301 : vector<400x1x128xf32> to vector<400x128xf32>
    %roll3A_303 = arith.constant 80 : i32
    %roll3A_304 = tpu.dynamic_rotate %squeeze3A_302 by %roll3A_303 dim 1 : vector<400x128xf32>, i32 -> vector<400x128xf32>
    %ge3A_305 = arith.constant 112 : i32
    %ge3A_306 = vector.broadcast %ge3A_305 : i32 to vector<400x128xi32>
    %ge3A_307 = arith.cmpi sge, %iota3A, %ge3A_306 : vector<400x128xi32>
    %lt3A_308 = arith.constant 128 : i32
    %lt3A_309 = vector.broadcast %lt3A_308 : i32 to vector<400x128xi32>
    %lt3A_310 = arith.cmpi slt, %iota3A, %lt3A_309 : vector<400x128xi32>
    %and3A_311 = arith.andi %ge3A_307, %lt3A_310 : vector<400x128xi1>
    %select_n3A_312 = arith.select %and3A_311, %roll3A_304, %select_n3A_300 : vector<400x128xi1>, vector<400x128xf32>
    %swap3A_313 = arith.constant 2 : index
    %swap3A_314 = arith.constant 0 : index
    %swap3A_315 = arith.constant 0 : index
    %swap3A_316 = vector.load %arg5[%swap3A_313, %swap3A_314, %swap3A_315] : memref<8x400x128xf32, #tpu.memory_space<vmem>>, vector<1x400x128xf32>
    %swap3A_317 = vector.shape_cast %swap3A_316 : vector<1x400x128xf32> to vector<400x128xf32>
    %swap3A_318 = vector.shape_cast %select_n3A_312 : vector<400x128xf32> to vector<1x400x128xf32>
    tpu.vector_store %arg5[%swap3A_313, %swap3A_314, %swap3A_315], %swap3A_318 {strides = array<i32>} : memref<8x400x128xf32, #tpu.memory_space<vmem>>, vector<1x400x128xf32>,
    %broadcast_in_dim3A_319 = arith.constant 0.000000e+00 : f32
    %broadcast_in_dim3A_320 = vector.broadcast %broadcast_in_dim3A_319 : f32 to vector<400x128xf32>
    %slice3A_321 = vector.extract_strided_slice %reshape3A {offsets = [0, 0, 0], sizes = [400, 1, 128], strides = [1, 1, 1]} : vector<400x8x128xf32> to vector<400x1x128xf32>
    %squeeze3A_322 = vector.shape_cast %slice3A_321 : vector<400x1x128xf32> to vector<400x128xf32>
    %roll3A_323 = arith.constant 80 : i32
    %roll3A_324 = tpu.dynamic_rotate %squeeze3A_322 by %roll3A_323 dim 1 : vector<400x128xf32>, i32 -> vector<400x128xf32>
    %ge3A_325 = arith.constant 0 : i32
    %ge3A_326 = vector.broadcast %ge3A_325 : i32 to vector<400x128xi32>
    %ge3A_327 = arith.cmpi sge, %iota3A, %ge3A_326 : vector<400x128xi32>
    %lt3A_328 = arith.constant 16 : i32
    %lt3A_329 = vector.broadcast %lt3A_328 : i32 to vector<400x128xi32>
    %lt3A_330 = arith.cmpi slt, %iota3A, %lt3A_329 : vector<400x128xi32>
    %and3A_331 = arith.andi %ge3A_327, %lt3A_330 : vector<400x128xi1>
    %select_n3A_332 = arith.select %and3A_331, %roll3A_324, %broadcast_in_dim3A_320 : vector<400x128xi1>, vector<400x128xf32>
    %slice3A_333 = vector.extract_strided_slice %reshape3A {offsets = [0, 1, 0], sizes = [400, 1, 128], strides = [1, 1, 1]} : vector<400x8x128xf32> to vector<400x1x128xf32>
    %squeeze3A_334 = vector.shape_cast %slice3A_333 : vector<400x1x128xf32> to vector<400x128xf32>
    %roll3A_335 = arith.constant 96 : i32
    %roll3A_336 = tpu.dynamic_rotate %squeeze3A_334 by %roll3A_335 dim 1 : vector<400x128xf32>, i32 -> vector<400x128xf32>
    %ge3A_337 = arith.constant 16 : i32
    %ge3A_338 = vector.broadcast %ge3A_337 : i32 to vector<400x128xi32>
    %ge3A_339 = arith.cmpi sge, %iota3A, %ge3A_338 : vector<400x128xi32>
    %lt3A_340 = arith.constant 32 : i32
    %lt3A_341 = vector.broadcast %lt3A_340 : i32 to vector<400x128xi32>
    %lt3A_342 = arith.cmpi slt, %iota3A, %lt3A_341 : vector<400x128xi32>
    %and3A_343 = arith.andi %ge3A_339, %lt3A_342 : vector<400x128xi1>
    %select_n3A_344 = arith.select %and3A_343, %roll3A_336, %select_n3A_332 : vector<400x128xi1>, vector<400x128xf32>
    %slice3A_345 = vector.extract_strided_slice %reshape3A {offsets = [0, 2, 0], sizes = [400, 1, 128], strides = [1, 1, 1]} : vector<400x8x128xf32> to vector<400x1x128xf32>
    %squeeze3A_346 = vector.shape_cast %slice3A_345 : vector<400x1x128xf32> to vector<400x128xf32>
    %roll3A_347 = arith.constant 112 : i32
    %roll3A_348 = tpu.dynamic_rotate %squeeze3A_346 by %roll3A_347 dim 1 : vector<400x128xf32>, i32 -> vector<400x128xf32>
    %ge3A_349 = arith.constant 32 : i32
    %ge3A_350 = vector.broadcast %ge3A_349 : i32 to vector<400x128xi32>
    %ge3A_351 = arith.cmpi sge, %iota3A, %ge3A_350 : vector<400x128xi32>
    %lt3A_352 = arith.constant 48 : i32
    %lt3A_353 = vector.broadcast %lt3A_352 : i32 to vector<400x128xi32>
    %lt3A_354 = arith.cmpi slt, %iota3A, %lt3A_353 : vector<400x128xi32>
    %and3A_355 = arith.andi %ge3A_351, %lt3A_354 : vector<400x128xi1>
    %select_n3A_356 = arith.select %and3A_355, %roll3A_348, %select_n3A_344 : vector<400x128xi1>, vector<400x128xf32>
    %slice3A_357 = vector.extract_strided_slice %reshape3A {offsets = [0, 3, 0], sizes = [400, 1, 128], strides = [1, 1, 1]} : vector<400x8x128xf32> to vector<400x1x128xf32>
    %squeeze3A_358 = vector.shape_cast %slice3A_357 : vector<400x1x128xf32> to vector<400x128xf32>
    %roll3A_359 = arith.constant 0 : i32
    %roll3A_360 = tpu.dynamic_rotate %squeeze3A_358 by %roll3A_359 dim 1 : vector<400x128xf32>, i32 -> vector<400x128xf32>
    %ge3A_361 = arith.constant 48 : i32
    %ge3A_362 = vector.broadcast %ge3A_361 : i32 to vector<400x128xi32>
    %ge3A_363 = arith.cmpi sge, %iota3A, %ge3A_362 : vector<400x128xi32>
    %lt3A_364 = arith.constant 64 : i32
    %lt3A_365 = vector.broadcast %lt3A_364 : i32 to vector<400x128xi32>
    %lt3A_366 = arith.cmpi slt, %iota3A, %lt3A_365 : vector<400x128xi32>
    %and3A_367 = arith.andi %ge3A_363, %lt3A_366 : vector<400x128xi1>
    %select_n3A_368 = arith.select %and3A_367, %roll3A_360, %select_n3A_356 : vector<400x128xi1>, vector<400x128xf32>
    %slice3A_369 = vector.extract_strided_slice %reshape3A {offsets = [0, 4, 0], sizes = [400, 1, 128], strides = [1, 1, 1]} : vector<400x8x128xf32> to vector<400x1x128xf32>
    %squeeze3A_370 = vector.shape_cast %slice3A_369 : vector<400x1x128xf32> to vector<400x128xf32>
    %roll3A_371 = arith.constant 16 : i32
    %roll3A_372 = tpu.dynamic_rotate %squeeze3A_370 by %roll3A_371 dim 1 : vector<400x128xf32>, i32 -> vector<400x128xf32>
    %ge3A_373 = arith.constant 64 : i32
    %ge3A_374 = vector.broadcast %ge3A_373 : i32 to vector<400x128xi32>
    %ge3A_375 = arith.cmpi sge, %iota3A, %ge3A_374 : vector<400x128xi32>
    %lt3A_376 = arith.constant 80 : i32
    %lt3A_377 = vector.broadcast %lt3A_376 : i32 to vector<400x128xi32>
    %lt3A_378 = arith.cmpi slt, %iota3A, %lt3A_377 : vector<400x128xi32>
    %and3A_379 = arith.andi %ge3A_375, %lt3A_378 : vector<400x128xi1>
    %select_n3A_380 = arith.select %and3A_379, %roll3A_372, %select_n3A_368 : vector<400x128xi1>, vector<400x128xf32>
    %slice3A_381 = vector.extract_strided_slice %reshape3A {offsets = [0, 5, 0], sizes = [400, 1, 128], strides = [1, 1, 1]} : vector<400x8x128xf32> to vector<400x1x128xf32>
    %squeeze3A_382 = vector.shape_cast %slice3A_381 : vector<400x1x128xf32> to vector<400x128xf32>
    %roll3A_383 = arith.constant 32 : i32
    %roll3A_384 = tpu.dynamic_rotate %squeeze3A_382 by %roll3A_383 dim 1 : vector<400x128xf32>, i32 -> vector<400x128xf32>
    %ge3A_385 = arith.constant 80 : i32
    %ge3A_386 = vector.broadcast %ge3A_385 : i32 to vector<400x128xi32>
    %ge3A_387 = arith.cmpi sge, %iota3A, %ge3A_386 : vector<400x128xi32>
    %lt3A_388 = arith.constant 96 : i32
    %lt3A_389 = vector.broadcast %lt3A_388 : i32 to vector<400x128xi32>
    %lt3A_390 = arith.cmpi slt, %iota3A, %lt3A_389 : vector<400x128xi32>
    %and3A_391 = arith.andi %ge3A_387, %lt3A_390 : vector<400x128xi1>
    %select_n3A_392 = arith.select %and3A_391, %roll3A_384, %select_n3A_380 : vector<400x128xi1>, vector<400x128xf32>
    %slice3A_393 = vector.extract_strided_slice %reshape3A {offsets = [0, 6, 0], sizes = [400, 1, 128], strides = [1, 1, 1]} : vector<400x8x128xf32> to vector<400x1x128xf32>
    %squeeze3A_394 = vector.shape_cast %slice3A_393 : vector<400x1x128xf32> to vector<400x128xf32>
    %roll3A_395 = arith.constant 48 : i32
    %roll3A_396 = tpu.dynamic_rotate %squeeze3A_394 by %roll3A_395 dim 1 : vector<400x128xf32>, i32 -> vector<400x128xf32>
    %ge3A_397 = arith.constant 96 : i32
    %ge3A_398 = vector.broadcast %ge3A_397 : i32 to vector<400x128xi32>
    %ge3A_399 = arith.cmpi sge, %iota3A, %ge3A_398 : vector<400x128xi32>
    %lt3A_400 = arith.constant 112 : i32
    %lt3A_401 = vector.broadcast %lt3A_400 : i32 to vector<400x128xi32>
    %lt3A_402 = arith.cmpi slt, %iota3A, %lt3A_401 : vector<400x128xi32>
    %and3A_403 = arith.andi %ge3A_399, %lt3A_402 : vector<400x128xi1>
    %select_n3A_404 = arith.select %and3A_403, %roll3A_396, %select_n3A_392 : vector<400x128xi1>, vector<400x128xf32>
    %slice3A_405 = vector.extract_strided_slice %reshape3A {offsets = [0, 7, 0], sizes = [400, 1, 128], strides = [1, 1, 1]} : vector<400x8x128xf32> to vector<400x1x128xf32>
    %squeeze3A_406 = vector.shape_cast %slice3A_405 : vector<400x1x128xf32> to vector<400x128xf32>
    %roll3A_407 = arith.constant 64 : i32
    %roll3A_408 = tpu.dynamic_rotate %squeeze3A_406 by %roll3A_407 dim 1 : vector<400x128xf32>, i32 -> vector<400x128xf32>
    %ge3A_409 = arith.constant 112 : i32
    %ge3A_410 = vector.broadcast %ge3A_409 : i32 to vector<400x128xi32>
    %ge3A_411 = arith.cmpi sge, %iota3A, %ge3A_410 : vector<400x128xi32>
    %lt3A_412 = arith.constant 128 : i32
    %lt3A_413 = vector.broadcast %lt3A_412 : i32 to vector<400x128xi32>
    %lt3A_414 = arith.cmpi slt, %iota3A, %lt3A_413 : vector<400x128xi32>
    %and3A_415 = arith.andi %ge3A_411, %lt3A_414 : vector<400x128xi1>
    %select_n3A_416 = arith.select %and3A_415, %roll3A_408, %select_n3A_404 : vector<400x128xi1>, vector<400x128xf32>
    %swap3A_417 = arith.constant 3 : index
    %swap3A_418 = arith.constant 0 : index
    %swap3A_419 = arith.constant 0 : index
    %swap3A_420 = vector.load %arg5[%swap3A_417, %swap3A_418, %swap3A_419] : memref<8x400x128xf32, #tpu.memory_space<vmem>>, vector<1x400x128xf32>
    %swap3A_421 = vector.shape_cast %swap3A_420 : vector<1x400x128xf32> to vector<400x128xf32>
    %swap3A_422 = vector.shape_cast %select_n3A_416 : vector<400x128xf32> to vector<1x400x128xf32>
    tpu.vector_store %arg5[%swap3A_417, %swap3A_418, %swap3A_419], %swap3A_422 {strides = array<i32>} : memref<8x400x128xf32, #tpu.memory_space<vmem>>, vector<1x400x128xf32>,
    %broadcast_in_dim3A_423 = arith.constant 0.000000e+00 : f32
    %broadcast_in_dim3A_424 = vector.broadcast %broadcast_in_dim3A_423 : f32 to vector<400x128xf32>
    %slice3A_425 = vector.extract_strided_slice %reshape3A {offsets = [0, 0, 0], sizes = [400, 1, 128], strides = [1, 1, 1]} : vector<400x8x128xf32> to vector<400x1x128xf32>
    %squeeze3A_426 = vector.shape_cast %slice3A_425 : vector<400x1x128xf32> to vector<400x128xf32>
    %roll3A_427 = arith.constant 64 : i32
    %roll3A_428 = tpu.dynamic_rotate %squeeze3A_426 by %roll3A_427 dim 1 : vector<400x128xf32>, i32 -> vector<400x128xf32>
    %ge3A_429 = arith.constant 0 : i32
    %ge3A_430 = vector.broadcast %ge3A_429 : i32 to vector<400x128xi32>
    %ge3A_431 = arith.cmpi sge, %iota3A, %ge3A_430 : vector<400x128xi32>
    %lt3A_432 = arith.constant 16 : i32
    %lt3A_433 = vector.broadcast %lt3A_432 : i32 to vector<400x128xi32>
    %lt3A_434 = arith.cmpi slt, %iota3A, %lt3A_433 : vector<400x128xi32>
    %and3A_435 = arith.andi %ge3A_431, %lt3A_434 : vector<400x128xi1>
    %select_n3A_436 = arith.select %and3A_435, %roll3A_428, %broadcast_in_dim3A_424 : vector<400x128xi1>, vector<400x128xf32>
    %slice3A_437 = vector.extract_strided_slice %reshape3A {offsets = [0, 1, 0], sizes = [400, 1, 128], strides = [1, 1, 1]} : vector<400x8x128xf32> to vector<400x1x128xf32>
    %squeeze3A_438 = vector.shape_cast %slice3A_437 : vector<400x1x128xf32> to vector<400x128xf32>
    %roll3A_439 = arith.constant 80 : i32
    %roll3A_440 = tpu.dynamic_rotate %squeeze3A_438 by %roll3A_439 dim 1 : vector<400x128xf32>, i32 -> vector<400x128xf32>
    %ge3A_441 = arith.constant 16 : i32
    %ge3A_442 = vector.broadcast %ge3A_441 : i32 to vector<400x128xi32>
    %ge3A_443 = arith.cmpi sge, %iota3A, %ge3A_442 : vector<400x128xi32>
    %lt3A_444 = arith.constant 32 : i32
    %lt3A_445 = vector.broadcast %lt3A_444 : i32 to vector<400x128xi32>
    %lt3A_446 = arith.cmpi slt, %iota3A, %lt3A_445 : vector<400x128xi32>
    %and3A_447 = arith.andi %ge3A_443, %lt3A_446 : vector<400x128xi1>
    %select_n3A_448 = arith.select %and3A_447, %roll3A_440, %select_n3A_436 : vector<400x128xi1>, vector<400x128xf32>
    %slice3A_449 = vector.extract_strided_slice %reshape3A {offsets = [0, 2, 0], sizes = [400, 1, 128], strides = [1, 1, 1]} : vector<400x8x128xf32> to vector<400x1x128xf32>
    %squeeze3A_450 = vector.shape_cast %slice3A_449 : vector<400x1x128xf32> to vector<400x128xf32>
    %roll3A_451 = arith.constant 96 : i32
    %roll3A_452 = tpu.dynamic_rotate %squeeze3A_450 by %roll3A_451 dim 1 : vector<400x128xf32>, i32 -> vector<400x128xf32>
    %ge3A_453 = arith.constant 32 : i32
    %ge3A_454 = vector.broadcast %ge3A_453 : i32 to vector<400x128xi32>
    %ge3A_455 = arith.cmpi sge, %iota3A, %ge3A_454 : vector<400x128xi32>
    %lt3A_456 = arith.constant 48 : i32
    %lt3A_457 = vector.broadcast %lt3A_456 : i32 to vector<400x128xi32>
    %lt3A_458 = arith.cmpi slt, %iota3A, %lt3A_457 : vector<400x128xi32>
    %and3A_459 = arith.andi %ge3A_455, %lt3A_458 : vector<400x128xi1>
    %select_n3A_460 = arith.select %and3A_459, %roll3A_452, %select_n3A_448 : vector<400x128xi1>, vector<400x128xf32>
    %slice3A_461 = vector.extract_strided_slice %reshape3A {offsets = [0, 3, 0], sizes = [400, 1, 128], strides = [1, 1, 1]} : vector<400x8x128xf32> to vector<400x1x128xf32>
    %squeeze3A_462 = vector.shape_cast %slice3A_461 : vector<400x1x128xf32> to vector<400x128xf32>
    %roll3A_463 = arith.constant 112 : i32
    %roll3A_464 = tpu.dynamic_rotate %squeeze3A_462 by %roll3A_463 dim 1 : vector<400x128xf32>, i32 -> vector<400x128xf32>
    %ge3A_465 = arith.constant 48 : i32
    %ge3A_466 = vector.broadcast %ge3A_465 : i32 to vector<400x128xi32>
    %ge3A_467 = arith.cmpi sge, %iota3A, %ge3A_466 : vector<400x128xi32>
    %lt3A_468 = arith.constant 64 : i32
    %lt3A_469 = vector.broadcast %lt3A_468 : i32 to vector<400x128xi32>
    %lt3A_470 = arith.cmpi slt, %iota3A, %lt3A_469 : vector<400x128xi32>
    %and3A_471 = arith.andi %ge3A_467, %lt3A_470 : vector<400x128xi1>
    %select_n3A_472 = arith.select %and3A_471, %roll3A_464, %select_n3A_460 : vector<400x128xi1>, vector<400x128xf32>
    %slice3A_473 = vector.extract_strided_slice %reshape3A {offsets = [0, 4, 0], sizes = [400, 1, 128], strides = [1, 1, 1]} : vector<400x8x128xf32> to vector<400x1x128xf32>
    %squeeze3A_474 = vector.shape_cast %slice3A_473 : vector<400x1x128xf32> to vector<400x128xf32>
    %roll3A_475 = arith.constant 0 : i32
    %roll3A_476 = tpu.dynamic_rotate %squeeze3A_474 by %roll3A_475 dim 1 : vector<400x128xf32>, i32 -> vector<400x128xf32>
    %ge3A_477 = arith.constant 64 : i32
    %ge3A_478 = vector.broadcast %ge3A_477 : i32 to vector<400x128xi32>
    %ge3A_479 = arith.cmpi sge, %iota3A, %ge3A_478 : vector<400x128xi32>
    %lt3A_480 = arith.constant 80 : i32
    %lt3A_481 = vector.broadcast %lt3A_480 : i32 to vector<400x128xi32>
    %lt3A_482 = arith.cmpi slt, %iota3A, %lt3A_481 : vector<400x128xi32>
    %and3A_483 = arith.andi %ge3A_479, %lt3A_482 : vector<400x128xi1>
    %select_n3A_484 = arith.select %and3A_483, %roll3A_476, %select_n3A_472 : vector<400x128xi1>, vector<400x128xf32>
    %slice3A_485 = vector.extract_strided_slice %reshape3A {offsets = [0, 5, 0], sizes = [400, 1, 128], strides = [1, 1, 1]} : vector<400x8x128xf32> to vector<400x1x128xf32>
    %squeeze3A_486 = vector.shape_cast %slice3A_485 : vector<400x1x128xf32> to vector<400x128xf32>
    %roll3A_487 = arith.constant 16 : i32
    %roll3A_488 = tpu.dynamic_rotate %squeeze3A_486 by %roll3A_487 dim 1 : vector<400x128xf32>, i32 -> vector<400x128xf32>
    %ge3A_489 = arith.constant 80 : i32
    %ge3A_490 = vector.broadcast %ge3A_489 : i32 to vector<400x128xi32>
    %ge3A_491 = arith.cmpi sge, %iota3A, %ge3A_490 : vector<400x128xi32>
    %lt3A_492 = arith.constant 96 : i32
    %lt3A_493 = vector.broadcast %lt3A_492 : i32 to vector<400x128xi32>
    %lt3A_494 = arith.cmpi slt, %iota3A, %lt3A_493 : vector<400x128xi32>
    %and3A_495 = arith.andi %ge3A_491, %lt3A_494 : vector<400x128xi1>
    %select_n3A_496 = arith.select %and3A_495, %roll3A_488, %select_n3A_484 : vector<400x128xi1>, vector<400x128xf32>
    %slice3A_497 = vector.extract_strided_slice %reshape3A {offsets = [0, 6, 0], sizes = [400, 1, 128], strides = [1, 1, 1]} : vector<400x8x128xf32> to vector<400x1x128xf32>
    %squeeze3A_498 = vector.shape_cast %slice3A_497 : vector<400x1x128xf32> to vector<400x128xf32>
    %roll3A_499 = arith.constant 32 : i32
    %roll3A_500 = tpu.dynamic_rotate %squeeze3A_498 by %roll3A_499 dim 1 : vector<400x128xf32>, i32 -> vector<400x128xf32>
    %ge3A_501 = arith.constant 96 : i32
    %ge3A_502 = vector.broadcast %ge3A_501 : i32 to vector<400x128xi32>
    %ge3A_503 = arith.cmpi sge, %iota3A, %ge3A_502 : vector<400x128xi32>
    %lt3A_504 = arith.constant 112 : i32
    %lt3A_505 = vector.broadcast %lt3A_504 : i32 to vector<400x128xi32>
    %lt3A_506 = arith.cmpi slt, %iota3A, %lt3A_505 : vector<400x128xi32>
    %and3A_507 = arith.andi %ge3A_503, %lt3A_506 : vector<400x128xi1>
    %select_n3A_508 = arith.select %and3A_507, %roll3A_500, %select_n3A_496 : vector<400x128xi1>, vector<400x128xf32>
    %slice3A_509 = vector.extract_strided_slice %reshape3A {offsets = [0, 7, 0], sizes = [400, 1, 128], strides = [1, 1, 1]} : vector<400x8x128xf32> to vector<400x1x128xf32>
    %squeeze3A_510 = vector.shape_cast %slice3A_509 : vector<400x1x128xf32> to vector<400x128xf32>
    %roll3A_511 = arith.constant 48 : i32
    %roll3A_512 = tpu.dynamic_rotate %squeeze3A_510 by %roll3A_511 dim 1 : vector<400x128xf32>, i32 -> vector<400x128xf32>
    %ge3A_513 = arith.constant 112 : i32
    %ge3A_514 = vector.broadcast %ge3A_513 : i32 to vector<400x128xi32>
    %ge3A_515 = arith.cmpi sge, %iota3A, %ge3A_514 : vector<400x128xi32>
    %lt3A_516 = arith.constant 128 : i32
    %lt3A_517 = vector.broadcast %lt3A_516 : i32 to vector<400x128xi32>
    %lt3A_518 = arith.cmpi slt, %iota3A, %lt3A_517 : vector<400x128xi32>
    %and3A_519 = arith.andi %ge3A_515, %lt3A_518 : vector<400x128xi1>
    %select_n3A_520 = arith.select %and3A_519, %roll3A_512, %select_n3A_508 : vector<400x128xi1>, vector<400x128xf32>
    %swap3A_521 = arith.constant 4 : index
    %swap3A_522 = arith.constant 0 : index
    %swap3A_523 = arith.constant 0 : index
    %swap3A_524 = vector.load %arg5[%swap3A_521, %swap3A_522, %swap3A_523] : memref<8x400x128xf32, #tpu.memory_space<vmem>>, vector<1x400x128xf32>
    %swap3A_525 = vector.shape_cast %swap3A_524 : vector<1x400x128xf32> to vector<400x128xf32>
    %swap3A_526 = vector.shape_cast %select_n3A_520 : vector<400x128xf32> to vector<1x400x128xf32>
    tpu.vector_store %arg5[%swap3A_521, %swap3A_522, %swap3A_523], %swap3A_526 {strides = array<i32>} : memref<8x400x128xf32, #tpu.memory_space<vmem>>, vector<1x400x128xf32>,
    %broadcast_in_dim3A_527 = arith.constant 0.000000e+00 : f32
    %broadcast_in_dim3A_528 = vector.broadcast %broadcast_in_dim3A_527 : f32 to vector<400x128xf32>
    %slice3A_529 = vector.extract_strided_slice %reshape3A {offsets = [0, 0, 0], sizes = [400, 1, 128], strides = [1, 1, 1]} : vector<400x8x128xf32> to vector<400x1x128xf32>
    %squeeze3A_530 = vector.shape_cast %slice3A_529 : vector<400x1x128xf32> to vector<400x128xf32>
    %roll3A_531 = arith.constant 48 : i32
    %roll3A_532 = tpu.dynamic_rotate %squeeze3A_530 by %roll3A_531 dim 1 : vector<400x128xf32>, i32 -> vector<400x128xf32>
    %ge3A_533 = arith.constant 0 : i32
    %ge3A_534 = vector.broadcast %ge3A_533 : i32 to vector<400x128xi32>
    %ge3A_535 = arith.cmpi sge, %iota3A, %ge3A_534 : vector<400x128xi32>
    %lt3A_536 = arith.constant 16 : i32
    %lt3A_537 = vector.broadcast %lt3A_536 : i32 to vector<400x128xi32>
    %lt3A_538 = arith.cmpi slt, %iota3A, %lt3A_537 : vector<400x128xi32>
    %and3A_539 = arith.andi %ge3A_535, %lt3A_538 : vector<400x128xi1>
    %select_n3A_540 = arith.select %and3A_539, %roll3A_532, %broadcast_in_dim3A_528 : vector<400x128xi1>, vector<400x128xf32>
    %slice3A_541 = vector.extract_strided_slice %reshape3A {offsets = [0, 1, 0], sizes = [400, 1, 128], strides = [1, 1, 1]} : vector<400x8x128xf32> to vector<400x1x128xf32>
    %squeeze3A_542 = vector.shape_cast %slice3A_541 : vector<400x1x128xf32> to vector<400x128xf32>
    %roll3A_543 = arith.constant 64 : i32
    %roll3A_544 = tpu.dynamic_rotate %squeeze3A_542 by %roll3A_543 dim 1 : vector<400x128xf32>, i32 -> vector<400x128xf32>
    %ge3A_545 = arith.constant 16 : i32
    %ge3A_546 = vector.broadcast %ge3A_545 : i32 to vector<400x128xi32>
    %ge3A_547 = arith.cmpi sge, %iota3A, %ge3A_546 : vector<400x128xi32>
    %lt3A_548 = arith.constant 32 : i32
    %lt3A_549 = vector.broadcast %lt3A_548 : i32 to vector<400x128xi32>
    %lt3A_550 = arith.cmpi slt, %iota3A, %lt3A_549 : vector<400x128xi32>
    %and3A_551 = arith.andi %ge3A_547, %lt3A_550 : vector<400x128xi1>
    %select_n3A_552 = arith.select %and3A_551, %roll3A_544, %select_n3A_540 : vector<400x128xi1>, vector<400x128xf32>
    %slice3A_553 = vector.extract_strided_slice %reshape3A {offsets = [0, 2, 0], sizes = [400, 1, 128], strides = [1, 1, 1]} : vector<400x8x128xf32> to vector<400x1x128xf32>
    %squeeze3A_554 = vector.shape_cast %slice3A_553 : vector<400x1x128xf32> to vector<400x128xf32>
    %roll3A_555 = arith.constant 80 : i32
    %roll3A_556 = tpu.dynamic_rotate %squeeze3A_554 by %roll3A_555 dim 1 : vector<400x128xf32>, i32 -> vector<400x128xf32>
    %ge3A_557 = arith.constant 32 : i32
    %ge3A_558 = vector.broadcast %ge3A_557 : i32 to vector<400x128xi32>
    %ge3A_559 = arith.cmpi sge, %iota3A, %ge3A_558 : vector<400x128xi32>
    %lt3A_560 = arith.constant 48 : i32
    %lt3A_561 = vector.broadcast %lt3A_560 : i32 to vector<400x128xi32>
    %lt3A_562 = arith.cmpi slt, %iota3A, %lt3A_561 : vector<400x128xi32>
    %and3A_563 = arith.andi %ge3A_559, %lt3A_562 : vector<400x128xi1>
    %select_n3A_564 = arith.select %and3A_563, %roll3A_556, %select_n3A_552 : vector<400x128xi1>, vector<400x128xf32>
    %slice3A_565 = vector.extract_strided_slice %reshape3A {offsets = [0, 3, 0], sizes = [400, 1, 128], strides = [1, 1, 1]} : vector<400x8x128xf32> to vector<400x1x128xf32>
    %squeeze3A_566 = vector.shape_cast %slice3A_565 : vector<400x1x128xf32> to vector<400x128xf32>
    %roll3A_567 = arith.constant 96 : i32
    %roll3A_568 = tpu.dynamic_rotate %squeeze3A_566 by %roll3A_567 dim 1 : vector<400x128xf32>, i32 -> vector<400x128xf32>
    %ge3A_569 = arith.constant 48 : i32
    %ge3A_570 = vector.broadcast %ge3A_569 : i32 to vector<400x128xi32>
    %ge3A_571 = arith.cmpi sge, %iota3A, %ge3A_570 : vector<400x128xi32>
    %lt3A_572 = arith.constant 64 : i32
    %lt3A_573 = vector.broadcast %lt3A_572 : i32 to vector<400x128xi32>
    %lt3A_574 = arith.cmpi slt, %iota3A, %lt3A_573 : vector<400x128xi32>
    %and3A_575 = arith.andi %ge3A_571, %lt3A_574 : vector<400x128xi1>
    %select_n3A_576 = arith.select %and3A_575, %roll3A_568, %select_n3A_564 : vector<400x128xi1>, vector<400x128xf32>
    %slice3A_577 = vector.extract_strided_slice %reshape3A {offsets = [0, 4, 0], sizes = [400, 1, 128], strides = [1, 1, 1]} : vector<400x8x128xf32> to vector<400x1x128xf32>
    %squeeze3A_578 = vector.shape_cast %slice3A_577 : vector<400x1x128xf32> to vector<400x128xf32>
    %roll3A_579 = arith.constant 112 : i32
    %roll3A_580 = tpu.dynamic_rotate %squeeze3A_578 by %roll3A_579 dim 1 : vector<400x128xf32>, i32 -> vector<400x128xf32>
    %ge3A_581 = arith.constant 64 : i32
    %ge3A_582 = vector.broadcast %ge3A_581 : i32 to vector<400x128xi32>
    %ge3A_583 = arith.cmpi sge, %iota3A, %ge3A_582 : vector<400x128xi32>
    %lt3A_584 = arith.constant 80 : i32
    %lt3A_585 = vector.broadcast %lt3A_584 : i32 to vector<400x128xi32>
    %lt3A_586 = arith.cmpi slt, %iota3A, %lt3A_585 : vector<400x128xi32>
    %and3A_587 = arith.andi %ge3A_583, %lt3A_586 : vector<400x128xi1>
    %select_n3A_588 = arith.select %and3A_587, %roll3A_580, %select_n3A_576 : vector<400x128xi1>, vector<400x128xf32>
    %slice3A_589 = vector.extract_strided_slice %reshape3A {offsets = [0, 5, 0], sizes = [400, 1, 128], strides = [1, 1, 1]} : vector<400x8x128xf32> to vector<400x1x128xf32>
    %squeeze3A_590 = vector.shape_cast %slice3A_589 : vector<400x1x128xf32> to vector<400x128xf32>
    %roll3A_591 = arith.constant 0 : i32
    %roll3A_592 = tpu.dynamic_rotate %squeeze3A_590 by %roll3A_591 dim 1 : vector<400x128xf32>, i32 -> vector<400x128xf32>
    %ge3A_593 = arith.constant 80 : i32
    %ge3A_594 = vector.broadcast %ge3A_593 : i32 to vector<400x128xi32>
    %ge3A_595 = arith.cmpi sge, %iota3A, %ge3A_594 : vector<400x128xi32>
    %lt3A_596 = arith.constant 96 : i32
    %lt3A_597 = vector.broadcast %lt3A_596 : i32 to vector<400x128xi32>
    %lt3A_598 = arith.cmpi slt, %iota3A, %lt3A_597 : vector<400x128xi32>
    %and3A_599 = arith.andi %ge3A_595, %lt3A_598 : vector<400x128xi1>
    %select_n3A_600 = arith.select %and3A_599, %roll3A_592, %select_n3A_588 : vector<400x128xi1>, vector<400x128xf32>
    %slice3A_601 = vector.extract_strided_slice %reshape3A {offsets = [0, 6, 0], sizes = [400, 1, 128], strides = [1, 1, 1]} : vector<400x8x128xf32> to vector<400x1x128xf32>
    %squeeze3A_602 = vector.shape_cast %slice3A_601 : vector<400x1x128xf32> to vector<400x128xf32>
    %roll3A_603 = arith.constant 16 : i32
    %roll3A_604 = tpu.dynamic_rotate %squeeze3A_602 by %roll3A_603 dim 1 : vector<400x128xf32>, i32 -> vector<400x128xf32>
    %ge3A_605 = arith.constant 96 : i32
    %ge3A_606 = vector.broadcast %ge3A_605 : i32 to vector<400x128xi32>
    %ge3A_607 = arith.cmpi sge, %iota3A, %ge3A_606 : vector<400x128xi32>
    %lt3A_608 = arith.constant 112 : i32
    %lt3A_609 = vector.broadcast %lt3A_608 : i32 to vector<400x128xi32>
    %lt3A_610 = arith.cmpi slt, %iota3A, %lt3A_609 : vector<400x128xi32>
    %and3A_611 = arith.andi %ge3A_607, %lt3A_610 : vector<400x128xi1>
    %select_n3A_612 = arith.select %and3A_611, %roll3A_604, %select_n3A_600 : vector<400x128xi1>, vector<400x128xf32>
    %slice3A_613 = vector.extract_strided_slice %reshape3A {offsets = [0, 7, 0], sizes = [400, 1, 128], strides = [1, 1, 1]} : vector<400x8x128xf32> to vector<400x1x128xf32>
    %squeeze3A_614 = vector.shape_cast %slice3A_613 : vector<400x1x128xf32> to vector<400x128xf32>
    %roll3A_615 = arith.constant 32 : i32
    %roll3A_616 = tpu.dynamic_rotate %squeeze3A_614 by %roll3A_615 dim 1 : vector<400x128xf32>, i32 -> vector<400x128xf32>
    %ge3A_617 = arith.constant 112 : i32
    %ge3A_618 = vector.broadcast %ge3A_617 : i32 to vector<400x128xi32>
    %ge3A_619 = arith.cmpi sge, %iota3A, %ge3A_618 : vector<400x128xi32>
    %lt3A_620 = arith.constant 128 : i32
    %lt3A_621 = vector.broadcast %lt3A_620 : i32 to vector<400x128xi32>
    %lt3A_622 = arith.cmpi slt, %iota3A, %lt3A_621 : vector<400x128xi32>
    %and3A_623 = arith.andi %ge3A_619, %lt3A_622 : vector<400x128xi1>
    %select_n3A_624 = arith.select %and3A_623, %roll3A_616, %select_n3A_612 : vector<400x128xi1>, vector<400x128xf32>
    %swap3A_625 = arith.constant 5 : index
    %swap3A_626 = arith.constant 0 : index
    %swap3A_627 = arith.constant 0 : index
    %swap3A_628 = vector.load %arg5[%swap3A_625, %swap3A_626, %swap3A_627] : memref<8x400x128xf32, #tpu.memory_space<vmem>>, vector<1x400x128xf32>
    %swap3A_629 = vector.shape_cast %swap3A_628 : vector<1x400x128xf32> to vector<400x128xf32>
    %swap3A_630 = vector.shape_cast %select_n3A_624 : vector<400x128xf32> to vector<1x400x128xf32>
    tpu.vector_store %arg5[%swap3A_625, %swap3A_626, %swap3A_627], %swap3A_630 {strides = array<i32>} : memref<8x400x128xf32, #tpu.memory_space<vmem>>, vector<1x400x128xf32>,
    %broadcast_in_dim3A_631 = arith.constant 0.000000e+00 : f32
    %broadcast_in_dim3A_632 = vector.broadcast %broadcast_in_dim3A_631 : f32 to vector<400x128xf32>
    %slice3A_633 = vector.extract_strided_slice %reshape3A {offsets = [0, 0, 0], sizes = [400, 1, 128], strides = [1, 1, 1]} : vector<400x8x128xf32> to vector<400x1x128xf32>
    %squeeze3A_634 = vector.shape_cast %slice3A_633 : vector<400x1x128xf32> to vector<400x128xf32>
    %roll3A_635 = arith.constant 32 : i32
    %roll3A_636 = tpu.dynamic_rotate %squeeze3A_634 by %roll3A_635 dim 1 : vector<400x128xf32>, i32 -> vector<400x128xf32>
    %ge3A_637 = arith.constant 0 : i32
    %ge3A_638 = vector.broadcast %ge3A_637 : i32 to vector<400x128xi32>
    %ge3A_639 = arith.cmpi sge, %iota3A, %ge3A_638 : vector<400x128xi32>
    %lt3A_640 = arith.constant 16 : i32
    %lt3A_641 = vector.broadcast %lt3A_640 : i32 to vector<400x128xi32>
    %lt3A_642 = arith.cmpi slt, %iota3A, %lt3A_641 : vector<400x128xi32>
    %and3A_643 = arith.andi %ge3A_639, %lt3A_642 : vector<400x128xi1>
    %select_n3A_644 = arith.select %and3A_643, %roll3A_636, %broadcast_in_dim3A_632 : vector<400x128xi1>, vector<400x128xf32>
    %slice3A_645 = vector.extract_strided_slice %reshape3A {offsets = [0, 1, 0], sizes = [400, 1, 128], strides = [1, 1, 1]} : vector<400x8x128xf32> to vector<400x1x128xf32>
    %squeeze3A_646 = vector.shape_cast %slice3A_645 : vector<400x1x128xf32> to vector<400x128xf32>
    %roll3A_647 = arith.constant 48 : i32
    %roll3A_648 = tpu.dynamic_rotate %squeeze3A_646 by %roll3A_647 dim 1 : vector<400x128xf32>, i32 -> vector<400x128xf32>
    %ge3A_649 = arith.constant 16 : i32
    %ge3A_650 = vector.broadcast %ge3A_649 : i32 to vector<400x128xi32>
    %ge3A_651 = arith.cmpi sge, %iota3A, %ge3A_650 : vector<400x128xi32>
    %lt3A_652 = arith.constant 32 : i32
    %lt3A_653 = vector.broadcast %lt3A_652 : i32 to vector<400x128xi32>
    %lt3A_654 = arith.cmpi slt, %iota3A, %lt3A_653 : vector<400x128xi32>
    %and3A_655 = arith.andi %ge3A_651, %lt3A_654 : vector<400x128xi1>
    %select_n3A_656 = arith.select %and3A_655, %roll3A_648, %select_n3A_644 : vector<400x128xi1>, vector<400x128xf32>
    %slice3A_657 = vector.extract_strided_slice %reshape3A {offsets = [0, 2, 0], sizes = [400, 1, 128], strides = [1, 1, 1]} : vector<400x8x128xf32> to vector<400x1x128xf32>
    %squeeze3A_658 = vector.shape_cast %slice3A_657 : vector<400x1x128xf32> to vector<400x128xf32>
    %roll3A_659 = arith.constant 64 : i32
    %roll3A_660 = tpu.dynamic_rotate %squeeze3A_658 by %roll3A_659 dim 1 : vector<400x128xf32>, i32 -> vector<400x128xf32>
    %ge3A_661 = arith.constant 32 : i32
    %ge3A_662 = vector.broadcast %ge3A_661 : i32 to vector<400x128xi32>
    %ge3A_663 = arith.cmpi sge, %iota3A, %ge3A_662 : vector<400x128xi32>
    %lt3A_664 = arith.constant 48 : i32
    %lt3A_665 = vector.broadcast %lt3A_664 : i32 to vector<400x128xi32>
    %lt3A_666 = arith.cmpi slt, %iota3A, %lt3A_665 : vector<400x128xi32>
    %and3A_667 = arith.andi %ge3A_663, %lt3A_666 : vector<400x128xi1>
    %select_n3A_668 = arith.select %and3A_667, %roll3A_660, %select_n3A_656 : vector<400x128xi1>, vector<400x128xf32>
    %slice3A_669 = vector.extract_strided_slice %reshape3A {offsets = [0, 3, 0], sizes = [400, 1, 128], strides = [1, 1, 1]} : vector<400x8x128xf32> to vector<400x1x128xf32>
    %squeeze3A_670 = vector.shape_cast %slice3A_669 : vector<400x1x128xf32> to vector<400x128xf32>
    %roll3A_671 = arith.constant 80 : i32
    %roll3A_672 = tpu.dynamic_rotate %squeeze3A_670 by %roll3A_671 dim 1 : vector<400x128xf32>, i32 -> vector<400x128xf32>
    %ge3A_673 = arith.constant 48 : i32
    %ge3A_674 = vector.broadcast %ge3A_673 : i32 to vector<400x128xi32>
    %ge3A_675 = arith.cmpi sge, %iota3A, %ge3A_674 : vector<400x128xi32>
    %lt3A_676 = arith.constant 64 : i32
    %lt3A_677 = vector.broadcast %lt3A_676 : i32 to vector<400x128xi32>
    %lt3A_678 = arith.cmpi slt, %iota3A, %lt3A_677 : vector<400x128xi32>
    %and3A_679 = arith.andi %ge3A_675, %lt3A_678 : vector<400x128xi1>
    %select_n3A_680 = arith.select %and3A_679, %roll3A_672, %select_n3A_668 : vector<400x128xi1>, vector<400x128xf32>
    %slice3A_681 = vector.extract_strided_slice %reshape3A {offsets = [0, 4, 0], sizes = [400, 1, 128], strides = [1, 1, 1]} : vector<400x8x128xf32> to vector<400x1x128xf32>
    %squeeze3A_682 = vector.shape_cast %slice3A_681 : vector<400x1x128xf32> to vector<400x128xf32>
    %roll3A_683 = arith.constant 96 : i32
    %roll3A_684 = tpu.dynamic_rotate %squeeze3A_682 by %roll3A_683 dim 1 : vector<400x128xf32>, i32 -> vector<400x128xf32>
    %ge3A_685 = arith.constant 64 : i32
    %ge3A_686 = vector.broadcast %ge3A_685 : i32 to vector<400x128xi32>
    %ge3A_687 = arith.cmpi sge, %iota3A, %ge3A_686 : vector<400x128xi32>
    %lt3A_688 = arith.constant 80 : i32
    %lt3A_689 = vector.broadcast %lt3A_688 : i32 to vector<400x128xi32>
    %lt3A_690 = arith.cmpi slt, %iota3A, %lt3A_689 : vector<400x128xi32>
    %and3A_691 = arith.andi %ge3A_687, %lt3A_690 : vector<400x128xi1>
    %select_n3A_692 = arith.select %and3A_691, %roll3A_684, %select_n3A_680 : vector<400x128xi1>, vector<400x128xf32>
    %slice3A_693 = vector.extract_strided_slice %reshape3A {offsets = [0, 5, 0], sizes = [400, 1, 128], strides = [1, 1, 1]} : vector<400x8x128xf32> to vector<400x1x128xf32>
    %squeeze3A_694 = vector.shape_cast %slice3A_693 : vector<400x1x128xf32> to vector<400x128xf32>
    %roll3A_695 = arith.constant 112 : i32
    %roll3A_696 = tpu.dynamic_rotate %squeeze3A_694 by %roll3A_695 dim 1 : vector<400x128xf32>, i32 -> vector<400x128xf32>
    %ge3A_697 = arith.constant 80 : i32
    %ge3A_698 = vector.broadcast %ge3A_697 : i32 to vector<400x128xi32>
    %ge3A_699 = arith.cmpi sge, %iota3A, %ge3A_698 : vector<400x128xi32>
    %lt3A_700 = arith.constant 96 : i32
    %lt3A_701 = vector.broadcast %lt3A_700 : i32 to vector<400x128xi32>
    %lt3A_702 = arith.cmpi slt, %iota3A, %lt3A_701 : vector<400x128xi32>
    %and3A_703 = arith.andi %ge3A_699, %lt3A_702 : vector<400x128xi1>
    %select_n3A_704 = arith.select %and3A_703, %roll3A_696, %select_n3A_692 : vector<400x128xi1>, vector<400x128xf32>
    %slice3A_705 = vector.extract_strided_slice %reshape3A {offsets = [0, 6, 0], sizes = [400, 1, 128], strides = [1, 1, 1]} : vector<400x8x128xf32> to vector<400x1x128xf32>
    %squeeze3A_706 = vector.shape_cast %slice3A_705 : vector<400x1x128xf32> to vector<400x128xf32>
    %roll3A_707 = arith.constant 0 : i32
    %roll3A_708 = tpu.dynamic_rotate %squeeze3A_706 by %roll3A_707 dim 1 : vector<400x128xf32>, i32 -> vector<400x128xf32>
    %ge3A_709 = arith.constant 96 : i32
    %ge3A_710 = vector.broadcast %ge3A_709 : i32 to vector<400x128xi32>
    %ge3A_711 = arith.cmpi sge, %iota3A, %ge3A_710 : vector<400x128xi32>
    %lt3A_712 = arith.constant 112 : i32
    %lt3A_713 = vector.broadcast %lt3A_712 : i32 to vector<400x128xi32>
    %lt3A_714 = arith.cmpi slt, %iota3A, %lt3A_713 : vector<400x128xi32>
    %and3A_715 = arith.andi %ge3A_711, %lt3A_714 : vector<400x128xi1>
    %select_n3A_716 = arith.select %and3A_715, %roll3A_708, %select_n3A_704 : vector<400x128xi1>, vector<400x128xf32>
    %slice3A_717 = vector.extract_strided_slice %reshape3A {offsets = [0, 7, 0], sizes = [400, 1, 128], strides = [1, 1, 1]} : vector<400x8x128xf32> to vector<400x1x128xf32>
    %squeeze3A_718 = vector.shape_cast %slice3A_717 : vector<400x1x128xf32> to vector<400x128xf32>
    %roll3A_719 = arith.constant 16 : i32
    %roll3A_720 = tpu.dynamic_rotate %squeeze3A_718 by %roll3A_719 dim 1 : vector<400x128xf32>, i32 -> vector<400x128xf32>
    %ge3A_721 = arith.constant 112 : i32
    %ge3A_722 = vector.broadcast %ge3A_721 : i32 to vector<400x128xi32>
    %ge3A_723 = arith.cmpi sge, %iota3A, %ge3A_722 : vector<400x128xi32>
    %lt3A_724 = arith.constant 128 : i32
    %lt3A_725 = vector.broadcast %lt3A_724 : i32 to vector<400x128xi32>
    %lt3A_726 = arith.cmpi slt, %iota3A, %lt3A_725 : vector<400x128xi32>
    %and3A_727 = arith.andi %ge3A_723, %lt3A_726 : vector<400x128xi1>
    %select_n3A_728 = arith.select %and3A_727, %roll3A_720, %select_n3A_716 : vector<400x128xi1>, vector<400x128xf32>
    %swap3A_729 = arith.constant 6 : index
    %swap3A_730 = arith.constant 0 : index
    %swap3A_731 = arith.constant 0 : index
    %swap3A_732 = vector.load %arg5[%swap3A_729, %swap3A_730, %swap3A_731] : memref<8x400x128xf32, #tpu.memory_space<vmem>>, vector<1x400x128xf32>
    %swap3A_733 = vector.shape_cast %swap3A_732 : vector<1x400x128xf32> to vector<400x128xf32>
    %swap3A_734 = vector.shape_cast %select_n3A_728 : vector<400x128xf32> to vector<1x400x128xf32>
    tpu.vector_store %arg5[%swap3A_729, %swap3A_730, %swap3A_731], %swap3A_734 {strides = array<i32>} : memref<8x400x128xf32, #tpu.memory_space<vmem>>, vector<1x400x128xf32>,
    %broadcast_in_dim3A_735 = arith.constant 0.000000e+00 : f32
    %broadcast_in_dim3A_736 = vector.broadcast %broadcast_in_dim3A_735 : f32 to vector<400x128xf32>
    %slice3A_737 = vector.extract_strided_slice %reshape3A {offsets = [0, 0, 0], sizes = [400, 1, 128], strides = [1, 1, 1]} : vector<400x8x128xf32> to vector<400x1x128xf32>
    %squeeze3A_738 = vector.shape_cast %slice3A_737 : vector<400x1x128xf32> to vector<400x128xf32>
    %roll3A_739 = arith.constant 16 : i32
    %roll3A_740 = tpu.dynamic_rotate %squeeze3A_738 by %roll3A_739 dim 1 : vector<400x128xf32>, i32 -> vector<400x128xf32>
    %ge3A_741 = arith.constant 0 : i32
    %ge3A_742 = vector.broadcast %ge3A_741 : i32 to vector<400x128xi32>
    %ge3A_743 = arith.cmpi sge, %iota3A, %ge3A_742 : vector<400x128xi32>
    %lt3A_744 = arith.constant 16 : i32
    %lt3A_745 = vector.broadcast %lt3A_744 : i32 to vector<400x128xi32>
    %lt3A_746 = arith.cmpi slt, %iota3A, %lt3A_745 : vector<400x128xi32>
    %and3A_747 = arith.andi %ge3A_743, %lt3A_746 : vector<400x128xi1>
    %select_n3A_748 = arith.select %and3A_747, %roll3A_740, %broadcast_in_dim3A_736 : vector<400x128xi1>, vector<400x128xf32>
    %slice3A_749 = vector.extract_strided_slice %reshape3A {offsets = [0, 1, 0], sizes = [400, 1, 128], strides = [1, 1, 1]} : vector<400x8x128xf32> to vector<400x1x128xf32>
    %squeeze3A_750 = vector.shape_cast %slice3A_749 : vector<400x1x128xf32> to vector<400x128xf32>
    %roll3A_751 = arith.constant 32 : i32
    %roll3A_752 = tpu.dynamic_rotate %squeeze3A_750 by %roll3A_751 dim 1 : vector<400x128xf32>, i32 -> vector<400x128xf32>
    %ge3A_753 = arith.constant 16 : i32
    %ge3A_754 = vector.broadcast %ge3A_753 : i32 to vector<400x128xi32>
    %ge3A_755 = arith.cmpi sge, %iota3A, %ge3A_754 : vector<400x128xi32>
    %lt3A_756 = arith.constant 32 : i32
    %lt3A_757 = vector.broadcast %lt3A_756 : i32 to vector<400x128xi32>
    %lt3A_758 = arith.cmpi slt, %iota3A, %lt3A_757 : vector<400x128xi32>
    %and3A_759 = arith.andi %ge3A_755, %lt3A_758 : vector<400x128xi1>
    %select_n3A_760 = arith.select %and3A_759, %roll3A_752, %select_n3A_748 : vector<400x128xi1>, vector<400x128xf32>
    %slice3A_761 = vector.extract_strided_slice %reshape3A {offsets = [0, 2, 0], sizes = [400, 1, 128], strides = [1, 1, 1]} : vector<400x8x128xf32> to vector<400x1x128xf32>
    %squeeze3A_762 = vector.shape_cast %slice3A_761 : vector<400x1x128xf32> to vector<400x128xf32>
    %roll3A_763 = arith.constant 48 : i32
    %roll3A_764 = tpu.dynamic_rotate %squeeze3A_762 by %roll3A_763 dim 1 : vector<400x128xf32>, i32 -> vector<400x128xf32>
    %ge3A_765 = arith.constant 32 : i32
    %ge3A_766 = vector.broadcast %ge3A_765 : i32 to vector<400x128xi32>
    %ge3A_767 = arith.cmpi sge, %iota3A, %ge3A_766 : vector<400x128xi32>
    %lt3A_768 = arith.constant 48 : i32
    %lt3A_769 = vector.broadcast %lt3A_768 : i32 to vector<400x128xi32>
    %lt3A_770 = arith.cmpi slt, %iota3A, %lt3A_769 : vector<400x128xi32>
    %and3A_771 = arith.andi %ge3A_767, %lt3A_770 : vector<400x128xi1>
    %select_n3A_772 = arith.select %and3A_771, %roll3A_764, %select_n3A_760 : vector<400x128xi1>, vector<400x128xf32>
    %slice3A_773 = vector.extract_strided_slice %reshape3A {offsets = [0, 3, 0], sizes = [400, 1, 128], strides = [1, 1, 1]} : vector<400x8x128xf32> to vector<400x1x128xf32>
    %squeeze3A_774 = vector.shape_cast %slice3A_773 : vector<400x1x128xf32> to vector<400x128xf32>
    %roll3A_775 = arith.constant 64 : i32
    %roll3A_776 = tpu.dynamic_rotate %squeeze3A_774 by %roll3A_775 dim 1 : vector<400x128xf32>, i32 -> vector<400x128xf32>
    %ge3A_777 = arith.constant 48 : i32
    %ge3A_778 = vector.broadcast %ge3A_777 : i32 to vector<400x128xi32>
    %ge3A_779 = arith.cmpi sge, %iota3A, %ge3A_778 : vector<400x128xi32>
    %lt3A_780 = arith.constant 64 : i32
    %lt3A_781 = vector.broadcast %lt3A_780 : i32 to vector<400x128xi32>
    %lt3A_782 = arith.cmpi slt, %iota3A, %lt3A_781 : vector<400x128xi32>
    %and3A_783 = arith.andi %ge3A_779, %lt3A_782 : vector<400x128xi1>
    %select_n3A_784 = arith.select %and3A_783, %roll3A_776, %select_n3A_772 : vector<400x128xi1>, vector<400x128xf32>
    %slice3A_785 = vector.extract_strided_slice %reshape3A {offsets = [0, 4, 0], sizes = [400, 1, 128], strides = [1, 1, 1]} : vector<400x8x128xf32> to vector<400x1x128xf32>
    %squeeze3A_786 = vector.shape_cast %slice3A_785 : vector<400x1x128xf32> to vector<400x128xf32>
    %roll3A_787 = arith.constant 80 : i32
    %roll3A_788 = tpu.dynamic_rotate %squeeze3A_786 by %roll3A_787 dim 1 : vector<400x128xf32>, i32 -> vector<400x128xf32>
    %ge3A_789 = arith.constant 64 : i32
    %ge3A_790 = vector.broadcast %ge3A_789 : i32 to vector<400x128xi32>
    %ge3A_791 = arith.cmpi sge, %iota3A, %ge3A_790 : vector<400x128xi32>
    %lt3A_792 = arith.constant 80 : i32
    %lt3A_793 = vector.broadcast %lt3A_792 : i32 to vector<400x128xi32>
    %lt3A_794 = arith.cmpi slt, %iota3A, %lt3A_793 : vector<400x128xi32>
    %and3A_795 = arith.andi %ge3A_791, %lt3A_794 : vector<400x128xi1>
    %select_n3A_796 = arith.select %and3A_795, %roll3A_788, %select_n3A_784 : vector<400x128xi1>, vector<400x128xf32>
    %slice3A_797 = vector.extract_strided_slice %reshape3A {offsets = [0, 5, 0], sizes = [400, 1, 128], strides = [1, 1, 1]} : vector<400x8x128xf32> to vector<400x1x128xf32>
    %squeeze3A_798 = vector.shape_cast %slice3A_797 : vector<400x1x128xf32> to vector<400x128xf32>
    %roll3A_799 = arith.constant 96 : i32
    %roll3A_800 = tpu.dynamic_rotate %squeeze3A_798 by %roll3A_799 dim 1 : vector<400x128xf32>, i32 -> vector<400x128xf32>
    %ge3A_801 = arith.constant 80 : i32
    %ge3A_802 = vector.broadcast %ge3A_801 : i32 to vector<400x128xi32>
    %ge3A_803 = arith.cmpi sge, %iota3A, %ge3A_802 : vector<400x128xi32>
    %lt3A_804 = arith.constant 96 : i32
    %lt3A_805 = vector.broadcast %lt3A_804 : i32 to vector<400x128xi32>
    %lt3A_806 = arith.cmpi slt, %iota3A, %lt3A_805 : vector<400x128xi32>
    %and3A_807 = arith.andi %ge3A_803, %lt3A_806 : vector<400x128xi1>
    %select_n3A_808 = arith.select %and3A_807, %roll3A_800, %select_n3A_796 : vector<400x128xi1>, vector<400x128xf32>
    %slice3A_809 = vector.extract_strided_slice %reshape3A {offsets = [0, 6, 0], sizes = [400, 1, 128], strides = [1, 1, 1]} : vector<400x8x128xf32> to vector<400x1x128xf32>
    %squeeze3A_810 = vector.shape_cast %slice3A_809 : vector<400x1x128xf32> to vector<400x128xf32>
    %roll3A_811 = arith.constant 112 : i32
    %roll3A_812 = tpu.dynamic_rotate %squeeze3A_810 by %roll3A_811 dim 1 : vector<400x128xf32>, i32 -> vector<400x128xf32>
    %ge3A_813 = arith.constant 96 : i32
    %ge3A_814 = vector.broadcast %ge3A_813 : i32 to vector<400x128xi32>
    %ge3A_815 = arith.cmpi sge, %iota3A, %ge3A_814 : vector<400x128xi32>
    %lt3A_816 = arith.constant 112 : i32
    %lt3A_817 = vector.broadcast %lt3A_816 : i32 to vector<400x128xi32>
    %lt3A_818 = arith.cmpi slt, %iota3A, %lt3A_817 : vector<400x128xi32>
    %and3A_819 = arith.andi %ge3A_815, %lt3A_818 : vector<400x128xi1>
    %select_n3A_820 = arith.select %and3A_819, %roll3A_812, %select_n3A_808 : vector<400x128xi1>, vector<400x128xf32>
    %slice3A_821 = vector.extract_strided_slice %reshape3A {offsets = [0, 7, 0], sizes = [400, 1, 128], strides = [1, 1, 1]} : vector<400x8x128xf32> to vector<400x1x128xf32>
    %squeeze3A_822 = vector.shape_cast %slice3A_821 : vector<400x1x128xf32> to vector<400x128xf32>
    %roll3A_823 = arith.constant 0 : i32
    %roll3A_824 = tpu.dynamic_rotate %squeeze3A_822 by %roll3A_823 dim 1 : vector<400x128xf32>, i32 -> vector<400x128xf32>
    %ge3A_825 = arith.constant 112 : i32
    %ge3A_826 = vector.broadcast %ge3A_825 : i32 to vector<400x128xi32>
    %ge3A_827 = arith.cmpi sge, %iota3A, %ge3A_826 : vector<400x128xi32>
    %lt3A_828 = arith.constant 128 : i32
    %lt3A_829 = vector.broadcast %lt3A_828 : i32 to vector<400x128xi32>
    %lt3A_830 = arith.cmpi slt, %iota3A, %lt3A_829 : vector<400x128xi32>
    %and3A_831 = arith.andi %ge3A_827, %lt3A_830 : vector<400x128xi1>
    %select_n3A_832 = arith.select %and3A_831, %roll3A_824, %select_n3A_820 : vector<400x128xi1>, vector<400x128xf32>
    %swap3A_833 = arith.constant 7 : index
    %swap3A_834 = arith.constant 0 : index
    %swap3A_835 = arith.constant 0 : index
    %swap3A_836 = vector.load %arg5[%swap3A_833, %swap3A_834, %swap3A_835] : memref<8x400x128xf32, #tpu.memory_space<vmem>>, vector<1x400x128xf32>
    %swap3A_837 = vector.shape_cast %swap3A_836 : vector<1x400x128xf32> to vector<400x128xf32>
    %swap3A_838 = vector.shape_cast %select_n3A_832 : vector<400x128xf32> to vector<1x400x128xf32>
    tpu.vector_store %arg5[%swap3A_833, %swap3A_834, %swap3A_835], %swap3A_838 {strides = array<i32>} : memref<8x400x128xf32, #tpu.memory_space<vmem>>, vector<1x400x128xf32>,
    return
  }
  func.func @transform_0(%arg0: i32) -> (i32, i32) {
    %c0_i32 = arith.constant 0 : i32
    %c0_i32_0 = arith.constant 0 : i32
    return %arg0, %c0_i32 : i32, i32
  }
  func.func @transform_1(%arg0: i32) -> (i32, i32) {
    %c0_i32 = arith.constant 0 : i32
    %c0_i32_0 = arith.constant 0 : i32
    return %arg0, %c0_i32 : i32, i32
  }
  func.func @transform_2(%arg0: i32) -> (i32, i32) {
    %c0_i32 = arith.constant 0 : i32
    %c0_i32_0 = arith.constant 0 : i32
    %c0_i32_1 = arith.constant 0 : i32
    return %c0_i32, %c0_i32_0 : i32, i32
  }
  func.func @transform_3(%arg0: i32) -> (i32, i32) {
    %c0_i32 = arith.constant 0 : i32
    %c0_i32_0 = arith.constant 0 : i32
    %c0_i32_1 = arith.constant 0 : i32
    return %c0_i32, %c0_i32_0 : i32, i32
  }
  func.func @transform_4(%arg0: i32) -> (i32, i32, i32) {
    %c0_i32 = arith.constant 0 : i32
    %c0_i32_0 = arith.constant 0 : i32
    %c0_i32_1 = arith.constant 0 : i32
    return %c0_i32, %arg0, %c0_i32_0 : i32, i32, i32
  }
}

</mosaic_0001>

<sc_bundles>
// kernel: kernel.10.cloned.1.call-start
scs
__scs_entry_jumppad:
0x0: {  	(pc) =	sbr.rel $0x88, $3  }
0x1: {  	(tag) =	ssettag $0x0;
	lr =	simm.s32 $0x1  }
0x2: {  	[smem:$0x3F9B] =	sst lr;
	_ =	strace $0xD0000000  }
0x3: {  	_ = 	snop  }
0x4: {  	_ = 	snop  }
0x5: {  	_ = 	snop  }
0x6: {  	_ = 	snop  }
0x7: {  	_ = 	snop  }
__scs_overlays_trampoline_lowered:
0x8: {  	[smem:$0x3FAA] =	sst s0  }
0x9: {  	[smem:$0x3FAB] =	sst s1  }
0xa: {  	[smem:$0x3FAC] =	sst s2  }
0xb: {  	[smem:$0x3FAD] =	sst s3  }
0xc: {  	[smem:$0x3FAE] =	sst s4  }
0xd: {  	[smem:$0x3FAF] =	sst s5  }
0xe: {  	[smem:$0x3FB0] =	sst s6  }
0xf: {  	[smem:$0x3FB1] =	sst s7  }
0x10: {  	[smem:$0x3FB2] =	sst s8  }
0x11: {  	[smem:$0x3FB3] =	sst s9;
	s0 =	simm.s32 @!p0 $0x0  }
0x12: {  	s1 =	sld [smem:$0x3F99];
	s0 =	simm.s32 @p0 $0x1  }
0x13: {  	[smem:$0x3FB4] =	sst s0;
	s0 =	simm.s32 @!p1 $0x0  }
0x14: {  	s2 =	sld [smem:$0x3F98];
	s0 =	simm.s32 @p1 $0x1  }
0x15: {  	[smem:$0x3FB5] =	sst s0;
	s0 =	simm.s32 @!p2 $0x0  }
0x16: {  	s3 =	sld [smem:$0x3FDB];
	s0 =	simm.s32 @p2 $0x1  }
0x17: {  	s4 =	simm.s32 $0x1BF5;
	[smem:$0x3FB7] =	sst s0  }
0x18: {  	s0 =	sld [smem:$0x3F9A];
	_ =	swait.ge [sflag:s4], $0x0  }
0x19: {  	s7 =	sld [smem:$0x3F9B]  }
0x1a: {  	s8 =	sadd.s32 $0xFFFFE003, lr  }
0x1b: {  	s9 =	sadd.s32 $0xFFFFFEF7, lr;
	s5 =	simm.s32 $0xFFFFFFFF;
	p2 =	slt.u32 s8, $0xFFFFF086  }
0x1c: {  	p1 =	slt.u32 s9, $0xF7A;
	s5 =	simm.s32 @!p2 $0x0  }
0x1d: {  	s5 =	simm.s32 @p1 $0x1;
	p0 =	seq.s32 s7, s2  }
0x1e: {  	s7 =	smul.u32 @!p0 $0xF7A, s2;
	p2 =	seq.s32 @!p0 s5, $0x0  }
0x1f: {  	s9 =	smul.u32 $0xF7A, s1;
	s8 =	simm.s32 @!p0 $0x1BF5;
	p2 =	por !p2, p0  }
0x20: {  	[sflag:s8] =	ssyncset.s32 @!p0 $0xFFFFF086;
	s6 =	sadd.s32 @!p0 s3, s7;
	s7 =	simm.s32 @!p0 $0x108  }
0x21: {  	s3 =	sadd.s32 s3, s9;
	s6 =	sadd.s32 @!p0 $0x88, s6;
	s7 =	simm.s32 @p2 $0x1082  }
0x22: {  	[simem:s7], [sflag:s8] =	dma.local @!p0 [hbm:s6], $0xF7A  }
0x23: {  	s9 =	sor.u32 $0xD0000000, s2;
	s6 =	simm.s32 $0x108;
	_ =	swait.ge @!p0 [sflag:s8], $0x0  }
0x24: {  	s3 =	sadd.s32 $0x88, s3;
	s6 =	simm.s32 @!p1 $0x1082;
	[sflag:s4] =	ssyncset.s32 $0xFFFFF086  }
0x25: {  	[simem:s6], [sflag:s4] =	dma.local [hbm:s3], $0xF7A  }
0x26: {  	[smem:$0x3F9B] =	sst s1;
	(tag) =	ssettag s2;
	_ =	strace s9  }
0x27: {  	s1 =	sld [smem:$0x3FAB]  }
0x28: {  	s2 =	sld [smem:$0x3FAC]  }
0x29: {  	s4 =	sld [smem:$0x3FAE]  }
0x2a: {  	p0 =	seq.s32 s5, $0x0;
	s5 =	sld [smem:$0x3FAF]  }
0x2b: {  	s6 =	sld [smem:$0x3FB0]  }
0x2c: {  	s7 =	sld [smem:$0x3FB1]  }
0x2d: {  	s3 =	simm.s32 $0x108;
	s8 =	sld [smem:$0x3FB2]  }
0x2e: {  	s3 =	simm.s32 @!p0 $0x1082;
	s9 =	sld [smem:$0x3FB3]  }
0x2f: {  	lr =	sadd.s32 s0, s3;
	s0 =	sld [smem:$0x3FAA]  }
0x30: {  	s3 =	sld [smem:$0x3FAD]  }
0x31: {  	[smem:$0x3FB6] =	sst s10  }
0x32: {  	s10 =	sld [smem:$0x3FB4];
	_ =	sdelay $0x3  }
0x33: {  	p0 =	seq.s32 s10, $0x1;
	s10 =	sld [smem:$0x3FB6];
	_ =	sdelay $0x3  }
0x34: {  	[smem:$0x3FB6] =	sst s10  }
0x35: {  	s10 =	sld [smem:$0x3FB5];
	_ =	sdelay $0x3  }
0x36: {  	p1 =	seq.s32 s10, $0x1;
	s10 =	sld [smem:$0x3FB6];
	_ =	sdelay $0x3  }
0x37: {  	[smem:$0x3FB6] =	sst s10  }
0x38: {  	s10 =	sld [smem:$0x3FB7]  }
0x39: {  	_ = 	snop;
	(pc) =	sbr.ind lr, $3  }
0x3a: {  	_ = 	snop  }
0x3b: {  	_ = 	snop  }
0x3c: {  	p2 =	seq.s32 s10, $0x1;
	s10 =	sld [smem:$0x3FB6]  }
0x3d: {  	_ =	shalt  }
0x3e: {  	_ =	shalt  }
0x3f: {  	_ =	shalt  }
0x40: {  	_ =	shalt  }
0x41: {  	_ =	shalt  }
0x42: {  	_ =	shalt  }
0x43: {  	_ =	shalt  }
0x44: {  	_ =	shalt  }
0x45: {  	_ =	shalt  }
0x46: {  	_ =	shalt  }
0x47: {  	_ =	shalt  }
0x48: {  	_ =	shalt  }
0x49: {  	_ =	shalt  }
0x4a: {  	_ =	shalt  }
0x4b: {  	_ =	shalt  }
0x4c: {  	_ =	shalt  }
0x4d: {  	_ =	shalt  }
0x4e: {  	_ =	shalt  }
0x4f: {  	_ =	shalt  }
0x50: {  	_ =	shalt  }
0x51: {  	_ =	shalt  }
0x52: {  	_ =	shalt  }
0x53: {  	_ =	shalt  }
0x54: {  	_ =	shalt  }
0x55: {  	_ =	shalt  }
0x56: {  	_ =	shalt  }
0x57: {  	_ =	shalt  }
0x58: {  	_ =	shalt  }
0x59: {  	_ =	shalt  }
0x5a: {  	_ =	shalt  }
0x5b: {  	_ =	shalt  }
0x5c: {  	_ =	shalt  }
0x5d: {  	_ =	shalt  }
0x5e: {  	_ =	shalt  }
0x5f: {  	_ =	shalt  }
0x60: {  	_ =	shalt  }
0x61: {  	_ =	shalt  }
0x62: {  	_ =	shalt  }
0x63: {  	_ =	shalt  }
0x64: {  	_ =	shalt  }
0x65: {  	_ =	shalt  }
0x66: {  	_ =	shalt  }
0x67: {  	_ =	shalt  }
0x68: {  	_ =	shalt  }
0x69: {  	_ =	shalt  }
0x6a: {  	_ =	shalt  }
0x6b: {  	_ =	shalt  }
0x6c: {  	_ =	shalt  }
0x6d: {  	_ =	shalt  }
0x6e: {  	_ =	shalt  }
0x6f: {  	_ =	shalt  }
0x70: {  	_ =	shalt  }
0x71: {  	_ =	shalt  }
0x72: {  	_ =	shalt  }
0x73: {  	_ =	shalt  }
0x74: {  	_ =	shalt  }
0x75: {  	_ =	shalt  }
0x76: {  	_ =	shalt  }
0x77: {  	_ =	shalt  }
0x78: {  	_ =	shalt  }
0x79: {  	_ =	shalt  }
0x7a: {  	_ =	shalt  }
0x7b: {  	_ =	shalt  }
0x7c: {  	_ =	shalt  }
0x7d: {  	_ =	shalt  }
0x7e: {  	_ =	shalt  }
0x7f: {  	_ =	shalt  }
0x80: {  	_ =	shalt  }
0x81: {  	_ =	shalt  }
0x82: {  	_ =	shalt  }
0x83: {  	_ =	shalt  }
0x84: {  	_ =	shalt  }
0x85: {  	_ =	shalt  }
0x86: {  	_ =	shalt  }
0x87: {  	_ =	shalt  }
.Lfunc_end0:
.L_simem_size_0:
called_computation.1_lowered:
.L_overlay_start_0:
0x88: {  	s2 =	sld [smem:$0x3FD9]  }
0x89: {  	s3 =	sld [smem:$0x3FFE];
	_ =	sdelay $0x1  }
0x8a: {  	s1 =	srdreg.scid  }
0x8b: {  	s0 =	sand.u32 $0x1, s1  }
0x8c: {  	s16 =	sshll.u32 s0, $0xA;
	s2 =	sadd.s32 s3, s2  }
0x8d: {  	s2 =	sadd.s32 s2, s16  }
0x8e: {  	[smem:$0x3FC2] =	sst s2  }
0x8f: {  	_ = 	snop  }
0x90: {  	(tm) =	ssettm $0x1  }
0x91: {  	s17 =	sld [smem:$0x3FFB];
	_ =	sdelay $0x3  }
0x92: {  	_ =	strace s17  }
0x93: {  	s2 =	sld [smem:$0x3FFC];
	_ =	sdelay $0x3  }
0x94: {  	_ =	strace s2  }
0x95: {  	s2 =	sld [smem:$0x3FFD];
	_ =	sdelay $0x3  }
0x96: {  	_ =	strace s2  }
0x97: {  	_ =	strace $0x8FFFFFFF  }
0x98: {  	s18 =	sld [smem:$0x3FDB];
	_ =	sdelay $0x1  }
0x99: {  	s19 =	simm.s32 $_scs_section_size  }
0x9a: {  	s4 =	simm.s32 $_size__tile_overlayer_lowered;
	s5 =	simm.s32 $_tile_overlayer_lowered  }
0x9b: {  	s22 =	simm.s32 $0x1BFF;
	s21 =	sshll.u32 s5, $0x1;
	s2 =	sadd.s32 s19, s18  }
0x9c: {  	s6 =	simm.s32 $0x0;
	s20 =	sshll.u32 s4, $0x1;
	s4 =	sadd.s32 s21, s2  }
0x9d: {  	[timem:s6], [sflag:s22] =	dma.local [hbm:s4], s20  }
0x9e: {  	_ =	swait.ge [sflag:s22], s20  }
0x9f: {  	s3 =	ssub.s32 $0x0, s20;
	[sflag:s22] =	ssyncset.done $0x0  }
0xa0: {  	[sflag:s22] =	ssyncadd.s32 s3;
	_ =	sdelay $0x1  }
0xa1: {  	s23 =	simm.s32 $0x1B8B  }
0xa2: {  	_ =	swait.ge [sflag:s23], $0x1  }
0xa3: {  	[sflag:s23] =	ssyncset.done $0x0  }
0xa4: {  	s25 =	simm.s32 $0x1B8E;
	s24 =	sld [smem:$0x3FFE];
	[sflag:s23] =	ssyncadd.s32 $0xFFFFFFFF  }
0xa5: {  	s26 =	simm.s32 $execute0_lowered;
	[smem:$0x3FD2] =	sst s25  }
0xa6: {  	s4 =	sshll.u32 s26, $0x1;
	_ =	strace $0x80000049;
	[dreg:$0x1] =	wrdreg $0xFFFFFFFF  }
0xa7: {  	s28 =	simm.s32 $_size_execute0_lowered;
	s2 =	sadd.s32 s2, s4;
	[dreg:$0x0] =	wrdreg $0x0  }
0xa8: {  	s4 =	sshll.u32 s28, $0x1;
	[dreg:$0x2] =	wrdreg s2  }
0xa9: {  	[dreg:$0x3] =	wrdreg s4  }
0xaa: {  	[dreg:$0x4] =	wrdreg $0xC0  }
0xab: {  	_ =	task [dreg:s6], $0x5FFFF  }
0xac: {  	[dreg:$0x1] =	wrdreg $0xFFFFFFFF  }
0xad: {  	[dreg:$0x0] =	wrdreg $0x60  }
0xae: {  	[dreg:$0x2] =	wrdreg s24  }
0xaf: {  	[dreg:$0x3] =	wrdreg $0x9  }
0xb0: {  	_ =	task.clear_ibuf [dreg:s6], $0x4FFFF;
	_ =	strace $0x90000049  }
0xb1: {  	s29 =	simm.s32 $0x9;
	_ =	strace $0x8000004B  }
0xb2: {  	_ =	swait.ge [sflag:s29], $0x1  }
0xb3: {  	[sflag:s29] =	ssyncadd.s32 $0xFFFFFFFF  }
0xb4: {  	_ =	strace $0x9000004B  }
0xb5: {  	_ =	sfence  }
0xb6: {  	s30 =	sld [smem:$0x0];
	_ =	sdelay $0x2  }
0xb7: {  	s31 =	sshll.u32 s1, $0xD;
	s1 =	sshrl.u32 s1, $0x2  }
0xb8: {  	s3 =	sand.u32 $0x4000, s31;
	s1 =	sadd.s32 s1, s30  }
0xb9: {  	s0 =	sor.u32 s3, s0;
	s1 =	sshll.u32 s1, $0x11  }
0xba: {  	s0 =	sor.u32 s1, s0  }
0xbb: {  	s0 =	sadd.s32 $0x8F2B, s0  }
0xbc: {  	[sflag:s0] =	ssyncadd.remote.s32 $0x1  }
0xbd: {  	_ =	sfence.sel $0xFFFF  }
0xbe: {  	[dreg:$0x0] =	wrdreg $0xFFFFFFFF;
	(pc) =	sbr.abs _section_cstart, $3  }
0xbf: {  	[dreg:$0x1] =	wrdreg $0xFFFFFFFF  }
0xc0: {  	_ =	task.clear_ibuf [dreg:s6], $0x2FFFF;
	_ =	strace $0x9FFFFFFF  }
0xc1: {  	(tm) =	ssettm $0x7FFFFFFF  }
tec
execute0_lowered:
.L_overlay_start_1:
0x0: {  	(tag) =	ssettag $0x1  }
0x1: {  	s1 =	srdreg.scid;
	s0 =	stileid.u32  }
0x2: {  	s6 =	rddreg [dreg:$0x0];
	s12 =	simm.s32 $0x700;
	s13 =	simm.s32 $0x1  }
0x3: {  	s14 =	simm.s32 $0x2;
	s15 =	simm.s32 $0x380;
	s16 =	simm.s32 $0x3900  }
0x4: {  	s17 =	simm.s32 $0x6B00;
	s18 =	simm.s32 $0x3;
	s19 =	simm.s32 $0x0  }
0x5: {  	s5 =	sand.u32 $0x1, s1;
	s2 =	sshrl.u32 s0, $0x3;
	s1 =	rddreg [dreg:$0x1]  }
0x6: {  	s7 =	sand.u32 $0x7, s0;
	s3 =	sshll.u32 s5, $0x1;
	s9 =	ssub.s32 $0x2, s5  }
0x7: {  	s5 =	sadd.s32 $0xB200, s6;
	s4 =	sor.u32 s3, s2;
	s2 =	simm.s32 $0x0  }
0x8: {  	s29 =	sshrl.u32 s9, $0x1;
	s3 =	sshll.u32 s4, $0x3;
	s4 =	smul.u32 $0x13880, s4  }
0x9: {  	[smem:$0x7FF] =	sst s2;
	s3 =	sor.u32 s7, s3;
	s7 =	smul.u32 $0x4E200, s7  }
0xa: {  	s11 =	ssub.s32 s9, s29;
	_ =	strace $0x8000004A;
	s8 =	smul.u32 $0x28000, s3  }
0xb: {  	s11 =	smax.u32 s11, $0x1;
	s3 =	sadd.s32 $0xA00200, s6;
	s31 =	sshrl.u32 s4, $0x3  }
0xc: {  	s30 =	sadd.s32 s7, s4;
	s7 =	sadd.s32 s5, s31;
	s8 =	sshrl.u32 s8, $0x3  }
0xd: {  	s10 =	sadd.s32 s8, s6;
	s6 =	sshll.u32 s30, $0x4;
	s8 =	sshll.u32 s30, $0x1  }
0xe: {  	v0 =	vimm.f32 $-Inf;
	s8 =	sadd.s32 s3, s8;
	s9 =	sadd.s32 $0x15000, s10;
	s10 =	sadd.s32 $0x17710, s10  }
.LBB2_1:
0xf: {  	s20 =	simm.s32 $0x40;
	s21 =	simm.s32 $0x0  }
.LBB2_2:
0x10: {  	p0 =	sne.s32 s20, $0x4E200;
	[tilespmem:s21+$0x6B00] =	vst v0;
	s21 =	smov.u32 s20;
	s20 =	sadd.s32 $0x40, s20  }
.Ltmp0:
0x11: {  	(pc) =	sbr.rel @p0 .LBB2_2-.Ltmp0, $2  }
0x12: {  	_ =	sdelay $0x2  }
0x13: {  	s21 =	sshra.s32 s21, $0x2  }
0x14: {  	[tilespmem:s21+$0x6B00] =	vst v0;
	s20 =	simm.s32 $0x0  }
0x15: {  	[tilespmem:s20], [sflag:$0x1] =	stream.linear.gather [hbm4b:s7+s20], $0x320, $0x38;
	[tilespmem:$0x1A400] =	vst v63  }
0x16: {  	_ = 	snop  }
0x17: {  	[tilespmem:s12], [sflag:$0x2] =	stream.linear.gather [hbm4b:s8+s20], $0x3200, $0x38;
	[tilespmem:$0x1A400] =	vst v63  }
.LBB2_4:
0x18: {  	_ =	swait.ge [sflag:s13], $0x320;
	s21 =	sshllo.u32 s20, $0x1  }
0x19: {  	[sflag:s13] =	ssyncset.done $0x0;
	s22 =	smul.u32 $0x320, s21  }
0x1a: {  	s21 =	smul.u32 $0x3200, s21;
	[sflag:s13] =	ssyncadd.s32 $0xFFFFFCE0  }
0x1b: {  	_ =	swait.ge [sflag:s14], $0x3200;
	s22 =	sadd.s32 s4, s22  }
0x1c: {  	s21 =	sadd.s32 s6, s21;
	[sflag:s14] =	ssyncset.done $0x0;
	s22 =	sshrl.u32 s22, $0x3  }
0x1d: {  	s21 =	sshrl.u32 s21, $0x3;
	[sflag:s14] =	ssyncadd.s32 $0xFFFFCE00;
	s22 =	sadd.s32 s5, s22  }
0x1e: {  	[tilespmem:s15], [sflag:$0x1] =	stream.linear.gather [hbm4b:s22+s2], $0x320, $0x38;
	[tilespmem:$0x1A400] =	vst v63  }
0x1f: {  	s21 =	sadd.s32 s3, s21  }
0x20: {  	[tilespmem:s16], [sflag:$0x2] =	stream.linear.gather [hbm4b:s21+s2], $0x3200, $0x38;
	[tilespmem:$0x1A400] =	vst v63  }
0x21: {  	s21 =	simm.s32 $0x10  }
0x22: {  	v1 =	vld [tilespmem:s21+$0xFFFFFFF0];
	_ =	sdelay $0x4  }
0x23: {  	v1 =	vmin.u32 v1, $0x1388  }
0x24: {  	v1 =	vshll.u32 v1, $0x4  }
0x25: {  	v1 =	vadd.s32 $0x6B00, v1  }
0x26: {  	(v2sf) =	vpush v1, $0x0;
	_ =	sdelay $0x7  }
0x27: {  	(v2sf) =	vpush v1, $0x1;
	_ =	sdelay $0x5  }
0x28: {  	s22 =	simm.s32 $0x800  }
0x29: {  	v2 =	vld [tilespmem:s22+$0xFFFFFF00];
	s23 =	spop (v2sf)  }
0x2a: {  	(v2sf) =	vpush v1, $0x2;
	v3 =	vld [tilespmem:s23+$0x0];
	_ =	sdelay $0x4  }
0x2b: {  	v2 =	vmax.f32 v3, v2  }
0x2c: {  	[tilespmem:s23+$0x0] =	vst v2  }
0x2d: {  	s26 =	spop (v2sf);
	v2 =	vld [tilespmem:s22+$0xFFFFFF10]  }
0x2e: {  	(v2sf) =	vpush v1, $0x3;
	v3 =	vld [tilespmem:s26+$0x0];
	_ =	sdelay $0x4  }
0x2f: {  	v2 =	vmax.f32 v3, v2  }
0x30: {  	[tilespmem:s26+$0x0] =	vst v2  }
0x31: {  	v2 =	vld [tilespmem:s22+$0xFFFFFF20];
	s28 =	spop (v2sf)  }
0x32: {  	(v2sf) =	vpush v1, $0x4;
	v3 =	vld [tilespmem:s28+$0x0];
	_ =	sdelay $0x4  }
0x33: {  	v2 =	vmax.f32 v3, v2  }
0x34: {  	[tilespmem:s28+$0x0] =	vst v2  }
0x35: {  	s29 =	spop (v2sf);
	v2 =	vld [tilespmem:s22+$0xFFFFFF30]  }
0x36: {  	(v2sf) =	vpush v1, $0x5;
	v3 =	vld [tilespmem:s29+$0x0];
	_ =	sdelay $0x4  }
0x37: {  	v2 =	vmax.f32 v3, v2  }
0x38: {  	[tilespmem:s29+$0x0] =	vst v2  }
0x39: {  	v2 =	vld [tilespmem:s22+$0xFFFFFF40];
	s30 =	spop (v2sf)  }
0x3a: {  	(v2sf) =	vpush v1, $0x6;
	v3 =	vld [tilespmem:s30+$0x0];
	_ =	sdelay $0x4  }
0x3b: {  	v2 =	vmax.f32 v3, v2  }
0x3c: {  	[tilespmem:s30+$0x0] =	vst v2  }
0x3d: {  	s31 =	spop (v2sf);
	v2 =	vld [tilespmem:s22+$0xFFFFFF50]  }
0x3e: {  	(v2sf) =	vpush v1, $0x7;
	v3 =	vld [tilespmem:s31+$0x0];
	_ =	sdelay $0x4  }
0x3f: {  	v2 =	vmax.f32 v3, v2  }
0x40: {  	[tilespmem:s31+$0x0] =	vst v2  }
0x41: {  	v2 =	vld [tilespmem:s22+$0xFFFFFF60];
	s24 =	spop (v2sf)  }
0x42: {  	(v2sf) =	vpush v1, $0x8;
	v3 =	vld [tilespmem:s24+$0x0];
	_ =	sdelay $0x4  }
0x43: {  	v2 =	vmax.f32 v3, v2  }
0x44: {  	[tilespmem:s24+$0x0] =	vst v2  }
0x45: {  	s25 =	spop (v2sf);
	v2 =	vld [tilespmem:s22+$0xFFFFFF70]  }
0x46: {  	(v2sf) =	vpush v1, $0x9;
	v3 =	vld [tilespmem:s25+$0x0];
	_ =	sdelay $0x4  }
0x47: {  	v2 =	vmax.f32 v3, v2  }
0x48: {  	[tilespmem:s25+$0x0] =	vst v2  }
0x49: {  	v2 =	vld [tilespmem:s22+$0xFFFFFF80];
	s26 =	spop (v2sf)  }
0x4a: {  	(v2sf) =	vpush v1, $0xA;
	v3 =	vld [tilespmem:s26+$0x0];
	_ =	sdelay $0x4  }
0x4b: {  	v2 =	vmax.f32 v3, v2  }
0x4c: {  	[tilespmem:s26+$0x0] =	vst v2  }
0x4d: {  	s28 =	spop (v2sf);
	v2 =	vld [tilespmem:s22+$0xFFFFFF90]  }
0x4e: {  	(v2sf) =	vpush v1, $0xB;
	v3 =	vld [tilespmem:s28+$0x0];
	_ =	sdelay $0x4  }
0x4f: {  	v2 =	vmax.f32 v3, v2  }
0x50: {  	[tilespmem:s28+$0x0] =	vst v2  }
0x51: {  	v2 =	vld [tilespmem:s22+$0xFFFFFFA0];
	s29 =	spop (v2sf)  }
0x52: {  	(v2sf) =	vpush v1, $0xC;
	v3 =	vld [tilespmem:s29+$0x0];
	_ =	sdelay $0x4  }
0x53: {  	v2 =	vmax.f32 v3, v2  }
0x54: {  	[tilespmem:s29+$0x0] =	vst v2  }
0x55: {  	s30 =	spop (v2sf);
	v2 =	vld [tilespmem:s22+$0xFFFFFFB0]  }
0x56: {  	(v2sf) =	vpush v1, $0xD;
	v3 =	vld [tilespmem:s30+$0x0];
	_ =	sdelay $0x4  }
0x57: {  	v2 =	vmax.f32 v3, v2  }
0x58: {  	[tilespmem:s30+$0x0] =	vst v2  }
0x59: {  	v2 =	vld [tilespmem:s22+$0xFFFFFFC0];
	s31 =	spop (v2sf)  }
0x5a: {  	(v2sf) =	vpush v1, $0xE;
	v3 =	vld [tilespmem:s31+$0x0];
	_ =	sdelay $0x4  }
0x5b: {  	v2 =	vmax.f32 v3, v2  }
0x5c: {  	[tilespmem:s31+$0x0] =	vst v2  }
0x5d: {  	s24 =	spop (v2sf);
	v2 =	vld [tilespmem:s22+$0xFFFFFFD0]  }
0x5e: {  	(v2sf) =	vpush v1, $0xF;
	v3 =	vld [tilespmem:s24+$0x0];
	_ =	sdelay $0x4  }
0x5f: {  	v1 =	vmax.f32 v3, v2  }
0x60: {  	[tilespmem:s24+$0x0] =	vst v1  }
0x61: {  	v1 =	vld [tilespmem:s22+$0xFFFFFFE0];
	s25 =	spop (v2sf)  }
0x62: {  	v2 =	vld [tilespmem:s25+$0x0];
	_ =	sdelay $0x4  }
0x63: {  	v1 =	vmax.f32 v2, v1  }
0x64: {  	[tilespmem:s25+$0x0] =	vst v1  }
0x65: {  	s26 =	spop (v2sf);
	v1 =	vld [tilespmem:s22+$0xFFFFFFF0]  }
0x66: {  	v2 =	vld [tilespmem:s26+$0x0];
	_ =	sdelay $0x4  }
0x67: {  	v1 =	vmax.f32 v2, v1  }
0x68: {  	[tilespmem:s26+$0x0] =	vst v1  }
0x69: {  	v1 =	vld [tilespmem:s21+$0x0];
	_ =	sdelay $0x4  }
0x6a: {  	v1 =	vmin.u32 v1, $0x1388  }
0x6b: {  	v1 =	vshll.u32 v1, $0x4  }
0x6c: {  	v1 =	vadd.s32 $0x6B00, v1  }
0x6d: {  	(v2sf) =	vpush v1, $0x0;
	_ =	sdelay $0x7  }
0x6e: {  	(v2sf) =	vpush v1, $0x1;
	_ =	sdelay $0x6  }
0x6f: {  	v2 =	vld [tilespmem:s22+$0x0];
	s28 =	spop (v2sf)  }
0x70: {  	(v2sf) =	vpush v1, $0x2;
	v3 =	vld [tilespmem:s28+$0x0];
	_ =	sdelay $0x4  }
0x71: {  	v2 =	vmax.f32 v3, v2  }
0x72: {  	[tilespmem:s28+$0x0] =	vst v2  }
0x73: {  	s29 =	spop (v2sf);
	v2 =	vld [tilespmem:s22+$0x10]  }
0x74: {  	(v2sf) =	vpush v1, $0x3;
	v3 =	vld [tilespmem:s29+$0x0];
	_ =	sdelay $0x4  }
0x75: {  	v2 =	vmax.f32 v3, v2  }
0x76: {  	[tilespmem:s29+$0x0] =	vst v2  }
0x77: {  	v2 =	vld [tilespmem:s22+$0x20];
	s30 =	spop (v2sf)  }
0x78: {  	(v2sf) =	vpush v1, $0x4;
	v3 =	vld [tilespmem:s30+$0x0];
	_ =	sdelay $0x4  }
0x79: {  	v2 =	vmax.f32 v3, v2  }
0x7a: {  	[tilespmem:s30+$0x0] =	vst v2  }
0x7b: {  	s31 =	spop (v2sf);
	v2 =	vld [tilespmem:s22+$0x30]  }
0x7c: {  	(v2sf) =	vpush v1, $0x5;
	v3 =	vld [tilespmem:s31+$0x0];
	_ =	sdelay $0x4  }
0x7d: {  	v2 =	vmax.f32 v3, v2  }
0x7e: {  	[tilespmem:s31+$0x0] =	vst v2  }
0x7f: {  	v2 =	vld [tilespmem:s22+$0x40];
	s24 =	spop (v2sf)  }
0x80: {  	(v2sf) =	vpush v1, $0x6;
	v3 =	vld [tilespmem:s24+$0x0];
	_ =	sdelay $0x4  }
0x81: {  	v2 =	vmax.f32 v3, v2  }
0x82: {  	[tilespmem:s24+$0x0] =	vst v2  }
0x83: {  	s25 =	spop (v2sf);
	v2 =	vld [tilespmem:s22+$0x50]  }
0x84: {  	(v2sf) =	vpush v1, $0x7;
	v3 =	vld [tilespmem:s25+$0x0];
	_ =	sdelay $0x4  }
0x85: {  	v2 =	vmax.f32 v3, v2  }
0x86: {  	[tilespmem:s25+$0x0] =	vst v2  }
0x87: {  	v2 =	vld [tilespmem:s22+$0x60];
	s26 =	spop (v2sf)  }
0x88: {  	(v2sf) =	vpush v1, $0x8;
	v3 =	vld [tilespmem:s26+$0x0];
	_ =	sdelay $0x4  }
0x89: {  	v2 =	vmax.f32 v3, v2  }
0x8a: {  	[tilespmem:s26+$0x0] =	vst v2  }
0x8b: {  	s28 =	spop (v2sf);
	v2 =	vld [tilespmem:s22+$0x70]  }
0x8c: {  	(v2sf) =	vpush v1, $0x9;
	v3 =	vld [tilespmem:s28+$0x0];
	_ =	sdelay $0x4  }
0x8d: {  	v2 =	vmax.f32 v3, v2  }
0x8e: {  	[tilespmem:s28+$0x0] =	vst v2  }
0x8f: {  	v2 =	vld [tilespmem:s22+$0x80];
	s29 =	spop (v2sf)  }
0x90: {  	(v2sf) =	vpush v1, $0xA;
	v3 =	vld [tilespmem:s29+$0x0];
	_ =	sdelay $0x4  }
0x91: {  	v2 =	vmax.f32 v3, v2  }
0x92: {  	[tilespmem:s29+$0x0] =	vst v2  }
0x93: {  	s30 =	spop (v2sf);
	v2 =	vld [tilespmem:s22+$0x90]  }
0x94: {  	(v2sf) =	vpush v1, $0xB;
	v3 =	vld [tilespmem:s30+$0x0];
	_ =	sdelay $0x4  }
0x95: {  	v2 =	vmax.f32 v3, v2  }
0x96: {  	[tilespmem:s30+$0x0] =	vst v2  }
0x97: {  	v2 =	vld [tilespmem:s22+$0xA0];
	s31 =	spop (v2sf)  }
0x98: {  	(v2sf) =	vpush v1, $0xC;
	v3 =	vld [tilespmem:s31+$0x0];
	_ =	sdelay $0x4  }
0x99: {  	v2 =	vmax.f32 v3, v2  }
0x9a: {  	[tilespmem:s31+$0x0] =	vst v2  }
0x9b: {  	s26 =	spop (v2sf);
	v2 =	vld [tilespmem:s22+$0xB0]  }
0x9c: {  	s23 =	sshll.u32 s20, $0x1;
	s24 =	simm.s32 $0x800;
	s25 =	simm.s32 $0x0;
	(v2sf) =	vpush v1, $0xD;
	v3 =	vld [tilespmem:s26+$0x0]  }
.LBB2_5:
0x9d: {  	_ =	sdelay $0x2  }
0x9e: {  	s25 =	sadd.s32 $0x2, s25;
	s21 =	sadd.s32 $0x20, s21;
	s22 =	sadd.s32 $0x200, s22  }
0x9f: {  	p0 =	slt.u32 s25, $0x30;
	v2 =	vmax.f32 v3, v2  }
0xa0: {  	[tilespmem:s26+$0x0] =	vst v2;
	(v2sf) =	vpush v1, $0xE  }
0xa1: {  	v2 =	vld [tilespmem:s24+$0xC0];
	s26 =	spop (v2sf)  }
0xa2: {  	v3 =	vld [tilespmem:s26+$0x0];
	_ =	sdelay $0x4  }
0xa3: {  	v2 =	vmax.f32 v3, v2;
	(v2sf) =	vpush v1, $0xF  }
0xa4: {  	[tilespmem:s26+$0x0] =	vst v2  }
0xa5: {  	v1 =	vld [tilespmem:s24+$0xD0];
	s26 =	spop (v2sf)  }
0xa6: {  	v2 =	vld [tilespmem:s26+$0x0];
	_ =	sdelay $0x4  }
0xa7: {  	v1 =	vmax.f32 v2, v1;
	s28 =	spop (v2sf)  }
0xa8: {  	[tilespmem:s26+$0x0] =	vst v1  }
0xa9: {  	v1 =	vld [tilespmem:s24+$0xE0]  }
0xaa: {  	v2 =	vld [tilespmem:s28+$0x0];
	_ =	sdelay $0x3  }
0xab: {  	s26 =	spop (v2sf)  }
0xac: {  	v1 =	vmax.f32 v2, v1  }
0xad: {  	[tilespmem:s28+$0x0] =	vst v1  }
0xae: {  	v1 =	vld [tilespmem:s24+$0xF0];
	s24 =	smov.u32 s22  }
0xaf: {  	v2 =	vld [tilespmem:s26+$0x0];
	_ =	sdelay $0x4  }
0xb0: {  	v1 =	vmax.f32 v2, v1  }
0xb1: {  	[tilespmem:s26+$0x0] =	vst v1  }
0xb2: {  	v1 =	vld [tilespmem:s21+$0xFFFFFFF0];
	_ =	sdelay $0x4  }
0xb3: {  	v1 =	vmin.u32 v1, $0x1388  }
0xb4: {  	v1 =	vshll.u32 v1, $0x4  }
0xb5: {  	v1 =	vadd.s32 $0x6B00, v1  }
0xb6: {  	(v2sf) =	vpush v1, $0x0;
	_ =	sdelay $0x4  }
0xb7: {  	(v2sf) =	vpush v1, $0x1;
	_ =	sdelay $0x6  }
0xb8: {  	v2 =	vld [tilespmem:s22+$0xFFFFFF00];
	_ =	sdelay $0x2  }
0xb9: {  	s26 =	spop (v2sf)  }
0xba: {  	v3 =	vld [tilespmem:s26+$0x0];
	(v2sf) =	vpush v1, $0x2;
	_ =	sdelay $0x3  }
0xbb: {  	s28 =	spop (v2sf)  }
0xbc: {  	v2 =	vmax.f32 v3, v2  }
0xbd: {  	[tilespmem:s26+$0x0] =	vst v2  }
0xbe: {  	v2 =	vld [tilespmem:s22+$0xFFFFFF10]  }
0xbf: {  	v3 =	vld [tilespmem:s28+$0x0];
	(v2sf) =	vpush v1, $0x3;
	_ =	sdelay $0x4  }
0xc0: {  	v2 =	vmax.f32 v3, v2  }
0xc1: {  	[tilespmem:s28+$0x0] =	vst v2  }
0xc2: {  	v2 =	vld [tilespmem:s22+$0xFFFFFF20];
	s26 =	spop (v2sf)  }
0xc3: {  	v3 =	vld [tilespmem:s26+$0x0];
	(v2sf) =	vpush v1, $0x4;
	_ =	sdelay $0x4  }
0xc4: {  	v2 =	vmax.f32 v3, v2  }
0xc5: {  	[tilespmem:s26+$0x0] =	vst v2  }
0xc6: {  	v2 =	vld [tilespmem:s22+$0xFFFFFF30];
	s26 =	spop (v2sf)  }
0xc7: {  	v3 =	vld [tilespmem:s26+$0x0];
	(v2sf) =	vpush v1, $0x5;
	_ =	sdelay $0x4  }
0xc8: {  	v2 =	vmax.f32 v3, v2  }
0xc9: {  	[tilespmem:s26+$0x0] =	vst v2  }
0xca: {  	v2 =	vld [tilespmem:s22+$0xFFFFFF40];
	s26 =	spop (v2sf)  }
0xcb: {  	v3 =	vld [tilespmem:s26+$0x0];
	(v2sf) =	vpush v1, $0x6;
	_ =	sdelay $0x4  }
0xcc: {  	v2 =	vmax.f32 v3, v2  }
0xcd: {  	[tilespmem:s26+$0x0] =	vst v2  }
0xce: {  	v2 =	vld [tilespmem:s22+$0xFFFFFF50];
	s26 =	spop (v2sf)  }
0xcf: {  	v3 =	vld [tilespmem:s26+$0x0];
	(v2sf) =	vpush v1, $0x7;
	_ =	sdelay $0x4  }
0xd0: {  	v2 =	vmax.f32 v3, v2  }
0xd1: {  	[tilespmem:s26+$0x0] =	vst v2  }
0xd2: {  	v2 =	vld [tilespmem:s22+$0xFFFFFF60];
	s26 =	spop (v2sf)  }
0xd3: {  	v3 =	vld [tilespmem:s26+$0x0];
	(v2sf) =	vpush v1, $0x8;
	_ =	sdelay $0x4  }
0xd4: {  	v2 =	vmax.f32 v3, v2  }
0xd5: {  	[tilespmem:s26+$0x0] =	vst v2  }
0xd6: {  	v2 =	vld [tilespmem:s22+$0xFFFFFF70];
	s26 =	spop (v2sf)  }
0xd7: {  	v3 =	vld [tilespmem:s26+$0x0];
	(v2sf) =	vpush v1, $0x9;
	_ =	sdelay $0x4  }
0xd8: {  	v2 =	vmax.f32 v3, v2  }
0xd9: {  	[tilespmem:s26+$0x0] =	vst v2  }
0xda: {  	v2 =	vld [tilespmem:s22+$0xFFFFFF80];
	s26 =	spop (v2sf)  }
0xdb: {  	v3 =	vld [tilespmem:s26+$0x0];
	(v2sf) =	vpush v1, $0xA;
	_ =	sdelay $0x4  }
0xdc: {  	v2 =	vmax.f32 v3, v2  }
0xdd: {  	[tilespmem:s26+$0x0] =	vst v2  }
0xde: {  	v2 =	vld [tilespmem:s22+$0xFFFFFF90];
	s26 =	spop (v2sf)  }
0xdf: {  	v3 =	vld [tilespmem:s26+$0x0];
	(v2sf) =	vpush v1, $0xB;
	_ =	sdelay $0x4  }
0xe0: {  	v2 =	vmax.f32 v3, v2  }
0xe1: {  	[tilespmem:s26+$0x0] =	vst v2  }
0xe2: {  	v2 =	vld [tilespmem:s22+$0xFFFFFFA0];
	s26 =	spop (v2sf)  }
0xe3: {  	v3 =	vld [tilespmem:s26+$0x0];
	(v2sf) =	vpush v1, $0xC;
	_ =	sdelay $0x4  }
0xe4: {  	v2 =	vmax.f32 v3, v2  }
0xe5: {  	[tilespmem:s26+$0x0] =	vst v2  }
0xe6: {  	v2 =	vld [tilespmem:s22+$0xFFFFFFB0];
	s26 =	spop (v2sf)  }
0xe7: {  	v3 =	vld [tilespmem:s26+$0x0];
	(v2sf) =	vpush v1, $0xD;
	_ =	sdelay $0x4  }
0xe8: {  	v2 =	vmax.f32 v3, v2  }
0xe9: {  	[tilespmem:s26+$0x0] =	vst v2  }
0xea: {  	v2 =	vld [tilespmem:s22+$0xFFFFFFC0];
	s26 =	spop (v2sf)  }
0xeb: {  	v3 =	vld [tilespmem:s26+$0x0];
	(v2sf) =	vpush v1, $0xE;
	_ =	sdelay $0x4  }
0xec: {  	v2 =	vmax.f32 v3, v2  }
0xed: {  	[tilespmem:s26+$0x0] =	vst v2  }
0xee: {  	v2 =	vld [tilespmem:s22+$0xFFFFFFD0];
	s26 =	spop (v2sf)  }
0xef: {  	v3 =	vld [tilespmem:s26+$0x0];
	(v2sf) =	vpush v1, $0xF;
	_ =	sdelay $0x4  }
0xf0: {  	v1 =	vmax.f32 v3, v2  }
0xf1: {  	[tilespmem:s26+$0x0] =	vst v1  }
0xf2: {  	v1 =	vld [tilespmem:s22+$0xFFFFFFE0];
	s26 =	spop (v2sf)  }
0xf3: {  	v2 =	vld [tilespmem:s26+$0x0];
	_ =	sdelay $0x4  }
0xf4: {  	v1 =	vmax.f32 v2, v1  }
0xf5: {  	[tilespmem:s26+$0x0] =	vst v1  }
0xf6: {  	v1 =	vld [tilespmem:s22+$0xFFFFFFF0];
	s26 =	spop (v2sf)  }
0xf7: {  	v2 =	vld [tilespmem:s26+$0x0];
	_ =	sdelay $0x4  }
0xf8: {  	v1 =	vmax.f32 v2, v1  }
0xf9: {  	[tilespmem:s26+$0x0] =	vst v1  }
0xfa: {  	v1 =	vld [tilespmem:s21+$0x0];
	_ =	sdelay $0x4  }
0xfb: {  	v1 =	vmin.u32 v1, $0x1388  }
0xfc: {  	v1 =	vshll.u32 v1, $0x4  }
0xfd: {  	v1 =	vadd.s32 $0x6B00, v1  }
0xfe: {  	(v2sf) =	vpush v1, $0x0;
	_ =	sdelay $0x7  }
0xff: {  	(v2sf) =	vpush v1, $0x1;
	_ =	sdelay $0x6  }
0x100: {  	v2 =	vld [tilespmem:s22+$0x0];
	s26 =	spop (v2sf)  }
0x101: {  	v3 =	vld [tilespmem:s26+$0x0];
	(v2sf) =	vpush v1, $0x2;
	_ =	sdelay $0x4  }
0x102: {  	v2 =	vmax.f32 v3, v2  }
0x103: {  	[tilespmem:s26+$0x0] =	vst v2  }
0x104: {  	v2 =	vld [tilespmem:s22+$0x10];
	s26 =	spop (v2sf)  }
0x105: {  	v3 =	vld [tilespmem:s26+$0x0];
	(v2sf) =	vpush v1, $0x3;
	_ =	sdelay $0x4  }
0x106: {  	v2 =	vmax.f32 v3, v2  }
0x107: {  	[tilespmem:s26+$0x0] =	vst v2  }
0x108: {  	v2 =	vld [tilespmem:s22+$0x20];
	s26 =	spop (v2sf)  }
0x109: {  	v3 =	vld [tilespmem:s26+$0x0];
	(v2sf) =	vpush v1, $0x4;
	_ =	sdelay $0x4  }
0x10a: {  	v2 =	vmax.f32 v3, v2  }
0x10b: {  	[tilespmem:s26+$0x0] =	vst v2  }
0x10c: {  	v2 =	vld [tilespmem:s22+$0x30];
	s26 =	spop (v2sf)  }
0x10d: {  	v3 =	vld [tilespmem:s26+$0x0];
	(v2sf) =	vpush v1, $0x5;
	_ =	sdelay $0x4  }
0x10e: {  	v2 =	vmax.f32 v3, v2  }
0x10f: {  	[tilespmem:s26+$0x0] =	vst v2  }
0x110: {  	v2 =	vld [tilespmem:s22+$0x40];
	s26 =	spop (v2sf)  }
0x111: {  	v3 =	vld [tilespmem:s26+$0x0];
	(v2sf) =	vpush v1, $0x6;
	_ =	sdelay $0x4  }
0x112: {  	v2 =	vmax.f32 v3, v2  }
0x113: {  	[tilespmem:s26+$0x0] =	vst v2  }
0x114: {  	v2 =	vld [tilespmem:s22+$0x50];
	s26 =	spop (v2sf)  }
0x115: {  	v3 =	vld [tilespmem:s26+$0x0];
	(v2sf) =	vpush v1, $0x7;
	_ =	sdelay $0x4  }
0x116: {  	v2 =	vmax.f32 v3, v2  }
0x117: {  	[tilespmem:s26+$0x0] =	vst v2  }
0x118: {  	v2 =	vld [tilespmem:s22+$0x60];
	s26 =	spop (v2sf)  }
0x119: {  	v3 =	vld [tilespmem:s26+$0x0];
	(v2sf) =	vpush v1, $0x8;
	_ =	sdelay $0x4  }
0x11a: {  	v2 =	vmax.f32 v3, v2  }
0x11b: {  	[tilespmem:s26+$0x0] =	vst v2  }
0x11c: {  	v2 =	vld [tilespmem:s22+$0x70];
	s26 =	spop (v2sf)  }
0x11d: {  	v3 =	vld [tilespmem:s26+$0x0];
	(v2sf) =	vpush v1, $0x9;
	_ =	sdelay $0x4  }
0x11e: {  	v2 =	vmax.f32 v3, v2  }
0x11f: {  	[tilespmem:s26+$0x0] =	vst v2  }
0x120: {  	v2 =	vld [tilespmem:s22+$0x80];
	s26 =	spop (v2sf)  }
0x121: {  	v3 =	vld [tilespmem:s26+$0x0];
	(v2sf) =	vpush v1, $0xA;
	_ =	sdelay $0x4  }
0x122: {  	v2 =	vmax.f32 v3, v2  }
0x123: {  	[tilespmem:s26+$0x0] =	vst v2  }
0x124: {  	v2 =	vld [tilespmem:s22+$0x90];
	s26 =	spop (v2sf)  }
0x125: {  	v3 =	vld [tilespmem:s26+$0x0];
	(v2sf) =	vpush v1, $0xB;
	_ =	sdelay $0x4  }
0x126: {  	v2 =	vmax.f32 v3, v2  }
0x127: {  	[tilespmem:s26+$0x0] =	vst v2  }
0x128: {  	v2 =	vld [tilespmem:s22+$0xA0];
	s26 =	spop (v2sf)  }
0x129: {  	v3 =	vld [tilespmem:s26+$0x0];
	(v2sf) =	vpush v1, $0xC;
	_ =	sdelay $0x3  }
.Ltmp1:
0x12a: {  	(pc) =	sbr.rel @p0 .LBB2_5-.Ltmp1, $4  }
0x12b: {  	v2 =	vmax.f32 v3, v2  }
0x12c: {  	[tilespmem:s26+$0x0] =	vst v2  }
0x12d: {  	v2 =	vld [tilespmem:s22+$0xB0];
	s26 =	spop (v2sf)  }
0x12e: {  	v3 =	vld [tilespmem:s26+$0x0];
	(v2sf) =	vpush v1, $0xD  }
0x12f: {  	_ =	sdelay $0x3  }
0x130: {  	v2 =	vmax.f32 v3, v2  }
0x131: {  	[tilespmem:s26+$0x0] =	vst v2  }
0x132: {  	v2 =	vld [tilespmem:s24+$0xC0];
	s21 =	spop (v2sf)  }
0x133: {  	(v2sf) =	vpush v1, $0xE;
	v3 =	vld [tilespmem:s21+$0x0];
	_ =	sdelay $0x4  }
0x134: {  	v2 =	vmax.f32 v3, v2  }
0x135: {  	[tilespmem:s21+$0x0] =	vst v2  }
0x136: {  	v2 =	vld [tilespmem:s24+$0xD0];
	s30 =	spop (v2sf)  }
0x137: {  	(v2sf) =	vpush v1, $0xF;
	v1 =	vld [tilespmem:s30+$0x0];
	_ =	sdelay $0x4  }
0x138: {  	v1 =	vmax.f32 v1, v2  }
0x139: {  	[tilespmem:s30+$0x0] =	vst v1  }
0x13a: {  	s31 =	spop (v2sf);
	v1 =	vld [tilespmem:s24+$0xE0]  }
0x13b: {  	v2 =	vld [tilespmem:s31+$0x0];
	_ =	sdelay $0x4  }
0x13c: {  	v1 =	vmax.f32 v2, v1  }
0x13d: {  	[tilespmem:s31+$0x0] =	vst v1  }
0x13e: {  	s22 =	spop (v2sf);
	v1 =	vld [tilespmem:s24+$0xF0]  }
0x13f: {  	v2 =	vld [tilespmem:s22+$0x0];
	_ =	sdelay $0x4  }
0x140: {  	v1 =	vmax.f32 v2, v1  }
0x141: {  	p0 =	seq.s32 s20, $0x31;
	[tilespmem:s22+$0x0] =	vst v1  }
0x142: {  	s21 =	sadd.s32 @!p0 $0x2, s23;
	_ =	swait.ge [sflag:s13], $0x320  }
0x143: {  	s22 =	smul.u32 @!p0 $0x320, s21;
	[sflag:s13] =	ssyncset.done $0x0  }
0x144: {  	s21 =	smul.u32 @!p0 $0x3200, s21;
	[sflag:s13] =	ssyncadd.s32 $0xFFFFFCE0  }
0x145: {  	s23 =	simm.s32 @!p0 $0x0;
	s22 =	sadd.s32 @!p0 s4, s22;
	_ =	swait.ge [sflag:s14], $0x3200  }
0x146: {  	s21 =	sadd.s32 @!p0 s6, s21;
	s22 =	sshrl.u32 @!p0 s22, $0x3;
	[sflag:s14] =	ssyncset.done $0x0  }
0x147: {  	s21 =	sshrl.u32 @!p0 s21, $0x3;
	s22 =	sadd.s32 @!p0 s5, s22;
	[sflag:s14] =	ssyncadd.s32 $0xFFFFCE00  }
0x148: {  	[tilespmem:s23], [sflag:$0x1] =	stream.linear.gather @!p0 [hbm4b:s22+s23], $0x320, $0x38;
	[tilespmem:$0x1A400] =	vst v63  }
0x149: {  	s21 =	sadd.s32 @!p0 s3, s21;
	s22 =	simm.s32 @!p0 $0x700  }
0x14a: {  	[tilespmem:s22], [sflag:$0x2] =	stream.linear.gather @!p0 [hbm4b:s21+s23], $0x3200, $0x38;
	[tilespmem:$0x1A400] =	vst v63  }
0x14b: {  	s21 =	simm.s32 $0x390  }
0x14c: {  	v1 =	vld [tilespmem:s21+$0xFFFFFFF0];
	_ =	sdelay $0x4  }
0x14d: {  	v1 =	vmin.u32 v1, $0x1388  }
0x14e: {  	v1 =	vshll.u32 v1, $0x4  }
0x14f: {  	v1 =	vadd.s32 $0x6B00, v1  }
0x150: {  	(v2sf) =	vpush v1, $0x0;
	_ =	sdelay $0x7  }
0x151: {  	(v2sf) =	vpush v1, $0x1;
	_ =	sdelay $0x5  }
0x152: {  	s22 =	simm.s32 $0x3A00  }
0x153: {  	v2 =	vld [tilespmem:s22+$0xFFFFFF00];
	s25 =	spop (v2sf)  }
0x154: {  	(v2sf) =	vpush v1, $0x2;
	v3 =	vld [tilespmem:s25+$0x0];
	_ =	sdelay $0x4  }
0x155: {  	v2 =	vmax.f32 v3, v2  }
0x156: {  	[tilespmem:s25+$0x0] =	vst v2  }
0x157: {  	s26 =	spop (v2sf);
	v2 =	vld [tilespmem:s22+$0xFFFFFF10]  }
0x158: {  	(v2sf) =	vpush v1, $0x3;
	v3 =	vld [tilespmem:s26+$0x0];
	_ =	sdelay $0x4  }
0x159: {  	v2 =	vmax.f32 v3, v2  }
0x15a: {  	[tilespmem:s26+$0x0] =	vst v2  }
0x15b: {  	s28 =	spop (v2sf);
	v2 =	vld [tilespmem:s22+$0xFFFFFF20]  }
0x15c: {  	(v2sf) =	vpush v1, $0x4;
	v3 =	vld [tilespmem:s28+$0x0];
	_ =	sdelay $0x4  }
0x15d: {  	v2 =	vmax.f32 v3, v2  }
0x15e: {  	[tilespmem:s28+$0x0] =	vst v2  }
0x15f: {  	s29 =	spop (v2sf);
	v2 =	vld [tilespmem:s22+$0xFFFFFF30]  }
0x160: {  	(v2sf) =	vpush v1, $0x5;
	v3 =	vld [tilespmem:s29+$0x0];
	_ =	sdelay $0x4  }
0x161: {  	v2 =	vmax.f32 v3, v2  }
0x162: {  	[tilespmem:s29+$0x0] =	vst v2  }
0x163: {  	s30 =	spop (v2sf);
	v2 =	vld [tilespmem:s22+$0xFFFFFF40]  }
0x164: {  	(v2sf) =	vpush v1, $0x6;
	v3 =	vld [tilespmem:s30+$0x0];
	_ =	sdelay $0x4  }
0x165: {  	v2 =	vmax.f32 v3, v2  }
0x166: {  	[tilespmem:s30+$0x0] =	vst v2  }
0x167: {  	s31 =	spop (v2sf);
	v2 =	vld [tilespmem:s22+$0xFFFFFF50]  }
0x168: {  	(v2sf) =	vpush v1, $0x7;
	v3 =	vld [tilespmem:s31+$0x0];
	_ =	sdelay $0x4  }
0x169: {  	v2 =	vmax.f32 v3, v2  }
0x16a: {  	[tilespmem:s31+$0x0] =	vst v2  }
0x16b: {  	s24 =	spop (v2sf);
	v2 =	vld [tilespmem:s22+$0xFFFFFF60]  }
0x16c: {  	(v2sf) =	vpush v1, $0x8;
	v3 =	vld [tilespmem:s24+$0x0];
	_ =	sdelay $0x4  }
0x16d: {  	v2 =	vmax.f32 v3, v2  }
0x16e: {  	[tilespmem:s24+$0x0] =	vst v2  }
0x16f: {  	s25 =	spop (v2sf);
	v2 =	vld [tilespmem:s22+$0xFFFFFF70]  }
0x170: {  	(v2sf) =	vpush v1, $0x9;
	v3 =	vld [tilespmem:s25+$0x0];
	_ =	sdelay $0x4  }
0x171: {  	v2 =	vmax.f32 v3, v2  }
0x172: {  	[tilespmem:s25+$0x0] =	vst v2  }
0x173: {  	s26 =	spop (v2sf);
	v2 =	vld [tilespmem:s22+$0xFFFFFF80]  }
0x174: {  	(v2sf) =	vpush v1, $0xA;
	v3 =	vld [tilespmem:s26+$0x0];
	_ =	sdelay $0x4  }
0x175: {  	v2 =	vmax.f32 v3, v2  }
0x176: {  	[tilespmem:s26+$0x0] =	vst v2  }
0x177: {  	s28 =	spop (v2sf);
	v2 =	vld [tilespmem:s22+$0xFFFFFF90]  }
0x178: {  	(v2sf) =	vpush v1, $0xB;
	v3 =	vld [tilespmem:s28+$0x0];
	_ =	sdelay $0x4  }
0x179: {  	v2 =	vmax.f32 v3, v2  }
0x17a: {  	[tilespmem:s28+$0x0] =	vst v2  }
0x17b: {  	s29 =	spop (v2sf);
	v2 =	vld [tilespmem:s22+$0xFFFFFFA0]  }
0x17c: {  	(v2sf) =	vpush v1, $0xC;
	v3 =	vld [tilespmem:s29+$0x0];
	_ =	sdelay $0x4  }
0x17d: {  	v2 =	vmax.f32 v3, v2  }
0x17e: {  	[tilespmem:s29+$0x0] =	vst v2  }
0x17f: {  	s30 =	spop (v2sf);
	v2 =	vld [tilespmem:s22+$0xFFFFFFB0]  }
0x180: {  	(v2sf) =	vpush v1, $0xD;
	v3 =	vld [tilespmem:s30+$0x0];
	_ =	sdelay $0x4  }
0x181: {  	v2 =	vmax.f32 v3, v2  }
0x182: {  	[tilespmem:s30+$0x0] =	vst v2  }
0x183: {  	s31 =	spop (v2sf);
	v2 =	vld [tilespmem:s22+$0xFFFFFFC0]  }
0x184: {  	(v2sf) =	vpush v1, $0xE;
	v3 =	vld [tilespmem:s31+$0x0];
	_ =	sdelay $0x4  }
0x185: {  	v2 =	vmax.f32 v3, v2  }
0x186: {  	[tilespmem:s31+$0x0] =	vst v2  }
0x187: {  	s24 =	spop (v2sf);
	v2 =	vld [tilespmem:s22+$0xFFFFFFD0]  }
0x188: {  	(v2sf) =	vpush v1, $0xF;
	v3 =	vld [tilespmem:s24+$0x0];
	_ =	sdelay $0x4  }
0x189: {  	v1 =	vmax.f32 v3, v2  }
0x18a: {  	[tilespmem:s24+$0x0] =	vst v1  }
0x18b: {  	s25 =	spop (v2sf);
	v1 =	vld [tilespmem:s22+$0xFFFFFFE0]  }
0x18c: {  	v2 =	vld [tilespmem:s25+$0x0];
	_ =	sdelay $0x4  }
0x18d: {  	v1 =	vmax.f32 v2, v1  }
0x18e: {  	[tilespmem:s25+$0x0] =	vst v1  }
0x18f: {  	v1 =	vld [tilespmem:s22+$0xFFFFFFF0];
	s26 =	spop (v2sf)  }
0x190: {  	v2 =	vld [tilespmem:s26+$0x0];
	_ =	sdelay $0x4  }
0x191: {  	v1 =	vmax.f32 v2, v1  }
0x192: {  	[tilespmem:s26+$0x0] =	vst v1  }
0x193: {  	v1 =	vld [tilespmem:s21+$0x0];
	_ =	sdelay $0x4  }
0x194: {  	v1 =	vmin.u32 v1, $0x1388  }
0x195: {  	v1 =	vshll.u32 v1, $0x4  }
0x196: {  	v1 =	vadd.s32 $0x6B00, v1  }
0x197: {  	(v2sf) =	vpush v1, $0x0;
	_ =	sdelay $0x7  }
0x198: {  	(v2sf) =	vpush v1, $0x1;
	_ =	sdelay $0x6  }
0x199: {  	v2 =	vld [tilespmem:s22+$0x0];
	s28 =	spop (v2sf)  }
0x19a: {  	(v2sf) =	vpush v1, $0x2;
	v3 =	vld [tilespmem:s28+$0x0];
	_ =	sdelay $0x4  }
0x19b: {  	v2 =	vmax.f32 v3, v2  }
0x19c: {  	[tilespmem:s28+$0x0] =	vst v2  }
0x19d: {  	s29 =	spop (v2sf);
	v2 =	vld [tilespmem:s22+$0x10]  }
0x19e: {  	(v2sf) =	vpush v1, $0x3;
	v3 =	vld [tilespmem:s29+$0x0];
	_ =	sdelay $0x4  }
0x19f: {  	v2 =	vmax.f32 v3, v2  }
0x1a0: {  	[tilespmem:s29+$0x0] =	vst v2  }
0x1a1: {  	s30 =	spop (v2sf);
	v2 =	vld [tilespmem:s22+$0x20]  }
0x1a2: {  	(v2sf) =	vpush v1, $0x4;
	v3 =	vld [tilespmem:s30+$0x0];
	_ =	sdelay $0x4  }
0x1a3: {  	v2 =	vmax.f32 v3, v2  }
0x1a4: {  	[tilespmem:s30+$0x0] =	vst v2  }
0x1a5: {  	s31 =	spop (v2sf);
	v2 =	vld [tilespmem:s22+$0x30]  }
0x1a6: {  	(v2sf) =	vpush v1, $0x5;
	v3 =	vld [tilespmem:s31+$0x0];
	_ =	sdelay $0x4  }
0x1a7: {  	v2 =	vmax.f32 v3, v2  }
0x1a8: {  	[tilespmem:s31+$0x0] =	vst v2  }
0x1a9: {  	s24 =	spop (v2sf);
	v2 =	vld [tilespmem:s22+$0x40]  }
0x1aa: {  	(v2sf) =	vpush v1, $0x6;
	v3 =	vld [tilespmem:s24+$0x0];
	_ =	sdelay $0x4  }
0x1ab: {  	v2 =	vmax.f32 v3, v2  }
0x1ac: {  	[tilespmem:s24+$0x0] =	vst v2  }
0x1ad: {  	s25 =	spop (v2sf);
	v2 =	vld [tilespmem:s22+$0x50]  }
0x1ae: {  	(v2sf) =	vpush v1, $0x7;
	v3 =	vld [tilespmem:s25+$0x0];
	_ =	sdelay $0x4  }
0x1af: {  	v2 =	vmax.f32 v3, v2  }
0x1b0: {  	[tilespmem:s25+$0x0] =	vst v2  }
0x1b1: {  	s26 =	spop (v2sf);
	v2 =	vld [tilespmem:s22+$0x60]  }
0x1b2: {  	(v2sf) =	vpush v1, $0x8;
	v3 =	vld [tilespmem:s26+$0x0];
	_ =	sdelay $0x4  }
0x1b3: {  	v2 =	vmax.f32 v3, v2  }
0x1b4: {  	[tilespmem:s26+$0x0] =	vst v2  }
0x1b5: {  	s28 =	spop (v2sf);
	v2 =	vld [tilespmem:s22+$0x70]  }
0x1b6: {  	(v2sf) =	vpush v1, $0x9;
	v3 =	vld [tilespmem:s28+$0x0];
	_ =	sdelay $0x4  }
0x1b7: {  	v2 =	vmax.f32 v3, v2  }
0x1b8: {  	[tilespmem:s28+$0x0] =	vst v2  }
0x1b9: {  	s29 =	spop (v2sf);
	v2 =	vld [tilespmem:s22+$0x80]  }
0x1ba: {  	(v2sf) =	vpush v1, $0xA;
	v3 =	vld [tilespmem:s29+$0x0];
	_ =	sdelay $0x4  }
0x1bb: {  	v2 =	vmax.f32 v3, v2  }
0x1bc: {  	[tilespmem:s29+$0x0] =	vst v2  }
0x1bd: {  	s30 =	spop (v2sf);
	v2 =	vld [tilespmem:s22+$0x90]  }
0x1be: {  	(v2sf) =	vpush v1, $0xB;
	v3 =	vld [tilespmem:s30+$0x0];
	_ =	sdelay $0x4  }
0x1bf: {  	v2 =	vmax.f32 v3, v2  }
0x1c0: {  	[tilespmem:s30+$0x0] =	vst v2  }
0x1c1: {  	s31 =	spop (v2sf);
	v2 =	vld [tilespmem:s22+$0xA0]  }
0x1c2: {  	(v2sf) =	vpush v1, $0xC;
	v3 =	vld [tilespmem:s31+$0x0];
	_ =	sdelay $0x4  }
0x1c3: {  	v2 =	vmax.f32 v3, v2  }
0x1c4: {  	[tilespmem:s31+$0x0] =	vst v2  }
0x1c5: {  	s25 =	spop (v2sf);
	v2 =	vld [tilespmem:s22+$0xB0]  }
0x1c6: {  	s23 =	simm.s32 $0x3A00;
	s24 =	simm.s32 $0x0;
	(v2sf) =	vpush v1, $0xD;
	v3 =	vld [tilespmem:s25+$0x0]  }
.LBB2_7:
0x1c7: {  	_ =	sdelay $0x2  }
0x1c8: {  	s24 =	sadd.s32 $0x2, s24;
	s21 =	sadd.s32 $0x20, s21;
	s22 =	sadd.s32 $0x200, s22  }
0x1c9: {  	p0 =	slt.u32 s24, $0x30;
	v2 =	vmax.f32 v3, v2  }
0x1ca: {  	[tilespmem:s25+$0x0] =	vst v2;
	(v2sf) =	vpush v1, $0xE  }
0x1cb: {  	v2 =	vld [tilespmem:s23+$0xC0];
	s25 =	spop (v2sf)  }
0x1cc: {  	v3 =	vld [tilespmem:s25+$0x0];
	_ =	sdelay $0x4  }
0x1cd: {  	v2 =	vmax.f32 v3, v2;
	(v2sf) =	vpush v1, $0xF  }
0x1ce: {  	[tilespmem:s25+$0x0] =	vst v2  }
0x1cf: {  	v1 =	vld [tilespmem:s23+$0xD0];
	s25 =	spop (v2sf)  }
0x1d0: {  	v2 =	vld [tilespmem:s25+$0x0];
	_ =	sdelay $0x4  }
0x1d1: {  	v1 =	vmax.f32 v2, v1;
	s26 =	spop (v2sf)  }
0x1d2: {  	[tilespmem:s25+$0x0] =	vst v1  }
0x1d3: {  	v1 =	vld [tilespmem:s23+$0xE0]  }
0x1d4: {  	v2 =	vld [tilespmem:s26+$0x0];
	_ =	sdelay $0x3  }
0x1d5: {  	s25 =	spop (v2sf)  }
0x1d6: {  	v1 =	vmax.f32 v2, v1  }
0x1d7: {  	[tilespmem:s26+$0x0] =	vst v1  }
0x1d8: {  	v1 =	vld [tilespmem:s23+$0xF0];
	s23 =	smov.u32 s22  }
0x1d9: {  	v2 =	vld [tilespmem:s25+$0x0];
	_ =	sdelay $0x4  }
0x1da: {  	v1 =	vmax.f32 v2, v1  }
0x1db: {  	[tilespmem:s25+$0x0] =	vst v1  }
0x1dc: {  	v1 =	vld [tilespmem:s21+$0xFFFFFFF0];
	_ =	sdelay $0x4  }
0x1dd: {  	v1 =	vmin.u32 v1, $0x1388  }
0x1de: {  	v1 =	vshll.u32 v1, $0x4  }
0x1df: {  	v1 =	vadd.s32 $0x6B00, v1  }
0x1e0: {  	(v2sf) =	vpush v1, $0x0;
	_ =	sdelay $0x4  }
0x1e1: {  	(v2sf) =	vpush v1, $0x1;
	_ =	sdelay $0x6  }
0x1e2: {  	v2 =	vld [tilespmem:s22+$0xFFFFFF00];
	_ =	sdelay $0x2  }
0x1e3: {  	s25 =	spop (v2sf)  }
0x1e4: {  	v3 =	vld [tilespmem:s25+$0x0];
	(v2sf) =	vpush v1, $0x2;
	_ =	sdelay $0x3  }
0x1e5: {  	s26 =	spop (v2sf)  }
0x1e6: {  	v2 =	vmax.f32 v3, v2  }
0x1e7: {  	[tilespmem:s25+$0x0] =	vst v2  }
0x1e8: {  	v2 =	vld [tilespmem:s22+$0xFFFFFF10]  }
0x1e9: {  	v3 =	vld [tilespmem:s26+$0x0];
	(v2sf) =	vpush v1, $0x3;
	_ =	sdelay $0x4  }
0x1ea: {  	v2 =	vmax.f32 v3, v2  }
0x1eb: {  	[tilespmem:s26+$0x0] =	vst v2  }
0x1ec: {  	v2 =	vld [tilespmem:s22+$0xFFFFFF20];
	s25 =	spop (v2sf)  }
0x1ed: {  	v3 =	vld [tilespmem:s25+$0x0];
	(v2sf) =	vpush v1, $0x4;
	_ =	sdelay $0x4  }
0x1ee: {  	v2 =	vmax.f32 v3, v2  }
0x1ef: {  	[tilespmem:s25+$0x0] =	vst v2  }
0x1f0: {  	v2 =	vld [tilespmem:s22+$0xFFFFFF30];
	s25 =	spop (v2sf)  }
0x1f1: {  	v3 =	vld [tilespmem:s25+$0x0];
	(v2sf) =	vpush v1, $0x5;
	_ =	sdelay $0x4  }
0x1f2: {  	v2 =	vmax.f32 v3, v2  }
0x1f3: {  	[tilespmem:s25+$0x0] =	vst v2  }
0x1f4: {  	v2 =	vld [tilespmem:s22+$0xFFFFFF40];
	s25 =	spop (v2sf)  }
0x1f5: {  	v3 =	vld [tilespmem:s25+$0x0];
	(v2sf) =	vpush v1, $0x6;
	_ =	sdelay $0x4  }
0x1f6: {  	v2 =	vmax.f32 v3, v2  }
0x1f7: {  	[tilespmem:s25+$0x0] =	vst v2  }
0x1f8: {  	v2 =	vld [tilespmem:s22+$0xFFFFFF50];
	s25 =	spop (v2sf)  }
0x1f9: {  	v3 =	vld [tilespmem:s25+$0x0];
	(v2sf) =	vpush v1, $0x7;
	_ =	sdelay $0x4  }
0x1fa: {  	v2 =	vmax.f32 v3, v2  }
0x1fb: {  	[tilespmem:s25+$0x0] =	vst v2  }
0x1fc: {  	v2 =	vld [tilespmem:s22+$0xFFFFFF60];
	s25 =	spop (v2sf)  }
0x1fd: {  	v3 =	vld [tilespmem:s25+$0x0];
	(v2sf) =	vpush v1, $0x8;
	_ =	sdelay $0x4  }
0x1fe: {  	v2 =	vmax.f32 v3, v2  }
0x1ff: {  	[tilespmem:s25+$0x0] =	vst v2  }
0x200: {  	v2 =	vld [tilespmem:s22+$0xFFFFFF70];
	s25 =	spop (v2sf)  }
0x201: {  	v3 =	vld [tilespmem:s25+$0x0];
	(v2sf) =	vpush v1, $0x9;
	_ =	sdelay $0x4  }
0x202: {  	v2 =	vmax.f32 v3, v2  }
0x203: {  	[tilespmem:s25+$0x0] =	vst v2  }
0x204: {  	v2 =	vld [tilespmem:s22+$0xFFFFFF80];
	s25 =	spop (v2sf)  }
0x205: {  	v3 =	vld [tilespmem:s25+$0x0];
	(v2sf) =	vpush v1, $0xA;
	_ =	sdelay $0x4  }
0x206: {  	v2 =	vmax.f32 v3, v2  }
0x207: {  	[tilespmem:s25+$0x0] =	vst v2  }
0x208: {  	v2 =	vld [tilespmem:s22+$0xFFFFFF90];
	s25 =	spop (v2sf)  }
0x209: {  	v3 =	vld [tilespmem:s25+$0x0];
	(v2sf) =	vpush v1, $0xB;
	_ =	sdelay $0x4  }
0x20a: {  	v2 =	vmax.f32 v3, v2  }
0x20b: {  	[tilespmem:s25+$0x0] =	vst v2  }
0x20c: {  	v2 =	vld [tilespmem:s22+$0xFFFFFFA0];
	s25 =	spop (v2sf)  }
0x20d: {  	v3 =	vld [tilespmem:s25+$0x0];
	(v2sf) =	vpush v1, $0xC;
	_ =	sdelay $0x4  }
0x20e: {  	v2 =	vmax.f32 v3, v2  }
0x20f: {  	[tilespmem:s25+$0x0] =	vst v2  }
0x210: {  	v2 =	vld [tilespmem:s22+$0xFFFFFFB0];
	s25 =	spop (v2sf)  }
0x211: {  	v3 =	vld [tilespmem:s25+$0x0];
	(v2sf) =	vpush v1, $0xD;
	_ =	sdelay $0x4  }
0x212: {  	v2 =	vmax.f32 v3, v2  }
0x213: {  	[tilespmem:s25+$0x0] =	vst v2  }
0x214: {  	v2 =	vld [tilespmem:s22+$0xFFFFFFC0];
	s25 =	spop (v2sf)  }
0x215: {  	v3 =	vld [tilespmem:s25+$0x0];
	(v2sf) =	vpush v1, $0xE;
	_ =	sdelay $0x4  }
0x216: {  	v2 =	vmax.f32 v3, v2  }
0x217: {  	[tilespmem:s25+$0x0] =	vst v2  }
0x218: {  	v2 =	vld [tilespmem:s22+$0xFFFFFFD0];
	s25 =	spop (v2sf)  }
0x219: {  	v3 =	vld [tilespmem:s25+$0x0];
	(v2sf) =	vpush v1, $0xF;
	_ =	sdelay $0x4  }
0x21a: {  	v1 =	vmax.f32 v3, v2  }
0x21b: {  	[tilespmem:s25+$0x0] =	vst v1  }
0x21c: {  	v1 =	vld [tilespmem:s22+$0xFFFFFFE0];
	s25 =	spop (v2sf)  }
0x21d: {  	v2 =	vld [tilespmem:s25+$0x0];
	_ =	sdelay $0x4  }
0x21e: {  	v1 =	vmax.f32 v2, v1  }
0x21f: {  	[tilespmem:s25+$0x0] =	vst v1  }
0x220: {  	v1 =	vld [tilespmem:s22+$0xFFFFFFF0];
	s25 =	spop (v2sf)  }
0x221: {  	v2 =	vld [tilespmem:s25+$0x0];
	_ =	sdelay $0x4  }
0x222: {  	v1 =	vmax.f32 v2, v1  }
0x223: {  	[tilespmem:s25+$0x0] =	vst v1  }
0x224: {  	v1 =	vld [tilespmem:s21+$0x0];
	_ =	sdelay $0x4  }
0x225: {  	v1 =	vmin.u32 v1, $0x1388  }
0x226: {  	v1 =	vshll.u32 v1, $0x4  }
0x227: {  	v1 =	vadd.s32 $0x6B00, v1  }
0x228: {  	(v2sf) =	vpush v1, $0x0;
	_ =	sdelay $0x7  }
0x229: {  	(v2sf) =	vpush v1, $0x1;
	_ =	sdelay $0x6  }
0x22a: {  	v2 =	vld [tilespmem:s22+$0x0];
	s25 =	spop (v2sf)  }
0x22b: {  	v3 =	vld [tilespmem:s25+$0x0];
	(v2sf) =	vpush v1, $0x2;
	_ =	sdelay $0x4  }
0x22c: {  	v2 =	vmax.f32 v3, v2  }
0x22d: {  	[tilespmem:s25+$0x0] =	vst v2  }
0x22e: {  	v2 =	vld [tilespmem:s22+$0x10];
	s25 =	spop (v2sf)  }
0x22f: {  	v3 =	vld [tilespmem:s25+$0x0];
	(v2sf) =	vpush v1, $0x3;
	_ =	sdelay $0x4  }
0x230: {  	v2 =	vmax.f32 v3, v2  }
0x231: {  	[tilespmem:s25+$0x0] =	vst v2  }
0x232: {  	v2 =	vld [tilespmem:s22+$0x20];
	s25 =	spop (v2sf)  }
0x233: {  	v3 =	vld [tilespmem:s25+$0x0];
	(v2sf) =	vpush v1, $0x4;
	_ =	sdelay $0x4  }
0x234: {  	v2 =	vmax.f32 v3, v2  }
0x235: {  	[tilespmem:s25+$0x0] =	vst v2  }
0x236: {  	v2 =	vld [tilespmem:s22+$0x30];
	s25 =	spop (v2sf)  }
0x237: {  	v3 =	vld [tilespmem:s25+$0x0];
	(v2sf) =	vpush v1, $0x5;
	_ =	sdelay $0x4  }
0x238: {  	v2 =	vmax.f32 v3, v2  }
0x239: {  	[tilespmem:s25+$0x0] =	vst v2  }
0x23a: {  	v2 =	vld [tilespmem:s22+$0x40];
	s25 =	spop (v2sf)  }
0x23b: {  	v3 =	vld [tilespmem:s25+$0x0];
	(v2sf) =	vpush v1, $0x6;
	_ =	sdelay $0x4  }
0x23c: {  	v2 =	vmax.f32 v3, v2  }
0x23d: {  	[tilespmem:s25+$0x0] =	vst v2  }
0x23e: {  	v2 =	vld [tilespmem:s22+$0x50];
	s25 =	spop (v2sf)  }
0x23f: {  	v3 =	vld [tilespmem:s25+$0x0];
	(v2sf) =	vpush v1, $0x7;
	_ =	sdelay $0x4  }
0x240: {  	v2 =	vmax.f32 v3, v2  }
0x241: {  	[tilespmem:s25+$0x0] =	vst v2  }
0x242: {  	v2 =	vld [tilespmem:s22+$0x60];
	s25 =	spop (v2sf)  }
0x243: {  	v3 =	vld [tilespmem:s25+$0x0];
	(v2sf) =	vpush v1, $0x8;
	_ =	sdelay $0x4  }
0x244: {  	v2 =	vmax.f32 v3, v2  }
0x245: {  	[tilespmem:s25+$0x0] =	vst v2  }
0x246: {  	v2 =	vld [tilespmem:s22+$0x70];
	s25 =	spop (v2sf)  }
0x247: {  	v3 =	vld [tilespmem:s25+$0x0];
	(v2sf) =	vpush v1, $0x9;
	_ =	sdelay $0x4  }
0x248: {  	v2 =	vmax.f32 v3, v2  }
0x249: {  	[tilespmem:s25+$0x0] =	vst v2  }
0x24a: {  	v2 =	vld [tilespmem:s22+$0x80];
	s25 =	spop (v2sf)  }
0x24b: {  	v3 =	vld [tilespmem:s25+$0x0];
	(v2sf) =	vpush v1, $0xA;
	_ =	sdelay $0x4  }
0x24c: {  	v2 =	vmax.f32 v3, v2  }
0x24d: {  	[tilespmem:s25+$0x0] =	vst v2  }
0x24e: {  	v2 =	vld [tilespmem:s22+$0x90];
	s25 =	spop (v2sf)  }
0x24f: {  	v3 =	vld [tilespmem:s25+$0x0];
	(v2sf) =	vpush v1, $0xB;
	_ =	sdelay $0x4  }
0x250: {  	v2 =	vmax.f32 v3, v2  }
0x251: {  	[tilespmem:s25+$0x0] =	vst v2  }
0x252: {  	v2 =	vld [tilespmem:s22+$0xA0];
	s25 =	spop (v2sf)  }
0x253: {  	v3 =	vld [tilespmem:s25+$0x0];
	(v2sf) =	vpush v1, $0xC;
	_ =	sdelay $0x3  }
.Ltmp2:
0x254: {  	(pc) =	sbr.rel @p0 .LBB2_7-.Ltmp2, $4  }
0x255: {  	v2 =	vmax.f32 v3, v2  }
0x256: {  	[tilespmem:s25+$0x0] =	vst v2  }
0x257: {  	v2 =	vld [tilespmem:s22+$0xB0];
	s25 =	spop (v2sf)  }
0x258: {  	v3 =	vld [tilespmem:s25+$0x0];
	(v2sf) =	vpush v1, $0xD  }
0x259: {  	_ =	sdelay $0x3  }
0x25a: {  	v2 =	vmax.f32 v3, v2  }
0x25b: {  	[tilespmem:s25+$0x0] =	vst v2  }
0x25c: {  	v2 =	vld [tilespmem:s23+$0xC0];
	s21 =	spop (v2sf)  }
0x25d: {  	(v2sf) =	vpush v1, $0xE;
	v3 =	vld [tilespmem:s21+$0x0];
	_ =	sdelay $0x4  }
0x25e: {  	v2 =	vmax.f32 v3, v2  }
0x25f: {  	[tilespmem:s21+$0x0] =	vst v2  }
0x260: {  	v2 =	vld [tilespmem:s23+$0xD0];
	s29 =	spop (v2sf)  }
0x261: {  	(v2sf) =	vpush v1, $0xF;
	v1 =	vld [tilespmem:s29+$0x0];
	_ =	sdelay $0x4  }
0x262: {  	v1 =	vmax.f32 v1, v2  }
0x263: {  	[tilespmem:s29+$0x0] =	vst v1  }
0x264: {  	s30 =	spop (v2sf);
	v1 =	vld [tilespmem:s23+$0xE0]  }
0x265: {  	v2 =	vld [tilespmem:s30+$0x0];
	_ =	sdelay $0x4  }
0x266: {  	v1 =	vmax.f32 v2, v1  }
0x267: {  	[tilespmem:s30+$0x0] =	vst v1  }
0x268: {  	s31 =	spop (v2sf);
	v1 =	vld [tilespmem:s23+$0xF0]  }
0x269: {  	s20 =	sadd.s32 $0x1, s20;
	v2 =	vld [tilespmem:s31+$0x0]  }
0x26a: {  	p0 =	sne.s32 s20, $0x32  }
.Ltmp3:
0x26b: {  	_ = 	snop;
	(pc) =	sbr.rel @p0 .LBB2_4-.Ltmp3, $3  }
0x26c: {  	_ =	sdelay $0x1  }
0x26d: {  	v1 =	vmax.f32 v2, v1  }
0x26e: {  	[tilespmem:s31+$0x0] =	vst v1  }
0x26f: {  	s20 =	simm.s32 $0x0  }
0x270: {  	[hbm4b:s9+s20] =	stream.linear.scatter [tilespmem:s17], [sflag:$0x3], $0x13880, $0x38;
	[tilespmem:$0x1A400] =	vst v63  }
0x271: {  	_ =	swait.ge [sflag:s18], $0x13880  }
0x272: {  	[sflag:s18] =	ssyncset.done $0x0  }
0x273: {  	s21 =	simm.s32 $0x0;
	s20 =	simm.s32 $0x40;
	[sflag:s18] =	ssyncadd.s32 $0xFFFEC780  }
.LBB2_10:
0x274: {  	p0 =	sne.s32 s20, $0x4E200;
	[tilespmem:s21+$0x6B00] =	vst v0;
	s21 =	smov.u32 s20;
	s20 =	sadd.s32 $0x40, s20  }
.Ltmp4:
0x275: {  	(pc) =	sbr.rel @p0 .LBB2_10-.Ltmp4, $2  }
0x276: {  	_ =	sdelay $0x2  }
0x277: {  	s21 =	sshra.s32 s21, $0x2  }
0x278: {  	[tilespmem:s21+$0x6B00] =	vst v0;
	s20 =	simm.s32 $0x0  }
0x279: {  	[tilespmem:s20], [sflag:$0x1] =	stream.linear.gather [hbm4b:s7+s20], $0x320, $0x38;
	[tilespmem:$0x1A400] =	vst v63  }
0x27a: {  	_ = 	snop  }
0x27b: {  	[tilespmem:s12], [sflag:$0x2] =	stream.linear.gather [hbm4b:s8+s20], $0x3200, $0x38;
	[tilespmem:$0x1A400] =	vst v63  }
.LBB2_12:
0x27c: {  	_ =	swait.ge [sflag:s13], $0x320;
	s21 =	sshllo.u32 s20, $0x1  }
0x27d: {  	[sflag:s13] =	ssyncset.done $0x0;
	s22 =	smul.u32 $0x320, s21  }
0x27e: {  	s21 =	smul.u32 $0x3200, s21;
	[sflag:s13] =	ssyncadd.s32 $0xFFFFFCE0  }
0x27f: {  	_ =	swait.ge [sflag:s14], $0x3200;
	s22 =	sadd.s32 s4, s22  }
0x280: {  	s21 =	sadd.s32 s6, s21;
	[sflag:s14] =	ssyncset.done $0x0;
	s22 =	sshrl.u32 s22, $0x3  }
0x281: {  	s21 =	sshrl.u32 s21, $0x3;
	[sflag:s14] =	ssyncadd.s32 $0xFFFFCE00;
	s22 =	sadd.s32 s5, s22  }
0x282: {  	[tilespmem:s15], [sflag:$0x1] =	stream.linear.gather [hbm4b:s22+s2], $0x320, $0x38;
	[tilespmem:$0x1A400] =	vst v63  }
0x283: {  	s21 =	sadd.s32 s3, s21  }
0x284: {  	[tilespmem:s16], [sflag:$0x2] =	stream.linear.gather [hbm4b:s21+s2], $0x3200, $0x38;
	[tilespmem:$0x1A400] =	vst v63  }
0x285: {  	s21 =	simm.s32 $0x10  }
0x286: {  	v1 =	vld [tilespmem:s21+$0xFFFFFFF0];
	_ =	sdelay $0x4  }
0x287: {  	v2 =	vadd.s32 $0xFFFFEC78, v1;
	v1 =	vshll.u32 v1, $0x4  }
0x288: {  	vm0 =	vlt.u32 v2, $0x1388;
	v1 =	vadd.s32 $0xFFFEC780, v1  }
0x289: {  	v1 =	vnsel vm0, $0x13880, v1  }
0x28a: {  	v1 =	vadd.s32 $0x6B00, v1  }
0x28b: {  	(v2sf) =	vpush v1, $0x0;
	_ =	sdelay $0x7  }
0x28c: {  	(v2sf) =	vpush v1, $0x1;
	_ =	sdelay $0x5  }
0x28d: {  	s22 =	simm.s32 $0x800  }
0x28e: {  	v2 =	vld [tilespmem:s22+$0xFFFFFF00];
	s23 =	spop (v2sf)  }
0x28f: {  	(v2sf) =	vpush v1, $0x2;
	v3 =	vld [tilespmem:s23+$0x0];
	_ =	sdelay $0x4  }
0x290: {  	v2 =	vmax.f32 v3, v2  }
0x291: {  	[tilespmem:s23+$0x0] =	vst v2  }
0x292: {  	s26 =	spop (v2sf);
	v2 =	vld [tilespmem:s22+$0xFFFFFF10]  }
0x293: {  	(v2sf) =	vpush v1, $0x3;
	v3 =	vld [tilespmem:s26+$0x0];
	_ =	sdelay $0x4  }
0x294: {  	v2 =	vmax.f32 v3, v2  }
0x295: {  	[tilespmem:s26+$0x0] =	vst v2  }
0x296: {  	v2 =	vld [tilespmem:s22+$0xFFFFFF20];
	s28 =	spop (v2sf)  }
0x297: {  	(v2sf) =	vpush v1, $0x4;
	v3 =	vld [tilespmem:s28+$0x0];
	_ =	sdelay $0x4  }
0x298: {  	v2 =	vmax.f32 v3, v2  }
0x299: {  	[tilespmem:s28+$0x0] =	vst v2  }
0x29a: {  	s29 =	spop (v2sf);
	v2 =	vld [tilespmem:s22+$0xFFFFFF30]  }
0x29b: {  	(v2sf) =	vpush v1, $0x5;
	v3 =	vld [tilespmem:s29+$0x0];
	_ =	sdelay $0x4  }
0x29c: {  	v2 =	vmax.f32 v3, v2  }
0x29d: {  	[tilespmem:s29+$0x0] =	vst v2  }
0x29e: {  	v2 =	vld [tilespmem:s22+$0xFFFFFF40];
	s30 =	spop (v2sf)  }
0x29f: {  	(v2sf) =	vpush v1, $0x6;
	v3 =	vld [tilespmem:s30+$0x0];
	_ =	sdelay $0x4  }
0x2a0: {  	v2 =	vmax.f32 v3, v2  }
0x2a1: {  	[tilespmem:s30+$0x0] =	vst v2  }
0x2a2: {  	s31 =	spop (v2sf);
	v2 =	vld [tilespmem:s22+$0xFFFFFF50]  }
0x2a3: {  	(v2sf) =	vpush v1, $0x7;
	v3 =	vld [tilespmem:s31+$0x0];
	_ =	sdelay $0x4  }
0x2a4: {  	v2 =	vmax.f32 v3, v2  }
0x2a5: {  	[tilespmem:s31+$0x0] =	vst v2  }
0x2a6: {  	v2 =	vld [tilespmem:s22+$0xFFFFFF60];
	s24 =	spop (v2sf)  }
0x2a7: {  	(v2sf) =	vpush v1, $0x8;
	v3 =	vld [tilespmem:s24+$0x0];
	_ =	sdelay $0x4  }
0x2a8: {  	v2 =	vmax.f32 v3, v2  }
0x2a9: {  	[tilespmem:s24+$0x0] =	vst v2  }
0x2aa: {  	s25 =	spop (v2sf);
	v2 =	vld [tilespmem:s22+$0xFFFFFF70]  }
0x2ab: {  	(v2sf) =	vpush v1, $0x9;
	v3 =	vld [tilespmem:s25+$0x0];
	_ =	sdelay $0x4  }
0x2ac: {  	v2 =	vmax.f32 v3, v2  }
0x2ad: {  	[tilespmem:s25+$0x0] =	vst v2  }
0x2ae: {  	v2 =	vld [tilespmem:s22+$0xFFFFFF80];
	s26 =	spop (v2sf)  }
0x2af: {  	(v2sf) =	vpush v1, $0xA;
	v3 =	vld [tilespmem:s26+$0x0];
	_ =	sdelay $0x4  }
0x2b0: {  	v2 =	vmax.f32 v3, v2  }
0x2b1: {  	[tilespmem:s26+$0x0] =	vst v2  }
0x2b2: {  	s28 =	spop (v2sf);
	v2 =	vld [tilespmem:s22+$0xFFFFFF90]  }
0x2b3: {  	(v2sf) =	vpush v1, $0xB;
	v3 =	vld [tilespmem:s28+$0x0];
	_ =	sdelay $0x4  }
0x2b4: {  	v2 =	vmax.f32 v3, v2  }
0x2b5: {  	[tilespmem:s28+$0x0] =	vst v2  }
0x2b6: {  	v2 =	vld [tilespmem:s22+$0xFFFFFFA0];
	s29 =	spop (v2sf)  }
0x2b7: {  	(v2sf) =	vpush v1, $0xC;
	v3 =	vld [tilespmem:s29+$0x0];
	_ =	sdelay $0x4  }
0x2b8: {  	v2 =	vmax.f32 v3, v2  }
0x2b9: {  	[tilespmem:s29+$0x0] =	vst v2  }
0x2ba: {  	s30 =	spop (v2sf);
	v2 =	vld [tilespmem:s22+$0xFFFFFFB0]  }
0x2bb: {  	(v2sf) =	vpush v1, $0xD;
	v3 =	vld [tilespmem:s30+$0x0];
	_ =	sdelay $0x4  }
0x2bc: {  	v2 =	vmax.f32 v3, v2  }
0x2bd: {  	[tilespmem:s30+$0x0] =	vst v2  }
0x2be: {  	v2 =	vld [tilespmem:s22+$0xFFFFFFC0];
	s31 =	spop (v2sf)  }
0x2bf: {  	(v2sf) =	vpush v1, $0xE;
	v3 =	vld [tilespmem:s31+$0x0];
	_ =	sdelay $0x4  }
0x2c0: {  	v2 =	vmax.f32 v3, v2  }
0x2c1: {  	[tilespmem:s31+$0x0] =	vst v2  }
0x2c2: {  	s24 =	spop (v2sf);
	v2 =	vld [tilespmem:s22+$0xFFFFFFD0]  }
0x2c3: {  	(v2sf) =	vpush v1, $0xF;
	v3 =	vld [tilespmem:s24+$0x0];
	_ =	sdelay $0x4  }
0x2c4: {  	v1 =	vmax.f32 v3, v2  }
0x2c5: {  	[tilespmem:s24+$0x0] =	vst v1  }
0x2c6: {  	v1 =	vld [tilespmem:s22+$0xFFFFFFE0];
	s25 =	spop (v2sf)  }
0x2c7: {  	v2 =	vld [tilespmem:s25+$0x0];
	_ =	sdelay $0x4  }
0x2c8: {  	v1 =	vmax.f32 v2, v1  }
0x2c9: {  	[tilespmem:s25+$0x0] =	vst v1  }
0x2ca: {  	s26 =	spop (v2sf);
	v1 =	vld [tilespmem:s22+$0xFFFFFFF0]  }
0x2cb: {  	v2 =	vld [tilespmem:s26+$0x0];
	_ =	sdelay $0x4  }
0x2cc: {  	v1 =	vmax.f32 v2, v1  }
0x2cd: {  	[tilespmem:s26+$0x0] =	vst v1  }
0x2ce: {  	v1 =	vld [tilespmem:s21+$0x0];
	_ =	sdelay $0x4  }
0x2cf: {  	v2 =	vadd.s32 $0xFFFFEC78, v1;
	v1 =	vshll.u32 v1, $0x4  }
0x2d0: {  	vm15 =	vlt.u32 v2, $0x1388;
	v1 =	vadd.s32 $0xFFFEC780, v1  }
0x2d1: {  	v1 =	vnsel vm15, $0x13880, v1  }
0x2d2: {  	v1 =	vadd.s32 $0x6B00, v1  }
0x2d3: {  	(v2sf) =	vpush v1, $0x0;
	_ =	sdelay $0x6  }
0x2d4: {  	(v2sf) =	vpush v1, $0x1;
	_ =	sdelay $0x7  }
0x2d5: {  	v2 =	vld [tilespmem:s22+$0x0];
	s28 =	spop (v2sf)  }
0x2d6: {  	(v2sf) =	vpush v1, $0x2;
	v3 =	vld [tilespmem:s28+$0x0];
	_ =	sdelay $0x4  }
0x2d7: {  	v2 =	vmax.f32 v3, v2  }
0x2d8: {  	s29 =	spop (v2sf);
	[tilespmem:s28+$0x0] =	vst v2  }
0x2d9: {  	v2 =	vld [tilespmem:s29+$0x0]  }
0x2da: {  	(v2sf) =	vpush v1, $0x3;
	v3 =	vld [tilespmem:s22+$0x10];
	_ =	sdelay $0x4  }
0x2db: {  	v2 =	vmax.f32 v2, v3  }
0x2dc: {  	[tilespmem:s29+$0x0] =	vst v2  }
0x2dd: {  	s30 =	spop (v2sf);
	v2 =	vld [tilespmem:s22+$0x20]  }
0x2de: {  	(v2sf) =	vpush v1, $0x4;
	v3 =	vld [tilespmem:s30+$0x0];
	_ =	sdelay $0x4  }
0x2df: {  	v2 =	vmax.f32 v3, v2  }
0x2e0: {  	[tilespmem:s30+$0x0] =	vst v2  }
0x2e1: {  	s31 =	spop (v2sf);
	v2 =	vld [tilespmem:s22+$0x30]  }
0x2e2: {  	(v2sf) =	vpush v1, $0x5;
	v3 =	vld [tilespmem:s31+$0x0];
	_ =	sdelay $0x4  }
0x2e3: {  	v2 =	vmax.f32 v3, v2  }
0x2e4: {  	[tilespmem:s31+$0x0] =	vst v2  }
0x2e5: {  	s24 =	spop (v2sf);
	v2 =	vld [tilespmem:s22+$0x40]  }
0x2e6: {  	(v2sf) =	vpush v1, $0x6;
	v3 =	vld [tilespmem:s24+$0x0];
	_ =	sdelay $0x4  }
0x2e7: {  	v2 =	vmax.f32 v3, v2  }
0x2e8: {  	[tilespmem:s24+$0x0] =	vst v2  }
0x2e9: {  	s25 =	spop (v2sf);
	v2 =	vld [tilespmem:s22+$0x50]  }
0x2ea: {  	(v2sf) =	vpush v1, $0x7;
	v3 =	vld [tilespmem:s25+$0x0];
	_ =	sdelay $0x4  }
0x2eb: {  	v2 =	vmax.f32 v3, v2  }
0x2ec: {  	[tilespmem:s25+$0x0] =	vst v2  }
0x2ed: {  	s26 =	spop (v2sf);
	v2 =	vld [tilespmem:s22+$0x60]  }
0x2ee: {  	(v2sf) =	vpush v1, $0x8;
	v3 =	vld [tilespmem:s26+$0x0];
	_ =	sdelay $0x4  }
0x2ef: {  	v2 =	vmax.f32 v3, v2  }
0x2f0: {  	[tilespmem:s26+$0x0] =	vst v2  }
0x2f1: {  	s28 =	spop (v2sf);
	v2 =	vld [tilespmem:s22+$0x70]  }
0x2f2: {  	(v2sf) =	vpush v1, $0x9;
	v3 =	vld [tilespmem:s28+$0x0];
	_ =	sdelay $0x4  }
0x2f3: {  	v2 =	vmax.f32 v3, v2  }
0x2f4: {  	[tilespmem:s28+$0x0] =	vst v2  }
0x2f5: {  	s29 =	spop (v2sf);
	v2 =	vld [tilespmem:s22+$0x80]  }
0x2f6: {  	(v2sf) =	vpush v1, $0xA;
	v3 =	vld [tilespmem:s29+$0x0];
	_ =	sdelay $0x4  }
0x2f7: {  	v2 =	vmax.f32 v3, v2  }
0x2f8: {  	[tilespmem:s29+$0x0] =	vst v2  }
0x2f9: {  	s30 =	spop (v2sf);
	v2 =	vld [tilespmem:s22+$0x90]  }
0x2fa: {  	(v2sf) =	vpush v1, $0xB;
	v3 =	vld [tilespmem:s30+$0x0];
	_ =	sdelay $0x4  }
0x2fb: {  	v2 =	vmax.f32 v3, v2  }
0x2fc: {  	[tilespmem:s30+$0x0] =	vst v2  }
0x2fd: {  	s31 =	spop (v2sf);
	v2 =	vld [tilespmem:s22+$0xA0]  }
0x2fe: {  	(v2sf) =	vpush v1, $0xC;
	v3 =	vld [tilespmem:s31+$0x0];
	_ =	sdelay $0x4  }
0x2ff: {  	v2 =	vmax.f32 v3, v2  }
0x300: {  	[tilespmem:s31+$0x0] =	vst v2  }
0x301: {  	s26 =	spop (v2sf);
	v2 =	vld [tilespmem:s22+$0xB0]  }
0x302: {  	s23 =	sshll.u32 s20, $0x1;
	s24 =	simm.s32 $0x800;
	s25 =	simm.s32 $0x0;
	(v2sf) =	vpush v1, $0xD;
	v3 =	vld [tilespmem:s26+$0x0]  }
.LBB2_13:
0x303: {  	_ =	sdelay $0x1  }
0x304: {  	s25 =	sadd.s32 $0x2, s25;
	s21 =	sadd.s32 $0x20, s21;
	s22 =	sadd.s32 $0x200, s22  }
0x305: {  	p0 =	slt.u32 s25, $0x30  }
0x306: {  	v2 =	vmax.f32 v3, v2  }
0x307: {  	[tilespmem:s26+$0x0] =	vst v2  }
0x308: {  	v2 =	vld [tilespmem:s24+$0xC0];
	s26 =	spop (v2sf)  }
0x309: {  	v3 =	vld [tilespmem:s26+$0x0];
	(v2sf) =	vpush v1, $0xE;
	_ =	sdelay $0x4  }
0x30a: {  	v2 =	vmax.f32 v3, v2;
	(v2sf) =	vpush v1, $0xF  }
0x30b: {  	[tilespmem:s26+$0x0] =	vst v2  }
0x30c: {  	v1 =	vld [tilespmem:s24+$0xD0];
	s26 =	spop (v2sf)  }
0x30d: {  	v2 =	vld [tilespmem:s26+$0x0];
	_ =	sdelay $0x4  }
0x30e: {  	v1 =	vmax.f32 v2, v1  }
0x30f: {  	[tilespmem:s26+$0x0] =	vst v1  }
0x310: {  	v1 =	vld [tilespmem:s24+$0xE0];
	s26 =	spop (v2sf)  }
0x311: {  	v2 =	vld [tilespmem:s26+$0x0];
	_ =	sdelay $0x3  }
0x312: {  	s28 =	spop (v2sf)  }
0x313: {  	v1 =	vmax.f32 v2, v1  }
0x314: {  	[tilespmem:s26+$0x0] =	vst v1  }
0x315: {  	v1 =	vld [tilespmem:s24+$0xF0];
	s24 =	smov.u32 s22  }
0x316: {  	v2 =	vld [tilespmem:s28+$0x0];
	_ =	sdelay $0x4  }
0x317: {  	v1 =	vmax.f32 v2, v1  }
0x318: {  	[tilespmem:s28+$0x0] =	vst v1  }
0x319: {  	v1 =	vld [tilespmem:s21+$0xFFFFFFF0];
	_ =	sdelay $0x4  }
0x31a: {  	v2 =	vadd.s32 $0xFFFFEC78, v1;
	v1 =	vshll.u32 v1, $0x4  }
0x31b: {  	vm0 =	vlt.u32 v2, $0x1388;
	v1 =	vadd.s32 $0xFFFEC780, v1  }
0x31c: {  	v1 =	vnsel vm0, $0x13880, v1  }
0x31d: {  	v1 =	vadd.s32 $0x6B00, v1  }
0x31e: {  	(v2sf) =	vpush v1, $0x0;
	_ =	sdelay $0x3  }
0x31f: {  	(v2sf) =	vpush v1, $0x1;
	_ =	sdelay $0x6  }
0x320: {  	v2 =	vld [tilespmem:s22+$0xFFFFFF00];
	_ =	sdelay $0x3  }
0x321: {  	s26 =	spop (v2sf)  }
0x322: {  	v3 =	vld [tilespmem:s26+$0x0];
	(v2sf) =	vpush v1, $0x2;
	_ =	sdelay $0x2  }
0x323: {  	s28 =	spop (v2sf);
	_ =	sdelay $0x1  }
0x324: {  	v2 =	vmax.f32 v3, v2  }
0x325: {  	[tilespmem:s26+$0x0] =	vst v2  }
0x326: {  	v2 =	vld [tilespmem:s22+$0xFFFFFF10]  }
0x327: {  	v3 =	vld [tilespmem:s28+$0x0];
	(v2sf) =	vpush v1, $0x3;
	_ =	sdelay $0x4  }
0x328: {  	v2 =	vmax.f32 v3, v2  }
0x329: {  	[tilespmem:s28+$0x0] =	vst v2  }
0x32a: {  	v2 =	vld [tilespmem:s22+$0xFFFFFF20];
	s26 =	spop (v2sf)  }
0x32b: {  	v3 =	vld [tilespmem:s26+$0x0];
	(v2sf) =	vpush v1, $0x4;
	_ =	sdelay $0x4  }
0x32c: {  	v2 =	vmax.f32 v3, v2  }
0x32d: {  	[tilespmem:s26+$0x0] =	vst v2  }
0x32e: {  	v2 =	vld [tilespmem:s22+$0xFFFFFF30];
	s26 =	spop (v2sf)  }
0x32f: {  	v3 =	vld [tilespmem:s26+$0x0];
	(v2sf) =	vpush v1, $0x5;
	_ =	sdelay $0x4  }
0x330: {  	v2 =	vmax.f32 v3, v2  }
0x331: {  	[tilespmem:s26+$0x0] =	vst v2  }
0x332: {  	v2 =	vld [tilespmem:s22+$0xFFFFFF40];
	s26 =	spop (v2sf)  }
0x333: {  	v3 =	vld [tilespmem:s26+$0x0];
	(v2sf) =	vpush v1, $0x6;
	_ =	sdelay $0x4  }
0x334: {  	v2 =	vmax.f32 v3, v2  }
0x335: {  	[tilespmem:s26+$0x0] =	vst v2  }
0x336: {  	v2 =	vld [tilespmem:s22+$0xFFFFFF50];
	s26 =	spop (v2sf)  }
0x337: {  	v3 =	vld [tilespmem:s26+$0x0];
	(v2sf) =	vpush v1, $0x7;
	_ =	sdelay $0x4  }
0x338: {  	v2 =	vmax.f32 v3, v2  }
0x339: {  	[tilespmem:s26+$0x0] =	vst v2  }
0x33a: {  	v2 =	vld [tilespmem:s22+$0xFFFFFF60];
	s26 =	spop (v2sf)  }
0x33b: {  	v3 =	vld [tilespmem:s26+$0x0];
	(v2sf) =	vpush v1, $0x8;
	_ =	sdelay $0x4  }
0x33c: {  	v2 =	vmax.f32 v3, v2  }
0x33d: {  	[tilespmem:s26+$0x0] =	vst v2  }
0x33e: {  	v2 =	vld [tilespmem:s22+$0xFFFFFF70];
	s26 =	spop (v2sf)  }
0x33f: {  	v3 =	vld [tilespmem:s26+$0x0];
	(v2sf) =	vpush v1, $0x9;
	_ =	sdelay $0x4  }
0x340: {  	v2 =	vmax.f32 v3, v2  }
0x341: {  	[tilespmem:s26+$0x0] =	vst v2  }
0x342: {  	v2 =	vld [tilespmem:s22+$0xFFFFFF80];
	s26 =	spop (v2sf)  }
0x343: {  	v3 =	vld [tilespmem:s26+$0x0];
	(v2sf) =	vpush v1, $0xA;
	_ =	sdelay $0x4  }
0x344: {  	v2 =	vmax.f32 v3, v2  }
0x345: {  	[tilespmem:s26+$0x0] =	vst v2  }
0x346: {  	v2 =	vld [tilespmem:s22+$0xFFFFFF90];
	s26 =	spop (v2sf)  }
0x347: {  	v3 =	vld [tilespmem:s26+$0x0];
	(v2sf) =	vpush v1, $0xB;
	_ =	sdelay $0x4  }
0x348: {  	v2 =	vmax.f32 v3, v2  }
0x349: {  	[tilespmem:s26+$0x0] =	vst v2  }
0x34a: {  	v2 =	vld [tilespmem:s22+$0xFFFFFFA0];
	s26 =	spop (v2sf)  }
0x34b: {  	v3 =	vld [tilespmem:s26+$0x0];
	(v2sf) =	vpush v1, $0xC;
	_ =	sdelay $0x4  }
0x34c: {  	v2 =	vmax.f32 v3, v2  }
0x34d: {  	[tilespmem:s26+$0x0] =	vst v2  }
0x34e: {  	v2 =	vld [tilespmem:s22+$0xFFFFFFB0];
	s26 =	spop (v2sf)  }
0x34f: {  	v3 =	vld [tilespmem:s26+$0x0];
	(v2sf) =	vpush v1, $0xD;
	_ =	sdelay $0x4  }
0x350: {  	v2 =	vmax.f32 v3, v2  }
0x351: {  	[tilespmem:s26+$0x0] =	vst v2  }
0x352: {  	v2 =	vld [tilespmem:s22+$0xFFFFFFC0];
	s26 =	spop (v2sf)  }
0x353: {  	v3 =	vld [tilespmem:s26+$0x0];
	(v2sf) =	vpush v1, $0xE;
	_ =	sdelay $0x4  }
0x354: {  	v2 =	vmax.f32 v3, v2  }
0x355: {  	[tilespmem:s26+$0x0] =	vst v2  }
0x356: {  	v2 =	vld [tilespmem:s22+$0xFFFFFFD0];
	s26 =	spop (v2sf)  }
0x357: {  	v3 =	vld [tilespmem:s26+$0x0];
	(v2sf) =	vpush v1, $0xF;
	_ =	sdelay $0x4  }
0x358: {  	v1 =	vmax.f32 v3, v2  }
0x359: {  	[tilespmem:s26+$0x0] =	vst v1  }
0x35a: {  	v1 =	vld [tilespmem:s22+$0xFFFFFFE0];
	s26 =	spop (v2sf)  }
0x35b: {  	v2 =	vld [tilespmem:s26+$0x0];
	_ =	sdelay $0x4  }
0x35c: {  	v1 =	vmax.f32 v2, v1  }
0x35d: {  	[tilespmem:s26+$0x0] =	vst v1  }
0x35e: {  	v1 =	vld [tilespmem:s22+$0xFFFFFFF0];
	s26 =	spop (v2sf)  }
0x35f: {  	v2 =	vld [tilespmem:s26+$0x0];
	_ =	sdelay $0x4  }
0x360: {  	v1 =	vmax.f32 v2, v1  }
0x361: {  	[tilespmem:s26+$0x0] =	vst v1  }
0x362: {  	v1 =	vld [tilespmem:s21+$0x0];
	_ =	sdelay $0x4  }
0x363: {  	v2 =	vadd.s32 $0xFFFFEC78, v1;
	v1 =	vshll.u32 v1, $0x4  }
0x364: {  	vm0 =	vlt.u32 v2, $0x1388;
	v1 =	vadd.s32 $0xFFFEC780, v1  }
0x365: {  	v1 =	vnsel vm0, $0x13880, v1  }
0x366: {  	v1 =	vadd.s32 $0x6B00, v1  }
0x367: {  	(v2sf) =	vpush v1, $0x0;
	_ =	sdelay $0x6  }
0x368: {  	(v2sf) =	vpush v1, $0x1;
	_ =	sdelay $0x7  }
0x369: {  	v2 =	vld [tilespmem:s22+$0x0];
	s26 =	spop (v2sf)  }
0x36a: {  	v3 =	vld [tilespmem:s26+$0x0];
	(v2sf) =	vpush v1, $0x2;
	_ =	sdelay $0x4  }
0x36b: {  	v2 =	vmax.f32 v3, v2  }
0x36c: {  	[tilespmem:s26+$0x0] =	vst v2;
	s26 =	spop (v2sf)  }
0x36d: {  	v2 =	vld [tilespmem:s26+$0x0]  }
0x36e: {  	v3 =	vld [tilespmem:s22+$0x10];
	(v2sf) =	vpush v1, $0x3;
	_ =	sdelay $0x4  }
0x36f: {  	v2 =	vmax.f32 v2, v3  }
0x370: {  	[tilespmem:s26+$0x0] =	vst v2  }
0x371: {  	v2 =	vld [tilespmem:s22+$0x20];
	s26 =	spop (v2sf)  }
0x372: {  	v3 =	vld [tilespmem:s26+$0x0];
	(v2sf) =	vpush v1, $0x4;
	_ =	sdelay $0x4  }
0x373: {  	v2 =	vmax.f32 v3, v2  }
0x374: {  	[tilespmem:s26+$0x0] =	vst v2  }
0x375: {  	v2 =	vld [tilespmem:s22+$0x30];
	s26 =	spop (v2sf)  }
0x376: {  	v3 =	vld [tilespmem:s26+$0x0];
	(v2sf) =	vpush v1, $0x5;
	_ =	sdelay $0x4  }
0x377: {  	v2 =	vmax.f32 v3, v2  }
0x378: {  	[tilespmem:s26+$0x0] =	vst v2  }
0x379: {  	v2 =	vld [tilespmem:s22+$0x40];
	s26 =	spop (v2sf)  }
0x37a: {  	v3 =	vld [tilespmem:s26+$0x0];
	(v2sf) =	vpush v1, $0x6;
	_ =	sdelay $0x4  }
0x37b: {  	v2 =	vmax.f32 v3, v2  }
0x37c: {  	[tilespmem:s26+$0x0] =	vst v2  }
0x37d: {  	v2 =	vld [tilespmem:s22+$0x50];
	s26 =	spop (v2sf)  }
0x37e: {  	v3 =	vld [tilespmem:s26+$0x0];
	(v2sf) =	vpush v1, $0x7;
	_ =	sdelay $0x4  }
0x37f: {  	v2 =	vmax.f32 v3, v2  }
0x380: {  	[tilespmem:s26+$0x0] =	vst v2  }
0x381: {  	v2 =	vld [tilespmem:s22+$0x60];
	s26 =	spop (v2sf)  }
0x382: {  	v3 =	vld [tilespmem:s26+$0x0];
	(v2sf) =	vpush v1, $0x8;
	_ =	sdelay $0x4  }
0x383: {  	v2 =	vmax.f32 v3, v2  }
0x384: {  	[tilespmem:s26+$0x0] =	vst v2  }
0x385: {  	v2 =	vld [tilespmem:s22+$0x70];
	s26 =	spop (v2sf)  }
0x386: {  	v3 =	vld [tilespmem:s26+$0x0];
	(v2sf) =	vpush v1, $0x9;
	_ =	sdelay $0x4  }
0x387: {  	v2 =	vmax.f32 v3, v2  }
0x388: {  	[tilespmem:s26+$0x0] =	vst v2  }
0x389: {  	v2 =	vld [tilespmem:s22+$0x80];
	s26 =	spop (v2sf)  }
0x38a: {  	v3 =	vld [tilespmem:s26+$0x0];
	(v2sf) =	vpush v1, $0xA;
	_ =	sdelay $0x4  }
0x38b: {  	v2 =	vmax.f32 v3, v2  }
0x38c: {  	[tilespmem:s26+$0x0] =	vst v2  }
0x38d: {  	v2 =	vld [tilespmem:s22+$0x90];
	s26 =	spop (v2sf)  }
0x38e: {  	v3 =	vld [tilespmem:s26+$0x0];
	(v2sf) =	vpush v1, $0xB;
	_ =	sdelay $0x4  }
0x38f: {  	v2 =	vmax.f32 v3, v2  }
0x390: {  	[tilespmem:s26+$0x0] =	vst v2  }
0x391: {  	v2 =	vld [tilespmem:s22+$0xA0];
	s26 =	spop (v2sf)  }
0x392: {  	v3 =	vld [tilespmem:s26+$0x0];
	(v2sf) =	vpush v1, $0xC;
	_ =	sdelay $0x3  }
.Ltmp5:
0x393: {  	(pc) =	sbr.rel @p0 .LBB2_13-.Ltmp5, $4  }
0x394: {  	v2 =	vmax.f32 v3, v2  }
0x395: {  	[tilespmem:s26+$0x0] =	vst v2  }
0x396: {  	v2 =	vld [tilespmem:s22+$0xB0];
	s26 =	spop (v2sf)  }
0x397: {  	v3 =	vld [tilespmem:s26+$0x0];
	(v2sf) =	vpush v1, $0xD  }
0x398: {  	_ =	sdelay $0x3  }
0x399: {  	v2 =	vmax.f32 v3, v2  }
0x39a: {  	[tilespmem:s26+$0x0] =	vst v2  }
0x39b: {  	v2 =	vld [tilespmem:s24+$0xC0];
	s21 =	spop (v2sf)  }
0x39c: {  	(v2sf) =	vpush v1, $0xE;
	v3 =	vld [tilespmem:s21+$0x0];
	_ =	sdelay $0x4  }
0x39d: {  	v2 =	vmax.f32 v3, v2  }
0x39e: {  	[tilespmem:s21+$0x0] =	vst v2  }
0x39f: {  	v2 =	vld [tilespmem:s24+$0xD0];
	s30 =	spop (v2sf)  }
0x3a0: {  	(v2sf) =	vpush v1, $0xF;
	v1 =	vld [tilespmem:s30+$0x0];
	_ =	sdelay $0x4  }
0x3a1: {  	v1 =	vmax.f32 v1, v2  }
0x3a2: {  	[tilespmem:s30+$0x0] =	vst v1  }
0x3a3: {  	s31 =	spop (v2sf);
	v1 =	vld [tilespmem:s24+$0xE0]  }
0x3a4: {  	v2 =	vld [tilespmem:s31+$0x0];
	_ =	sdelay $0x4  }
0x3a5: {  	v1 =	vmax.f32 v2, v1  }
0x3a6: {  	[tilespmem:s31+$0x0] =	vst v1  }
0x3a7: {  	s22 =	spop (v2sf);
	v1 =	vld [tilespmem:s24+$0xF0]  }
0x3a8: {  	v2 =	vld [tilespmem:s22+$0x0];
	_ =	sdelay $0x4  }
0x3a9: {  	v1 =	vmax.f32 v2, v1  }
0x3aa: {  	p0 =	seq.s32 s20, $0x31;
	[tilespmem:s22+$0x0] =	vst v1  }
0x3ab: {  	s21 =	sadd.s32 @!p0 $0x2, s23;
	_ =	swait.ge [sflag:s13], $0x320  }
0x3ac: {  	s22 =	smul.u32 @!p0 $0x320, s21;
	[sflag:s13] =	ssyncset.done $0x0  }
0x3ad: {  	s21 =	smul.u32 @!p0 $0x3200, s21;
	[sflag:s13] =	ssyncadd.s32 $0xFFFFFCE0  }
0x3ae: {  	s23 =	simm.s32 @!p0 $0x0;
	s22 =	sadd.s32 @!p0 s4, s22;
	_ =	swait.ge [sflag:s14], $0x3200  }
0x3af: {  	s21 =	sadd.s32 @!p0 s6, s21;
	s22 =	sshrl.u32 @!p0 s22, $0x3;
	[sflag:s14] =	ssyncset.done $0x0  }
0x3b0: {  	s21 =	sshrl.u32 @!p0 s21, $0x3;
	s22 =	sadd.s32 @!p0 s5, s22;
	[sflag:s14] =	ssyncadd.s32 $0xFFFFCE00  }
0x3b1: {  	[tilespmem:s23], [sflag:$0x1] =	stream.linear.gather @!p0 [hbm4b:s22+s23], $0x320, $0x38;
	[tilespmem:$0x1A400] =	vst v63  }
0x3b2: {  	s21 =	sadd.s32 @!p0 s3, s21;
	s22 =	simm.s32 @!p0 $0x700  }
0x3b3: {  	[tilespmem:s22], [sflag:$0x2] =	stream.linear.gather @!p0 [hbm4b:s21+s23], $0x3200, $0x38;
	[tilespmem:$0x1A400] =	vst v63  }
0x3b4: {  	s21 =	simm.s32 $0x390  }
0x3b5: {  	v1 =	vld [tilespmem:s21+$0xFFFFFFF0];
	_ =	sdelay $0x4  }
0x3b6: {  	v2 =	vadd.s32 $0xFFFFEC78, v1;
	v1 =	vshll.u32 v1, $0x4  }
0x3b7: {  	vm0 =	vlt.u32 v2, $0x1388;
	v1 =	vadd.s32 $0xFFFEC780, v1  }
0x3b8: {  	v1 =	vnsel vm0, $0x13880, v1  }
0x3b9: {  	v1 =	vadd.s32 $0x6B00, v1  }
0x3ba: {  	(v2sf) =	vpush v1, $0x0;
	_ =	sdelay $0x7  }
0x3bb: {  	(v2sf) =	vpush v1, $0x1;
	_ =	sdelay $0x5  }
0x3bc: {  	s22 =	simm.s32 $0x3A00  }
0x3bd: {  	v2 =	vld [tilespmem:s22+$0xFFFFFF00];
	s25 =	spop (v2sf)  }
0x3be: {  	(v2sf) =	vpush v1, $0x2;
	v3 =	vld [tilespmem:s25+$0x0];
	_ =	sdelay $0x4  }
0x3bf: {  	v2 =	vmax.f32 v3, v2  }
0x3c0: {  	[tilespmem:s25+$0x0] =	vst v2  }
0x3c1: {  	s26 =	spop (v2sf);
	v2 =	vld [tilespmem:s22+$0xFFFFFF10]  }
0x3c2: {  	(v2sf) =	vpush v1, $0x3;
	v3 =	vld [tilespmem:s26+$0x0];
	_ =	sdelay $0x4  }
0x3c3: {  	v2 =	vmax.f32 v3, v2  }
0x3c4: {  	[tilespmem:s26+$0x0] =	vst v2  }
0x3c5: {  	s28 =	spop (v2sf);
	v2 =	vld [tilespmem:s22+$0xFFFFFF20]  }
0x3c6: {  	(v2sf) =	vpush v1, $0x4;
	v3 =	vld [tilespmem:s28+$0x0];
	_ =	sdelay $0x4  }
0x3c7: {  	v2 =	vmax.f32 v3, v2  }
0x3c8: {  	[tilespmem:s28+$0x0] =	vst v2  }
0x3c9: {  	s29 =	spop (v2sf);
	v2 =	vld [tilespmem:s22+$0xFFFFFF30]  }
0x3ca: {  	(v2sf) =	vpush v1, $0x5;
	v3 =	vld [tilespmem:s29+$0x0];
	_ =	sdelay $0x4  }
0x3cb: {  	v2 =	vmax.f32 v3, v2  }
0x3cc: {  	[tilespmem:s29+$0x0] =	vst v2  }
0x3cd: {  	s30 =	spop (v2sf);
	v2 =	vld [tilespmem:s22+$0xFFFFFF40]  }
0x3ce: {  	(v2sf) =	vpush v1, $0x6;
	v3 =	vld [tilespmem:s30+$0x0];
	_ =	sdelay $0x4  }
0x3cf: {  	v2 =	vmax.f32 v3, v2  }
0x3d0: {  	[tilespmem:s30+$0x0] =	vst v2  }
0x3d1: {  	s31 =	spop (v2sf);
	v2 =	vld [tilespmem:s22+$0xFFFFFF50]  }
0x3d2: {  	(v2sf) =	vpush v1, $0x7;
	v3 =	vld [tilespmem:s31+$0x0];
	_ =	sdelay $0x4  }
0x3d3: {  	v2 =	vmax.f32 v3, v2  }
0x3d4: {  	[tilespmem:s31+$0x0] =	vst v2  }
0x3d5: {  	s24 =	spop (v2sf);
	v2 =	vld [tilespmem:s22+$0xFFFFFF60]  }
0x3d6: {  	(v2sf) =	vpush v1, $0x8;
	v3 =	vld [tilespmem:s24+$0x0];
	_ =	sdelay $0x4  }
0x3d7: {  	v2 =	vmax.f32 v3, v2  }
0x3d8: {  	[tilespmem:s24+$0x0] =	vst v2  }
0x3d9: {  	s25 =	spop (v2sf);
	v2 =	vld [tilespmem:s22+$0xFFFFFF70]  }
0x3da: {  	(v2sf) =	vpush v1, $0x9;
	v3 =	vld [tilespmem:s25+$0x0];
	_ =	sdelay $0x4  }
0x3db: {  	v2 =	vmax.f32 v3, v2  }
0x3dc: {  	[tilespmem:s25+$0x0] =	vst v2  }
0x3dd: {  	s26 =	spop (v2sf);
	v2 =	vld [tilespmem:s22+$0xFFFFFF80]  }
0x3de: {  	(v2sf) =	vpush v1, $0xA;
	v3 =	vld [tilespmem:s26+$0x0];
	_ =	sdelay $0x4  }
0x3df: {  	v2 =	vmax.f32 v3, v2  }
0x3e0: {  	[tilespmem:s26+$0x0] =	vst v2  }
0x3e1: {  	s28 =	spop (v2sf);
	v2 =	vld [tilespmem:s22+$0xFFFFFF90]  }
0x3e2: {  	(v2sf) =	vpush v1, $0xB;
	v3 =	vld [tilespmem:s28+$0x0];
	_ =	sdelay $0x4  }
0x3e3: {  	v2 =	vmax.f32 v3, v2  }
0x3e4: {  	[tilespmem:s28+$0x0] =	vst v2  }
0x3e5: {  	s29 =	spop (v2sf);
	v2 =	vld [tilespmem:s22+$0xFFFFFFA0]  }
0x3e6: {  	(v2sf) =	vpush v1, $0xC;
	v3 =	vld [tilespmem:s29+$0x0];
	_ =	sdelay $0x4  }
0x3e7: {  	v2 =	vmax.f32 v3, v2  }
0x3e8: {  	[tilespmem:s29+$0x0] =	vst v2  }
0x3e9: {  	s30 =	spop (v2sf);
	v2 =	vld [tilespmem:s22+$0xFFFFFFB0]  }
0x3ea: {  	(v2sf) =	vpush v1, $0xD;
	v3 =	vld [tilespmem:s30+$0x0];
	_ =	sdelay $0x4  }
0x3eb: {  	v2 =	vmax.f32 v3, v2  }
0x3ec: {  	[tilespmem:s30+$0x0] =	vst v2  }
0x3ed: {  	s31 =	spop (v2sf);
	v2 =	vld [tilespmem:s22+$0xFFFFFFC0]  }
0x3ee: {  	(v2sf) =	vpush v1, $0xE;
	v3 =	vld [tilespmem:s31+$0x0];
	_ =	sdelay $0x4  }
0x3ef: {  	v2 =	vmax.f32 v3, v2  }
0x3f0: {  	[tilespmem:s31+$0x0] =	vst v2  }
0x3f1: {  	s24 =	spop (v2sf);
	v2 =	vld [tilespmem:s22+$0xFFFFFFD0]  }
0x3f2: {  	(v2sf) =	vpush v1, $0xF;
	v3 =	vld [tilespmem:s24+$0x0];
	_ =	sdelay $0x4  }
0x3f3: {  	v1 =	vmax.f32 v3, v2  }
0x3f4: {  	[tilespmem:s24+$0x0] =	vst v1  }
0x3f5: {  	s25 =	spop (v2sf);
	v1 =	vld [tilespmem:s22+$0xFFFFFFE0]  }
0x3f6: {  	v2 =	vld [tilespmem:s25+$0x0];
	_ =	sdelay $0x4  }
0x3f7: {  	v1 =	vmax.f32 v2, v1  }
0x3f8: {  	[tilespmem:s25+$0x0] =	vst v1  }
0x3f9: {  	v1 =	vld [tilespmem:s22+$0xFFFFFFF0];
	s26 =	spop (v2sf)  }
0x3fa: {  	v2 =	vld [tilespmem:s26+$0x0];
	_ =	sdelay $0x4  }
0x3fb: {  	v1 =	vmax.f32 v2, v1  }
0x3fc: {  	[tilespmem:s26+$0x0] =	vst v1  }
0x3fd: {  	v1 =	vld [tilespmem:s21+$0x0];
	_ =	sdelay $0x4  }
0x3fe: {  	v2 =	vadd.s32 $0xFFFFEC78, v1;
	v1 =	vshll.u32 v1, $0x4  }
0x3ff: {  	vm15 =	vlt.u32 v2, $0x1388;
	v1 =	vadd.s32 $0xFFFEC780, v1  }
0x400: {  	v1 =	vnsel vm15, $0x13880, v1  }
0x401: {  	v1 =	vadd.s32 $0x6B00, v1  }
0x402: {  	(v2sf) =	vpush v1, $0x0;
	_ =	sdelay $0x6  }
0x403: {  	(v2sf) =	vpush v1, $0x1;
	_ =	sdelay $0x7  }
0x404: {  	v2 =	vld [tilespmem:s22+$0x0];
	s28 =	spop (v2sf)  }
0x405: {  	(v2sf) =	vpush v1, $0x2;
	v3 =	vld [tilespmem:s28+$0x0];
	_ =	sdelay $0x4  }
0x406: {  	v2 =	vmax.f32 v3, v2  }
0x407: {  	s29 =	spop (v2sf);
	[tilespmem:s28+$0x0] =	vst v2  }
0x408: {  	v2 =	vld [tilespmem:s29+$0x0]  }
0x409: {  	(v2sf) =	vpush v1, $0x3;
	v3 =	vld [tilespmem:s22+$0x10];
	_ =	sdelay $0x4  }
0x40a: {  	v2 =	vmax.f32 v2, v3  }
0x40b: {  	[tilespmem:s29+$0x0] =	vst v2  }
0x40c: {  	s30 =	spop (v2sf);
	v2 =	vld [tilespmem:s22+$0x20]  }
0x40d: {  	(v2sf) =	vpush v1, $0x4;
	v3 =	vld [tilespmem:s30+$0x0];
	_ =	sdelay $0x4  }
0x40e: {  	v2 =	vmax.f32 v3, v2  }
0x40f: {  	[tilespmem:s30+$0x0] =	vst v2  }
0x410: {  	s31 =	spop (v2sf);
	v2 =	vld [tilespmem:s22+$0x30]  }
0x411: {  	(v2sf) =	vpush v1, $0x5;
	v3 =	vld [tilespmem:s31+$0x0];
	_ =	sdelay $0x4  }
0x412: {  	v2 =	vmax.f32 v3, v2  }
0x413: {  	[tilespmem:s31+$0x0] =	vst v2  }
0x414: {  	s24 =	spop (v2sf);
	v2 =	vld [tilespmem:s22+$0x40]  }
0x415: {  	(v2sf) =	vpush v1, $0x6;
	v3 =	vld [tilespmem:s24+$0x0];
	_ =	sdelay $0x4  }
0x416: {  	v2 =	vmax.f32 v3, v2  }
0x417: {  	[tilespmem:s24+$0x0] =	vst v2  }
0x418: {  	s25 =	spop (v2sf);
	v2 =	vld [tilespmem:s22+$0x50]  }
0x419: {  	(v2sf) =	vpush v1, $0x7;
	v3 =	vld [tilespmem:s25+$0x0];
	_ =	sdelay $0x4  }
0x41a: {  	v2 =	vmax.f32 v3, v2  }
0x41b: {  	[tilespmem:s25+$0x0] =	vst v2  }
0x41c: {  	s26 =	spop (v2sf);
	v2 =	vld [tilespmem:s22+$0x60]  }
0x41d: {  	(v2sf) =	vpush v1, $0x8;
	v3 =	vld [tilespmem:s26+$0x0];
	_ =	sdelay $0x4  }
0x41e: {  	v2 =	vmax.f32 v3, v2  }
0x41f: {  	[tilespmem:s26+$0x0] =	vst v2  }
0x420: {  	s28 =	spop (v2sf);
	v2 =	vld [tilespmem:s22+$0x70]  }
0x421: {  	(v2sf) =	vpush v1, $0x9;
	v3 =	vld [tilespmem:s28+$0x0];
	_ =	sdelay $0x4  }
0x422: {  	v2 =	vmax.f32 v3, v2  }
0x423: {  	[tilespmem:s28+$0x0] =	vst v2  }
0x424: {  	s29 =	spop (v2sf);
	v2 =	vld [tilespmem:s22+$0x80]  }
0x425: {  	(v2sf) =	vpush v1, $0xA;
	v3 =	vld [tilespmem:s29+$0x0];
	_ =	sdelay $0x4  }
0x426: {  	v2 =	vmax.f32 v3, v2  }
0x427: {  	[tilespmem:s29+$0x0] =	vst v2  }
0x428: {  	s30 =	spop (v2sf);
	v2 =	vld [tilespmem:s22+$0x90]  }
0x429: {  	(v2sf) =	vpush v1, $0xB;
	v3 =	vld [tilespmem:s30+$0x0];
	_ =	sdelay $0x4  }
0x42a: {  	v2 =	vmax.f32 v3, v2  }
0x42b: {  	[tilespmem:s30+$0x0] =	vst v2  }
0x42c: {  	s31 =	spop (v2sf);
	v2 =	vld [tilespmem:s22+$0xA0]  }
0x42d: {  	(v2sf) =	vpush v1, $0xC;
	v3 =	vld [tilespmem:s31+$0x0];
	_ =	sdelay $0x4  }
0x42e: {  	v2 =	vmax.f32 v3, v2  }
0x42f: {  	[tilespmem:s31+$0x0] =	vst v2  }
0x430: {  	s25 =	spop (v2sf);
	v2 =	vld [tilespmem:s22+$0xB0]  }
0x431: {  	s23 =	simm.s32 $0x3A00;
	s24 =	simm.s32 $0x0;
	(v2sf) =	vpush v1, $0xD;
	v3 =	vld [tilespmem:s25+$0x0]  }
.LBB2_15:
0x432: {  	_ =	sdelay $0x1  }
0x433: {  	s24 =	sadd.s32 $0x2, s24;
	s21 =	sadd.s32 $0x20, s21;
	s22 =	sadd.s32 $0x200, s22  }
0x434: {  	p0 =	slt.u32 s24, $0x30  }
0x435: {  	v2 =	vmax.f32 v3, v2  }
0x436: {  	[tilespmem:s25+$0x0] =	vst v2  }
0x437: {  	v2 =	vld [tilespmem:s23+$0xC0];
	s25 =	spop (v2sf)  }
0x438: {  	v3 =	vld [tilespmem:s25+$0x0];
	(v2sf) =	vpush v1, $0xE;
	_ =	sdelay $0x4  }
0x439: {  	v2 =	vmax.f32 v3, v2;
	(v2sf) =	vpush v1, $0xF  }
0x43a: {  	[tilespmem:s25+$0x0] =	vst v2  }
0x43b: {  	v1 =	vld [tilespmem:s23+$0xD0];
	s25 =	spop (v2sf)  }
0x43c: {  	v2 =	vld [tilespmem:s25+$0x0];
	_ =	sdelay $0x4  }
0x43d: {  	v1 =	vmax.f32 v2, v1  }
0x43e: {  	[tilespmem:s25+$0x0] =	vst v1  }
0x43f: {  	v1 =	vld [tilespmem:s23+$0xE0];
	s25 =	spop (v2sf)  }
0x440: {  	v2 =	vld [tilespmem:s25+$0x0];
	_ =	sdelay $0x3  }
0x441: {  	s26 =	spop (v2sf)  }
0x442: {  	v1 =	vmax.f32 v2, v1  }
0x443: {  	[tilespmem:s25+$0x0] =	vst v1  }
0x444: {  	v1 =	vld [tilespmem:s23+$0xF0];
	s23 =	smov.u32 s22  }
0x445: {  	v2 =	vld [tilespmem:s26+$0x0];
	_ =	sdelay $0x4  }
0x446: {  	v1 =	vmax.f32 v2, v1  }
0x447: {  	[tilespmem:s26+$0x0] =	vst v1  }
0x448: {  	v1 =	vld [tilespmem:s21+$0xFFFFFFF0];
	_ =	sdelay $0x4  }
0x449: {  	v2 =	vadd.s32 $0xFFFFEC78, v1;
	v1 =	vshll.u32 v1, $0x4  }
0x44a: {  	vm0 =	vlt.u32 v2, $0x1388;
	v1 =	vadd.s32 $0xFFFEC780, v1  }
0x44b: {  	v1 =	vnsel vm0, $0x13880, v1  }
0x44c: {  	v1 =	vadd.s32 $0x6B00, v1  }
0x44d: {  	(v2sf) =	vpush v1, $0x0;
	_ =	sdelay $0x3  }
0x44e: {  	(v2sf) =	vpush v1, $0x1;
	_ =	sdelay $0x6  }
0x44f: {  	v2 =	vld [tilespmem:s22+$0xFFFFFF00];
	_ =	sdelay $0x3  }
0x450: {  	s25 =	spop (v2sf)  }
0x451: {  	v3 =	vld [tilespmem:s25+$0x0];
	(v2sf) =	vpush v1, $0x2;
	_ =	sdelay $0x2  }
0x452: {  	s26 =	spop (v2sf);
	_ =	sdelay $0x1  }
0x453: {  	v2 =	vmax.f32 v3, v2  }
0x454: {  	[tilespmem:s25+$0x0] =	vst v2  }
0x455: {  	v2 =	vld [tilespmem:s22+$0xFFFFFF10]  }
0x456: {  	v3 =	vld [tilespmem:s26+$0x0];
	(v2sf) =	vpush v1, $0x3;
	_ =	sdelay $0x4  }
0x457: {  	v2 =	vmax.f32 v3, v2  }
0x458: {  	[tilespmem:s26+$0x0] =	vst v2  }
0x459: {  	v2 =	vld [tilespmem:s22+$0xFFFFFF20];
	s25 =	spop (v2sf)  }
0x45a: {  	v3 =	vld [tilespmem:s25+$0x0];
	(v2sf) =	vpush v1, $0x4;
	_ =	sdelay $0x4  }
0x45b: {  	v2 =	vmax.f32 v3, v2  }
0x45c: {  	[tilespmem:s25+$0x0] =	vst v2  }
0x45d: {  	v2 =	vld [tilespmem:s22+$0xFFFFFF30];
	s25 =	spop (v2sf)  }
0x45e: {  	v3 =	vld [tilespmem:s25+$0x0];
	(v2sf) =	vpush v1, $0x5;
	_ =	sdelay $0x4  }
0x45f: {  	v2 =	vmax.f32 v3, v2  }
0x460: {  	[tilespmem:s25+$0x0] =	vst v2  }
0x461: {  	v2 =	vld [tilespmem:s22+$0xFFFFFF40];
	s25 =	spop (v2sf)  }
0x462: {  	v3 =	vld [tilespmem:s25+$0x0];
	(v2sf) =	vpush v1, $0x6;
	_ =	sdelay $0x4  }
0x463: {  	v2 =	vmax.f32 v3, v2  }
0x464: {  	[tilespmem:s25+$0x0] =	vst v2  }
0x465: {  	v2 =	vld [tilespmem:s22+$0xFFFFFF50];
	s25 =	spop (v2sf)  }
0x466: {  	v3 =	vld [tilespmem:s25+$0x0];
	(v2sf) =	vpush v1, $0x7;
	_ =	sdelay $0x4  }
0x467: {  	v2 =	vmax.f32 v3, v2  }
0x468: {  	[tilespmem:s25+$0x0] =	vst v2  }
0x469: {  	v2 =	vld [tilespmem:s22+$0xFFFFFF60];
	s25 =	spop (v2sf)  }
0x46a: {  	v3 =	vld [tilespmem:s25+$0x0];
	(v2sf) =	vpush v1, $0x8;
	_ =	sdelay $0x4  }
0x46b: {  	v2 =	vmax.f32 v3, v2  }
0x46c: {  	[tilespmem:s25+$0x0] =	vst v2  }
0x46d: {  	v2 =	vld [tilespmem:s22+$0xFFFFFF70];
	s25 =	spop (v2sf)  }
0x46e: {  	v3 =	vld [tilespmem:s25+$0x0];
	(v2sf) =	vpush v1, $0x9;
	_ =	sdelay $0x4  }
0x46f: {  	v2 =	vmax.f32 v3, v2  }
0x470: {  	[tilespmem:s25+$0x0] =	vst v2  }
0x471: {  	v2 =	vld [tilespmem:s22+$0xFFFFFF80];
	s25 =	spop (v2sf)  }
0x472: {  	v3 =	vld [tilespmem:s25+$0x0];
	(v2sf) =	vpush v1, $0xA;
	_ =	sdelay $0x4  }
0x473: {  	v2 =	vmax.f32 v3, v2  }
0x474: {  	[tilespmem:s25+$0x0] =	vst v2  }
0x475: {  	v2 =	vld [tilespmem:s22+$0xFFFFFF90];
	s25 =	spop (v2sf)  }
0x476: {  	v3 =	vld [tilespmem:s25+$0x0];
	(v2sf) =	vpush v1, $0xB;
	_ =	sdelay $0x4  }
0x477: {  	v2 =	vmax.f32 v3, v2  }
0x478: {  	[tilespmem:s25+$0x0] =	vst v2  }
0x479: {  	v2 =	vld [tilespmem:s22+$0xFFFFFFA0];
	s25 =	spop (v2sf)  }
0x47a: {  	v3 =	vld [tilespmem:s25+$0x0];
	(v2sf) =	vpush v1, $0xC;
	_ =	sdelay $0x4  }
0x47b: {  	v2 =	vmax.f32 v3, v2  }
0x47c: {  	[tilespmem:s25+$0x0] =	vst v2  }
0x47d: {  	v2 =	vld [tilespmem:s22+$0xFFFFFFB0];
	s25 =	spop (v2sf)  }
0x47e: {  	v3 =	vld [tilespmem:s25+$0x0];
	(v2sf) =	vpush v1, $0xD;
	_ =	sdelay $0x4  }
0x47f: {  	v2 =	vmax.f32 v3, v2  }
0x480: {  	[tilespmem:s25+$0x0] =	vst v2  }
0x481: {  	v2 =	vld [tilespmem:s22+$0xFFFFFFC0];
	s25 =	spop (v2sf)  }
0x482: {  	v3 =	vld [tilespmem:s25+$0x0];
	(v2sf) =	vpush v1, $0xE;
	_ =	sdelay $0x4  }
0x483: {  	v2 =	vmax.f32 v3, v2  }
0x484: {  	[tilespmem:s25+$0x0] =	vst v2  }
0x485: {  	v2 =	vld [tilespmem:s22+$0xFFFFFFD0];
	s25 =	spop (v2sf)  }
0x486: {  	v3 =	vld [tilespmem:s25+$0x0];
	(v2sf) =	vpush v1, $0xF;
	_ =	sdelay $0x4  }
0x487: {  	v1 =	vmax.f32 v3, v2  }
0x488: {  	[tilespmem:s25+$0x0] =	vst v1  }
0x489: {  	v1 =	vld [tilespmem:s22+$0xFFFFFFE0];
	s25 =	spop (v2sf)  }
0x48a: {  	v2 =	vld [tilespmem:s25+$0x0];
	_ =	sdelay $0x4  }
0x48b: {  	v1 =	vmax.f32 v2, v1  }
0x48c: {  	[tilespmem:s25+$0x0] =	vst v1  }
0x48d: {  	v1 =	vld [tilespmem:s22+$0xFFFFFFF0];
	s25 =	spop (v2sf)  }
0x48e: {  	v2 =	vld [tilespmem:s25+$0x0];
	_ =	sdelay $0x4  }
0x48f: {  	v1 =	vmax.f32 v2, v1  }
0x490: {  	[tilespmem:s25+$0x0] =	vst v1  }
0x491: {  	v1 =	vld [tilespmem:s21+$0x0];
	_ =	sdelay $0x4  }
0x492: {  	v2 =	vadd.s32 $0xFFFFEC78, v1;
	v1 =	vshll.u32 v1, $0x4  }
0x493: {  	vm0 =	vlt.u32 v2, $0x1388;
	v1 =	vadd.s32 $0xFFFEC780, v1  }
0x494: {  	v1 =	vnsel vm0, $0x13880, v1  }
0x495: {  	v1 =	vadd.s32 $0x6B00, v1  }
0x496: {  	(v2sf) =	vpush v1, $0x0;
	_ =	sdelay $0x6  }
0x497: {  	(v2sf) =	vpush v1, $0x1;
	_ =	sdelay $0x7  }
0x498: {  	v2 =	vld [tilespmem:s22+$0x0];
	s25 =	spop (v2sf)  }
0x499: {  	v3 =	vld [tilespmem:s25+$0x0];
	(v2sf) =	vpush v1, $0x2;
	_ =	sdelay $0x4  }
0x49a: {  	v2 =	vmax.f32 v3, v2  }
0x49b: {  	[tilespmem:s25+$0x0] =	vst v2;
	s25 =	spop (v2sf)  }
0x49c: {  	v2 =	vld [tilespmem:s25+$0x0]  }
0x49d: {  	v3 =	vld [tilespmem:s22+$0x10];
	(v2sf) =	vpush v1, $0x3;
	_ =	sdelay $0x4  }
0x49e: {  	v2 =	vmax.f32 v2, v3  }
0x49f: {  	[tilespmem:s25+$0x0] =	vst v2  }
0x4a0: {  	v2 =	vld [tilespmem:s22+$0x20];
	s25 =	spop (v2sf)  }
0x4a1: {  	v3 =	vld [tilespmem:s25+$0x0];
	(v2sf) =	vpush v1, $0x4;
	_ =	sdelay $0x4  }
0x4a2: {  	v2 =	vmax.f32 v3, v2  }
0x4a3: {  	[tilespmem:s25+$0x0] =	vst v2  }
0x4a4: {  	v2 =	vld [tilespmem:s22+$0x30];
	s25 =	spop (v2sf)  }
0x4a5: {  	v3 =	vld [tilespmem:s25+$0x0];
	(v2sf) =	vpush v1, $0x5;
	_ =	sdelay $0x4  }
0x4a6: {  	v2 =	vmax.f32 v3, v2  }
0x4a7: {  	[tilespmem:s25+$0x0] =	vst v2  }
0x4a8: {  	v2 =	vld [tilespmem:s22+$0x40];
	s25 =	spop (v2sf)  }
0x4a9: {  	v3 =	vld [tilespmem:s25+$0x0];
	(v2sf) =	vpush v1, $0x6;
	_ =	sdelay $0x4  }
0x4aa: {  	v2 =	vmax.f32 v3, v2  }
0x4ab: {  	[tilespmem:s25+$0x0] =	vst v2  }
0x4ac: {  	v2 =	vld [tilespmem:s22+$0x50];
	s25 =	spop (v2sf)  }
0x4ad: {  	v3 =	vld [tilespmem:s25+$0x0];
	(v2sf) =	vpush v1, $0x7;
	_ =	sdelay $0x4  }
0x4ae: {  	v2 =	vmax.f32 v3, v2  }
0x4af: {  	[tilespmem:s25+$0x0] =	vst v2  }
0x4b0: {  	v2 =	vld [tilespmem:s22+$0x60];
	s25 =	spop (v2sf)  }
0x4b1: {  	v3 =	vld [tilespmem:s25+$0x0];
	(v2sf) =	vpush v1, $0x8;
	_ =	sdelay $0x4  }
0x4b2: {  	v2 =	vmax.f32 v3, v2  }
0x4b3: {  	[tilespmem:s25+$0x0] =	vst v2  }
0x4b4: {  	v2 =	vld [tilespmem:s22+$0x70];
	s25 =	spop (v2sf)  }
0x4b5: {  	v3 =	vld [tilespmem:s25+$0x0];
	(v2sf) =	vpush v1, $0x9;
	_ =	sdelay $0x4  }
0x4b6: {  	v2 =	vmax.f32 v3, v2  }
0x4b7: {  	[tilespmem:s25+$0x0] =	vst v2  }
0x4b8: {  	v2 =	vld [tilespmem:s22+$0x80];
	s25 =	spop (v2sf)  }
0x4b9: {  	v3 =	vld [tilespmem:s25+$0x0];
	(v2sf) =	vpush v1, $0xA;
	_ =	sdelay $0x4  }
0x4ba: {  	v2 =	vmax.f32 v3, v2  }
0x4bb: {  	[tilespmem:s25+$0x0] =	vst v2  }
0x4bc: {  	v2 =	vld [tilespmem:s22+$0x90];
	s25 =	spop (v2sf)  }
0x4bd: {  	v3 =	vld [tilespmem:s25+$0x0];
	(v2sf) =	vpush v1, $0xB;
	_ =	sdelay $0x4  }
0x4be: {  	v2 =	vmax.f32 v3, v2  }
0x4bf: {  	[tilespmem:s25+$0x0] =	vst v2  }
0x4c0: {  	v2 =	vld [tilespmem:s22+$0xA0];
	s25 =	spop (v2sf)  }
0x4c1: {  	v3 =	vld [tilespmem:s25+$0x0];
	(v2sf) =	vpush v1, $0xC;
	_ =	sdelay $0x3  }
.Ltmp6:
0x4c2: {  	(pc) =	sbr.rel @p0 .LBB2_15-.Ltmp6, $4  }
0x4c3: {  	v2 =	vmax.f32 v3, v2  }
0x4c4: {  	[tilespmem:s25+$0x0] =	vst v2  }
0x4c5: {  	v2 =	vld [tilespmem:s22+$0xB0];
	s25 =	spop (v2sf)  }
0x4c6: {  	v3 =	vld [tilespmem:s25+$0x0];
	(v2sf) =	vpush v1, $0xD  }
0x4c7: {  	_ =	sdelay $0x3  }
0x4c8: {  	v2 =	vmax.f32 v3, v2  }
0x4c9: {  	[tilespmem:s25+$0x0] =	vst v2  }
0x4ca: {  	v2 =	vld [tilespmem:s23+$0xC0];
	s21 =	spop (v2sf)  }
0x4cb: {  	(v2sf) =	vpush v1, $0xE;
	v3 =	vld [tilespmem:s21+$0x0];
	_ =	sdelay $0x4  }
0x4cc: {  	v2 =	vmax.f32 v3, v2  }
0x4cd: {  	[tilespmem:s21+$0x0] =	vst v2  }
0x4ce: {  	v2 =	vld [tilespmem:s23+$0xD0];
	s29 =	spop (v2sf)  }
0x4cf: {  	(v2sf) =	vpush v1, $0xF;
	v1 =	vld [tilespmem:s29+$0x0];
	_ =	sdelay $0x4  }
0x4d0: {  	v1 =	vmax.f32 v1, v2  }
0x4d1: {  	[tilespmem:s29+$0x0] =	vst v1  }
0x4d2: {  	s30 =	spop (v2sf);
	v1 =	vld [tilespmem:s23+$0xE0]  }
0x4d3: {  	v2 =	vld [tilespmem:s30+$0x0];
	_ =	sdelay $0x4  }
0x4d4: {  	v1 =	vmax.f32 v2, v1  }
0x4d5: {  	[tilespmem:s30+$0x0] =	vst v1  }
0x4d6: {  	s31 =	spop (v2sf);
	v1 =	vld [tilespmem:s23+$0xF0]  }
0x4d7: {  	s20 =	sadd.s32 $0x1, s20;
	v2 =	vld [tilespmem:s31+$0x0]  }
0x4d8: {  	p0 =	sne.s32 s20, $0x32  }
.Ltmp7:
0x4d9: {  	_ = 	snop;
	(pc) =	sbr.rel @p0 .LBB2_12-.Ltmp7, $3  }
0x4da: {  	_ =	sdelay $0x1  }
0x4db: {  	v1 =	vmax.f32 v2, v1  }
0x4dc: {  	[tilespmem:s31+$0x0] =	vst v1  }
0x4dd: {  	s19 =	sadd.s32 $0x1, s19  }
0x4de: {  	p0 =	sne.s32 s19, s11  }
.Ltmp8:
0x4df: {  	_ = 	snop;
	(pc) =	sbr.rel @p0 .LBB2_1-.Ltmp8, $4  }
0x4e0: {  	[hbm4b:s10+s2] =	stream.linear.scatter [tilespmem:s17], [sflag:$0x3], $0x13880, $0x38;
	[tilespmem:$0x1A400] =	vst v63  }
0x4e1: {  	_ =	swait.ge [sflag:s18], $0x13880  }
0x4e2: {  	[sflag:s18] =	ssyncset.done $0x0  }
0x4e3: {  	[sflag:s18] =	ssyncadd.s32 $0xFFFEC780  }
0x4e4: {  	_ =	sfence.sel $0x180000  }
0x4e5: {  	[bflag:$0x0] =	sbarrier.arrive $0xFFFF  }
0x4e6: {  	p0 =	sne.s32 s0, $0x0;
	_ =	strace $0x9000004A  }
0x4e7: {  	s0 =	sadd.s32 @!p0 $0x100000, s1;
	[bflag:$0x2] =	sbarrier.arrive $0xFFFF  }
0x4e8: {  	[sflag:s0] =	ssyncadd.tile.s32 @!p0 $0x1;
	_ =	shalt  }
.Lfunc_end2:
_tile_overlayer_lowered:
.L_overlay_start_2:
0x4e9: {  	(tag) =	ssettag $0x2  }
0x4ea: {  	s0 =	rddreg [dreg:$0x0];
	s2 =	stileid.u32  }
0x4eb: {  	s1 =	rddreg [dreg:$0x1];
	p0 =	sne.s32 s2, $0x0  }
0x4ec: {  	s3 =	rddreg [dreg:$0x2];
	[bflag:$0x3] =	sbarrier.arrive $0xFFFF;
	s2 =	simm.s32 @!p0 $0x1C03  }
0x4ed: {  	[timem:s3], [sflag:s2] =	dma.local @!p0 [hbm:s0], s1  }
0x4ee: {  	s0 =	simm.s32 @!p0 $0x3  }
0x4ef: {  	_ =	swait.ge @!p0 [sflag:s0], s1  }
0x4f0: {  	s1 =	ssub.s32 @!p0 $0x0, s1;
	[sflag:s0] =	ssyncset.done @!p0 $0x0  }
0x4f1: {  	[sflag:s0] =	ssyncadd.s32 @!p0 s1  }
0x4f2: {  	[bflag:$0x3] =	sbarrier.arrive $0xFFFF  }
0x4f3: {  	_ =	shalt  }

// kernel: kernel.7.cloned.1.call-start
scs
__scs_entry_jumppad:
0x0: {  	(pc) =	sbr.rel $0x88, $3  }
0x1: {  	(tag) =	ssettag $0x0;
	lr =	simm.s32 $0x1  }
0x2: {  	[smem:$0x3F9B] =	sst lr;
	_ =	strace $0xD0000000  }
0x3: {  	_ = 	snop  }
0x4: {  	_ = 	snop  }
0x5: {  	_ = 	snop  }
0x6: {  	_ = 	snop  }
0x7: {  	_ = 	snop  }
__scs_overlays_trampoline_lowered:
0x8: {  	[smem:$0x3FAA] =	sst s0  }
0x9: {  	[smem:$0x3FAB] =	sst s1  }
0xa: {  	[smem:$0x3FAC] =	sst s2  }
0xb: {  	[smem:$0x3FAD] =	sst s3  }
0xc: {  	[smem:$0x3FAE] =	sst s4  }
0xd: {  	[smem:$0x3FAF] =	sst s5  }
0xe: {  	[smem:$0x3FB0] =	sst s6  }
0xf: {  	[smem:$0x3FB1] =	sst s7  }
0x10: {  	[smem:$0x3FB2] =	sst s8  }
0x11: {  	[smem:$0x3FB3] =	sst s9;
	s0 =	simm.s32 @!p0 $0x0  }
0x12: {  	s1 =	sld [smem:$0x3F99];
	s0 =	simm.s32 @p0 $0x1  }
0x13: {  	[smem:$0x3FB4] =	sst s0;
	s0 =	simm.s32 @!p1 $0x0  }
0x14: {  	s2 =	sld [smem:$0x3F98];
	s0 =	simm.s32 @p1 $0x1  }
0x15: {  	[smem:$0x3FB5] =	sst s0;
	s0 =	simm.s32 @!p2 $0x0  }
0x16: {  	s3 =	sld [smem:$0x3FDB];
	s0 =	simm.s32 @p2 $0x1  }
0x17: {  	s4 =	simm.s32 $0x1BF5;
	[smem:$0x3FB7] =	sst s0  }
0x18: {  	s0 =	sld [smem:$0x3F9A];
	_ =	swait.ge [sflag:s4], $0x0  }
0x19: {  	s7 =	sld [smem:$0x3F9B]  }
0x1a: {  	s8 =	sadd.s32 $0xFFFFE003, lr  }
0x1b: {  	s9 =	sadd.s32 $0xFFFFFEF7, lr;
	s5 =	simm.s32 $0xFFFFFFFF;
	p2 =	slt.u32 s8, $0xFFFFF086  }
0x1c: {  	p1 =	slt.u32 s9, $0xF7A;
	s5 =	simm.s32 @!p2 $0x0  }
0x1d: {  	s5 =	simm.s32 @p1 $0x1;
	p0 =	seq.s32 s7, s2  }
0x1e: {  	s7 =	smul.u32 @!p0 $0xF7A, s2;
	p2 =	seq.s32 @!p0 s5, $0x0  }
0x1f: {  	s9 =	smul.u32 $0xF7A, s1;
	s8 =	simm.s32 @!p0 $0x1BF5;
	p2 =	por !p2, p0  }
0x20: {  	[sflag:s8] =	ssyncset.s32 @!p0 $0xFFFFF086;
	s6 =	sadd.s32 @!p0 s3, s7;
	s7 =	simm.s32 @!p0 $0x108  }
0x21: {  	s3 =	sadd.s32 s3, s9;
	s6 =	sadd.s32 @!p0 $0x88, s6;
	s7 =	simm.s32 @p2 $0x1082  }
0x22: {  	[simem:s7], [sflag:s8] =	dma.local @!p0 [hbm:s6], $0xF7A  }
0x23: {  	s9 =	sor.u32 $0xD0000000, s2;
	s6 =	simm.s32 $0x108;
	_ =	swait.ge @!p0 [sflag:s8], $0x0  }
0x24: {  	s3 =	sadd.s32 $0x88, s3;
	s6 =	simm.s32 @!p1 $0x1082;
	[sflag:s4] =	ssyncset.s32 $0xFFFFF086  }
0x25: {  	[simem:s6], [sflag:s4] =	dma.local [hbm:s3], $0xF7A  }
0x26: {  	[smem:$0x3F9B] =	sst s1;
	(tag) =	ssettag s2;
	_ =	strace s9  }
0x27: {  	s1 =	sld [smem:$0x3FAB]  }
0x28: {  	s2 =	sld [smem:$0x3FAC]  }
0x29: {  	s4 =	sld [smem:$0x3FAE]  }
0x2a: {  	p0 =	seq.s32 s5, $0x0;
	s5 =	sld [smem:$0x3FAF]  }
0x2b: {  	s6 =	sld [smem:$0x3FB0]  }
0x2c: {  	s7 =	sld [smem:$0x3FB1]  }
0x2d: {  	s3 =	simm.s32 $0x108;
	s8 =	sld [smem:$0x3FB2]  }
0x2e: {  	s3 =	simm.s32 @!p0 $0x1082;
	s9 =	sld [smem:$0x3FB3]  }
0x2f: {  	lr =	sadd.s32 s0, s3;
	s0 =	sld [smem:$0x3FAA]  }
0x30: {  	s3 =	sld [smem:$0x3FAD]  }
0x31: {  	[smem:$0x3FB6] =	sst s10  }
0x32: {  	s10 =	sld [smem:$0x3FB4];
	_ =	sdelay $0x3  }
0x33: {  	p0 =	seq.s32 s10, $0x1;
	s10 =	sld [smem:$0x3FB6];
	_ =	sdelay $0x3  }
0x34: {  	[smem:$0x3FB6] =	sst s10  }
0x35: {  	s10 =	sld [smem:$0x3FB5];
	_ =	sdelay $0x3  }
0x36: {  	p1 =	seq.s32 s10, $0x1;
	s10 =	sld [smem:$0x3FB6];
	_ =	sdelay $0x3  }
0x37: {  	[smem:$0x3FB6] =	sst s10  }
0x38: {  	s10 =	sld [smem:$0x3FB7]  }
0x39: {  	_ = 	snop;
	(pc) =	sbr.ind lr, $3  }
0x3a: {  	_ = 	snop  }
0x3b: {  	_ = 	snop  }
0x3c: {  	p2 =	seq.s32 s10, $0x1;
	s10 =	sld [smem:$0x3FB6]  }
0x3d: {  	_ =	shalt  }
0x3e: {  	_ =	shalt  }
0x3f: {  	_ =	shalt  }
0x40: {  	_ =	shalt  }
0x41: {  	_ =	shalt  }
0x42: {  	_ =	shalt  }
0x43: {  	_ =	shalt  }
0x44: {  	_ =	shalt  }
0x45: {  	_ =	shalt  }
0x46: {  	_ =	shalt  }
0x47: {  	_ =	shalt  }
0x48: {  	_ =	shalt  }
0x49: {  	_ =	shalt  }
0x4a: {  	_ =	shalt  }
0x4b: {  	_ =	shalt  }
0x4c: {  	_ =	shalt  }
0x4d: {  	_ =	shalt  }
0x4e: {  	_ =	shalt  }
0x4f: {  	_ =	shalt  }
0x50: {  	_ =	shalt  }
0x51: {  	_ =	shalt  }
0x52: {  	_ =	shalt  }
0x53: {  	_ =	shalt  }
0x54: {  	_ =	shalt  }
0x55: {  	_ =	shalt  }
0x56: {  	_ =	shalt  }
0x57: {  	_ =	shalt  }
0x58: {  	_ =	shalt  }
0x59: {  	_ =	shalt  }
0x5a: {  	_ =	shalt  }
0x5b: {  	_ =	shalt  }
0x5c: {  	_ =	shalt  }
0x5d: {  	_ =	shalt  }
0x5e: {  	_ =	shalt  }
0x5f: {  	_ =	shalt  }
0x60: {  	_ =	shalt  }
0x61: {  	_ =	shalt  }
0x62: {  	_ =	shalt  }
0x63: {  	_ =	shalt  }
0x64: {  	_ =	shalt  }
0x65: {  	_ =	shalt  }
0x66: {  	_ =	shalt  }
0x67: {  	_ =	shalt  }
0x68: {  	_ =	shalt  }
0x69: {  	_ =	shalt  }
0x6a: {  	_ =	shalt  }
0x6b: {  	_ =	shalt  }
0x6c: {  	_ =	shalt  }
0x6d: {  	_ =	shalt  }
0x6e: {  	_ =	shalt  }
0x6f: {  	_ =	shalt  }
0x70: {  	_ =	shalt  }
0x71: {  	_ =	shalt  }
0x72: {  	_ =	shalt  }
0x73: {  	_ =	shalt  }
0x74: {  	_ =	shalt  }
0x75: {  	_ =	shalt  }
0x76: {  	_ =	shalt  }
0x77: {  	_ =	shalt  }
0x78: {  	_ =	shalt  }
0x79: {  	_ =	shalt  }
0x7a: {  	_ =	shalt  }
0x7b: {  	_ =	shalt  }
0x7c: {  	_ =	shalt  }
0x7d: {  	_ =	shalt  }
0x7e: {  	_ =	shalt  }
0x7f: {  	_ =	shalt  }
0x80: {  	_ =	shalt  }
0x81: {  	_ =	shalt  }
0x82: {  	_ =	shalt  }
0x83: {  	_ =	shalt  }
0x84: {  	_ =	shalt  }
0x85: {  	_ =	shalt  }
0x86: {  	_ =	shalt  }
0x87: {  	_ =	shalt  }
.Lfunc_end0:
.L_simem_size_0:
called_computation_lowered:
.L_overlay_start_0:
0x88: {  	s2 =	sld [smem:$0x3FD9]  }
0x89: {  	s3 =	sld [smem:$0x3FFE];
	_ =	sdelay $0x1  }
0x8a: {  	s1 =	srdreg.scid  }
0x8b: {  	s0 =	sand.u32 $0x1, s1  }
0x8c: {  	s17 =	sshll.u32 s0, $0xA;
	s2 =	sadd.s32 s3, s2  }
0x8d: {  	s2 =	sadd.s32 s2, s17  }
0x8e: {  	[smem:$0x3FC2] =	sst s2  }
0x8f: {  	_ = 	snop  }
0x90: {  	s2 =	sld [smem:$0x3FD0];
	(tm) =	ssettm $0x1  }
0x91: {  	s18 =	sld [smem:$0x3FFB];
	_ =	sdelay $0x3  }
0x92: {  	_ =	strace s18  }
0x93: {  	s3 =	sld [smem:$0x3FFC];
	_ =	sdelay $0x3  }
0x94: {  	_ =	strace s3  }
0x95: {  	s3 =	sld [smem:$0x3FFD];
	_ =	sdelay $0x3  }
0x96: {  	_ =	strace s3  }
0x97: {  	_ =	strace $0x8FFFFFFF  }
0x98: {  	s19 =	sld [smem:$0x3FDB];
	_ =	sdelay $0x1  }
0x99: {  	s4 =	simm.s32 $_scs_section_size  }
0x9a: {  	s5 =	simm.s32 $_size__tile_overlayer_lowered;
	s6 =	simm.s32 $_tile_overlayer_lowered  }
0x9b: {  	s22 =	simm.s32 $0x1BFF;
	s21 =	sshll.u32 s6, $0x1;
	s3 =	sadd.s32 s4, s19  }
0x9c: {  	s7 =	simm.s32 $0x0;
	s20 =	sshll.u32 s5, $0x1;
	s5 =	sadd.s32 s21, s3  }
0x9d: {  	[timem:s7], [sflag:s22] =	dma.local [hbm:s5], s20  }
0x9e: {  	_ =	swait.ge [sflag:s22], s20  }
0x9f: {  	s4 =	ssub.s32 $0x0, s20;
	[sflag:s22] =	ssyncset.done $0x0  }
0xa0: {  	[sflag:s22] =	ssyncadd.s32 s4;
	_ =	sdelay $0x1  }
0xa1: {  	s23 =	simm.s32 $0x1B8B  }
0xa2: {  	_ =	swait.ge [sflag:s23], $0x1  }
0xa3: {  	[sflag:s23] =	ssyncset.done $0x0  }
0xa4: {  	s25 =	simm.s32 $0x1B8E;
	s24 =	sld [smem:$0x3FFE];
	[sflag:s23] =	ssyncadd.s32 $0xFFFFFFFF  }
0xa5: {  	s26 =	simm.s32 $execute0_lowered;
	[smem:$0x3FD2] =	sst s25  }
0xa6: {  	s5 =	sshll.u32 s26, $0x1;
	_ =	strace $0x80000046;
	[dreg:$0x1] =	wrdreg $0xFFFFFFFF  }
0xa7: {  	s28 =	simm.s32 $_size_execute0_lowered;
	s3 =	sadd.s32 s3, s5;
	[dreg:$0x0] =	wrdreg $0x0  }
0xa8: {  	s5 =	sshll.u32 s28, $0x1;
	[dreg:$0x2] =	wrdreg s3  }
0xa9: {  	[dreg:$0x3] =	wrdreg s5  }
0xaa: {  	[dreg:$0x4] =	wrdreg $0xC0  }
0xab: {  	_ =	task [dreg:s7], $0x5FFFF  }
0xac: {  	[dreg:$0x1] =	wrdreg $0xFFFFFFFF  }
0xad: {  	[dreg:$0x0] =	wrdreg $0x60  }
0xae: {  	[dreg:$0x2] =	wrdreg s2  }
0xaf: {  	[dreg:$0x3] =	wrdreg s24  }
0xb0: {  	[dreg:$0x4] =	wrdreg $0x9  }
0xb1: {  	_ =	task.clear_ibuf [dreg:s7], $0x5FFFF;
	_ =	strace $0x90000046  }
0xb2: {  	s29 =	simm.s32 $0x9;
	_ =	strace $0x80000048  }
0xb3: {  	_ =	swait.ge [sflag:s29], $0x1  }
0xb4: {  	[sflag:s29] =	ssyncadd.s32 $0xFFFFFFFF  }
0xb5: {  	_ =	strace $0x90000048  }
0xb6: {  	_ =	sfence  }
0xb7: {  	s30 =	sld [smem:$0x0];
	_ =	sdelay $0x2  }
0xb8: {  	s31 =	sshll.u32 s1, $0xD;
	s1 =	sshrl.u32 s1, $0x2  }
0xb9: {  	s3 =	sand.u32 $0x4000, s31;
	s1 =	sadd.s32 s1, s30  }
0xba: {  	s0 =	sor.u32 s3, s0;
	s1 =	sshll.u32 s1, $0x11  }
0xbb: {  	s0 =	sor.u32 s1, s0  }
0xbc: {  	s0 =	sadd.s32 $0x8F2B, s0  }
0xbd: {  	[sflag:s0] =	ssyncadd.remote.s32 $0x1  }
0xbe: {  	_ =	sfence.sel $0xFFFF  }
0xbf: {  	[dreg:$0x0] =	wrdreg $0xFFFFFFFF;
	(pc) =	sbr.abs _section_cstart, $3  }
0xc0: {  	[dreg:$0x1] =	wrdreg $0xFFFFFFFF  }
0xc1: {  	_ =	task.clear_ibuf [dreg:s7], $0x2FFFF;
	_ =	strace $0x9FFFFFFF  }
0xc2: {  	(tm) =	ssettm $0x7FFFFFFF  }
0xc3: {  	_ =	shalt  }
tec
execute0_lowered:
.L_overlay_start_1:
0x0: {  	(tag) =	ssettag $0x1  }
0x1: {  	s2 =	rddreg [dreg:$0x0]  }
0x2: {  	s0 =	rddreg [dreg:$0x1]  }
0x3: {  	s3 =	simm.s32 $0x0;
	s10 =	stileid.u32;
	s1 =	srdreg.scid  }
0x4: {  	s15 =	simm.s32 $0x100;
	s16 =	simm.s32 $0x1;
	s17 =	simm.s32 $0xC8  }
0x5: {  	s18 =	simm.s32 $0x200;
	s19 =	simm.s32 $0x6600;
	s20 =	simm.s32 $0xCA00  }
0x6: {  	s21 =	simm.s32 $0xCB00;
	s22 =	simm.s32 $0x3;
	s28 =	simm.s32 $0x5  }
0x7: {  	s29 =	simm.s32 $0x6;
	s30 =	simm.s32 $0x0;
	s7 =	smul.u32 $0x4E200, s10  }
0x8: {  	s1 =	sand.u32 $0x1, s1;
	s4 =	sshll.u32 s10, $0x1;
	s10 =	smul.u32 $0x4E20, s10  }
0x9: {  	[smem:$0x7FF] =	sst s3;
	s5 =	sadd.s32 $0xB200, s0;
	s11 =	smul.u32 $0x2710, s1  }
0xa: {  	s6 =	sor.u32 s1, s4;
	s9 =	ssub.s32 $0x2, s1;
	s1 =	smul.u32 $0x27100, s1  }
0xb: {  	_ =	strace $0x80000047;
	s4 =	sadd.s32 $0x15000, s0;
	s8 =	smul.u32 $0x2710, s6  }
0xc: {  	s6 =	sadd.s32 $0x1400, s0;
	s0 =	sadd.s32 s7, s0;
	s23 =	sshrl.u32 s9, $0x1  }
0xd: {  	s7 =	ssub.s32 s9, s23;
	s25 =	sadd.s32 s11, s10;
	s0 =	sadd.s32 s1, s0  }
0xe: {  	s23 =	simm.s32 $0x2;
	s8 =	sshrl.u32 s8, $0x3;
	s7 =	smax.u32 s7, $0x1  }
0xf: {  	s26 =	sadd.s32 $0xC8, s25;
	s10 =	sadd.s32 $0x3C200, s0;
	s11 =	sadd.s32 $0x51E200, s0  }
.Ltmp0:
0x10: {  	s24 =	sadd.s32 s5, s8;
	[dreg:$0x5] =	wrdreg s7;
	(pc) =	sbr.rel .LBB2_1-.Ltmp0, $4  }
0x11: {  	s8 =	sadd.s32 s6, s8;
	s31 =	sshrl.u32 s26, $0x3;
	[dreg:$0x3] =	wrdreg s24  }
0x12: {  	s14 =	sadd.s32 $0x190, s25;
	[dreg:$0x4] =	wrdreg s8;
	s1 =	sadd.s32 s31, s6  }
0x13: {  	s25 =	simm.s32 $0x13000;
	s0 =	sadd.s32 s31, s5;
	[dreg:$0x6] =	wrdreg s1  }
0x14: {  	s26 =	simm.s32 $0x4;
	s24 =	simm.s32 $0xCC00;
	[dreg:$0x7] =	wrdreg s0  }
.LBB2_7:
0x15: {  	_ =	swait.ge [sflag:s28], $0x6400  }
0x16: {  	[sflag:s28] =	ssyncset.done $0x0  }
0x17: {  	[sflag:s28] =	ssyncadd.s32 $0xFFFF9C00  }
0x18: {  	_ =	swait.ge [sflag:s28], $0x6400  }
0x19: {  	[sflag:s28] =	ssyncset.done $0x0  }
0x1a: {  	[sflag:s28] =	ssyncadd.s32 $0xFFFF9C00  }
0x1b: {  	_ =	swait.ge [sflag:s29], $0x6400  }
0x1c: {  	[sflag:s29] =	ssyncset.done $0x0  }
0x1d: {  	[sflag:s29] =	ssyncadd.s32 $0xFFFF9C00  }
0x1e: {  	_ =	swait.ge [sflag:s29], $0x6400  }
0x1f: {  	s30 =	sadd.s32 $0x1, s30;
	s0 =	rddreg [dreg:$0x5]  }
0x20: {  	p0 =	sne.s32 s30, s0  }
.Ltmp1:
0x21: {  	_ = 	snop;
	(pc) =	sbr.rel @!p0 .LBB2_8-.Ltmp1, $3  }
0x22: {  	_ =	sdelay $0x1  }
0x23: {  	[sflag:s29] =	ssyncset.done $0x0  }
0x24: {  	[sflag:s29] =	ssyncadd.s32 $0xFFFF9C00  }
.LBB2_1:
0x25: {  	s0 =	rddreg [dreg:$0x3]  }
.Ltmp2:
0x26: {  	s13 =	rddreg [dreg:$0x4];
	(pc) =	sbr.rel .LBB2_2-.Ltmp2, $4  }
0x27: {  	[tilespmem:s3], [sflag:$0x1] =	stream.linear.gather [hbm4b:s0+s3], $0xC8, $0x38;
	[tilespmem:$0x19400] =	vst v63  }
0x28: {  	s12 =	rddreg [dreg:$0x6]  }
0x29: {  	[tilespmem:s15], [sflag:$0x1] =	stream.linear.gather [hbm4b:s13+s3], $0xC8, $0x38;
	[tilespmem:$0x19400] =	vst v63  }
0x2a: {  	s31 =	smov.u32 s14;
	s7 =	simm.s32 $0x0;
	s13 =	rddreg [dreg:$0x7]  }
.LBB2_3:
0x2b: {  	[tilespmem:s24], [sflag:$0x4] =	stream.indirect.gather [hbm4b:s2+s17], $0x80, s20, s17, $0xb8;
	[tilespmem:$0x19400] =	vst v63  }
0x2c: {  	_ = 	snop  }
0x2d: {  	[tilespmem:s25], [sflag:$0x4] =	stream.indirect.gather [hbm4b:s4+s17], $0x80, s21, s17, $0xb8;
	[tilespmem:$0x19400] =	vst v63  }
.LBB2_5:
0x2e: {  	s1 =	sshrl.u32 s31, $0x3  }
0x2f: {  	s0 =	sadd.s32 s5, s1  }
0x30: {  	[tilespmem:s3], [sflag:$0x1] =	stream.linear.gather [hbm4b:s0+s3], $0xC8, $0x38;
	[tilespmem:$0x19400] =	vst v63  }
0x31: {  	s1 =	sadd.s32 s6, s1  }
0x32: {  	[tilespmem:s15], [sflag:$0x1] =	stream.linear.gather [hbm4b:s1+s3], $0xC8, $0x38;
	[tilespmem:$0x19400] =	vst v63  }
.LBB2_6:
0x33: {  	_ =	swait.ge [sflag:s26], $0x6400  }
0x34: {  	[sflag:s26] =	ssyncset.done $0x0  }
0x35: {  	s7 =	sadd.s32 $0x1900, s7;
	[sflag:s26] =	ssyncadd.s32 $0xFFFF9C00  }
0x36: {  	p0 =	sne.s32 s7, $0x27100;
	_ =	swait.ge [sflag:s26], $0x6400  }
.Ltmp3:
0x37: {  	[sflag:s26] =	ssyncset.done $0x0;
	(pc) =	sbr.rel @!p0 .LBB2_7-.Ltmp3, $4  }
0x38: {  	s0 =	sadd.s32 $0xC80, s8;
	s9 =	sadd.s32 $0xC80, s9;
	[sflag:s26] =	ssyncadd.s32 $0xFFFF9C00  }
0x39: {  	[hbm4b:s0+s3] =	stream.linear.scatter [tilespmem:s24], [sflag:$0x6], $0x6400, $0x38;
	[tilespmem:$0x19400] =	vst v63  }
0x3a: {  	s12 =	sadd.s32 $0x32, s12;
	s13 =	sadd.s32 $0x32, s13;
	s31 =	sadd.s32 $0x190, s31  }
0x3b: {  	[hbm4b:s9+s3] =	stream.linear.scatter [tilespmem:s25], [sflag:$0x6], $0x6400, $0x38;
	[tilespmem:$0x19400] =	vst v63  }
.LBB2_2:
0x3c: {  	_ =	swait.ge [sflag:s16], $0xC8  }
0x3d: {  	[sflag:s16] =	ssyncset.done $0x0  }
0x3e: {  	[sflag:s16] =	ssyncadd.s32 $0xFFFFFF38  }
0x3f: {  	_ =	swait.ge [sflag:s16], $0xC8  }
0x40: {  	p0 =	seq.s32 s7, $0x0;
	[sflag:s16] =	ssyncset.done $0x0  }
0x41: {  	s8 =	simm.s32 @!p0 $0x5;
	[sflag:s16] =	ssyncadd.s32 $0xFFFFFF38  }
0x42: {  	_ =	swait.ge @!p0 [sflag:s8], $0x6400  }
0x43: {  	[sflag:s8] =	ssyncset.done @!p0 $0x0  }
0x44: {  	[sflag:s8] =	ssyncadd.s32 @!p0 $0xFFFF9C00  }
0x45: {  	_ =	swait.ge @!p0 [sflag:s8], $0x6400  }
0x46: {  	[sflag:s8] =	ssyncset.done @!p0 $0x0  }
0x47: {  	[sflag:s8] =	ssyncadd.s32 @!p0 $0xFFFF9C00  }
0x48: {  	[tilespmem:s18], [sflag:$0x3] =	stream.indirect.gather [hbm4b:s2+s17], $0x80, s3, s17, $0xb8;
	[tilespmem:$0x19400] =	vst v63  }
0x49: {  	_ = 	snop  }
0x4a: {  	[tilespmem:s19], [sflag:$0x3] =	stream.indirect.gather [hbm4b:s4+s17], $0x80, s15, s17, $0xb8;
	[tilespmem:$0x19400] =	vst v63  }
0x4b: {  	_ = 	snop  }
0x4c: {  	[tilespmem:s20], [sflag:$0x2] =	stream.linear.gather [hbm4b:s13+s3], $0xC8, $0x38;
	[tilespmem:$0x19400] =	vst v63  }
0x4d: {  	_ = 	snop  }
0x4e: {  	[tilespmem:s21], [sflag:$0x2] =	stream.linear.gather [hbm4b:s12+s3], $0xC8, $0x38;
	[tilespmem:$0x19400] =	vst v63  }
0x4f: {  	_ =	swait.ge [sflag:s22], $0x6400  }
0x50: {  	[sflag:s22] =	ssyncset.done $0x0  }
0x51: {  	[sflag:s22] =	ssyncadd.s32 $0xFFFF9C00  }
0x52: {  	_ =	swait.ge [sflag:s22], $0x6400  }
0x53: {  	[sflag:s22] =	ssyncset.done $0x0  }
0x54: {  	s8 =	sadd.s32 s7, s10;
	[sflag:s22] =	ssyncadd.s32 $0xFFFF9C00  }
0x55: {  	[hbm4b:s8+s3] =	stream.linear.scatter [tilespmem:s18], [sflag:$0x5], $0x6400, $0x38;
	[tilespmem:$0x19400] =	vst v63  }
0x56: {  	s9 =	sadd.s32 s7, s11  }
0x57: {  	[hbm4b:s9+s3] =	stream.linear.scatter [tilespmem:s19], [sflag:$0x5], $0x6400, $0x38;
	[tilespmem:$0x19400] =	vst v63  }
0x58: {  	p0 =	sne.s32 s7, $0x0;
	_ =	swait.ge [sflag:s23], $0xC8  }
.Ltmp4:
0x59: {  	[sflag:s23] =	ssyncset.done $0x0;
	(pc) =	sbr.rel @!p0 .LBB2_3-.Ltmp4, $4  }
0x5a: {  	[sflag:s23] =	ssyncadd.s32 $0xFFFFFF38  }
0x5b: {  	_ =	swait.ge [sflag:s23], $0xC8  }
0x5c: {  	[sflag:s23] =	ssyncset.done $0x0  }
0x5d: {  	[sflag:s23] =	ssyncadd.s32 $0xFFFFFF38  }
0x5e: {  	_ =	swait.ge [sflag:s29], $0x6400  }
0x5f: {  	[sflag:s29] =	ssyncset.done $0x0  }
0x60: {  	[sflag:s29] =	ssyncadd.s32 $0xFFFF9C00  }
0x61: {  	p0 =	seq.s32 s7, $0x25800;
	_ =	swait.ge [sflag:s29], $0x6400  }
.Ltmp5:
0x62: {  	[sflag:s29] =	ssyncset.done $0x0;
	(pc) =	sbr.rel @p0 .LBB2_6-.Ltmp5, $4  }
.Ltmp6:
0x63: {  	[sflag:s29] =	ssyncadd.s32 $0xFFFF9C00;
	(pc) =	sbr.rel @!p0 .LBB2_5-.Ltmp6, $4  }
0x64: {  	[tilespmem:s24], [sflag:$0x4] =	stream.indirect.gather [hbm4b:s2+s17], $0x80, s20, s17, $0xb8;
	[tilespmem:$0x19400] =	vst v63  }
0x65: {  	_ = 	snop  }
0x66: {  	[tilespmem:s25], [sflag:$0x4] =	stream.indirect.gather [hbm4b:s4+s17], $0x80, s21, s17, $0xb8;
	[tilespmem:$0x19400] =	vst v63  }
0x67: {  	_ = 	snop  }
.LBB2_8:
0x68: {  	_ =	sfence.sel $0x180000  }
0x69: {  	[bflag:$0x0] =	sbarrier.arrive $0xFFFF  }
0x6a: {  	_ =	strace $0x90000047  }
0x6b: {  	s0 =	stileid.u32;
	[bflag:$0x2] =	sbarrier.arrive $0xFFFF  }
0x6c: {  	p0 =	sne.s32 s0, $0x0;
	s0 =	rddreg [dreg:$0x2]  }
0x6d: {  	s0 =	sadd.s32 @!p0 $0x100000, s0  }
0x6e: {  	[sflag:s0] =	ssyncadd.tile.s32 @!p0 $0x1;
	_ =	shalt  }
.Lfunc_end2:
_tile_overlayer_lowered:
.L_overlay_start_2:
0x6f: {  	(tag) =	ssettag $0x2  }
0x70: {  	s0 =	rddreg [dreg:$0x0];
	s2 =	stileid.u32  }
0x71: {  	s1 =	rddreg [dreg:$0x1];
	p0 =	sne.s32 s2, $0x0  }
0x72: {  	s3 =	rddreg [dreg:$0x2];
	[bflag:$0x3] =	sbarrier.arrive $0xFFFF;
	s2 =	simm.s32 @!p0 $0x1C07  }
0x73: {  	[timem:s3], [sflag:s2] =	dma.local @!p0 [hbm:s0], s1  }
0x74: {  	s0 =	simm.s32 @!p0 $0x7  }
0x75: {  	_ =	swait.ge @!p0 [sflag:s0], s1  }
0x76: {  	s1 =	ssub.s32 @!p0 $0x0, s1;
	[sflag:s0] =	ssyncset.done @!p0 $0x0  }
0x77: {  	[sflag:s0] =	ssyncadd.s32 @!p0 s1  }
0x78: {  	[bflag:$0x3] =	sbarrier.arrive $0xFFFF  }
0x79: {  	_ =	shalt  }

</sc_bundles>
